<compile_context>
chip_gen: v7x
topology: tpu7x:2x2x1
jax: 0.10.2.dev20260603
libtpu: 0.0.44.dev20260713+nightly
codegen_flags: <defaults>
</compile_context>

<pallas_src>
import functools

import jax
import jax.numpy as jnp
from jax import lax
from jax.experimental import pallas as pl
from jax.experimental.pallas import tpu as pltpu
from jax.experimental.pallas import tpu_sc as plsc

N = 10000
D = 128
E = 320000

NC = 2
NS = 16
NW = NC * NS
EPW = E // NW
CHUNK = 80
STEPS = EPW // CHUNK
NPAD = 10240
RPT = NPAD // NS

_BN_SCALE = 1.0 / (1.0 + 1e-5) ** 0.5

_sc_mesh = plsc.VectorSubcoreMesh(
    core_axis_name="c", subcore_axis_name="s", num_cores=NC, num_subcores=NS)


_DEG_GRP = 5


@functools.partial(
    pl.kernel,
    out_type=jax.ShapeDtypeStruct((NC, NPAD), jnp.float32),
    mesh=_sc_mesh,
    scratch_types=[
        pltpu.VMEM((STEPS, CHUNK), jnp.int32),
        pltpu.VMEM((CHUNK,), jnp.float32),
        pltpu.SemaphoreType.DMA,
        pltpu.SemaphoreType.DMA,
        pltpu.VMEM_SHARED((NPAD,), jnp.float32),
    ],
)
def _deg_sc(adj_hbm, zeros_hbm, out_hbm, didx, ones_v, isem, ssem, acc):
    c = lax.axis_index("c")
    s = lax.axis_index("s")
    w = s * NC + c

    pltpu.async_copy(adj_hbm.at[1, w], didx, isem)

    def fill(i, carry):
        ones_v[pl.ds(i * 16, 16)] = jnp.ones((16,), jnp.float32)
        return carry

    lax.fori_loop(0, CHUNK // 16, fill, 0)
    pltpu.sync_copy(zeros_hbm, acc.at[pl.ds(s * RPT, RPT)])
    pltpu.make_async_copy(adj_hbm.at[1, w], didx, isem).wait()
    plsc.subcore_barrier()

    def group(g, carry):
        for b in range(_DEG_GRP):
            pltpu.async_copy(ones_v, acc.at[didx.at[g * _DEG_GRP + b]], ssem,
                             add=True)
        for b in range(_DEG_GRP):
            pltpu.make_async_copy(ones_v, acc.at[didx.at[0]], ssem).wait()
        return carry

    lax.fori_loop(0, STEPS // _DEG_GRP, group, 0)
    plsc.subcore_barrier()
    pltpu.sync_copy(acc.at[pl.ds(s * RPT, RPT)], out_hbm.at[c, pl.ds(s * RPT, RPT)])


NBUF = 3


@functools.partial(
    pl.kernel,
    out_type=jax.ShapeDtypeStruct((NC, NPAD, D), jnp.float32),
    mesh=_sc_mesh,
    scratch_types=[
        pltpu.VMEM((STEPS, CHUNK), jnp.int32),
        pltpu.VMEM((NBUF, CHUNK), jnp.int32),
        pltpu.VMEM((NBUF, CHUNK, D), jnp.float32),
        pltpu.SemaphoreType.DMA,
        pltpu.SemaphoreType.DMA,
        pltpu.SemaphoreType.DMA,
        pltpu.SemaphoreType.DMA,
        pltpu.SemaphoreType.DMA,
        pltpu.SemaphoreType.DMA,
        pltpu.SemaphoreType.DMA,
        pltpu.SemaphoreType.DMA,
        pltpu.SemaphoreType.DMA,
        pltpu.VMEM_SHARED((NPAD, D), jnp.float32),
    ],
)
def _spmm_sc(y_hbm, adj_hbm, dst_hbm, zeros_hbm, out_hbm,
             sidx, dring, rows, g0, g1, g2, s0, s1, s2, d0, d1, d2, acc):
    c = lax.axis_index("c")
    s = lax.axis_index("s")
    w = s * NC + c
    gsems = (g0, g1, g2)
    ssems = (s0, s1, s2)
    dsems = (d0, d1, d2)
    pltpu.async_copy(adj_hbm.at[0, w], sidx, g0)
    init_src = y_hbm.at[pl.ds(s * RPT, RPT)]
    zero_src = zeros_hbm.at[pl.ds(0, RPT)]
    acc_dst = acc.at[pl.ds(s * RPT, RPT)]

    @pl.when(c == 0)
    def _():
        pltpu.async_copy(init_src, acc_dst, s0)

    @pl.when(c != 0)
    def _():
        pltpu.async_copy(zero_src, acc_dst, s0)

    pltpu.make_async_copy(adj_hbm.at[0, w], sidx, g0).wait()
    pltpu.make_async_copy(init_src, acc_dst, s0).wait()
    plsc.subcore_barrier()

    def sidx_at(j):
        return sidx.at[j]

    def didx_src(j):
        return dst_hbm.at[pl.ds(w * EPW + j * CHUNK, CHUNK)]

    def start_fetch(j, b):
        pltpu.async_copy(didx_src(j), dring.at[b], dsems[b])
        pltpu.async_copy(y_hbm.at[sidx_at(j)], rows.at[b], gsems[b])

    def wait_gather(j, b):
        pltpu.make_async_copy(y_hbm.at[sidx_at(j)], rows.at[b],
                              gsems[b]).wait()
        pltpu.make_async_copy(didx_src(j), dring.at[b], dsems[b]).wait()

    def start_scatter(b):
        pltpu.async_copy(rows.at[b], acc.at[dring.at[b]], ssems[b], add=True)

    def wait_scatter(b):
        pltpu.make_async_copy(rows.at[b], acc.at[dring.at[b]],
                              ssems[b]).wait()

    start_fetch(0, 0)
    start_fetch(1, 1)

    def outer(g, carry):
        for k in range(NBUF):
            j = g * NBUF + k
            bp = (k + NBUF - 1) % NBUF
            wait_gather(j, k)
            start_scatter(k)

            @pl.when(j >= 1)
            def _():
                wait_scatter(bp)

            start_fetch(j + 2, bp)
        return carry

    lax.fori_loop(0, STEPS // NBUF, outer, 0)
    for j in range((STEPS // NBUF) * NBUF, STEPS):
        k = j % NBUF
        bp = (k + NBUF - 1) % NBUF
        wait_gather(j, k)
        start_scatter(k)
        wait_scatter(bp)
    wait_scatter((STEPS - 1) % NBUF)
    plsc.subcore_barrier()
    pltpu.sync_copy(acc.at[pl.ds(s * RPT, RPT)], out_hbm.at[c, pl.ds(s * RPT, RPT)])


_R = 5120


def _a_body(degp_ref, x_ref, w_ref, y_ref, dinv_ref):
    deg = 1.0 + degp_ref[0] + degp_ref[1]
    dinv = lax.rsqrt(deg)
    dinv_ref[...] = dinv
    y_ref[...] = jnp.dot(x_ref[...], w_ref[...],
                         preferred_element_type=jnp.float32) * dinv


def _b_body(p_ref, dinv_ref, b_ref, g_ref, be_ref, w_ref, yn_ref):
    dinv = dinv_ref[...]
    z = (p_ref[0] + p_ref[1]) * dinv + b_ref[...]
    t = jnp.maximum(z * (g_ref[...] * _BN_SCALE) + be_ref[...], 0.0)
    yn_ref[...] = jnp.dot(t, w_ref[...],
                          preferred_element_type=jnp.float32) * dinv


def _c_body(p_ref, dinv_ref, b_ref, o_ref):
    z = (p_ref[0] + p_ref[1]) * dinv_ref[...] + b_ref[...]
    m = jnp.max(z, axis=1, keepdims=True)
    lse = jnp.log(jnp.sum(jnp.exp(z - m), axis=1, keepdims=True)) + m
    o_ref[...] = z - lse


_a_call = pl.pallas_call(
    _a_body,
    grid=(NPAD // _R,),
    in_specs=[
        pl.BlockSpec((NC, _R, 1), lambda i: (0, i, 0)),
        pl.BlockSpec((_R, D), lambda i: (i, 0)),
        pl.BlockSpec((D, D), lambda i: (0, 0)),
    ],
    out_specs=[
        pl.BlockSpec((_R, D), lambda i: (i, 0)),
        pl.BlockSpec((_R, 1), lambda i: (i, 0)),
    ],
    out_shape=[
        jax.ShapeDtypeStruct((NPAD, D), jnp.float32),
        jax.ShapeDtypeStruct((NPAD, 1), jnp.float32),
    ],
)

_b_call = pl.pallas_call(
    _b_body,
    grid=(NPAD // _R,),
    in_specs=[
        pl.BlockSpec((NC, _R, D), lambda i: (0, i, 0)),
        pl.BlockSpec((_R, 1), lambda i: (i, 0)),
        pl.BlockSpec((1, D), lambda i: (0, 0)),
        pl.BlockSpec((1, D), lambda i: (0, 0)),
        pl.BlockSpec((1, D), lambda i: (0, 0)),
        pl.BlockSpec((D, D), lambda i: (0, 0)),
    ],
    out_specs=pl.BlockSpec((_R, D), lambda i: (i, 0)),
    out_shape=jax.ShapeDtypeStruct((NPAD, D), jnp.float32),
)

_c_call = pl.pallas_call(
    _c_body,
    grid=(NPAD // _R,),
    in_specs=[
        pl.BlockSpec((NC, _R, D), lambda i: (0, i, 0)),
        pl.BlockSpec((_R, 1), lambda i: (i, 0)),
        pl.BlockSpec((1, D), lambda i: (0, 0)),
    ],
    out_specs=pl.BlockSpec((_R, D), lambda i: (i, 0)),
    out_shape=jax.ShapeDtypeStruct((N, D), jnp.float32),
)


def kernel(x, adj_t, W0, b0, g0, be0, W1, b1, g1, be1, W2, b2):
    adj_i = adj_t.astype(jnp.int32)
    adj_r = adj_i.reshape(2, NW, STEPS, CHUNK)
    dst = adj_i[1]
    zeros_deg = jnp.zeros((RPT,), jnp.float32)
    zeros_row = jnp.zeros((RPT, D), jnp.float32)
    b0r, g0r, be0r = b0.reshape(1, D), g0.reshape(1, D), be0.reshape(1, D)
    b1r, g1r, be1r = b1.reshape(1, D), g1.reshape(1, D), be1.reshape(1, D)
    b2r = b2.reshape(1, D)

    degp = _deg_sc(adj_r, zeros_deg).reshape(NC, NPAD, 1)
    y0, dinv = _a_call(degp, x, W0)
    p0 = _spmm_sc(y0, adj_r, dst, zeros_row)
    y1 = _b_call(p0, dinv, b0r, g0r, be0r, W1)
    p1 = _spmm_sc(y1, adj_r, dst, zeros_row)
    y2 = _b_call(p1, dinv, b1r, g1r, be1r, W2)
    p2 = _spmm_sc(y2, adj_r, dst, zeros_row)
    return _c_call(p2, dinv, b2r)

# --- scband reference (transcript-rebuilt; emitter-appended) ---
"""Pipeline reference for scband-gcn-64630667870485 (READ-ONLY COPY).

The authoritative reference and input builder live on the scoring server;
editing this copy changes nothing except your own understanding.
"""

import jax, jax.numpy as jnp
import numpy as np

N = 10000
D_IN = 128
D_HID = 128
D_OUT = 128
E = 320000


def setup_inputs(seed: int = 0) -> dict:
    key = jax.random.key(seed)
    ks = jax.random.split(key, 16)
    x = jax.random.normal(ks[0], (N, D_IN), dtype=jnp.float32)
    adj_t = jax.random.randint(ks[1], (2, E), 0, N, dtype=jnp.int64)
    # GCNConv weights (stored as [in, out]; math equivalent to PyG lin weight [out, in])
    W0 = jax.random.normal(ks[2], (D_IN, D_HID), dtype=jnp.float32) * 0.05
    b0 = jnp.zeros((D_HID,), dtype=jnp.float32)
    W1 = jax.random.normal(ks[3], (D_HID, D_HID), dtype=jnp.float32) * 0.05
    b1 = jnp.zeros((D_HID,), dtype=jnp.float32)
    # NOTE: convs[2] (last hidden->hidden) is constructed but never used in forward
    # because zip(convs[:-1], bns) truncates to len(bns)=num_layers-1. We only
    # materialize the weights that participate in the computation.
    W2 = jax.random.normal(ks[4], (D_HID, D_OUT), dtype=jnp.float32) * 0.05
    b2 = jnp.zeros((D_OUT,), dtype=jnp.float32)
    # BatchNorm1d affine params (eval mode; running_mean=0, running_var=1 at init)
    g0 = jnp.ones((D_HID,), dtype=jnp.float32)
    be0 = jnp.zeros((D_HID,), dtype=jnp.float32)
    g1 = jnp.ones((D_HID,), dtype=jnp.float32)
    be1 = jnp.zeros((D_HID,), dtype=jnp.float32)
    return {"x": x, "adj_t": adj_t, "W0": W0, "b0": b0, "g0": g0, "be0": be0,
            "W1": W1, "b1": b1, "g1": g1, "be1": be1, "W2": W2, "b2": b2}


def _gcn_conv(x, W, b, src, dst, norm):
    xw = x @ W
    msg = xw[src] * norm[:, None]
    out = jnp.zeros((N, W.shape[1]), dtype=x.dtype).at[dst].add(msg)
    return out + b


def _bn_eval(h, g, be, eps=1e-5):
    # running_mean=0, running_var=1 at init (eval mode)
    return h / jnp.sqrt(1.0 + eps) * g + be


def reference(x, adj_t, W0, b0, g0, be0, W1, b1, g1, be1, W2, b2):
    src = adj_t[0]
    dst = adj_t[1]
    si = jnp.arange(N, dtype=adj_t.dtype)
    src = jnp.concatenate([src, si])
    dst = jnp.concatenate([dst, si])
    deg = jnp.zeros((N,), dtype=x.dtype).at[dst].add(1.0)
    dinv = jnp.where(deg > 0, jax.lax.rsqrt(jnp.maximum(deg, 1e-12)), 0.0)
    norm = dinv[src] * dinv[dst]

    h = _gcn_conv(x, W0, b0, src, dst, norm)
    h = jax.nn.relu(_bn_eval(h, g0, be0))
    # F.dropout(x1, p=self.training): eval mode -> p=0 -> identity
    h = _gcn_conv(h, W1, b1, src, dst, norm)
    h = jax.nn.relu(_bn_eval(h, g1, be1))
    h = _gcn_conv(h, W2, b2, src, dst, norm)
    return jax.nn.log_softmax(h, axis=1)

if __name__ == "__main__":
    import jax
    _d = setup_inputs()
    print(jax.jit(kernel)(*tuple(_d.values())))

</pallas_src>

<mosaic_0001>
#map = affine_map<(d0, d1) -> (0, 0, 0, 0)>
#map1 = affine_map<(d0, d1) -> (0)>
#map2 = affine_map<(d0, d1) -> (0, 0)>
module attributes {stable_mosaic.version = 14 : i64} {
  func.func @_deg_sc(%arg0: i32, %arg1: i32, %arg2: memref<2x32x125x80xi32, #tpu.memory_space<hbm>>, %arg3: memref<640xf32, #tpu.memory_space<hbm>>, %arg4: memref<2x10240xf32, #tpu.memory_space<hbm>>, %arg5: memref<125x80xi32, #tpu.memory_space<vmem>>, %arg6: memref<80xf32, #tpu.memory_space<vmem>>, %arg7: memref<!tpu.dma_semaphore, #tpu.memory_space<semaphore_mem>>, %arg8: memref<!tpu.dma_semaphore, #tpu.memory_space<semaphore_mem>>, %arg9: memref<10240xf32, #tpu.memory_space<vmem_shared>>) attributes {dimension_semantics = [#tpu.dimension_semantics<core_parallel>, #tpu.dimension_semantics<subcore_parallel>], iteration_bounds = array<i64: 2, 16>, scalar_prefetch = 0 : i64, scratch_operands = 5 : i64, tpu.core_type = #tpu.core_type<sc_vector_subcore>, window_params = [{transform_indices = #map}, {transform_indices = #map1}, {transform_indices = #map2}]} {
    %mul3A = arith.constant 2 : i32
    %mul3A_0 = arith.muli %arg1, %mul3A : i32
    %add3A = arith.addi %mul3A_0, %arg0 : i32
    %dma_start3A = arith.constant 1 : i32
    %dma_start3A_1 = arith.constant 0 : i32
    %dma_start3A_2 = arith.constant 0 : i32
    %dma_start3A_3 = tpu.memref_slice %arg2[%dma_start3A, %add3A, %dma_start3A_1, %dma_start3A_2] : memref<2x32x125x80xi32, #tpu.memory_space<hbm>> -> memref<1x1x125x80xi32, #tpu.memory_space<hbm>>
    %dma_start3A_4 = tpu.memref_squeeze %dma_start3A_3 : memref<1x1x125x80xi32, #tpu.memory_space<hbm>> -> memref<125x80xi32, #tpu.memory_space<hbm>>
    %dma_start3A_5 = arith.constant 0 : i32
    %dma_start3A_6 = arith.constant 0 : i32
    %dma_start3A_7 = tpu.memref_slice %arg2[%dma_start3A, %add3A, %dma_start3A_5, %dma_start3A_6] : memref<2x32x125x80xi32, #tpu.memory_space<hbm>> -> memref<1x1x125x80xi32, #tpu.memory_space<hbm>>
    %dma_start3A_8 = tpu.memref_squeeze %dma_start3A_7 : memref<1x1x125x80xi32, #tpu.memory_space<hbm>> -> memref<125x80xi32, #tpu.memory_space<hbm>>
    tpu.enqueue_dma source(%dma_start3A_8 : memref<125x80xi32, #tpu.memory_space<hbm>>) target(%arg5 : memref<125x80xi32, #tpu.memory_space<vmem>>) target_semaphore(%arg7 : memref<!tpu.dma_semaphore, #tpu.memory_space<semaphore_mem>>)
    %scan3A = arith.constant 0 : i32
    %scan3A_9 = arith.constant 0 : i32
    %scan3A_10 = arith.constant 5 : i32
    %scan3A_11 = arith.addi %scan3A_9, %scan3A_10 : i32
    %scan3A_12 = arith.constant 1 : i32
    scf.for %scan3A_35 = %scan3A_9 to %scan3A_11 step %scan3A_12  : i32 {
      %broadcast_in_dim3A = arith.constant 1.000000e+00 : f32
      %broadcast_in_dim3A_36 = vector.broadcast %broadcast_in_dim3A : f32 to vector<16xf32>
      %mul3A_37 = arith.constant 16 : i32
      %mul3A_38 = arith.muli %scan3A_35, %mul3A_37 : i32
      %swap3A = arith.index_cast %mul3A_38 : i32 to index
      %swap3A_39 = tpu.vector_load %arg6[%swap3A] {strides = array<i32>} : memref<80xf32, #tpu.memory_space<vmem>>, vector<16xf32>,
      %swap3A_40 = vector.shape_cast %swap3A_39 : vector<16xf32> to vector<16xf32>
      %swap3A_41 = vector.shape_cast %broadcast_in_dim3A_36 : vector<16xf32> to vector<16xf32>
      tpu.vector_store %arg6[%swap3A], %swap3A_41 {strides = array<i32>} : memref<80xf32, #tpu.memory_space<vmem>>, vector<16xf32>,
    }
    %scan3A_13 = arith.constant 5 : i32
    %mul3A_14 = arith.constant 640 : i32
    %mul3A_15 = arith.muli %arg1, %mul3A_14 : i32
    "tpu.region"() ({
      %run_scoped3A = tpu.sem_alloc : memref<!tpu.dma_semaphore, #tpu.memory_space<semaphore_mem>>
      %dma_start3A_35 = tpu.memref_slice %arg9[%mul3A_15] : memref<10240xf32, #tpu.memory_space<vmem_shared>> -> memref<640xf32, #tpu.memory_space<vmem_shared>>
      tpu.enqueue_dma source(%arg3 : memref<640xf32, #tpu.memory_space<hbm>>) target(%dma_start3A_35 : memref<640xf32, #tpu.memory_space<vmem_shared>>) target_semaphore(%run_scoped3A : memref<!tpu.dma_semaphore, #tpu.memory_space<semaphore_mem>>)
      %dma_wait3A_36 = tpu.memref_slice %arg9[%mul3A_15] : memref<10240xf32, #tpu.memory_space<vmem_shared>> -> memref<640xf32, #tpu.memory_space<vmem_shared>>
      tpu.wait_dma2 semaphore(%run_scoped3A : memref<!tpu.dma_semaphore, #tpu.memory_space<semaphore_mem>>) src(%arg3 : memref<640xf32, #tpu.memory_space<hbm>>) dst(%dma_wait3A_36 : memref<640xf32, #tpu.memory_space<vmem_shared>>)
      tpu.yield
    }) : () -> ()
    %dma_wait3A = arith.constant 1 : i32
    %dma_wait3A_16 = arith.constant 0 : i32
    %dma_wait3A_17 = arith.constant 0 : i32
    %dma_wait3A_18 = tpu.memref_slice %arg2[%dma_wait3A, %add3A, %dma_wait3A_16, %dma_wait3A_17] : memref<2x32x125x80xi32, #tpu.memory_space<hbm>> -> memref<1x1x125x80xi32, #tpu.memory_space<hbm>>
    %dma_wait3A_19 = tpu.memref_squeeze %dma_wait3A_18 : memref<1x1x125x80xi32, #tpu.memory_space<hbm>> -> memref<125x80xi32, #tpu.memory_space<hbm>>
    %dma_wait3A_20 = arith.constant 0 : i32
    %dma_wait3A_21 = arith.constant 0 : i32
    %dma_wait3A_22 = tpu.memref_slice %arg2[%dma_wait3A, %add3A, %dma_wait3A_20, %dma_wait3A_21] : memref<2x32x125x80xi32, #tpu.memory_space<hbm>> -> memref<1x1x125x80xi32, #tpu.memory_space<hbm>>
    %dma_wait3A_23 = tpu.memref_squeeze %dma_wait3A_22 : memref<1x1x125x80xi32, #tpu.memory_space<hbm>> -> memref<125x80xi32, #tpu.memory_space<hbm>>
    tpu.wait_dma2 semaphore(%arg7 : memref<!tpu.dma_semaphore, #tpu.memory_space<semaphore_mem>>) src(%dma_wait3A_23 : memref<125x80xi32, #tpu.memory_space<hbm>>) dst(%arg5 : memref<125x80xi32, #tpu.memory_space<vmem>>)
    %barrier3A = arith.constant 0 : index
    tpu.barrier barrier_id(%barrier3A)
    %scan3A_24 = arith.constant 0 : i32
    %scan3A_25 = arith.constant 0 : i32
    %scan3A_26 = arith.constant 25 : i32
    %scan3A_27 = arith.addi %scan3A_25, %scan3A_26 : i32
    %scan3A_28 = arith.constant 1 : i32
    scf.for %scan3A_35 = %scan3A_25 to %scan3A_27 step %scan3A_28  : i32 {
      %mul3A_36 = arith.constant 5 : i32
      %mul3A_37 = arith.muli %scan3A_35, %mul3A_36 : i32
      %add3A_38 = arith.constant 0 : i32
      %add3A_39 = arith.addi %mul3A_37, %add3A_38 : i32
      %dma_start3A_40 = arith.constant 0 : i32
      %dma_start3A_41 = tpu.memref_slice %arg5[%add3A_39, %dma_start3A_40] : memref<125x80xi32, #tpu.memory_space<vmem>> -> memref<1x80xi32, #tpu.memory_space<vmem>>
      %dma_start3A_42 = tpu.memref_squeeze %dma_start3A_41 : memref<1x80xi32, #tpu.memory_space<vmem>> -> memref<80xi32, #tpu.memory_space<vmem>>
      %dma_start3A_43 = arith.constant 0 : i32
      %dma_start3A_44 = tpu.memref_slice %arg9[%dma_start3A_43] : memref<10240xf32, #tpu.memory_space<vmem_shared>> -> memref<10240xf32, #tpu.memory_space<vmem_shared>>
      tpu.enqueue_indirect_dma source(%arg6 : memref<80xf32, #tpu.memory_space<vmem>>) target(%dma_start3A_44 : memref<10240xf32, #tpu.memory_space<vmem_shared>>) offsets(%dma_start3A_42 : memref<80xi32, #tpu.memory_space<vmem>>) semaphore(%arg8 : memref<!tpu.dma_semaphore, #tpu.memory_space<semaphore_mem>>) {add = true}
      %mul3A_45 = arith.constant 5 : i32
      %mul3A_46 = arith.muli %scan3A_35, %mul3A_45 : i32
      %add3A_47 = arith.constant 1 : i32
      %add3A_48 = arith.addi %mul3A_46, %add3A_47 : i32
      %dma_start3A_49 = arith.constant 0 : i32
      %dma_start3A_50 = tpu.memref_slice %arg5[%add3A_48, %dma_start3A_49] : memref<125x80xi32, #tpu.memory_space<vmem>> -> memref<1x80xi32, #tpu.memory_space<vmem>>
      %dma_start3A_51 = tpu.memref_squeeze %dma_start3A_50 : memref<1x80xi32, #tpu.memory_space<vmem>> -> memref<80xi32, #tpu.memory_space<vmem>>
      %dma_start3A_52 = arith.constant 0 : i32
      %dma_start3A_53 = tpu.memref_slice %arg9[%dma_start3A_52] : memref<10240xf32, #tpu.memory_space<vmem_shared>> -> memref<10240xf32, #tpu.memory_space<vmem_shared>>
      tpu.enqueue_indirect_dma source(%arg6 : memref<80xf32, #tpu.memory_space<vmem>>) target(%dma_start3A_53 : memref<10240xf32, #tpu.memory_space<vmem_shared>>) offsets(%dma_start3A_51 : memref<80xi32, #tpu.memory_space<vmem>>) semaphore(%arg8 : memref<!tpu.dma_semaphore, #tpu.memory_space<semaphore_mem>>) {add = true}
      %mul3A_54 = arith.constant 5 : i32
      %mul3A_55 = arith.muli %scan3A_35, %mul3A_54 : i32
      %add3A_56 = arith.constant 2 : i32
      %add3A_57 = arith.addi %mul3A_55, %add3A_56 : i32
      %dma_start3A_58 = arith.constant 0 : i32
      %dma_start3A_59 = tpu.memref_slice %arg5[%add3A_57, %dma_start3A_58] : memref<125x80xi32, #tpu.memory_space<vmem>> -> memref<1x80xi32, #tpu.memory_space<vmem>>
      %dma_start3A_60 = tpu.memref_squeeze %dma_start3A_59 : memref<1x80xi32, #tpu.memory_space<vmem>> -> memref<80xi32, #tpu.memory_space<vmem>>
      %dma_start3A_61 = arith.constant 0 : i32
      %dma_start3A_62 = tpu.memref_slice %arg9[%dma_start3A_61] : memref<10240xf32, #tpu.memory_space<vmem_shared>> -> memref<10240xf32, #tpu.memory_space<vmem_shared>>
      tpu.enqueue_indirect_dma source(%arg6 : memref<80xf32, #tpu.memory_space<vmem>>) target(%dma_start3A_62 : memref<10240xf32, #tpu.memory_space<vmem_shared>>) offsets(%dma_start3A_60 : memref<80xi32, #tpu.memory_space<vmem>>) semaphore(%arg8 : memref<!tpu.dma_semaphore, #tpu.memory_space<semaphore_mem>>) {add = true}
      %mul3A_63 = arith.constant 5 : i32
      %mul3A_64 = arith.muli %scan3A_35, %mul3A_63 : i32
      %add3A_65 = arith.constant 3 : i32
      %add3A_66 = arith.addi %mul3A_64, %add3A_65 : i32
      %dma_start3A_67 = arith.constant 0 : i32
      %dma_start3A_68 = tpu.memref_slice %arg5[%add3A_66, %dma_start3A_67] : memref<125x80xi32, #tpu.memory_space<vmem>> -> memref<1x80xi32, #tpu.memory_space<vmem>>
      %dma_start3A_69 = tpu.memref_squeeze %dma_start3A_68 : memref<1x80xi32, #tpu.memory_space<vmem>> -> memref<80xi32, #tpu.memory_space<vmem>>
      %dma_start3A_70 = arith.constant 0 : i32
      %dma_start3A_71 = tpu.memref_slice %arg9[%dma_start3A_70] : memref<10240xf32, #tpu.memory_space<vmem_shared>> -> memref<10240xf32, #tpu.memory_space<vmem_shared>>
      tpu.enqueue_indirect_dma source(%arg6 : memref<80xf32, #tpu.memory_space<vmem>>) target(%dma_start3A_71 : memref<10240xf32, #tpu.memory_space<vmem_shared>>) offsets(%dma_start3A_69 : memref<80xi32, #tpu.memory_space<vmem>>) semaphore(%arg8 : memref<!tpu.dma_semaphore, #tpu.memory_space<semaphore_mem>>) {add = true}
      %mul3A_72 = arith.constant 5 : i32
      %mul3A_73 = arith.muli %scan3A_35, %mul3A_72 : i32
      %add3A_74 = arith.constant 4 : i32
      %add3A_75 = arith.addi %mul3A_73, %add3A_74 : i32
      %dma_start3A_76 = arith.constant 0 : i32
      %dma_start3A_77 = tpu.memref_slice %arg5[%add3A_75, %dma_start3A_76] : memref<125x80xi32, #tpu.memory_space<vmem>> -> memref<1x80xi32, #tpu.memory_space<vmem>>
      %dma_start3A_78 = tpu.memref_squeeze %dma_start3A_77 : memref<1x80xi32, #tpu.memory_space<vmem>> -> memref<80xi32, #tpu.memory_space<vmem>>
      %dma_start3A_79 = arith.constant 0 : i32
      %dma_start3A_80 = tpu.memref_slice %arg9[%dma_start3A_79] : memref<10240xf32, #tpu.memory_space<vmem_shared>> -> memref<10240xf32, #tpu.memory_space<vmem_shared>>
      tpu.enqueue_indirect_dma source(%arg6 : memref<80xf32, #tpu.memory_space<vmem>>) target(%dma_start3A_80 : memref<10240xf32, #tpu.memory_space<vmem_shared>>) offsets(%dma_start3A_78 : memref<80xi32, #tpu.memory_space<vmem>>) semaphore(%arg8 : memref<!tpu.dma_semaphore, #tpu.memory_space<semaphore_mem>>) {add = true}
      %dma_wait3A_81 = arith.constant 0 : i32
      %dma_wait3A_82 = arith.constant 0 : i32
      %dma_wait3A_83 = tpu.memref_slice %arg5[%dma_wait3A_81, %dma_wait3A_82] : memref<125x80xi32, #tpu.memory_space<vmem>> -> memref<1x80xi32, #tpu.memory_space<vmem>>
      %dma_wait3A_84 = tpu.memref_squeeze %dma_wait3A_83 : memref<1x80xi32, #tpu.memory_space<vmem>> -> memref<80xi32, #tpu.memory_space<vmem>>
      %dma_wait3A_85 = arith.constant 0 : i32
      %dma_wait3A_86 = tpu.memref_slice %arg9[%dma_wait3A_85] : memref<10240xf32, #tpu.memory_space<vmem_shared>> -> memref<10240xf32, #tpu.memory_space<vmem_shared>>
      tpu.wait_indirect_dma semaphore(%arg8 : memref<!tpu.dma_semaphore, #tpu.memory_space<semaphore_mem>>) src(%arg6 : memref<80xf32, #tpu.memory_space<vmem>>) dst(%dma_wait3A_86 : memref<10240xf32, #tpu.memory_space<vmem_shared>>)
      %dma_wait3A_87 = arith.constant 0 : i32
      %dma_wait3A_88 = arith.constant 0 : i32
      %dma_wait3A_89 = tpu.memref_slice %arg5[%dma_wait3A_87, %dma_wait3A_88] : memref<125x80xi32, #tpu.memory_space<vmem>> -> memref<1x80xi32, #tpu.memory_space<vmem>>
      %dma_wait3A_90 = tpu.memref_squeeze %dma_wait3A_89 : memref<1x80xi32, #tpu.memory_space<vmem>> -> memref<80xi32, #tpu.memory_space<vmem>>
      %dma_wait3A_91 = arith.constant 0 : i32
      %dma_wait3A_92 = tpu.memref_slice %arg9[%dma_wait3A_91] : memref<10240xf32, #tpu.memory_space<vmem_shared>> -> memref<10240xf32, #tpu.memory_space<vmem_shared>>
      tpu.wait_indirect_dma semaphore(%arg8 : memref<!tpu.dma_semaphore, #tpu.memory_space<semaphore_mem>>) src(%arg6 : memref<80xf32, #tpu.memory_space<vmem>>) dst(%dma_wait3A_92 : memref<10240xf32, #tpu.memory_space<vmem_shared>>)
      %dma_wait3A_93 = arith.constant 0 : i32
      %dma_wait3A_94 = arith.constant 0 : i32
      %dma_wait3A_95 = tpu.memref_slice %arg5[%dma_wait3A_93, %dma_wait3A_94] : memref<125x80xi32, #tpu.memory_space<vmem>> -> memref<1x80xi32, #tpu.memory_space<vmem>>
      %dma_wait3A_96 = tpu.memref_squeeze %dma_wait3A_95 : memref<1x80xi32, #tpu.memory_space<vmem>> -> memref<80xi32, #tpu.memory_space<vmem>>
      %dma_wait3A_97 = arith.constant 0 : i32
      %dma_wait3A_98 = tpu.memref_slice %arg9[%dma_wait3A_97] : memref<10240xf32, #tpu.memory_space<vmem_shared>> -> memref<10240xf32, #tpu.memory_space<vmem_shared>>
      tpu.wait_indirect_dma semaphore(%arg8 : memref<!tpu.dma_semaphore, #tpu.memory_space<semaphore_mem>>) src(%arg6 : memref<80xf32, #tpu.memory_space<vmem>>) dst(%dma_wait3A_98 : memref<10240xf32, #tpu.memory_space<vmem_shared>>)
      %dma_wait3A_99 = arith.constant 0 : i32
      %dma_wait3A_100 = arith.constant 0 : i32
      %dma_wait3A_101 = tpu.memref_slice %arg5[%dma_wait3A_99, %dma_wait3A_100] : memref<125x80xi32, #tpu.memory_space<vmem>> -> memref<1x80xi32, #tpu.memory_space<vmem>>
      %dma_wait3A_102 = tpu.memref_squeeze %dma_wait3A_101 : memref<1x80xi32, #tpu.memory_space<vmem>> -> memref<80xi32, #tpu.memory_space<vmem>>
      %dma_wait3A_103 = arith.constant 0 : i32
      %dma_wait3A_104 = tpu.memref_slice %arg9[%dma_wait3A_103] : memref<10240xf32, #tpu.memory_space<vmem_shared>> -> memref<10240xf32, #tpu.memory_space<vmem_shared>>
      tpu.wait_indirect_dma semaphore(%arg8 : memref<!tpu.dma_semaphore, #tpu.memory_space<semaphore_mem>>) src(%arg6 : memref<80xf32, #tpu.memory_space<vmem>>) dst(%dma_wait3A_104 : memref<10240xf32, #tpu.memory_space<vmem_shared>>)
      %dma_wait3A_105 = arith.constant 0 : i32
      %dma_wait3A_106 = arith.constant 0 : i32
      %dma_wait3A_107 = tpu.memref_slice %arg5[%dma_wait3A_105, %dma_wait3A_106] : memref<125x80xi32, #tpu.memory_space<vmem>> -> memref<1x80xi32, #tpu.memory_space<vmem>>
      %dma_wait3A_108 = tpu.memref_squeeze %dma_wait3A_107 : memref<1x80xi32, #tpu.memory_space<vmem>> -> memref<80xi32, #tpu.memory_space<vmem>>
      %dma_wait3A_109 = arith.constant 0 : i32
      %dma_wait3A_110 = tpu.memref_slice %arg9[%dma_wait3A_109] : memref<10240xf32, #tpu.memory_space<vmem_shared>> -> memref<10240xf32, #tpu.memory_space<vmem_shared>>
      tpu.wait_indirect_dma semaphore(%arg8 : memref<!tpu.dma_semaphore, #tpu.memory_space<semaphore_mem>>) src(%arg6 : memref<80xf32, #tpu.memory_space<vmem>>) dst(%dma_wait3A_110 : memref<10240xf32, #tpu.memory_space<vmem_shared>>)
    }
    %scan3A_29 = arith.constant 25 : i32
    %barrier3A_30 = arith.constant 0 : index
    tpu.barrier barrier_id(%barrier3A_30)
    %mul3A_31 = arith.constant 640 : i32
    %mul3A_32 = arith.muli %arg1, %mul3A_31 : i32
    %mul3A_33 = arith.constant 640 : i32
    %mul3A_34 = arith.muli %arg1, %mul3A_33 : i32
    "tpu.region"() ({
      %run_scoped3A = tpu.sem_alloc : memref<!tpu.dma_semaphore, #tpu.memory_space<semaphore_mem>>
      %dma_start3A_35 = tpu.memref_slice %arg4[%arg0, %mul3A_34] : memref<2x10240xf32, #tpu.memory_space<hbm>> -> memref<1x640xf32, #tpu.memory_space<hbm>>
      %dma_start3A_36 = tpu.memref_squeeze %dma_start3A_35 : memref<1x640xf32, #tpu.memory_space<hbm>> -> memref<640xf32, #tpu.memory_space<hbm>>
      %dma_start3A_37 = tpu.memref_slice %arg9[%mul3A_32] : memref<10240xf32, #tpu.memory_space<vmem_shared>> -> memref<640xf32, #tpu.memory_space<vmem_shared>>
      tpu.enqueue_dma source(%dma_start3A_37 : memref<640xf32, #tpu.memory_space<vmem_shared>>) target(%dma_start3A_36 : memref<640xf32, #tpu.memory_space<hbm>>) target_semaphore(%run_scoped3A : memref<!tpu.dma_semaphore, #tpu.memory_space<semaphore_mem>>)
      %dma_wait3A_38 = tpu.memref_slice %arg4[%arg0, %mul3A_34] : memref<2x10240xf32, #tpu.memory_space<hbm>> -> memref<1x640xf32, #tpu.memory_space<hbm>>
      %dma_wait3A_39 = tpu.memref_squeeze %dma_wait3A_38 : memref<1x640xf32, #tpu.memory_space<hbm>> -> memref<640xf32, #tpu.memory_space<hbm>>
      %dma_wait3A_40 = tpu.memref_slice %arg9[%mul3A_32] : memref<10240xf32, #tpu.memory_space<vmem_shared>> -> memref<640xf32, #tpu.memory_space<vmem_shared>>
      tpu.wait_dma2 semaphore(%run_scoped3A : memref<!tpu.dma_semaphore, #tpu.memory_space<semaphore_mem>>) src(%dma_wait3A_40 : memref<640xf32, #tpu.memory_space<vmem_shared>>) dst(%dma_wait3A_39 : memref<640xf32, #tpu.memory_space<hbm>>)
      tpu.yield
    }) : () -> ()
    return
  }
}

#map = affine_map<(d0, d1) -> (0, 0)>
#map1 = affine_map<(d0, d1) -> (0, 0, 0, 0)>
#map2 = affine_map<(d0, d1) -> (0)>
#map3 = affine_map<(d0, d1) -> (0, 0, 0)>
module attributes {stable_mosaic.version = 14 : i64} {
  func.func @_spmm_sc(%arg0: i32, %arg1: i32, %arg2: memref<10240x128xf32, #tpu.memory_space<hbm>>, %arg3: memref<2x32x125x80xi32, #tpu.memory_space<hbm>>, %arg4: memref<320000xi32, #tpu.memory_space<hbm>>, %arg5: memref<640x128xf32, #tpu.memory_space<hbm>>, %arg6: memref<2x10240x128xf32, #tpu.memory_space<hbm>>, %arg7: memref<125x80xi32, #tpu.memory_space<vmem>>, %arg8: memref<3x80xi32, #tpu.memory_space<vmem>>, %arg9: memref<3x80x128xf32, #tpu.memory_space<vmem>>, %arg10: memref<!tpu.dma_semaphore, #tpu.memory_space<semaphore_mem>>, %arg11: memref<!tpu.dma_semaphore, #tpu.memory_space<semaphore_mem>>, %arg12: memref<!tpu.dma_semaphore, #tpu.memory_space<semaphore_mem>>, %arg13: memref<!tpu.dma_semaphore, #tpu.memory_space<semaphore_mem>>, %arg14: memref<!tpu.dma_semaphore, #tpu.memory_space<semaphore_mem>>, %arg15: memref<!tpu.dma_semaphore, #tpu.memory_space<semaphore_mem>>, %arg16: memref<!tpu.dma_semaphore, #tpu.memory_space<semaphore_mem>>, %arg17: memref<!tpu.dma_semaphore, #tpu.memory_space<semaphore_mem>>, %arg18: memref<!tpu.dma_semaphore, #tpu.memory_space<semaphore_mem>>, %arg19: memref<10240x128xf32, #tpu.memory_space<vmem_shared>>) attributes {dimension_semantics = [#tpu.dimension_semantics<core_parallel>, #tpu.dimension_semantics<subcore_parallel>], iteration_bounds = array<i64: 2, 16>, scalar_prefetch = 0 : i64, scratch_operands = 13 : i64, tpu.core_type = #tpu.core_type<sc_vector_subcore>, window_params = [{transform_indices = #map}, {transform_indices = #map1}, {transform_indices = #map2}, {transform_indices = #map}, {transform_indices = #map3}]} {
    %mul3A = arith.constant 2 : i32
    %mul3A_0 = arith.muli %arg1, %mul3A : i32
    %add3A = arith.addi %mul3A_0, %arg0 : i32
    %dma_start3A = arith.constant 0 : i32
    %dma_start3A_1 = arith.constant 0 : i32
    %dma_start3A_2 = arith.constant 0 : i32
    %dma_start3A_3 = tpu.memref_slice %arg3[%dma_start3A, %add3A, %dma_start3A_1, %dma_start3A_2] : memref<2x32x125x80xi32, #tpu.memory_space<hbm>> -> memref<1x1x125x80xi32, #tpu.memory_space<hbm>>
    %dma_start3A_4 = tpu.memref_squeeze %dma_start3A_3 : memref<1x1x125x80xi32, #tpu.memory_space<hbm>> -> memref<125x80xi32, #tpu.memory_space<hbm>>
    %dma_start3A_5 = arith.constant 0 : i32
    %dma_start3A_6 = arith.constant 0 : i32
    %dma_start3A_7 = tpu.memref_slice %arg3[%dma_start3A, %add3A, %dma_start3A_5, %dma_start3A_6] : memref<2x32x125x80xi32, #tpu.memory_space<hbm>> -> memref<1x1x125x80xi32, #tpu.memory_space<hbm>>
    %dma_start3A_8 = tpu.memref_squeeze %dma_start3A_7 : memref<1x1x125x80xi32, #tpu.memory_space<hbm>> -> memref<125x80xi32, #tpu.memory_space<hbm>>
    tpu.enqueue_dma source(%dma_start3A_8 : memref<125x80xi32, #tpu.memory_space<hbm>>) target(%arg7 : memref<125x80xi32, #tpu.memory_space<vmem>>) target_semaphore(%arg10 : memref<!tpu.dma_semaphore, #tpu.memory_space<semaphore_mem>>)
    %mul3A_9 = arith.constant 640 : i32
    %mul3A_10 = arith.muli %arg1, %mul3A_9 : i32
    %mul3A_11 = arith.constant 640 : i32
    %mul3A_12 = arith.muli %arg1, %mul3A_11 : i32
    %eq3A = arith.constant 0 : i32
    %eq3A_13 = arith.cmpi eq, %arg0, %eq3A : i32
    %convert_element_type3A = arith.extui %eq3A_13 : i1 to i32
    %cond3A = arith.constant 0 : i32
    %cond3A_14 = arith.cmpi ne, %convert_element_type3A, %cond3A : i32
    scf.if %cond3A_14 {
      %dma_start3A_201 = arith.constant 0 : i32
      %dma_start3A_202 = tpu.memref_slice %arg19[%mul3A_12, %dma_start3A_201] : memref<10240x128xf32, #tpu.memory_space<vmem_shared>> -> memref<640x128xf32, #tpu.memory_space<vmem_shared>>
      %dma_start3A_203 = arith.constant 0 : i32
      %dma_start3A_204 = tpu.memref_slice %arg2[%mul3A_10, %dma_start3A_203] : memref<10240x128xf32, #tpu.memory_space<hbm>> -> memref<640x128xf32, #tpu.memory_space<hbm>>
      tpu.enqueue_dma source(%dma_start3A_204 : memref<640x128xf32, #tpu.memory_space<hbm>>) target(%dma_start3A_202 : memref<640x128xf32, #tpu.memory_space<vmem_shared>>) target_semaphore(%arg13 : memref<!tpu.dma_semaphore, #tpu.memory_space<semaphore_mem>>)
    } else {
    }
    %ne3A = arith.constant 0 : i32
    %ne3A_15 = arith.cmpi ne, %arg0, %ne3A : i32
    %convert_element_type3A_16 = arith.extui %ne3A_15 : i1 to i32
    %cond3A_17 = arith.constant 0 : i32
    %cond3A_18 = arith.cmpi ne, %convert_element_type3A_16, %cond3A_17 : i32
    scf.if %cond3A_18 {
      %dma_start3A_201 = arith.constant 0 : i32
      %dma_start3A_202 = tpu.memref_slice %arg19[%mul3A_12, %dma_start3A_201] : memref<10240x128xf32, #tpu.memory_space<vmem_shared>> -> memref<640x128xf32, #tpu.memory_space<vmem_shared>>
      %dma_start3A_203 = arith.constant 0 : i32
      %dma_start3A_204 = arith.constant 0 : i32
      %dma_start3A_205 = tpu.memref_slice %arg5[%dma_start3A_203, %dma_start3A_204] : memref<640x128xf32, #tpu.memory_space<hbm>> -> memref<640x128xf32, #tpu.memory_space<hbm>>
      tpu.enqueue_dma source(%dma_start3A_205 : memref<640x128xf32, #tpu.memory_space<hbm>>) target(%dma_start3A_202 : memref<640x128xf32, #tpu.memory_space<vmem_shared>>) target_semaphore(%arg13 : memref<!tpu.dma_semaphore, #tpu.memory_space<semaphore_mem>>)
    } else {
    }
    %dma_wait3A = arith.constant 0 : i32
    %dma_wait3A_19 = arith.constant 0 : i32
    %dma_wait3A_20 = arith.constant 0 : i32
    %dma_wait3A_21 = tpu.memref_slice %arg3[%dma_wait3A, %add3A, %dma_wait3A_19, %dma_wait3A_20] : memref<2x32x125x80xi32, #tpu.memory_space<hbm>> -> memref<1x1x125x80xi32, #tpu.memory_space<hbm>>
    %dma_wait3A_22 = tpu.memref_squeeze %dma_wait3A_21 : memref<1x1x125x80xi32, #tpu.memory_space<hbm>> -> memref<125x80xi32, #tpu.memory_space<hbm>>
    %dma_wait3A_23 = arith.constant 0 : i32
    %dma_wait3A_24 = arith.constant 0 : i32
    %dma_wait3A_25 = tpu.memref_slice %arg3[%dma_wait3A, %add3A, %dma_wait3A_23, %dma_wait3A_24] : memref<2x32x125x80xi32, #tpu.memory_space<hbm>> -> memref<1x1x125x80xi32, #tpu.memory_space<hbm>>
    %dma_wait3A_26 = tpu.memref_squeeze %dma_wait3A_25 : memref<1x1x125x80xi32, #tpu.memory_space<hbm>> -> memref<125x80xi32, #tpu.memory_space<hbm>>
    tpu.wait_dma2 semaphore(%arg10 : memref<!tpu.dma_semaphore, #tpu.memory_space<semaphore_mem>>) src(%dma_wait3A_26 : memref<125x80xi32, #tpu.memory_space<hbm>>) dst(%arg7 : memref<125x80xi32, #tpu.memory_space<vmem>>)
    %dma_wait3A_27 = arith.constant 0 : i32
    %dma_wait3A_28 = tpu.memref_slice %arg19[%mul3A_12, %dma_wait3A_27] : memref<10240x128xf32, #tpu.memory_space<vmem_shared>> -> memref<640x128xf32, #tpu.memory_space<vmem_shared>>
    %dma_wait3A_29 = arith.constant 0 : i32
    %dma_wait3A_30 = tpu.memref_slice %arg2[%mul3A_10, %dma_wait3A_29] : memref<10240x128xf32, #tpu.memory_space<hbm>> -> memref<640x128xf32, #tpu.memory_space<hbm>>
    tpu.wait_dma2 semaphore(%arg13 : memref<!tpu.dma_semaphore, #tpu.memory_space<semaphore_mem>>) src(%dma_wait3A_30 : memref<640x128xf32, #tpu.memory_space<hbm>>) dst(%dma_wait3A_28 : memref<640x128xf32, #tpu.memory_space<vmem_shared>>)
    %barrier3A = arith.constant 0 : index
    tpu.barrier barrier_id(%barrier3A)
    %mul3A_31 = arith.constant 10000 : i32
    %mul3A_32 = arith.muli %add3A, %mul3A_31 : i32
    %add3A_33 = arith.constant 0 : i32
    %add3A_34 = arith.addi %mul3A_32, %add3A_33 : i32
    %dma_start3A_35 = arith.constant 0 : i32
    %dma_start3A_36 = arith.constant 0 : i32
    %dma_start3A_37 = tpu.memref_slice %arg8[%dma_start3A_35, %dma_start3A_36] : memref<3x80xi32, #tpu.memory_space<vmem>> -> memref<1x80xi32, #tpu.memory_space<vmem>>
    %dma_start3A_38 = tpu.memref_squeeze %dma_start3A_37 : memref<1x80xi32, #tpu.memory_space<vmem>> -> memref<80xi32, #tpu.memory_space<vmem>>
    %dma_start3A_39 = tpu.memref_slice %arg4[%add3A_34] : memref<320000xi32, #tpu.memory_space<hbm>> -> memref<80xi32, #tpu.memory_space<hbm>>
    %dma_start3A_40 = arith.constant 0 : i32
    %dma_start3A_41 = tpu.memref_slice %arg8[%dma_start3A_35, %dma_start3A_40] : memref<3x80xi32, #tpu.memory_space<vmem>> -> memref<1x80xi32, #tpu.memory_space<vmem>>
    %dma_start3A_42 = tpu.memref_squeeze %dma_start3A_41 : memref<1x80xi32, #tpu.memory_space<vmem>> -> memref<80xi32, #tpu.memory_space<vmem>>
    %dma_start3A_43 = tpu.memref_slice %arg4[%add3A_34] : memref<320000xi32, #tpu.memory_space<hbm>> -> memref<80xi32, #tpu.memory_space<hbm>>
    tpu.enqueue_dma source(%dma_start3A_43 : memref<80xi32, #tpu.memory_space<hbm>>) target(%dma_start3A_42 : memref<80xi32, #tpu.memory_space<vmem>>) target_semaphore(%arg16 : memref<!tpu.dma_semaphore, #tpu.memory_space<semaphore_mem>>)
    %dma_start3A_44 = arith.constant 0 : i32
    %dma_start3A_45 = arith.constant 0 : i32
    %dma_start3A_46 = arith.constant 0 : i32
    %dma_start3A_47 = arith.constant 0 : i32
    %dma_start3A_48 = tpu.memref_slice %arg9[%dma_start3A_45, %dma_start3A_46, %dma_start3A_47] : memref<3x80x128xf32, #tpu.memory_space<vmem>> -> memref<1x80x128xf32, #tpu.memory_space<vmem>>
    %dma_start3A_49 = tpu.memref_squeeze %dma_start3A_48 : memref<1x80x128xf32, #tpu.memory_space<vmem>> -> memref<80x128xf32, #tpu.memory_space<vmem>>
    %dma_start3A_50 = arith.constant 0 : i32
    %dma_start3A_51 = tpu.memref_slice %arg7[%dma_start3A_44, %dma_start3A_50] : memref<125x80xi32, #tpu.memory_space<vmem>> -> memref<1x80xi32, #tpu.memory_space<vmem>>
    %dma_start3A_52 = tpu.memref_squeeze %dma_start3A_51 : memref<1x80xi32, #tpu.memory_space<vmem>> -> memref<80xi32, #tpu.memory_space<vmem>>
    %dma_start3A_53 = arith.constant 0 : i32
    %dma_start3A_54 = arith.constant 0 : i32
    %dma_start3A_55 = tpu.memref_slice %arg2[%dma_start3A_53, %dma_start3A_54] : memref<10240x128xf32, #tpu.memory_space<hbm>> -> memref<10240x128xf32, #tpu.memory_space<hbm>>
    tpu.enqueue_indirect_dma source(%dma_start3A_55 : memref<10240x128xf32, #tpu.memory_space<hbm>>) target(%dma_start3A_49 : memref<80x128xf32, #tpu.memory_space<vmem>>) offsets(%dma_start3A_52 : memref<80xi32, #tpu.memory_space<vmem>>) semaphore(%arg10 : memref<!tpu.dma_semaphore, #tpu.memory_space<semaphore_mem>>)
    %mul3A_56 = arith.constant 10000 : i32
    %mul3A_57 = arith.muli %add3A, %mul3A_56 : i32
    %add3A_58 = arith.constant 80 : i32
    %add3A_59 = arith.addi %mul3A_57, %add3A_58 : i32
    %dma_start3A_60 = arith.constant 1 : i32
    %dma_start3A_61 = arith.constant 0 : i32
    %dma_start3A_62 = tpu.memref_slice %arg8[%dma_start3A_60, %dma_start3A_61] : memref<3x80xi32, #tpu.memory_space<vmem>> -> memref<1x80xi32, #tpu.memory_space<vmem>>
    %dma_start3A_63 = tpu.memref_squeeze %dma_start3A_62 : memref<1x80xi32, #tpu.memory_space<vmem>> -> memref<80xi32, #tpu.memory_space<vmem>>
    %dma_start3A_64 = tpu.memref_slice %arg4[%add3A_59] : memref<320000xi32, #tpu.memory_space<hbm>> -> memref<80xi32, #tpu.memory_space<hbm>>
    %dma_start3A_65 = arith.constant 0 : i32
    %dma_start3A_66 = tpu.memref_slice %arg8[%dma_start3A_60, %dma_start3A_65] : memref<3x80xi32, #tpu.memory_space<vmem>> -> memref<1x80xi32, #tpu.memory_space<vmem>>
    %dma_start3A_67 = tpu.memref_squeeze %dma_start3A_66 : memref<1x80xi32, #tpu.memory_space<vmem>> -> memref<80xi32, #tpu.memory_space<vmem>>
    %dma_start3A_68 = tpu.memref_slice %arg4[%add3A_59] : memref<320000xi32, #tpu.memory_space<hbm>> -> memref<80xi32, #tpu.memory_space<hbm>>
    tpu.enqueue_dma source(%dma_start3A_68 : memref<80xi32, #tpu.memory_space<hbm>>) target(%dma_start3A_67 : memref<80xi32, #tpu.memory_space<vmem>>) target_semaphore(%arg17 : memref<!tpu.dma_semaphore, #tpu.memory_space<semaphore_mem>>)
    %dma_start3A_69 = arith.constant 1 : i32
    %dma_start3A_70 = arith.constant 1 : i32
    %dma_start3A_71 = arith.constant 0 : i32
    %dma_start3A_72 = arith.constant 0 : i32
    %dma_start3A_73 = tpu.memref_slice %arg9[%dma_start3A_70, %dma_start3A_71, %dma_start3A_72] : memref<3x80x128xf32, #tpu.memory_space<vmem>> -> memref<1x80x128xf32, #tpu.memory_space<vmem>>
    %dma_start3A_74 = tpu.memref_squeeze %dma_start3A_73 : memref<1x80x128xf32, #tpu.memory_space<vmem>> -> memref<80x128xf32, #tpu.memory_space<vmem>>
    %dma_start3A_75 = arith.constant 0 : i32
    %dma_start3A_76 = tpu.memref_slice %arg7[%dma_start3A_69, %dma_start3A_75] : memref<125x80xi32, #tpu.memory_space<vmem>> -> memref<1x80xi32, #tpu.memory_space<vmem>>
    %dma_start3A_77 = tpu.memref_squeeze %dma_start3A_76 : memref<1x80xi32, #tpu.memory_space<vmem>> -> memref<80xi32, #tpu.memory_space<vmem>>
    %dma_start3A_78 = arith.constant 0 : i32
    %dma_start3A_79 = arith.constant 0 : i32
    %dma_start3A_80 = tpu.memref_slice %arg2[%dma_start3A_78, %dma_start3A_79] : memref<10240x128xf32, #tpu.memory_space<hbm>> -> memref<10240x128xf32, #tpu.memory_space<hbm>>
    tpu.enqueue_indirect_dma source(%dma_start3A_80 : memref<10240x128xf32, #tpu.memory_space<hbm>>) target(%dma_start3A_74 : memref<80x128xf32, #tpu.memory_space<vmem>>) offsets(%dma_start3A_77 : memref<80xi32, #tpu.memory_space<vmem>>) semaphore(%arg11 : memref<!tpu.dma_semaphore, #tpu.memory_space<semaphore_mem>>)
    %scan3A = arith.constant 0 : i32
    %scan3A_81 = arith.constant 0 : i32
    %scan3A_82 = arith.constant 41 : i32
    %scan3A_83 = arith.addi %scan3A_81, %scan3A_82 : i32
    %scan3A_84 = arith.constant 1 : i32
    scf.for %scan3A_201 = %scan3A_81 to %scan3A_83 step %scan3A_84  : i32 {
      %mul3A_202 = arith.constant 3 : i32
      %mul3A_203 = arith.muli %scan3A_201, %mul3A_202 : i32
      %add3A_204 = arith.constant 0 : i32
      %add3A_205 = arith.addi %mul3A_203, %add3A_204 : i32
      %dma_wait3A_206 = arith.constant 0 : i32
      %dma_wait3A_207 = arith.constant 0 : i32
      %dma_wait3A_208 = arith.constant 0 : i32
      %dma_wait3A_209 = tpu.memref_slice %arg9[%dma_wait3A_206, %dma_wait3A_207, %dma_wait3A_208] : memref<3x80x128xf32, #tpu.memory_space<vmem>> -> memref<1x80x128xf32, #tpu.memory_space<vmem>>
      %dma_wait3A_210 = tpu.memref_squeeze %dma_wait3A_209 : memref<1x80x128xf32, #tpu.memory_space<vmem>> -> memref<80x128xf32, #tpu.memory_space<vmem>>
      %dma_wait3A_211 = arith.constant 0 : i32
      %dma_wait3A_212 = tpu.memref_slice %arg7[%add3A_205, %dma_wait3A_211] : memref<125x80xi32, #tpu.memory_space<vmem>> -> memref<1x80xi32, #tpu.memory_space<vmem>>
      %dma_wait3A_213 = tpu.memref_squeeze %dma_wait3A_212 : memref<1x80xi32, #tpu.memory_space<vmem>> -> memref<80xi32, #tpu.memory_space<vmem>>
      %dma_wait3A_214 = arith.constant 0 : i32
      %dma_wait3A_215 = arith.constant 0 : i32
      %dma_wait3A_216 = tpu.memref_slice %arg2[%dma_wait3A_214, %dma_wait3A_215] : memref<10240x128xf32, #tpu.memory_space<hbm>> -> memref<10240x128xf32, #tpu.memory_space<hbm>>
      tpu.wait_indirect_dma semaphore(%arg10 : memref<!tpu.dma_semaphore, #tpu.memory_space<semaphore_mem>>) src(%dma_wait3A_216 : memref<10240x128xf32, #tpu.memory_space<hbm>>) dst(%dma_wait3A_210 : memref<80x128xf32, #tpu.memory_space<vmem>>)
      %mul3A_217 = arith.constant 10000 : i32
      %mul3A_218 = arith.muli %add3A, %mul3A_217 : i32
      %mul3A_219 = arith.constant 80 : i32
      %mul3A_220 = arith.muli %add3A_205, %mul3A_219 : i32
      %add3A_221 = arith.addi %mul3A_218, %mul3A_220 : i32
      %dma_wait3A_222 = arith.constant 0 : i32
      %dma_wait3A_223 = arith.constant 0 : i32
      %dma_wait3A_224 = tpu.memref_slice %arg8[%dma_wait3A_222, %dma_wait3A_223] : memref<3x80xi32, #tpu.memory_space<vmem>> -> memref<1x80xi32, #tpu.memory_space<vmem>>
      %dma_wait3A_225 = tpu.memref_squeeze %dma_wait3A_224 : memref<1x80xi32, #tpu.memory_space<vmem>> -> memref<80xi32, #tpu.memory_space<vmem>>
      %dma_wait3A_226 = tpu.memref_slice %arg4[%add3A_221] : memref<320000xi32, #tpu.memory_space<hbm>> -> memref<80xi32, #tpu.memory_space<hbm>>
      %dma_wait3A_227 = arith.constant 0 : i32
      %dma_wait3A_228 = tpu.memref_slice %arg8[%dma_wait3A_222, %dma_wait3A_227] : memref<3x80xi32, #tpu.memory_space<vmem>> -> memref<1x80xi32, #tpu.memory_space<vmem>>
      %dma_wait3A_229 = tpu.memref_squeeze %dma_wait3A_228 : memref<1x80xi32, #tpu.memory_space<vmem>> -> memref<80xi32, #tpu.memory_space<vmem>>
      %dma_wait3A_230 = tpu.memref_slice %arg4[%add3A_221] : memref<320000xi32, #tpu.memory_space<hbm>> -> memref<80xi32, #tpu.memory_space<hbm>>
      tpu.wait_dma2 semaphore(%arg16 : memref<!tpu.dma_semaphore, #tpu.memory_space<semaphore_mem>>) src(%dma_wait3A_230 : memref<80xi32, #tpu.memory_space<hbm>>) dst(%dma_wait3A_229 : memref<80xi32, #tpu.memory_space<vmem>>)
      %dma_start3A_231 = arith.constant 0 : i32
      %dma_start3A_232 = arith.constant 0 : i32
      %dma_start3A_233 = arith.constant 0 : i32
      %dma_start3A_234 = arith.constant 0 : i32
      %dma_start3A_235 = tpu.memref_slice %arg9[%dma_start3A_231, %dma_start3A_233, %dma_start3A_234] : memref<3x80x128xf32, #tpu.memory_space<vmem>> -> memref<1x80x128xf32, #tpu.memory_space<vmem>>
      %dma_start3A_236 = tpu.memref_squeeze %dma_start3A_235 : memref<1x80x128xf32, #tpu.memory_space<vmem>> -> memref<80x128xf32, #tpu.memory_space<vmem>>
      %dma_start3A_237 = arith.constant 0 : i32
      %dma_start3A_238 = tpu.memref_slice %arg8[%dma_start3A_232, %dma_start3A_237] : memref<3x80xi32, #tpu.memory_space<vmem>> -> memref<1x80xi32, #tpu.memory_space<vmem>>
      %dma_start3A_239 = tpu.memref_squeeze %dma_start3A_238 : memref<1x80xi32, #tpu.memory_space<vmem>> -> memref<80xi32, #tpu.memory_space<vmem>>
      %dma_start3A_240 = arith.constant 0 : i32
      %dma_start3A_241 = arith.constant 0 : i32
      %dma_start3A_242 = tpu.memref_slice %arg19[%dma_start3A_240, %dma_start3A_241] : memref<10240x128xf32, #tpu.memory_space<vmem_shared>> -> memref<10240x128xf32, #tpu.memory_space<vmem_shared>>
      tpu.enqueue_indirect_dma source(%dma_start3A_236 : memref<80x128xf32, #tpu.memory_space<vmem>>) target(%dma_start3A_242 : memref<10240x128xf32, #tpu.memory_space<vmem_shared>>) offsets(%dma_start3A_239 : memref<80xi32, #tpu.memory_space<vmem>>) semaphore(%arg13 : memref<!tpu.dma_semaphore, #tpu.memory_space<semaphore_mem>>) {add = true}
      %ge3A = arith.constant 1 : i32
      %ge3A_243 = arith.cmpi sge, %add3A_205, %ge3A : i32
      %convert_element_type3A_244 = arith.extui %ge3A_243 : i1 to i32
      %cond3A_245 = arith.constant 0 : i32
      %cond3A_246 = arith.cmpi ne, %convert_element_type3A_244, %cond3A_245 : i32
      scf.if %cond3A_246 {
        %dma_wait3A_420 = arith.constant 2 : i32
        %dma_wait3A_421 = arith.constant 2 : i32
        %dma_wait3A_422 = arith.constant 0 : i32
        %dma_wait3A_423 = arith.constant 0 : i32
        %dma_wait3A_424 = tpu.memref_slice %arg9[%dma_wait3A_420, %dma_wait3A_422, %dma_wait3A_423] : memref<3x80x128xf32, #tpu.memory_space<vmem>> -> memref<1x80x128xf32, #tpu.memory_space<vmem>>
        %dma_wait3A_425 = tpu.memref_squeeze %dma_wait3A_424 : memref<1x80x128xf32, #tpu.memory_space<vmem>> -> memref<80x128xf32, #tpu.memory_space<vmem>>
        %dma_wait3A_426 = arith.constant 0 : i32
        %dma_wait3A_427 = tpu.memref_slice %arg8[%dma_wait3A_421, %dma_wait3A_426] : memref<3x80xi32, #tpu.memory_space<vmem>> -> memref<1x80xi32, #tpu.memory_space<vmem>>
        %dma_wait3A_428 = tpu.memref_squeeze %dma_wait3A_427 : memref<1x80xi32, #tpu.memory_space<vmem>> -> memref<80xi32, #tpu.memory_space<vmem>>
        %dma_wait3A_429 = arith.constant 0 : i32
        %dma_wait3A_430 = arith.constant 0 : i32
        %dma_wait3A_431 = tpu.memref_slice %arg19[%dma_wait3A_429, %dma_wait3A_430] : memref<10240x128xf32, #tpu.memory_space<vmem_shared>> -> memref<10240x128xf32, #tpu.memory_space<vmem_shared>>
        tpu.wait_indirect_dma semaphore(%arg15 : memref<!tpu.dma_semaphore, #tpu.memory_space<semaphore_mem>>) src(%dma_wait3A_425 : memref<80x128xf32, #tpu.memory_space<vmem>>) dst(%dma_wait3A_431 : memref<10240x128xf32, #tpu.memory_space<vmem_shared>>)
      } else {
      }
      %add3A_247 = arith.constant 2 : i32
      %add3A_248 = arith.addi %add3A_205, %add3A_247 : i32
      %mul3A_249 = arith.constant 10000 : i32
      %mul3A_250 = arith.muli %add3A, %mul3A_249 : i32
      %mul3A_251 = arith.constant 80 : i32
      %mul3A_252 = arith.muli %add3A_248, %mul3A_251 : i32
      %add3A_253 = arith.addi %mul3A_250, %mul3A_252 : i32
      %dma_start3A_254 = arith.constant 2 : i32
      %dma_start3A_255 = arith.constant 0 : i32
      %dma_start3A_256 = tpu.memref_slice %arg8[%dma_start3A_254, %dma_start3A_255] : memref<3x80xi32, #tpu.memory_space<vmem>> -> memref<1x80xi32, #tpu.memory_space<vmem>>
      %dma_start3A_257 = tpu.memref_squeeze %dma_start3A_256 : memref<1x80xi32, #tpu.memory_space<vmem>> -> memref<80xi32, #tpu.memory_space<vmem>>
      %dma_start3A_258 = tpu.memref_slice %arg4[%add3A_253] : memref<320000xi32, #tpu.memory_space<hbm>> -> memref<80xi32, #tpu.memory_space<hbm>>
      %dma_start3A_259 = arith.constant 0 : i32
      %dma_start3A_260 = tpu.memref_slice %arg8[%dma_start3A_254, %dma_start3A_259] : memref<3x80xi32, #tpu.memory_space<vmem>> -> memref<1x80xi32, #tpu.memory_space<vmem>>
      %dma_start3A_261 = tpu.memref_squeeze %dma_start3A_260 : memref<1x80xi32, #tpu.memory_space<vmem>> -> memref<80xi32, #tpu.memory_space<vmem>>
      %dma_start3A_262 = tpu.memref_slice %arg4[%add3A_253] : memref<320000xi32, #tpu.memory_space<hbm>> -> memref<80xi32, #tpu.memory_space<hbm>>
      tpu.enqueue_dma source(%dma_start3A_262 : memref<80xi32, #tpu.memory_space<hbm>>) target(%dma_start3A_261 : memref<80xi32, #tpu.memory_space<vmem>>) target_semaphore(%arg18 : memref<!tpu.dma_semaphore, #tpu.memory_space<semaphore_mem>>)
      %dma_start3A_263 = arith.constant 2 : i32
      %dma_start3A_264 = arith.constant 0 : i32
      %dma_start3A_265 = arith.constant 0 : i32
      %dma_start3A_266 = tpu.memref_slice %arg9[%dma_start3A_263, %dma_start3A_264, %dma_start3A_265] : memref<3x80x128xf32, #tpu.memory_space<vmem>> -> memref<1x80x128xf32, #tpu.memory_space<vmem>>
      %dma_start3A_267 = tpu.memref_squeeze %dma_start3A_266 : memref<1x80x128xf32, #tpu.memory_space<vmem>> -> memref<80x128xf32, #tpu.memory_space<vmem>>
      %dma_start3A_268 = arith.constant 0 : i32
      %dma_start3A_269 = tpu.memref_slice %arg7[%add3A_248, %dma_start3A_268] : memref<125x80xi32, #tpu.memory_space<vmem>> -> memref<1x80xi32, #tpu.memory_space<vmem>>
      %dma_start3A_270 = tpu.memref_squeeze %dma_start3A_269 : memref<1x80xi32, #tpu.memory_space<vmem>> -> memref<80xi32, #tpu.memory_space<vmem>>
      %dma_start3A_271 = arith.constant 0 : i32
      %dma_start3A_272 = arith.constant 0 : i32
      %dma_start3A_273 = tpu.memref_slice %arg2[%dma_start3A_271, %dma_start3A_272] : memref<10240x128xf32, #tpu.memory_space<hbm>> -> memref<10240x128xf32, #tpu.memory_space<hbm>>
      tpu.enqueue_indirect_dma source(%dma_start3A_273 : memref<10240x128xf32, #tpu.memory_space<hbm>>) target(%dma_start3A_267 : memref<80x128xf32, #tpu.memory_space<vmem>>) offsets(%dma_start3A_270 : memref<80xi32, #tpu.memory_space<vmem>>) semaphore(%arg12 : memref<!tpu.dma_semaphore, #tpu.memory_space<semaphore_mem>>)
      %mul3A_274 = arith.constant 3 : i32
      %mul3A_275 = arith.muli %scan3A_201, %mul3A_274 : i32
      %add3A_276 = arith.constant 1 : i32
      %add3A_277 = arith.addi %mul3A_275, %add3A_276 : i32
      %dma_wait3A_278 = arith.constant 1 : i32
      %dma_wait3A_279 = arith.constant 0 : i32
      %dma_wait3A_280 = arith.constant 0 : i32
      %dma_wait3A_281 = tpu.memref_slice %arg9[%dma_wait3A_278, %dma_wait3A_279, %dma_wait3A_280] : memref<3x80x128xf32, #tpu.memory_space<vmem>> -> memref<1x80x128xf32, #tpu.memory_space<vmem>>
      %dma_wait3A_282 = tpu.memref_squeeze %dma_wait3A_281 : memref<1x80x128xf32, #tpu.memory_space<vmem>> -> memref<80x128xf32, #tpu.memory_space<vmem>>
      %dma_wait3A_283 = arith.constant 0 : i32
      %dma_wait3A_284 = tpu.memref_slice %arg7[%add3A_277, %dma_wait3A_283] : memref<125x80xi32, #tpu.memory_space<vmem>> -> memref<1x80xi32, #tpu.memory_space<vmem>>
      %dma_wait3A_285 = tpu.memref_squeeze %dma_wait3A_284 : memref<1x80xi32, #tpu.memory_space<vmem>> -> memref<80xi32, #tpu.memory_space<vmem>>
      %dma_wait3A_286 = arith.constant 0 : i32
      %dma_wait3A_287 = arith.constant 0 : i32
      %dma_wait3A_288 = tpu.memref_slice %arg2[%dma_wait3A_286, %dma_wait3A_287] : memref<10240x128xf32, #tpu.memory_space<hbm>> -> memref<10240x128xf32, #tpu.memory_space<hbm>>
      tpu.wait_indirect_dma semaphore(%arg11 : memref<!tpu.dma_semaphore, #tpu.memory_space<semaphore_mem>>) src(%dma_wait3A_288 : memref<10240x128xf32, #tpu.memory_space<hbm>>) dst(%dma_wait3A_282 : memref<80x128xf32, #tpu.memory_space<vmem>>)
      %mul3A_289 = arith.constant 10000 : i32
      %mul3A_290 = arith.muli %add3A, %mul3A_289 : i32
      %mul3A_291 = arith.constant 80 : i32
      %mul3A_292 = arith.muli %add3A_277, %mul3A_291 : i32
      %add3A_293 = arith.addi %mul3A_290, %mul3A_292 : i32
      %dma_wait3A_294 = arith.constant 1 : i32
      %dma_wait3A_295 = arith.constant 0 : i32
      %dma_wait3A_296 = tpu.memref_slice %arg8[%dma_wait3A_294, %dma_wait3A_295] : memref<3x80xi32, #tpu.memory_space<vmem>> -> memref<1x80xi32, #tpu.memory_space<vmem>>
      %dma_wait3A_297 = tpu.memref_squeeze %dma_wait3A_296 : memref<1x80xi32, #tpu.memory_space<vmem>> -> memref<80xi32, #tpu.memory_space<vmem>>
      %dma_wait3A_298 = tpu.memref_slice %arg4[%add3A_293] : memref<320000xi32, #tpu.memory_space<hbm>> -> memref<80xi32, #tpu.memory_space<hbm>>
      %dma_wait3A_299 = arith.constant 0 : i32
      %dma_wait3A_300 = tpu.memref_slice %arg8[%dma_wait3A_294, %dma_wait3A_299] : memref<3x80xi32, #tpu.memory_space<vmem>> -> memref<1x80xi32, #tpu.memory_space<vmem>>
      %dma_wait3A_301 = tpu.memref_squeeze %dma_wait3A_300 : memref<1x80xi32, #tpu.memory_space<vmem>> -> memref<80xi32, #tpu.memory_space<vmem>>
      %dma_wait3A_302 = tpu.memref_slice %arg4[%add3A_293] : memref<320000xi32, #tpu.memory_space<hbm>> -> memref<80xi32, #tpu.memory_space<hbm>>
      tpu.wait_dma2 semaphore(%arg17 : memref<!tpu.dma_semaphore, #tpu.memory_space<semaphore_mem>>) src(%dma_wait3A_302 : memref<80xi32, #tpu.memory_space<hbm>>) dst(%dma_wait3A_301 : memref<80xi32, #tpu.memory_space<vmem>>)
      %dma_start3A_303 = arith.constant 1 : i32
      %dma_start3A_304 = arith.constant 1 : i32
      %dma_start3A_305 = arith.constant 0 : i32
      %dma_start3A_306 = arith.constant 0 : i32
      %dma_start3A_307 = tpu.memref_slice %arg9[%dma_start3A_303, %dma_start3A_305, %dma_start3A_306] : memref<3x80x128xf32, #tpu.memory_space<vmem>> -> memref<1x80x128xf32, #tpu.memory_space<vmem>>
      %dma_start3A_308 = tpu.memref_squeeze %dma_start3A_307 : memref<1x80x128xf32, #tpu.memory_space<vmem>> -> memref<80x128xf32, #tpu.memory_space<vmem>>
      %dma_start3A_309 = arith.constant 0 : i32
      %dma_start3A_310 = tpu.memref_slice %arg8[%dma_start3A_304, %dma_start3A_309] : memref<3x80xi32, #tpu.memory_space<vmem>> -> memref<1x80xi32, #tpu.memory_space<vmem>>
      %dma_start3A_311 = tpu.memref_squeeze %dma_start3A_310 : memref<1x80xi32, #tpu.memory_space<vmem>> -> memref<80xi32, #tpu.memory_space<vmem>>
      %dma_start3A_312 = arith.constant 0 : i32
      %dma_start3A_313 = arith.constant 0 : i32
      %dma_start3A_314 = tpu.memref_slice %arg19[%dma_start3A_312, %dma_start3A_313] : memref<10240x128xf32, #tpu.memory_space<vmem_shared>> -> memref<10240x128xf32, #tpu.memory_space<vmem_shared>>
      tpu.enqueue_indirect_dma source(%dma_start3A_308 : memref<80x128xf32, #tpu.memory_space<vmem>>) target(%dma_start3A_314 : memref<10240x128xf32, #tpu.memory_space<vmem_shared>>) offsets(%dma_start3A_311 : memref<80xi32, #tpu.memory_space<vmem>>) semaphore(%arg14 : memref<!tpu.dma_semaphore, #tpu.memory_space<semaphore_mem>>) {add = true}
      %ge3A_315 = arith.constant 1 : i32
      %ge3A_316 = arith.cmpi sge, %add3A_277, %ge3A_315 : i32
      %convert_element_type3A_317 = arith.extui %ge3A_316 : i1 to i32
      %cond3A_318 = arith.constant 0 : i32
      %cond3A_319 = arith.cmpi ne, %convert_element_type3A_317, %cond3A_318 : i32
      scf.if %cond3A_319 {
        %dma_wait3A_420 = arith.constant 0 : i32
        %dma_wait3A_421 = arith.constant 0 : i32
        %dma_wait3A_422 = arith.constant 0 : i32
        %dma_wait3A_423 = arith.constant 0 : i32
        %dma_wait3A_424 = tpu.memref_slice %arg9[%dma_wait3A_420, %dma_wait3A_422, %dma_wait3A_423] : memref<3x80x128xf32, #tpu.memory_space<vmem>> -> memref<1x80x128xf32, #tpu.memory_space<vmem>>
        %dma_wait3A_425 = tpu.memref_squeeze %dma_wait3A_424 : memref<1x80x128xf32, #tpu.memory_space<vmem>> -> memref<80x128xf32, #tpu.memory_space<vmem>>
        %dma_wait3A_426 = arith.constant 0 : i32
        %dma_wait3A_427 = tpu.memref_slice %arg8[%dma_wait3A_421, %dma_wait3A_426] : memref<3x80xi32, #tpu.memory_space<vmem>> -> memref<1x80xi32, #tpu.memory_space<vmem>>
        %dma_wait3A_428 = tpu.memref_squeeze %dma_wait3A_427 : memref<1x80xi32, #tpu.memory_space<vmem>> -> memref<80xi32, #tpu.memory_space<vmem>>
        %dma_wait3A_429 = arith.constant 0 : i32
        %dma_wait3A_430 = arith.constant 0 : i32
        %dma_wait3A_431 = tpu.memref_slice %arg19[%dma_wait3A_429, %dma_wait3A_430] : memref<10240x128xf32, #tpu.memory_space<vmem_shared>> -> memref<10240x128xf32, #tpu.memory_space<vmem_shared>>
        tpu.wait_indirect_dma semaphore(%arg13 : memref<!tpu.dma_semaphore, #tpu.memory_space<semaphore_mem>>) src(%dma_wait3A_425 : memref<80x128xf32, #tpu.memory_space<vmem>>) dst(%dma_wait3A_431 : memref<10240x128xf32, #tpu.memory_space<vmem_shared>>)
      } else {
      }
      %add3A_320 = arith.constant 2 : i32
      %add3A_321 = arith.addi %add3A_277, %add3A_320 : i32
      %mul3A_322 = arith.constant 10000 : i32
      %mul3A_323 = arith.muli %add3A, %mul3A_322 : i32
      %mul3A_324 = arith.constant 80 : i32
      %mul3A_325 = arith.muli %add3A_321, %mul3A_324 : i32
      %add3A_326 = arith.addi %mul3A_323, %mul3A_325 : i32
      %dma_start3A_327 = arith.constant 0 : i32
      %dma_start3A_328 = arith.constant 0 : i32
      %dma_start3A_329 = tpu.memref_slice %arg8[%dma_start3A_327, %dma_start3A_328] : memref<3x80xi32, #tpu.memory_space<vmem>> -> memref<1x80xi32, #tpu.memory_space<vmem>>
      %dma_start3A_330 = tpu.memref_squeeze %dma_start3A_329 : memref<1x80xi32, #tpu.memory_space<vmem>> -> memref<80xi32, #tpu.memory_space<vmem>>
      %dma_start3A_331 = tpu.memref_slice %arg4[%add3A_326] : memref<320000xi32, #tpu.memory_space<hbm>> -> memref<80xi32, #tpu.memory_space<hbm>>
      %dma_start3A_332 = arith.constant 0 : i32
      %dma_start3A_333 = tpu.memref_slice %arg8[%dma_start3A_327, %dma_start3A_332] : memref<3x80xi32, #tpu.memory_space<vmem>> -> memref<1x80xi32, #tpu.memory_space<vmem>>
      %dma_start3A_334 = tpu.memref_squeeze %dma_start3A_333 : memref<1x80xi32, #tpu.memory_space<vmem>> -> memref<80xi32, #tpu.memory_space<vmem>>
      %dma_start3A_335 = tpu.memref_slice %arg4[%add3A_326] : memref<320000xi32, #tpu.memory_space<hbm>> -> memref<80xi32, #tpu.memory_space<hbm>>
      tpu.enqueue_dma source(%dma_start3A_335 : memref<80xi32, #tpu.memory_space<hbm>>) target(%dma_start3A_334 : memref<80xi32, #tpu.memory_space<vmem>>) target_semaphore(%arg16 : memref<!tpu.dma_semaphore, #tpu.memory_space<semaphore_mem>>)
      %dma_start3A_336 = arith.constant 0 : i32
      %dma_start3A_337 = arith.constant 0 : i32
      %dma_start3A_338 = arith.constant 0 : i32
      %dma_start3A_339 = tpu.memref_slice %arg9[%dma_start3A_336, %dma_start3A_337, %dma_start3A_338] : memref<3x80x128xf32, #tpu.memory_space<vmem>> -> memref<1x80x128xf32, #tpu.memory_space<vmem>>
      %dma_start3A_340 = tpu.memref_squeeze %dma_start3A_339 : memref<1x80x128xf32, #tpu.memory_space<vmem>> -> memref<80x128xf32, #tpu.memory_space<vmem>>
      %dma_start3A_341 = arith.constant 0 : i32
      %dma_start3A_342 = tpu.memref_slice %arg7[%add3A_321, %dma_start3A_341] : memref<125x80xi32, #tpu.memory_space<vmem>> -> memref<1x80xi32, #tpu.memory_space<vmem>>
      %dma_start3A_343 = tpu.memref_squeeze %dma_start3A_342 : memref<1x80xi32, #tpu.memory_space<vmem>> -> memref<80xi32, #tpu.memory_space<vmem>>
      %dma_start3A_344 = arith.constant 0 : i32
      %dma_start3A_345 = arith.constant 0 : i32
      %dma_start3A_346 = tpu.memref_slice %arg2[%dma_start3A_344, %dma_start3A_345] : memref<10240x128xf32, #tpu.memory_space<hbm>> -> memref<10240x128xf32, #tpu.memory_space<hbm>>
      tpu.enqueue_indirect_dma source(%dma_start3A_346 : memref<10240x128xf32, #tpu.memory_space<hbm>>) target(%dma_start3A_340 : memref<80x128xf32, #tpu.memory_space<vmem>>) offsets(%dma_start3A_343 : memref<80xi32, #tpu.memory_space<vmem>>) semaphore(%arg10 : memref<!tpu.dma_semaphore, #tpu.memory_space<semaphore_mem>>)
      %mul3A_347 = arith.constant 3 : i32
      %mul3A_348 = arith.muli %scan3A_201, %mul3A_347 : i32
      %add3A_349 = arith.constant 2 : i32
      %add3A_350 = arith.addi %mul3A_348, %add3A_349 : i32
      %dma_wait3A_351 = arith.constant 2 : i32
      %dma_wait3A_352 = arith.constant 0 : i32
      %dma_wait3A_353 = arith.constant 0 : i32
      %dma_wait3A_354 = tpu.memref_slice %arg9[%dma_wait3A_351, %dma_wait3A_352, %dma_wait3A_353] : memref<3x80x128xf32, #tpu.memory_space<vmem>> -> memref<1x80x128xf32, #tpu.memory_space<vmem>>
      %dma_wait3A_355 = tpu.memref_squeeze %dma_wait3A_354 : memref<1x80x128xf32, #tpu.memory_space<vmem>> -> memref<80x128xf32, #tpu.memory_space<vmem>>
      %dma_wait3A_356 = arith.constant 0 : i32
      %dma_wait3A_357 = tpu.memref_slice %arg7[%add3A_350, %dma_wait3A_356] : memref<125x80xi32, #tpu.memory_space<vmem>> -> memref<1x80xi32, #tpu.memory_space<vmem>>
      %dma_wait3A_358 = tpu.memref_squeeze %dma_wait3A_357 : memref<1x80xi32, #tpu.memory_space<vmem>> -> memref<80xi32, #tpu.memory_space<vmem>>
      %dma_wait3A_359 = arith.constant 0 : i32
      %dma_wait3A_360 = arith.constant 0 : i32
      %dma_wait3A_361 = tpu.memref_slice %arg2[%dma_wait3A_359, %dma_wait3A_360] : memref<10240x128xf32, #tpu.memory_space<hbm>> -> memref<10240x128xf32, #tpu.memory_space<hbm>>
      tpu.wait_indirect_dma semaphore(%arg12 : memref<!tpu.dma_semaphore, #tpu.memory_space<semaphore_mem>>) src(%dma_wait3A_361 : memref<10240x128xf32, #tpu.memory_space<hbm>>) dst(%dma_wait3A_355 : memref<80x128xf32, #tpu.memory_space<vmem>>)
      %mul3A_362 = arith.constant 10000 : i32
      %mul3A_363 = arith.muli %add3A, %mul3A_362 : i32
      %mul3A_364 = arith.constant 80 : i32
      %mul3A_365 = arith.muli %add3A_350, %mul3A_364 : i32
      %add3A_366 = arith.addi %mul3A_363, %mul3A_365 : i32
      %dma_wait3A_367 = arith.constant 2 : i32
      %dma_wait3A_368 = arith.constant 0 : i32
      %dma_wait3A_369 = tpu.memref_slice %arg8[%dma_wait3A_367, %dma_wait3A_368] : memref<3x80xi32, #tpu.memory_space<vmem>> -> memref<1x80xi32, #tpu.memory_space<vmem>>
      %dma_wait3A_370 = tpu.memref_squeeze %dma_wait3A_369 : memref<1x80xi32, #tpu.memory_space<vmem>> -> memref<80xi32, #tpu.memory_space<vmem>>
      %dma_wait3A_371 = tpu.memref_slice %arg4[%add3A_366] : memref<320000xi32, #tpu.memory_space<hbm>> -> memref<80xi32, #tpu.memory_space<hbm>>
      %dma_wait3A_372 = arith.constant 0 : i32
      %dma_wait3A_373 = tpu.memref_slice %arg8[%dma_wait3A_367, %dma_wait3A_372] : memref<3x80xi32, #tpu.memory_space<vmem>> -> memref<1x80xi32, #tpu.memory_space<vmem>>
      %dma_wait3A_374 = tpu.memref_squeeze %dma_wait3A_373 : memref<1x80xi32, #tpu.memory_space<vmem>> -> memref<80xi32, #tpu.memory_space<vmem>>
      %dma_wait3A_375 = tpu.memref_slice %arg4[%add3A_366] : memref<320000xi32, #tpu.memory_space<hbm>> -> memref<80xi32, #tpu.memory_space<hbm>>
      tpu.wait_dma2 semaphore(%arg18 : memref<!tpu.dma_semaphore, #tpu.memory_space<semaphore_mem>>) src(%dma_wait3A_375 : memref<80xi32, #tpu.memory_space<hbm>>) dst(%dma_wait3A_374 : memref<80xi32, #tpu.memory_space<vmem>>)
      %dma_start3A_376 = arith.constant 2 : i32
      %dma_start3A_377 = arith.constant 2 : i32
      %dma_start3A_378 = arith.constant 0 : i32
      %dma_start3A_379 = arith.constant 0 : i32
      %dma_start3A_380 = tpu.memref_slice %arg9[%dma_start3A_376, %dma_start3A_378, %dma_start3A_379] : memref<3x80x128xf32, #tpu.memory_space<vmem>> -> memref<1x80x128xf32, #tpu.memory_space<vmem>>
      %dma_start3A_381 = tpu.memref_squeeze %dma_start3A_380 : memref<1x80x128xf32, #tpu.memory_space<vmem>> -> memref<80x128xf32, #tpu.memory_space<vmem>>
      %dma_start3A_382 = arith.constant 0 : i32
      %dma_start3A_383 = tpu.memref_slice %arg8[%dma_start3A_377, %dma_start3A_382] : memref<3x80xi32, #tpu.memory_space<vmem>> -> memref<1x80xi32, #tpu.memory_space<vmem>>
      %dma_start3A_384 = tpu.memref_squeeze %dma_start3A_383 : memref<1x80xi32, #tpu.memory_space<vmem>> -> memref<80xi32, #tpu.memory_space<vmem>>
      %dma_start3A_385 = arith.constant 0 : i32
      %dma_start3A_386 = arith.constant 0 : i32
      %dma_start3A_387 = tpu.memref_slice %arg19[%dma_start3A_385, %dma_start3A_386] : memref<10240x128xf32, #tpu.memory_space<vmem_shared>> -> memref<10240x128xf32, #tpu.memory_space<vmem_shared>>
      tpu.enqueue_indirect_dma source(%dma_start3A_381 : memref<80x128xf32, #tpu.memory_space<vmem>>) target(%dma_start3A_387 : memref<10240x128xf32, #tpu.memory_space<vmem_shared>>) offsets(%dma_start3A_384 : memref<80xi32, #tpu.memory_space<vmem>>) semaphore(%arg15 : memref<!tpu.dma_semaphore, #tpu.memory_space<semaphore_mem>>) {add = true}
      %ge3A_388 = arith.constant 1 : i32
      %ge3A_389 = arith.cmpi sge, %add3A_350, %ge3A_388 : i32
      %convert_element_type3A_390 = arith.extui %ge3A_389 : i1 to i32
      %cond3A_391 = arith.constant 0 : i32
      %cond3A_392 = arith.cmpi ne, %convert_element_type3A_390, %cond3A_391 : i32
      scf.if %cond3A_392 {
        %dma_wait3A_420 = arith.constant 1 : i32
        %dma_wait3A_421 = arith.constant 1 : i32
        %dma_wait3A_422 = arith.constant 0 : i32
        %dma_wait3A_423 = arith.constant 0 : i32
        %dma_wait3A_424 = tpu.memref_slice %arg9[%dma_wait3A_420, %dma_wait3A_422, %dma_wait3A_423] : memref<3x80x128xf32, #tpu.memory_space<vmem>> -> memref<1x80x128xf32, #tpu.memory_space<vmem>>
        %dma_wait3A_425 = tpu.memref_squeeze %dma_wait3A_424 : memref<1x80x128xf32, #tpu.memory_space<vmem>> -> memref<80x128xf32, #tpu.memory_space<vmem>>
        %dma_wait3A_426 = arith.constant 0 : i32
        %dma_wait3A_427 = tpu.memref_slice %arg8[%dma_wait3A_421, %dma_wait3A_426] : memref<3x80xi32, #tpu.memory_space<vmem>> -> memref<1x80xi32, #tpu.memory_space<vmem>>
        %dma_wait3A_428 = tpu.memref_squeeze %dma_wait3A_427 : memref<1x80xi32, #tpu.memory_space<vmem>> -> memref<80xi32, #tpu.memory_space<vmem>>
        %dma_wait3A_429 = arith.constant 0 : i32
        %dma_wait3A_430 = arith.constant 0 : i32
        %dma_wait3A_431 = tpu.memref_slice %arg19[%dma_wait3A_429, %dma_wait3A_430] : memref<10240x128xf32, #tpu.memory_space<vmem_shared>> -> memref<10240x128xf32, #tpu.memory_space<vmem_shared>>
        tpu.wait_indirect_dma semaphore(%arg14 : memref<!tpu.dma_semaphore, #tpu.memory_space<semaphore_mem>>) src(%dma_wait3A_425 : memref<80x128xf32, #tpu.memory_space<vmem>>) dst(%dma_wait3A_431 : memref<10240x128xf32, #tpu.memory_space<vmem_shared>>)
      } else {
      }
      %add3A_393 = arith.constant 2 : i32
      %add3A_394 = arith.addi %add3A_350, %add3A_393 : i32
      %mul3A_395 = arith.constant 10000 : i32
      %mul3A_396 = arith.muli %add3A, %mul3A_395 : i32
      %mul3A_397 = arith.constant 80 : i32
      %mul3A_398 = arith.muli %add3A_394, %mul3A_397 : i32
      %add3A_399 = arith.addi %mul3A_396, %mul3A_398 : i32
      %dma_start3A_400 = arith.constant 1 : i32
      %dma_start3A_401 = arith.constant 0 : i32
      %dma_start3A_402 = tpu.memref_slice %arg8[%dma_start3A_400, %dma_start3A_401] : memref<3x80xi32, #tpu.memory_space<vmem>> -> memref<1x80xi32, #tpu.memory_space<vmem>>
      %dma_start3A_403 = tpu.memref_squeeze %dma_start3A_402 : memref<1x80xi32, #tpu.memory_space<vmem>> -> memref<80xi32, #tpu.memory_space<vmem>>
      %dma_start3A_404 = tpu.memref_slice %arg4[%add3A_399] : memref<320000xi32, #tpu.memory_space<hbm>> -> memref<80xi32, #tpu.memory_space<hbm>>
      %dma_start3A_405 = arith.constant 0 : i32
      %dma_start3A_406 = tpu.memref_slice %arg8[%dma_start3A_400, %dma_start3A_405] : memref<3x80xi32, #tpu.memory_space<vmem>> -> memref<1x80xi32, #tpu.memory_space<vmem>>
      %dma_start3A_407 = tpu.memref_squeeze %dma_start3A_406 : memref<1x80xi32, #tpu.memory_space<vmem>> -> memref<80xi32, #tpu.memory_space<vmem>>
      %dma_start3A_408 = tpu.memref_slice %arg4[%add3A_399] : memref<320000xi32, #tpu.memory_space<hbm>> -> memref<80xi32, #tpu.memory_space<hbm>>
      tpu.enqueue_dma source(%dma_start3A_408 : memref<80xi32, #tpu.memory_space<hbm>>) target(%dma_start3A_407 : memref<80xi32, #tpu.memory_space<vmem>>) target_semaphore(%arg17 : memref<!tpu.dma_semaphore, #tpu.memory_space<semaphore_mem>>)
      %dma_start3A_409 = arith.constant 1 : i32
      %dma_start3A_410 = arith.constant 0 : i32
      %dma_start3A_411 = arith.constant 0 : i32
      %dma_start3A_412 = tpu.memref_slice %arg9[%dma_start3A_409, %dma_start3A_410, %dma_start3A_411] : memref<3x80x128xf32, #tpu.memory_space<vmem>> -> memref<1x80x128xf32, #tpu.memory_space<vmem>>
      %dma_start3A_413 = tpu.memref_squeeze %dma_start3A_412 : memref<1x80x128xf32, #tpu.memory_space<vmem>> -> memref<80x128xf32, #tpu.memory_space<vmem>>
      %dma_start3A_414 = arith.constant 0 : i32
      %dma_start3A_415 = tpu.memref_slice %arg7[%add3A_394, %dma_start3A_414] : memref<125x80xi32, #tpu.memory_space<vmem>> -> memref<1x80xi32, #tpu.memory_space<vmem>>
      %dma_start3A_416 = tpu.memref_squeeze %dma_start3A_415 : memref<1x80xi32, #tpu.memory_space<vmem>> -> memref<80xi32, #tpu.memory_space<vmem>>
      %dma_start3A_417 = arith.constant 0 : i32
      %dma_start3A_418 = arith.constant 0 : i32
      %dma_start3A_419 = tpu.memref_slice %arg2[%dma_start3A_417, %dma_start3A_418] : memref<10240x128xf32, #tpu.memory_space<hbm>> -> memref<10240x128xf32, #tpu.memory_space<hbm>>
      tpu.enqueue_indirect_dma source(%dma_start3A_419 : memref<10240x128xf32, #tpu.memory_space<hbm>>) target(%dma_start3A_413 : memref<80x128xf32, #tpu.memory_space<vmem>>) offsets(%dma_start3A_416 : memref<80xi32, #tpu.memory_space<vmem>>) semaphore(%arg11 : memref<!tpu.dma_semaphore, #tpu.memory_space<semaphore_mem>>)
    }
    %scan3A_85 = arith.constant 41 : i32
    %dma_wait3A_86 = arith.constant 123 : i32
    %dma_wait3A_87 = arith.constant 0 : i32
    %dma_wait3A_88 = arith.constant 0 : i32
    %dma_wait3A_89 = arith.constant 0 : i32
    %dma_wait3A_90 = tpu.memref_slice %arg9[%dma_wait3A_87, %dma_wait3A_88, %dma_wait3A_89] : memref<3x80x128xf32, #tpu.memory_space<vmem>> -> memref<1x80x128xf32, #tpu.memory_space<vmem>>
    %dma_wait3A_91 = tpu.memref_squeeze %dma_wait3A_90 : memref<1x80x128xf32, #tpu.memory_space<vmem>> -> memref<80x128xf32, #tpu.memory_space<vmem>>
    %dma_wait3A_92 = arith.constant 0 : i32
    %dma_wait3A_93 = tpu.memref_slice %arg7[%dma_wait3A_86, %dma_wait3A_92] : memref<125x80xi32, #tpu.memory_space<vmem>> -> memref<1x80xi32, #tpu.memory_space<vmem>>
    %dma_wait3A_94 = tpu.memref_squeeze %dma_wait3A_93 : memref<1x80xi32, #tpu.memory_space<vmem>> -> memref<80xi32, #tpu.memory_space<vmem>>
    %dma_wait3A_95 = arith.constant 0 : i32
    %dma_wait3A_96 = arith.constant 0 : i32
    %dma_wait3A_97 = tpu.memref_slice %arg2[%dma_wait3A_95, %dma_wait3A_96] : memref<10240x128xf32, #tpu.memory_space<hbm>> -> memref<10240x128xf32, #tpu.memory_space<hbm>>
    tpu.wait_indirect_dma semaphore(%arg10 : memref<!tpu.dma_semaphore, #tpu.memory_space<semaphore_mem>>) src(%dma_wait3A_97 : memref<10240x128xf32, #tpu.memory_space<hbm>>) dst(%dma_wait3A_91 : memref<80x128xf32, #tpu.memory_space<vmem>>)
    %mul3A_98 = arith.constant 10000 : i32
    %mul3A_99 = arith.muli %add3A, %mul3A_98 : i32
    %add3A_100 = arith.constant 9840 : i32
    %add3A_101 = arith.addi %mul3A_99, %add3A_100 : i32
    %dma_wait3A_102 = arith.constant 0 : i32
    %dma_wait3A_103 = arith.constant 0 : i32
    %dma_wait3A_104 = tpu.memref_slice %arg8[%dma_wait3A_102, %dma_wait3A_103] : memref<3x80xi32, #tpu.memory_space<vmem>> -> memref<1x80xi32, #tpu.memory_space<vmem>>
    %dma_wait3A_105 = tpu.memref_squeeze %dma_wait3A_104 : memref<1x80xi32, #tpu.memory_space<vmem>> -> memref<80xi32, #tpu.memory_space<vmem>>
    %dma_wait3A_106 = tpu.memref_slice %arg4[%add3A_101] : memref<320000xi32, #tpu.memory_space<hbm>> -> memref<80xi32, #tpu.memory_space<hbm>>
    %dma_wait3A_107 = arith.constant 0 : i32
    %dma_wait3A_108 = tpu.memref_slice %arg8[%dma_wait3A_102, %dma_wait3A_107] : memref<3x80xi32, #tpu.memory_space<vmem>> -> memref<1x80xi32, #tpu.memory_space<vmem>>
    %dma_wait3A_109 = tpu.memref_squeeze %dma_wait3A_108 : memref<1x80xi32, #tpu.memory_space<vmem>> -> memref<80xi32, #tpu.memory_space<vmem>>
    %dma_wait3A_110 = tpu.memref_slice %arg4[%add3A_101] : memref<320000xi32, #tpu.memory_space<hbm>> -> memref<80xi32, #tpu.memory_space<hbm>>
    tpu.wait_dma2 semaphore(%arg16 : memref<!tpu.dma_semaphore, #tpu.memory_space<semaphore_mem>>) src(%dma_wait3A_110 : memref<80xi32, #tpu.memory_space<hbm>>) dst(%dma_wait3A_109 : memref<80xi32, #tpu.memory_space<vmem>>)
    %dma_start3A_111 = arith.constant 0 : i32
    %dma_start3A_112 = arith.constant 0 : i32
    %dma_start3A_113 = arith.constant 0 : i32
    %dma_start3A_114 = arith.constant 0 : i32
    %dma_start3A_115 = tpu.memref_slice %arg9[%dma_start3A_111, %dma_start3A_113, %dma_start3A_114] : memref<3x80x128xf32, #tpu.memory_space<vmem>> -> memref<1x80x128xf32, #tpu.memory_space<vmem>>
    %dma_start3A_116 = tpu.memref_squeeze %dma_start3A_115 : memref<1x80x128xf32, #tpu.memory_space<vmem>> -> memref<80x128xf32, #tpu.memory_space<vmem>>
    %dma_start3A_117 = arith.constant 0 : i32
    %dma_start3A_118 = tpu.memref_slice %arg8[%dma_start3A_112, %dma_start3A_117] : memref<3x80xi32, #tpu.memory_space<vmem>> -> memref<1x80xi32, #tpu.memory_space<vmem>>
    %dma_start3A_119 = tpu.memref_squeeze %dma_start3A_118 : memref<1x80xi32, #tpu.memory_space<vmem>> -> memref<80xi32, #tpu.memory_space<vmem>>
    %dma_start3A_120 = arith.constant 0 : i32
    %dma_start3A_121 = arith.constant 0 : i32
    %dma_start3A_122 = tpu.memref_slice %arg19[%dma_start3A_120, %dma_start3A_121] : memref<10240x128xf32, #tpu.memory_space<vmem_shared>> -> memref<10240x128xf32, #tpu.memory_space<vmem_shared>>
    tpu.enqueue_indirect_dma source(%dma_start3A_116 : memref<80x128xf32, #tpu.memory_space<vmem>>) target(%dma_start3A_122 : memref<10240x128xf32, #tpu.memory_space<vmem_shared>>) offsets(%dma_start3A_119 : memref<80xi32, #tpu.memory_space<vmem>>) semaphore(%arg13 : memref<!tpu.dma_semaphore, #tpu.memory_space<semaphore_mem>>) {add = true}
    %dma_wait3A_123 = arith.constant 2 : i32
    %dma_wait3A_124 = arith.constant 2 : i32
    %dma_wait3A_125 = arith.constant 0 : i32
    %dma_wait3A_126 = arith.constant 0 : i32
    %dma_wait3A_127 = tpu.memref_slice %arg9[%dma_wait3A_123, %dma_wait3A_125, %dma_wait3A_126] : memref<3x80x128xf32, #tpu.memory_space<vmem>> -> memref<1x80x128xf32, #tpu.memory_space<vmem>>
    %dma_wait3A_128 = tpu.memref_squeeze %dma_wait3A_127 : memref<1x80x128xf32, #tpu.memory_space<vmem>> -> memref<80x128xf32, #tpu.memory_space<vmem>>
    %dma_wait3A_129 = arith.constant 0 : i32
    %dma_wait3A_130 = tpu.memref_slice %arg8[%dma_wait3A_124, %dma_wait3A_129] : memref<3x80xi32, #tpu.memory_space<vmem>> -> memref<1x80xi32, #tpu.memory_space<vmem>>
    %dma_wait3A_131 = tpu.memref_squeeze %dma_wait3A_130 : memref<1x80xi32, #tpu.memory_space<vmem>> -> memref<80xi32, #tpu.memory_space<vmem>>
    %dma_wait3A_132 = arith.constant 0 : i32
    %dma_wait3A_133 = arith.constant 0 : i32
    %dma_wait3A_134 = tpu.memref_slice %arg19[%dma_wait3A_132, %dma_wait3A_133] : memref<10240x128xf32, #tpu.memory_space<vmem_shared>> -> memref<10240x128xf32, #tpu.memory_space<vmem_shared>>
    tpu.wait_indirect_dma semaphore(%arg15 : memref<!tpu.dma_semaphore, #tpu.memory_space<semaphore_mem>>) src(%dma_wait3A_128 : memref<80x128xf32, #tpu.memory_space<vmem>>) dst(%dma_wait3A_134 : memref<10240x128xf32, #tpu.memory_space<vmem_shared>>)
    %dma_wait3A_135 = arith.constant 124 : i32
    %dma_wait3A_136 = arith.constant 1 : i32
    %dma_wait3A_137 = arith.constant 0 : i32
    %dma_wait3A_138 = arith.constant 0 : i32
    %dma_wait3A_139 = tpu.memref_slice %arg9[%dma_wait3A_136, %dma_wait3A_137, %dma_wait3A_138] : memref<3x80x128xf32, #tpu.memory_space<vmem>> -> memref<1x80x128xf32, #tpu.memory_space<vmem>>
    %dma_wait3A_140 = tpu.memref_squeeze %dma_wait3A_139 : memref<1x80x128xf32, #tpu.memory_space<vmem>> -> memref<80x128xf32, #tpu.memory_space<vmem>>
    %dma_wait3A_141 = arith.constant 0 : i32
    %dma_wait3A_142 = tpu.memref_slice %arg7[%dma_wait3A_135, %dma_wait3A_141] : memref<125x80xi32, #tpu.memory_space<vmem>> -> memref<1x80xi32, #tpu.memory_space<vmem>>
    %dma_wait3A_143 = tpu.memref_squeeze %dma_wait3A_142 : memref<1x80xi32, #tpu.memory_space<vmem>> -> memref<80xi32, #tpu.memory_space<vmem>>
    %dma_wait3A_144 = arith.constant 0 : i32
    %dma_wait3A_145 = arith.constant 0 : i32
    %dma_wait3A_146 = tpu.memref_slice %arg2[%dma_wait3A_144, %dma_wait3A_145] : memref<10240x128xf32, #tpu.memory_space<hbm>> -> memref<10240x128xf32, #tpu.memory_space<hbm>>
    tpu.wait_indirect_dma semaphore(%arg11 : memref<!tpu.dma_semaphore, #tpu.memory_space<semaphore_mem>>) src(%dma_wait3A_146 : memref<10240x128xf32, #tpu.memory_space<hbm>>) dst(%dma_wait3A_140 : memref<80x128xf32, #tpu.memory_space<vmem>>)
    %mul3A_147 = arith.constant 10000 : i32
    %mul3A_148 = arith.muli %add3A, %mul3A_147 : i32
    %add3A_149 = arith.constant 9920 : i32
    %add3A_150 = arith.addi %mul3A_148, %add3A_149 : i32
    %dma_wait3A_151 = arith.constant 1 : i32
    %dma_wait3A_152 = arith.constant 0 : i32
    %dma_wait3A_153 = tpu.memref_slice %arg8[%dma_wait3A_151, %dma_wait3A_152] : memref<3x80xi32, #tpu.memory_space<vmem>> -> memref<1x80xi32, #tpu.memory_space<vmem>>
    %dma_wait3A_154 = tpu.memref_squeeze %dma_wait3A_153 : memref<1x80xi32, #tpu.memory_space<vmem>> -> memref<80xi32, #tpu.memory_space<vmem>>
    %dma_wait3A_155 = tpu.memref_slice %arg4[%add3A_150] : memref<320000xi32, #tpu.memory_space<hbm>> -> memref<80xi32, #tpu.memory_space<hbm>>
    %dma_wait3A_156 = arith.constant 0 : i32
    %dma_wait3A_157 = tpu.memref_slice %arg8[%dma_wait3A_151, %dma_wait3A_156] : memref<3x80xi32, #tpu.memory_space<vmem>> -> memref<1x80xi32, #tpu.memory_space<vmem>>
    %dma_wait3A_158 = tpu.memref_squeeze %dma_wait3A_157 : memref<1x80xi32, #tpu.memory_space<vmem>> -> memref<80xi32, #tpu.memory_space<vmem>>
    %dma_wait3A_159 = tpu.memref_slice %arg4[%add3A_150] : memref<320000xi32, #tpu.memory_space<hbm>> -> memref<80xi32, #tpu.memory_space<hbm>>
    tpu.wait_dma2 semaphore(%arg17 : memref<!tpu.dma_semaphore, #tpu.memory_space<semaphore_mem>>) src(%dma_wait3A_159 : memref<80xi32, #tpu.memory_space<hbm>>) dst(%dma_wait3A_158 : memref<80xi32, #tpu.memory_space<vmem>>)
    %dma_start3A_160 = arith.constant 1 : i32
    %dma_start3A_161 = arith.constant 1 : i32
    %dma_start3A_162 = arith.constant 0 : i32
    %dma_start3A_163 = arith.constant 0 : i32
    %dma_start3A_164 = tpu.memref_slice %arg9[%dma_start3A_160, %dma_start3A_162, %dma_start3A_163] : memref<3x80x128xf32, #tpu.memory_space<vmem>> -> memref<1x80x128xf32, #tpu.memory_space<vmem>>
    %dma_start3A_165 = tpu.memref_squeeze %dma_start3A_164 : memref<1x80x128xf32, #tpu.memory_space<vmem>> -> memref<80x128xf32, #tpu.memory_space<vmem>>
    %dma_start3A_166 = arith.constant 0 : i32
    %dma_start3A_167 = tpu.memref_slice %arg8[%dma_start3A_161, %dma_start3A_166] : memref<3x80xi32, #tpu.memory_space<vmem>> -> memref<1x80xi32, #tpu.memory_space<vmem>>
    %dma_start3A_168 = tpu.memref_squeeze %dma_start3A_167 : memref<1x80xi32, #tpu.memory_space<vmem>> -> memref<80xi32, #tpu.memory_space<vmem>>
    %dma_start3A_169 = arith.constant 0 : i32
    %dma_start3A_170 = arith.constant 0 : i32
    %dma_start3A_171 = tpu.memref_slice %arg19[%dma_start3A_169, %dma_start3A_170] : memref<10240x128xf32, #tpu.memory_space<vmem_shared>> -> memref<10240x128xf32, #tpu.memory_space<vmem_shared>>
    tpu.enqueue_indirect_dma source(%dma_start3A_165 : memref<80x128xf32, #tpu.memory_space<vmem>>) target(%dma_start3A_171 : memref<10240x128xf32, #tpu.memory_space<vmem_shared>>) offsets(%dma_start3A_168 : memref<80xi32, #tpu.memory_space<vmem>>) semaphore(%arg14 : memref<!tpu.dma_semaphore, #tpu.memory_space<semaphore_mem>>) {add = true}
    %dma_wait3A_172 = arith.constant 0 : i32
    %dma_wait3A_173 = arith.constant 0 : i32
    %dma_wait3A_174 = arith.constant 0 : i32
    %dma_wait3A_175 = arith.constant 0 : i32
    %dma_wait3A_176 = tpu.memref_slice %arg9[%dma_wait3A_172, %dma_wait3A_174, %dma_wait3A_175] : memref<3x80x128xf32, #tpu.memory_space<vmem>> -> memref<1x80x128xf32, #tpu.memory_space<vmem>>
    %dma_wait3A_177 = tpu.memref_squeeze %dma_wait3A_176 : memref<1x80x128xf32, #tpu.memory_space<vmem>> -> memref<80x128xf32, #tpu.memory_space<vmem>>
    %dma_wait3A_178 = arith.constant 0 : i32
    %dma_wait3A_179 = tpu.memref_slice %arg8[%dma_wait3A_173, %dma_wait3A_178] : memref<3x80xi32, #tpu.memory_space<vmem>> -> memref<1x80xi32, #tpu.memory_space<vmem>>
    %dma_wait3A_180 = tpu.memref_squeeze %dma_wait3A_179 : memref<1x80xi32, #tpu.memory_space<vmem>> -> memref<80xi32, #tpu.memory_space<vmem>>
    %dma_wait3A_181 = arith.constant 0 : i32
    %dma_wait3A_182 = arith.constant 0 : i32
    %dma_wait3A_183 = tpu.memref_slice %arg19[%dma_wait3A_181, %dma_wait3A_182] : memref<10240x128xf32, #tpu.memory_space<vmem_shared>> -> memref<10240x128xf32, #tpu.memory_space<vmem_shared>>
    tpu.wait_indirect_dma semaphore(%arg13 : memref<!tpu.dma_semaphore, #tpu.memory_space<semaphore_mem>>) src(%dma_wait3A_177 : memref<80x128xf32, #tpu.memory_space<vmem>>) dst(%dma_wait3A_183 : memref<10240x128xf32, #tpu.memory_space<vmem_shared>>)
    %dma_wait3A_184 = arith.constant 1 : i32
    %dma_wait3A_185 = arith.constant 1 : i32
    %dma_wait3A_186 = arith.constant 0 : i32
    %dma_wait3A_187 = arith.constant 0 : i32
    %dma_wait3A_188 = tpu.memref_slice %arg9[%dma_wait3A_184, %dma_wait3A_186, %dma_wait3A_187] : memref<3x80x128xf32, #tpu.memory_space<vmem>> -> memref<1x80x128xf32, #tpu.memory_space<vmem>>
    %dma_wait3A_189 = tpu.memref_squeeze %dma_wait3A_188 : memref<1x80x128xf32, #tpu.memory_space<vmem>> -> memref<80x128xf32, #tpu.memory_space<vmem>>
    %dma_wait3A_190 = arith.constant 0 : i32
    %dma_wait3A_191 = tpu.memref_slice %arg8[%dma_wait3A_185, %dma_wait3A_190] : memref<3x80xi32, #tpu.memory_space<vmem>> -> memref<1x80xi32, #tpu.memory_space<vmem>>
    %dma_wait3A_192 = tpu.memref_squeeze %dma_wait3A_191 : memref<1x80xi32, #tpu.memory_space<vmem>> -> memref<80xi32, #tpu.memory_space<vmem>>
    %dma_wait3A_193 = arith.constant 0 : i32
    %dma_wait3A_194 = arith.constant 0 : i32
    %dma_wait3A_195 = tpu.memref_slice %arg19[%dma_wait3A_193, %dma_wait3A_194] : memref<10240x128xf32, #tpu.memory_space<vmem_shared>> -> memref<10240x128xf32, #tpu.memory_space<vmem_shared>>
    tpu.wait_indirect_dma semaphore(%arg14 : memref<!tpu.dma_semaphore, #tpu.memory_space<semaphore_mem>>) src(%dma_wait3A_189 : memref<80x128xf32, #tpu.memory_space<vmem>>) dst(%dma_wait3A_195 : memref<10240x128xf32, #tpu.memory_space<vmem_shared>>)
    %barrier3A_196 = arith.constant 0 : index
    tpu.barrier barrier_id(%barrier3A_196)
    %mul3A_197 = arith.constant 640 : i32
    %mul3A_198 = arith.muli %arg1, %mul3A_197 : i32
    %mul3A_199 = arith.constant 640 : i32
    %mul3A_200 = arith.muli %arg1, %mul3A_199 : i32
    "tpu.region"() ({
      %run_scoped3A = tpu.sem_alloc : memref<!tpu.dma_semaphore, #tpu.memory_space<semaphore_mem>>
      %dma_start3A_201 = arith.constant 0 : i32
      %dma_start3A_202 = tpu.memref_slice %arg6[%arg0, %mul3A_200, %dma_start3A_201] : memref<2x10240x128xf32, #tpu.memory_space<hbm>> -> memref<1x640x128xf32, #tpu.memory_space<hbm>>
      %dma_start3A_203 = tpu.memref_squeeze %dma_start3A_202 : memref<1x640x128xf32, #tpu.memory_space<hbm>> -> memref<640x128xf32, #tpu.memory_space<hbm>>
      %dma_start3A_204 = arith.constant 0 : i32
      %dma_start3A_205 = tpu.memref_slice %arg19[%mul3A_198, %dma_start3A_204] : memref<10240x128xf32, #tpu.memory_space<vmem_shared>> -> memref<640x128xf32, #tpu.memory_space<vmem_shared>>
      tpu.enqueue_dma source(%dma_start3A_205 : memref<640x128xf32, #tpu.memory_space<vmem_shared>>) target(%dma_start3A_203 : memref<640x128xf32, #tpu.memory_space<hbm>>) target_semaphore(%run_scoped3A : memref<!tpu.dma_semaphore, #tpu.memory_space<semaphore_mem>>)
      %dma_wait3A_206 = arith.constant 0 : i32
      %dma_wait3A_207 = tpu.memref_slice %arg6[%arg0, %mul3A_200, %dma_wait3A_206] : memref<2x10240x128xf32, #tpu.memory_space<hbm>> -> memref<1x640x128xf32, #tpu.memory_space<hbm>>
      %dma_wait3A_208 = tpu.memref_squeeze %dma_wait3A_207 : memref<1x640x128xf32, #tpu.memory_space<hbm>> -> memref<640x128xf32, #tpu.memory_space<hbm>>
      %dma_wait3A_209 = arith.constant 0 : i32
      %dma_wait3A_210 = tpu.memref_slice %arg19[%mul3A_198, %dma_wait3A_209] : memref<10240x128xf32, #tpu.memory_space<vmem_shared>> -> memref<640x128xf32, #tpu.memory_space<vmem_shared>>
      tpu.wait_dma2 semaphore(%run_scoped3A : memref<!tpu.dma_semaphore, #tpu.memory_space<semaphore_mem>>) src(%dma_wait3A_210 : memref<640x128xf32, #tpu.memory_space<vmem_shared>>) dst(%dma_wait3A_208 : memref<640x128xf32, #tpu.memory_space<hbm>>)
      tpu.yield
    }) : () -> ()
    return
  }
}

#map = affine_map<(d0, d1) -> (0, 0)>
#map1 = affine_map<(d0, d1) -> (0, 0, 0, 0)>
#map2 = affine_map<(d0, d1) -> (0)>
#map3 = affine_map<(d0, d1) -> (0, 0, 0)>
module attributes {stable_mosaic.version = 14 : i64} {
  func.func @_spmm_sc(%arg0: i32, %arg1: i32, %arg2: memref<10240x128xf32, #tpu.memory_space<hbm>>, %arg3: memref<2x32x125x80xi32, #tpu.memory_space<hbm>>, %arg4: memref<320000xi32, #tpu.memory_space<hbm>>, %arg5: memref<640x128xf32, #tpu.memory_space<hbm>>, %arg6: memref<2x10240x128xf32, #tpu.memory_space<hbm>>, %arg7: memref<125x80xi32, #tpu.memory_space<vmem>>, %arg8: memref<3x80xi32, #tpu.memory_space<vmem>>, %arg9: memref<3x80x128xf32, #tpu.memory_space<vmem>>, %arg10: memref<!tpu.dma_semaphore, #tpu.memory_space<semaphore_mem>>, %arg11: memref<!tpu.dma_semaphore, #tpu.memory_space<semaphore_mem>>, %arg12: memref<!tpu.dma_semaphore, #tpu.memory_space<semaphore_mem>>, %arg13: memref<!tpu.dma_semaphore, #tpu.memory_space<semaphore_mem>>, %arg14: memref<!tpu.dma_semaphore, #tpu.memory_space<semaphore_mem>>, %arg15: memref<!tpu.dma_semaphore, #tpu.memory_space<semaphore_mem>>, %arg16: memref<!tpu.dma_semaphore, #tpu.memory_space<semaphore_mem>>, %arg17: memref<!tpu.dma_semaphore, #tpu.memory_space<semaphore_mem>>, %arg18: memref<!tpu.dma_semaphore, #tpu.memory_space<semaphore_mem>>, %arg19: memref<10240x128xf32, #tpu.memory_space<vmem_shared>>) attributes {dimension_semantics = [#tpu.dimension_semantics<core_parallel>, #tpu.dimension_semantics<subcore_parallel>], iteration_bounds = array<i64: 2, 16>, scalar_prefetch = 0 : i64, scratch_operands = 13 : i64, tpu.core_type = #tpu.core_type<sc_vector_subcore>, window_params = [{transform_indices = #map}, {transform_indices = #map1}, {transform_indices = #map2}, {transform_indices = #map}, {transform_indices = #map3}]} {
    %mul3A = arith.constant 2 : i32
    %mul3A_0 = arith.muli %arg1, %mul3A : i32
    %add3A = arith.addi %mul3A_0, %arg0 : i32
    %dma_start3A = arith.constant 0 : i32
    %dma_start3A_1 = arith.constant 0 : i32
    %dma_start3A_2 = arith.constant 0 : i32
    %dma_start3A_3 = tpu.memref_slice %arg3[%dma_start3A, %add3A, %dma_start3A_1, %dma_start3A_2] : memref<2x32x125x80xi32, #tpu.memory_space<hbm>> -> memref<1x1x125x80xi32, #tpu.memory_space<hbm>>
    %dma_start3A_4 = tpu.memref_squeeze %dma_start3A_3 : memref<1x1x125x80xi32, #tpu.memory_space<hbm>> -> memref<125x80xi32, #tpu.memory_space<hbm>>
    %dma_start3A_5 = arith.constant 0 : i32
    %dma_start3A_6 = arith.constant 0 : i32
    %dma_start3A_7 = tpu.memref_slice %arg3[%dma_start3A, %add3A, %dma_start3A_5, %dma_start3A_6] : memref<2x32x125x80xi32, #tpu.memory_space<hbm>> -> memref<1x1x125x80xi32, #tpu.memory_space<hbm>>
    %dma_start3A_8 = tpu.memref_squeeze %dma_start3A_7 : memref<1x1x125x80xi32, #tpu.memory_space<hbm>> -> memref<125x80xi32, #tpu.memory_space<hbm>>
    tpu.enqueue_dma source(%dma_start3A_8 : memref<125x80xi32, #tpu.memory_space<hbm>>) target(%arg7 : memref<125x80xi32, #tpu.memory_space<vmem>>) target_semaphore(%arg10 : memref<!tpu.dma_semaphore, #tpu.memory_space<semaphore_mem>>)
    %mul3A_9 = arith.constant 640 : i32
    %mul3A_10 = arith.muli %arg1, %mul3A_9 : i32
    %mul3A_11 = arith.constant 640 : i32
    %mul3A_12 = arith.muli %arg1, %mul3A_11 : i32
    %eq3A = arith.constant 0 : i32
    %eq3A_13 = arith.cmpi eq, %arg0, %eq3A : i32
    %convert_element_type3A = arith.extui %eq3A_13 : i1 to i32
    %cond3A = arith.constant 0 : i32
    %cond3A_14 = arith.cmpi ne, %convert_element_type3A, %cond3A : i32
    scf.if %cond3A_14 {
      %dma_start3A_201 = arith.constant 0 : i32
      %dma_start3A_202 = tpu.memref_slice %arg19[%mul3A_12, %dma_start3A_201] : memref<10240x128xf32, #tpu.memory_space<vmem_shared>> -> memref<640x128xf32, #tpu.memory_space<vmem_shared>>
      %dma_start3A_203 = arith.constant 0 : i32
      %dma_start3A_204 = tpu.memref_slice %arg2[%mul3A_10, %dma_start3A_203] : memref<10240x128xf32, #tpu.memory_space<hbm>> -> memref<640x128xf32, #tpu.memory_space<hbm>>
      tpu.enqueue_dma source(%dma_start3A_204 : memref<640x128xf32, #tpu.memory_space<hbm>>) target(%dma_start3A_202 : memref<640x128xf32, #tpu.memory_space<vmem_shared>>) target_semaphore(%arg13 : memref<!tpu.dma_semaphore, #tpu.memory_space<semaphore_mem>>)
    } else {
    }
    %ne3A = arith.constant 0 : i32
    %ne3A_15 = arith.cmpi ne, %arg0, %ne3A : i32
    %convert_element_type3A_16 = arith.extui %ne3A_15 : i1 to i32
    %cond3A_17 = arith.constant 0 : i32
    %cond3A_18 = arith.cmpi ne, %convert_element_type3A_16, %cond3A_17 : i32
    scf.if %cond3A_18 {
      %dma_start3A_201 = arith.constant 0 : i32
      %dma_start3A_202 = tpu.memref_slice %arg19[%mul3A_12, %dma_start3A_201] : memref<10240x128xf32, #tpu.memory_space<vmem_shared>> -> memref<640x128xf32, #tpu.memory_space<vmem_shared>>
      %dma_start3A_203 = arith.constant 0 : i32
      %dma_start3A_204 = arith.constant 0 : i32
      %dma_start3A_205 = tpu.memref_slice %arg5[%dma_start3A_203, %dma_start3A_204] : memref<640x128xf32, #tpu.memory_space<hbm>> -> memref<640x128xf32, #tpu.memory_space<hbm>>
      tpu.enqueue_dma source(%dma_start3A_205 : memref<640x128xf32, #tpu.memory_space<hbm>>) target(%dma_start3A_202 : memref<640x128xf32, #tpu.memory_space<vmem_shared>>) target_semaphore(%arg13 : memref<!tpu.dma_semaphore, #tpu.memory_space<semaphore_mem>>)
    } else {
    }
    %dma_wait3A = arith.constant 0 : i32
    %dma_wait3A_19 = arith.constant 0 : i32
    %dma_wait3A_20 = arith.constant 0 : i32
    %dma_wait3A_21 = tpu.memref_slice %arg3[%dma_wait3A, %add3A, %dma_wait3A_19, %dma_wait3A_20] : memref<2x32x125x80xi32, #tpu.memory_space<hbm>> -> memref<1x1x125x80xi32, #tpu.memory_space<hbm>>
    %dma_wait3A_22 = tpu.memref_squeeze %dma_wait3A_21 : memref<1x1x125x80xi32, #tpu.memory_space<hbm>> -> memref<125x80xi32, #tpu.memory_space<hbm>>
    %dma_wait3A_23 = arith.constant 0 : i32
    %dma_wait3A_24 = arith.constant 0 : i32
    %dma_wait3A_25 = tpu.memref_slice %arg3[%dma_wait3A, %add3A, %dma_wait3A_23, %dma_wait3A_24] : memref<2x32x125x80xi32, #tpu.memory_space<hbm>> -> memref<1x1x125x80xi32, #tpu.memory_space<hbm>>
    %dma_wait3A_26 = tpu.memref_squeeze %dma_wait3A_25 : memref<1x1x125x80xi32, #tpu.memory_space<hbm>> -> memref<125x80xi32, #tpu.memory_space<hbm>>
    tpu.wait_dma2 semaphore(%arg10 : memref<!tpu.dma_semaphore, #tpu.memory_space<semaphore_mem>>) src(%dma_wait3A_26 : memref<125x80xi32, #tpu.memory_space<hbm>>) dst(%arg7 : memref<125x80xi32, #tpu.memory_space<vmem>>)
    %dma_wait3A_27 = arith.constant 0 : i32
    %dma_wait3A_28 = tpu.memref_slice %arg19[%mul3A_12, %dma_wait3A_27] : memref<10240x128xf32, #tpu.memory_space<vmem_shared>> -> memref<640x128xf32, #tpu.memory_space<vmem_shared>>
    %dma_wait3A_29 = arith.constant 0 : i32
    %dma_wait3A_30 = tpu.memref_slice %arg2[%mul3A_10, %dma_wait3A_29] : memref<10240x128xf32, #tpu.memory_space<hbm>> -> memref<640x128xf32, #tpu.memory_space<hbm>>
    tpu.wait_dma2 semaphore(%arg13 : memref<!tpu.dma_semaphore, #tpu.memory_space<semaphore_mem>>) src(%dma_wait3A_30 : memref<640x128xf32, #tpu.memory_space<hbm>>) dst(%dma_wait3A_28 : memref<640x128xf32, #tpu.memory_space<vmem_shared>>)
    %barrier3A = arith.constant 0 : index
    tpu.barrier barrier_id(%barrier3A)
    %mul3A_31 = arith.constant 10000 : i32
    %mul3A_32 = arith.muli %add3A, %mul3A_31 : i32
    %add3A_33 = arith.constant 0 : i32
    %add3A_34 = arith.addi %mul3A_32, %add3A_33 : i32
    %dma_start3A_35 = arith.constant 0 : i32
    %dma_start3A_36 = arith.constant 0 : i32
    %dma_start3A_37 = tpu.memref_slice %arg8[%dma_start3A_35, %dma_start3A_36] : memref<3x80xi32, #tpu.memory_space<vmem>> -> memref<1x80xi32, #tpu.memory_space<vmem>>
    %dma_start3A_38 = tpu.memref_squeeze %dma_start3A_37 : memref<1x80xi32, #tpu.memory_space<vmem>> -> memref<80xi32, #tpu.memory_space<vmem>>
    %dma_start3A_39 = tpu.memref_slice %arg4[%add3A_34] : memref<320000xi32, #tpu.memory_space<hbm>> -> memref<80xi32, #tpu.memory_space<hbm>>
    %dma_start3A_40 = arith.constant 0 : i32
    %dma_start3A_41 = tpu.memref_slice %arg8[%dma_start3A_35, %dma_start3A_40] : memref<3x80xi32, #tpu.memory_space<vmem>> -> memref<1x80xi32, #tpu.memory_space<vmem>>
    %dma_start3A_42 = tpu.memref_squeeze %dma_start3A_41 : memref<1x80xi32, #tpu.memory_space<vmem>> -> memref<80xi32, #tpu.memory_space<vmem>>
    %dma_start3A_43 = tpu.memref_slice %arg4[%add3A_34] : memref<320000xi32, #tpu.memory_space<hbm>> -> memref<80xi32, #tpu.memory_space<hbm>>
    tpu.enqueue_dma source(%dma_start3A_43 : memref<80xi32, #tpu.memory_space<hbm>>) target(%dma_start3A_42 : memref<80xi32, #tpu.memory_space<vmem>>) target_semaphore(%arg16 : memref<!tpu.dma_semaphore, #tpu.memory_space<semaphore_mem>>)
    %dma_start3A_44 = arith.constant 0 : i32
    %dma_start3A_45 = arith.constant 0 : i32
    %dma_start3A_46 = arith.constant 0 : i32
    %dma_start3A_47 = arith.constant 0 : i32
    %dma_start3A_48 = tpu.memref_slice %arg9[%dma_start3A_45, %dma_start3A_46, %dma_start3A_47] : memref<3x80x128xf32, #tpu.memory_space<vmem>> -> memref<1x80x128xf32, #tpu.memory_space<vmem>>
    %dma_start3A_49 = tpu.memref_squeeze %dma_start3A_48 : memref<1x80x128xf32, #tpu.memory_space<vmem>> -> memref<80x128xf32, #tpu.memory_space<vmem>>
    %dma_start3A_50 = arith.constant 0 : i32
    %dma_start3A_51 = tpu.memref_slice %arg7[%dma_start3A_44, %dma_start3A_50] : memref<125x80xi32, #tpu.memory_space<vmem>> -> memref<1x80xi32, #tpu.memory_space<vmem>>
    %dma_start3A_52 = tpu.memref_squeeze %dma_start3A_51 : memref<1x80xi32, #tpu.memory_space<vmem>> -> memref<80xi32, #tpu.memory_space<vmem>>
    %dma_start3A_53 = arith.constant 0 : i32
    %dma_start3A_54 = arith.constant 0 : i32
    %dma_start3A_55 = tpu.memref_slice %arg2[%dma_start3A_53, %dma_start3A_54] : memref<10240x128xf32, #tpu.memory_space<hbm>> -> memref<10240x128xf32, #tpu.memory_space<hbm>>
    tpu.enqueue_indirect_dma source(%dma_start3A_55 : memref<10240x128xf32, #tpu.memory_space<hbm>>) target(%dma_start3A_49 : memref<80x128xf32, #tpu.memory_space<vmem>>) offsets(%dma_start3A_52 : memref<80xi32, #tpu.memory_space<vmem>>) semaphore(%arg10 : memref<!tpu.dma_semaphore, #tpu.memory_space<semaphore_mem>>)
    %mul3A_56 = arith.constant 10000 : i32
    %mul3A_57 = arith.muli %add3A, %mul3A_56 : i32
    %add3A_58 = arith.constant 80 : i32
    %add3A_59 = arith.addi %mul3A_57, %add3A_58 : i32
    %dma_start3A_60 = arith.constant 1 : i32
    %dma_start3A_61 = arith.constant 0 : i32
    %dma_start3A_62 = tpu.memref_slice %arg8[%dma_start3A_60, %dma_start3A_61] : memref<3x80xi32, #tpu.memory_space<vmem>> -> memref<1x80xi32, #tpu.memory_space<vmem>>
    %dma_start3A_63 = tpu.memref_squeeze %dma_start3A_62 : memref<1x80xi32, #tpu.memory_space<vmem>> -> memref<80xi32, #tpu.memory_space<vmem>>
    %dma_start3A_64 = tpu.memref_slice %arg4[%add3A_59] : memref<320000xi32, #tpu.memory_space<hbm>> -> memref<80xi32, #tpu.memory_space<hbm>>
    %dma_start3A_65 = arith.constant 0 : i32
    %dma_start3A_66 = tpu.memref_slice %arg8[%dma_start3A_60, %dma_start3A_65] : memref<3x80xi32, #tpu.memory_space<vmem>> -> memref<1x80xi32, #tpu.memory_space<vmem>>
    %dma_start3A_67 = tpu.memref_squeeze %dma_start3A_66 : memref<1x80xi32, #tpu.memory_space<vmem>> -> memref<80xi32, #tpu.memory_space<vmem>>
    %dma_start3A_68 = tpu.memref_slice %arg4[%add3A_59] : memref<320000xi32, #tpu.memory_space<hbm>> -> memref<80xi32, #tpu.memory_space<hbm>>
    tpu.enqueue_dma source(%dma_start3A_68 : memref<80xi32, #tpu.memory_space<hbm>>) target(%dma_start3A_67 : memref<80xi32, #tpu.memory_space<vmem>>) target_semaphore(%arg17 : memref<!tpu.dma_semaphore, #tpu.memory_space<semaphore_mem>>)
    %dma_start3A_69 = arith.constant 1 : i32
    %dma_start3A_70 = arith.constant 1 : i32
    %dma_start3A_71 = arith.constant 0 : i32
    %dma_start3A_72 = arith.constant 0 : i32
    %dma_start3A_73 = tpu.memref_slice %arg9[%dma_start3A_70, %dma_start3A_71, %dma_start3A_72] : memref<3x80x128xf32, #tpu.memory_space<vmem>> -> memref<1x80x128xf32, #tpu.memory_space<vmem>>
    %dma_start3A_74 = tpu.memref_squeeze %dma_start3A_73 : memref<1x80x128xf32, #tpu.memory_space<vmem>> -> memref<80x128xf32, #tpu.memory_space<vmem>>
    %dma_start3A_75 = arith.constant 0 : i32
    %dma_start3A_76 = tpu.memref_slice %arg7[%dma_start3A_69, %dma_start3A_75] : memref<125x80xi32, #tpu.memory_space<vmem>> -> memref<1x80xi32, #tpu.memory_space<vmem>>
    %dma_start3A_77 = tpu.memref_squeeze %dma_start3A_76 : memref<1x80xi32, #tpu.memory_space<vmem>> -> memref<80xi32, #tpu.memory_space<vmem>>
    %dma_start3A_78 = arith.constant 0 : i32
    %dma_start3A_79 = arith.constant 0 : i32
    %dma_start3A_80 = tpu.memref_slice %arg2[%dma_start3A_78, %dma_start3A_79] : memref<10240x128xf32, #tpu.memory_space<hbm>> -> memref<10240x128xf32, #tpu.memory_space<hbm>>
    tpu.enqueue_indirect_dma source(%dma_start3A_80 : memref<10240x128xf32, #tpu.memory_space<hbm>>) target(%dma_start3A_74 : memref<80x128xf32, #tpu.memory_space<vmem>>) offsets(%dma_start3A_77 : memref<80xi32, #tpu.memory_space<vmem>>) semaphore(%arg11 : memref<!tpu.dma_semaphore, #tpu.memory_space<semaphore_mem>>)
    %scan3A = arith.constant 0 : i32
    %scan3A_81 = arith.constant 0 : i32
    %scan3A_82 = arith.constant 41 : i32
    %scan3A_83 = arith.addi %scan3A_81, %scan3A_82 : i32
    %scan3A_84 = arith.constant 1 : i32
    scf.for %scan3A_201 = %scan3A_81 to %scan3A_83 step %scan3A_84  : i32 {
      %mul3A_202 = arith.constant 3 : i32
      %mul3A_203 = arith.muli %scan3A_201, %mul3A_202 : i32
      %add3A_204 = arith.constant 0 : i32
      %add3A_205 = arith.addi %mul3A_203, %add3A_204 : i32
      %dma_wait3A_206 = arith.constant 0 : i32
      %dma_wait3A_207 = arith.constant 0 : i32
      %dma_wait3A_208 = arith.constant 0 : i32
      %dma_wait3A_209 = tpu.memref_slice %arg9[%dma_wait3A_206, %dma_wait3A_207, %dma_wait3A_208] : memref<3x80x128xf32, #tpu.memory_space<vmem>> -> memref<1x80x128xf32, #tpu.memory_space<vmem>>
      %dma_wait3A_210 = tpu.memref_squeeze %dma_wait3A_209 : memref<1x80x128xf32, #tpu.memory_space<vmem>> -> memref<80x128xf32, #tpu.memory_space<vmem>>
      %dma_wait3A_211 = arith.constant 0 : i32
      %dma_wait3A_212 = tpu.memref_slice %arg7[%add3A_205, %dma_wait3A_211] : memref<125x80xi32, #tpu.memory_space<vmem>> -> memref<1x80xi32, #tpu.memory_space<vmem>>
      %dma_wait3A_213 = tpu.memref_squeeze %dma_wait3A_212 : memref<1x80xi32, #tpu.memory_space<vmem>> -> memref<80xi32, #tpu.memory_space<vmem>>
      %dma_wait3A_214 = arith.constant 0 : i32
      %dma_wait3A_215 = arith.constant 0 : i32
      %dma_wait3A_216 = tpu.memref_slice %arg2[%dma_wait3A_214, %dma_wait3A_215] : memref<10240x128xf32, #tpu.memory_space<hbm>> -> memref<10240x128xf32, #tpu.memory_space<hbm>>
      tpu.wait_indirect_dma semaphore(%arg10 : memref<!tpu.dma_semaphore, #tpu.memory_space<semaphore_mem>>) src(%dma_wait3A_216 : memref<10240x128xf32, #tpu.memory_space<hbm>>) dst(%dma_wait3A_210 : memref<80x128xf32, #tpu.memory_space<vmem>>)
      %mul3A_217 = arith.constant 10000 : i32
      %mul3A_218 = arith.muli %add3A, %mul3A_217 : i32
      %mul3A_219 = arith.constant 80 : i32
      %mul3A_220 = arith.muli %add3A_205, %mul3A_219 : i32
      %add3A_221 = arith.addi %mul3A_218, %mul3A_220 : i32
      %dma_wait3A_222 = arith.constant 0 : i32
      %dma_wait3A_223 = arith.constant 0 : i32
      %dma_wait3A_224 = tpu.memref_slice %arg8[%dma_wait3A_222, %dma_wait3A_223] : memref<3x80xi32, #tpu.memory_space<vmem>> -> memref<1x80xi32, #tpu.memory_space<vmem>>
      %dma_wait3A_225 = tpu.memref_squeeze %dma_wait3A_224 : memref<1x80xi32, #tpu.memory_space<vmem>> -> memref<80xi32, #tpu.memory_space<vmem>>
      %dma_wait3A_226 = tpu.memref_slice %arg4[%add3A_221] : memref<320000xi32, #tpu.memory_space<hbm>> -> memref<80xi32, #tpu.memory_space<hbm>>
      %dma_wait3A_227 = arith.constant 0 : i32
      %dma_wait3A_228 = tpu.memref_slice %arg8[%dma_wait3A_222, %dma_wait3A_227] : memref<3x80xi32, #tpu.memory_space<vmem>> -> memref<1x80xi32, #tpu.memory_space<vmem>>
      %dma_wait3A_229 = tpu.memref_squeeze %dma_wait3A_228 : memref<1x80xi32, #tpu.memory_space<vmem>> -> memref<80xi32, #tpu.memory_space<vmem>>
      %dma_wait3A_230 = tpu.memref_slice %arg4[%add3A_221] : memref<320000xi32, #tpu.memory_space<hbm>> -> memref<80xi32, #tpu.memory_space<hbm>>
      tpu.wait_dma2 semaphore(%arg16 : memref<!tpu.dma_semaphore, #tpu.memory_space<semaphore_mem>>) src(%dma_wait3A_230 : memref<80xi32, #tpu.memory_space<hbm>>) dst(%dma_wait3A_229 : memref<80xi32, #tpu.memory_space<vmem>>)
      %dma_start3A_231 = arith.constant 0 : i32
      %dma_start3A_232 = arith.constant 0 : i32
      %dma_start3A_233 = arith.constant 0 : i32
      %dma_start3A_234 = arith.constant 0 : i32
      %dma_start3A_235 = tpu.memref_slice %arg9[%dma_start3A_231, %dma_start3A_233, %dma_start3A_234] : memref<3x80x128xf32, #tpu.memory_space<vmem>> -> memref<1x80x128xf32, #tpu.memory_space<vmem>>
      %dma_start3A_236 = tpu.memref_squeeze %dma_start3A_235 : memref<1x80x128xf32, #tpu.memory_space<vmem>> -> memref<80x128xf32, #tpu.memory_space<vmem>>
      %dma_start3A_237 = arith.constant 0 : i32
      %dma_start3A_238 = tpu.memref_slice %arg8[%dma_start3A_232, %dma_start3A_237] : memref<3x80xi32, #tpu.memory_space<vmem>> -> memref<1x80xi32, #tpu.memory_space<vmem>>
      %dma_start3A_239 = tpu.memref_squeeze %dma_start3A_238 : memref<1x80xi32, #tpu.memory_space<vmem>> -> memref<80xi32, #tpu.memory_space<vmem>>
      %dma_start3A_240 = arith.constant 0 : i32
      %dma_start3A_241 = arith.constant 0 : i32
      %dma_start3A_242 = tpu.memref_slice %arg19[%dma_start3A_240, %dma_start3A_241] : memref<10240x128xf32, #tpu.memory_space<vmem_shared>> -> memref<10240x128xf32, #tpu.memory_space<vmem_shared>>
      tpu.enqueue_indirect_dma source(%dma_start3A_236 : memref<80x128xf32, #tpu.memory_space<vmem>>) target(%dma_start3A_242 : memref<10240x128xf32, #tpu.memory_space<vmem_shared>>) offsets(%dma_start3A_239 : memref<80xi32, #tpu.memory_space<vmem>>) semaphore(%arg13 : memref<!tpu.dma_semaphore, #tpu.memory_space<semaphore_mem>>) {add = true}
      %ge3A = arith.constant 1 : i32
      %ge3A_243 = arith.cmpi sge, %add3A_205, %ge3A : i32
      %convert_element_type3A_244 = arith.extui %ge3A_243 : i1 to i32
      %cond3A_245 = arith.constant 0 : i32
      %cond3A_246 = arith.cmpi ne, %convert_element_type3A_244, %cond3A_245 : i32
      scf.if %cond3A_246 {
        %dma_wait3A_420 = arith.constant 2 : i32
        %dma_wait3A_421 = arith.constant 2 : i32
        %dma_wait3A_422 = arith.constant 0 : i32
        %dma_wait3A_423 = arith.constant 0 : i32
        %dma_wait3A_424 = tpu.memref_slice %arg9[%dma_wait3A_420, %dma_wait3A_422, %dma_wait3A_423] : memref<3x80x128xf32, #tpu.memory_space<vmem>> -> memref<1x80x128xf32, #tpu.memory_space<vmem>>
        %dma_wait3A_425 = tpu.memref_squeeze %dma_wait3A_424 : memref<1x80x128xf32, #tpu.memory_space<vmem>> -> memref<80x128xf32, #tpu.memory_space<vmem>>
        %dma_wait3A_426 = arith.constant 0 : i32
        %dma_wait3A_427 = tpu.memref_slice %arg8[%dma_wait3A_421, %dma_wait3A_426] : memref<3x80xi32, #tpu.memory_space<vmem>> -> memref<1x80xi32, #tpu.memory_space<vmem>>
        %dma_wait3A_428 = tpu.memref_squeeze %dma_wait3A_427 : memref<1x80xi32, #tpu.memory_space<vmem>> -> memref<80xi32, #tpu.memory_space<vmem>>
        %dma_wait3A_429 = arith.constant 0 : i32
        %dma_wait3A_430 = arith.constant 0 : i32
        %dma_wait3A_431 = tpu.memref_slice %arg19[%dma_wait3A_429, %dma_wait3A_430] : memref<10240x128xf32, #tpu.memory_space<vmem_shared>> -> memref<10240x128xf32, #tpu.memory_space<vmem_shared>>
        tpu.wait_indirect_dma semaphore(%arg15 : memref<!tpu.dma_semaphore, #tpu.memory_space<semaphore_mem>>) src(%dma_wait3A_425 : memref<80x128xf32, #tpu.memory_space<vmem>>) dst(%dma_wait3A_431 : memref<10240x128xf32, #tpu.memory_space<vmem_shared>>)
      } else {
      }
      %add3A_247 = arith.constant 2 : i32
      %add3A_248 = arith.addi %add3A_205, %add3A_247 : i32
      %mul3A_249 = arith.constant 10000 : i32
      %mul3A_250 = arith.muli %add3A, %mul3A_249 : i32
      %mul3A_251 = arith.constant 80 : i32
      %mul3A_252 = arith.muli %add3A_248, %mul3A_251 : i32
      %add3A_253 = arith.addi %mul3A_250, %mul3A_252 : i32
      %dma_start3A_254 = arith.constant 2 : i32
      %dma_start3A_255 = arith.constant 0 : i32
      %dma_start3A_256 = tpu.memref_slice %arg8[%dma_start3A_254, %dma_start3A_255] : memref<3x80xi32, #tpu.memory_space<vmem>> -> memref<1x80xi32, #tpu.memory_space<vmem>>
      %dma_start3A_257 = tpu.memref_squeeze %dma_start3A_256 : memref<1x80xi32, #tpu.memory_space<vmem>> -> memref<80xi32, #tpu.memory_space<vmem>>
      %dma_start3A_258 = tpu.memref_slice %arg4[%add3A_253] : memref<320000xi32, #tpu.memory_space<hbm>> -> memref<80xi32, #tpu.memory_space<hbm>>
      %dma_start3A_259 = arith.constant 0 : i32
      %dma_start3A_260 = tpu.memref_slice %arg8[%dma_start3A_254, %dma_start3A_259] : memref<3x80xi32, #tpu.memory_space<vmem>> -> memref<1x80xi32, #tpu.memory_space<vmem>>
      %dma_start3A_261 = tpu.memref_squeeze %dma_start3A_260 : memref<1x80xi32, #tpu.memory_space<vmem>> -> memref<80xi32, #tpu.memory_space<vmem>>
      %dma_start3A_262 = tpu.memref_slice %arg4[%add3A_253] : memref<320000xi32, #tpu.memory_space<hbm>> -> memref<80xi32, #tpu.memory_space<hbm>>
      tpu.enqueue_dma source(%dma_start3A_262 : memref<80xi32, #tpu.memory_space<hbm>>) target(%dma_start3A_261 : memref<80xi32, #tpu.memory_space<vmem>>) target_semaphore(%arg18 : memref<!tpu.dma_semaphore, #tpu.memory_space<semaphore_mem>>)
      %dma_start3A_263 = arith.constant 2 : i32
      %dma_start3A_264 = arith.constant 0 : i32
      %dma_start3A_265 = arith.constant 0 : i32
      %dma_start3A_266 = tpu.memref_slice %arg9[%dma_start3A_263, %dma_start3A_264, %dma_start3A_265] : memref<3x80x128xf32, #tpu.memory_space<vmem>> -> memref<1x80x128xf32, #tpu.memory_space<vmem>>
      %dma_start3A_267 = tpu.memref_squeeze %dma_start3A_266 : memref<1x80x128xf32, #tpu.memory_space<vmem>> -> memref<80x128xf32, #tpu.memory_space<vmem>>
      %dma_start3A_268 = arith.constant 0 : i32
      %dma_start3A_269 = tpu.memref_slice %arg7[%add3A_248, %dma_start3A_268] : memref<125x80xi32, #tpu.memory_space<vmem>> -> memref<1x80xi32, #tpu.memory_space<vmem>>
      %dma_start3A_270 = tpu.memref_squeeze %dma_start3A_269 : memref<1x80xi32, #tpu.memory_space<vmem>> -> memref<80xi32, #tpu.memory_space<vmem>>
      %dma_start3A_271 = arith.constant 0 : i32
      %dma_start3A_272 = arith.constant 0 : i32
      %dma_start3A_273 = tpu.memref_slice %arg2[%dma_start3A_271, %dma_start3A_272] : memref<10240x128xf32, #tpu.memory_space<hbm>> -> memref<10240x128xf32, #tpu.memory_space<hbm>>
      tpu.enqueue_indirect_dma source(%dma_start3A_273 : memref<10240x128xf32, #tpu.memory_space<hbm>>) target(%dma_start3A_267 : memref<80x128xf32, #tpu.memory_space<vmem>>) offsets(%dma_start3A_270 : memref<80xi32, #tpu.memory_space<vmem>>) semaphore(%arg12 : memref<!tpu.dma_semaphore, #tpu.memory_space<semaphore_mem>>)
      %mul3A_274 = arith.constant 3 : i32
      %mul3A_275 = arith.muli %scan3A_201, %mul3A_274 : i32
      %add3A_276 = arith.constant 1 : i32
      %add3A_277 = arith.addi %mul3A_275, %add3A_276 : i32
      %dma_wait3A_278 = arith.constant 1 : i32
      %dma_wait3A_279 = arith.constant 0 : i32
      %dma_wait3A_280 = arith.constant 0 : i32
      %dma_wait3A_281 = tpu.memref_slice %arg9[%dma_wait3A_278, %dma_wait3A_279, %dma_wait3A_280] : memref<3x80x128xf32, #tpu.memory_space<vmem>> -> memref<1x80x128xf32, #tpu.memory_space<vmem>>
      %dma_wait3A_282 = tpu.memref_squeeze %dma_wait3A_281 : memref<1x80x128xf32, #tpu.memory_space<vmem>> -> memref<80x128xf32, #tpu.memory_space<vmem>>
      %dma_wait3A_283 = arith.constant 0 : i32
      %dma_wait3A_284 = tpu.memref_slice %arg7[%add3A_277, %dma_wait3A_283] : memref<125x80xi32, #tpu.memory_space<vmem>> -> memref<1x80xi32, #tpu.memory_space<vmem>>
      %dma_wait3A_285 = tpu.memref_squeeze %dma_wait3A_284 : memref<1x80xi32, #tpu.memory_space<vmem>> -> memref<80xi32, #tpu.memory_space<vmem>>
      %dma_wait3A_286 = arith.constant 0 : i32
      %dma_wait3A_287 = arith.constant 0 : i32
      %dma_wait3A_288 = tpu.memref_slice %arg2[%dma_wait3A_286, %dma_wait3A_287] : memref<10240x128xf32, #tpu.memory_space<hbm>> -> memref<10240x128xf32, #tpu.memory_space<hbm>>
      tpu.wait_indirect_dma semaphore(%arg11 : memref<!tpu.dma_semaphore, #tpu.memory_space<semaphore_mem>>) src(%dma_wait3A_288 : memref<10240x128xf32, #tpu.memory_space<hbm>>) dst(%dma_wait3A_282 : memref<80x128xf32, #tpu.memory_space<vmem>>)
      %mul3A_289 = arith.constant 10000 : i32
      %mul3A_290 = arith.muli %add3A, %mul3A_289 : i32
      %mul3A_291 = arith.constant 80 : i32
      %mul3A_292 = arith.muli %add3A_277, %mul3A_291 : i32
      %add3A_293 = arith.addi %mul3A_290, %mul3A_292 : i32
      %dma_wait3A_294 = arith.constant 1 : i32
      %dma_wait3A_295 = arith.constant 0 : i32
      %dma_wait3A_296 = tpu.memref_slice %arg8[%dma_wait3A_294, %dma_wait3A_295] : memref<3x80xi32, #tpu.memory_space<vmem>> -> memref<1x80xi32, #tpu.memory_space<vmem>>
      %dma_wait3A_297 = tpu.memref_squeeze %dma_wait3A_296 : memref<1x80xi32, #tpu.memory_space<vmem>> -> memref<80xi32, #tpu.memory_space<vmem>>
      %dma_wait3A_298 = tpu.memref_slice %arg4[%add3A_293] : memref<320000xi32, #tpu.memory_space<hbm>> -> memref<80xi32, #tpu.memory_space<hbm>>
      %dma_wait3A_299 = arith.constant 0 : i32
      %dma_wait3A_300 = tpu.memref_slice %arg8[%dma_wait3A_294, %dma_wait3A_299] : memref<3x80xi32, #tpu.memory_space<vmem>> -> memref<1x80xi32, #tpu.memory_space<vmem>>
      %dma_wait3A_301 = tpu.memref_squeeze %dma_wait3A_300 : memref<1x80xi32, #tpu.memory_space<vmem>> -> memref<80xi32, #tpu.memory_space<vmem>>
      %dma_wait3A_302 = tpu.memref_slice %arg4[%add3A_293] : memref<320000xi32, #tpu.memory_space<hbm>> -> memref<80xi32, #tpu.memory_space<hbm>>
      tpu.wait_dma2 semaphore(%arg17 : memref<!tpu.dma_semaphore, #tpu.memory_space<semaphore_mem>>) src(%dma_wait3A_302 : memref<80xi32, #tpu.memory_space<hbm>>) dst(%dma_wait3A_301 : memref<80xi32, #tpu.memory_space<vmem>>)
      %dma_start3A_303 = arith.constant 1 : i32
      %dma_start3A_304 = arith.constant 1 : i32
      %dma_start3A_305 = arith.constant 0 : i32
      %dma_start3A_306 = arith.constant 0 : i32
      %dma_start3A_307 = tpu.memref_slice %arg9[%dma_start3A_303, %dma_start3A_305, %dma_start3A_306] : memref<3x80x128xf32, #tpu.memory_space<vmem>> -> memref<1x80x128xf32, #tpu.memory_space<vmem>>
      %dma_start3A_308 = tpu.memref_squeeze %dma_start3A_307 : memref<1x80x128xf32, #tpu.memory_space<vmem>> -> memref<80x128xf32, #tpu.memory_space<vmem>>
      %dma_start3A_309 = arith.constant 0 : i32
      %dma_start3A_310 = tpu.memref_slice %arg8[%dma_start3A_304, %dma_start3A_309] : memref<3x80xi32, #tpu.memory_space<vmem>> -> memref<1x80xi32, #tpu.memory_space<vmem>>
      %dma_start3A_311 = tpu.memref_squeeze %dma_start3A_310 : memref<1x80xi32, #tpu.memory_space<vmem>> -> memref<80xi32, #tpu.memory_space<vmem>>
      %dma_start3A_312 = arith.constant 0 : i32
      %dma_start3A_313 = arith.constant 0 : i32
      %dma_start3A_314 = tpu.memref_slice %arg19[%dma_start3A_312, %dma_start3A_313] : memref<10240x128xf32, #tpu.memory_space<vmem_shared>> -> memref<10240x128xf32, #tpu.memory_space<vmem_shared>>
      tpu.enqueue_indirect_dma source(%dma_start3A_308 : memref<80x128xf32, #tpu.memory_space<vmem>>) target(%dma_start3A_314 : memref<10240x128xf32, #tpu.memory_space<vmem_shared>>) offsets(%dma_start3A_311 : memref<80xi32, #tpu.memory_space<vmem>>) semaphore(%arg14 : memref<!tpu.dma_semaphore, #tpu.memory_space<semaphore_mem>>) {add = true}
      %ge3A_315 = arith.constant 1 : i32
      %ge3A_316 = arith.cmpi sge, %add3A_277, %ge3A_315 : i32
      %convert_element_type3A_317 = arith.extui %ge3A_316 : i1 to i32
      %cond3A_318 = arith.constant 0 : i32
      %cond3A_319 = arith.cmpi ne, %convert_element_type3A_317, %cond3A_318 : i32
      scf.if %cond3A_319 {
        %dma_wait3A_420 = arith.constant 0 : i32
        %dma_wait3A_421 = arith.constant 0 : i32
        %dma_wait3A_422 = arith.constant 0 : i32
        %dma_wait3A_423 = arith.constant 0 : i32
        %dma_wait3A_424 = tpu.memref_slice %arg9[%dma_wait3A_420, %dma_wait3A_422, %dma_wait3A_423] : memref<3x80x128xf32, #tpu.memory_space<vmem>> -> memref<1x80x128xf32, #tpu.memory_space<vmem>>
        %dma_wait3A_425 = tpu.memref_squeeze %dma_wait3A_424 : memref<1x80x128xf32, #tpu.memory_space<vmem>> -> memref<80x128xf32, #tpu.memory_space<vmem>>
        %dma_wait3A_426 = arith.constant 0 : i32
        %dma_wait3A_427 = tpu.memref_slice %arg8[%dma_wait3A_421, %dma_wait3A_426] : memref<3x80xi32, #tpu.memory_space<vmem>> -> memref<1x80xi32, #tpu.memory_space<vmem>>
        %dma_wait3A_428 = tpu.memref_squeeze %dma_wait3A_427 : memref<1x80xi32, #tpu.memory_space<vmem>> -> memref<80xi32, #tpu.memory_space<vmem>>
        %dma_wait3A_429 = arith.constant 0 : i32
        %dma_wait3A_430 = arith.constant 0 : i32
        %dma_wait3A_431 = tpu.memref_slice %arg19[%dma_wait3A_429, %dma_wait3A_430] : memref<10240x128xf32, #tpu.memory_space<vmem_shared>> -> memref<10240x128xf32, #tpu.memory_space<vmem_shared>>
        tpu.wait_indirect_dma semaphore(%arg13 : memref<!tpu.dma_semaphore, #tpu.memory_space<semaphore_mem>>) src(%dma_wait3A_425 : memref<80x128xf32, #tpu.memory_space<vmem>>) dst(%dma_wait3A_431 : memref<10240x128xf32, #tpu.memory_space<vmem_shared>>)
      } else {
      }
      %add3A_320 = arith.constant 2 : i32
      %add3A_321 = arith.addi %add3A_277, %add3A_320 : i32
      %mul3A_322 = arith.constant 10000 : i32
      %mul3A_323 = arith.muli %add3A, %mul3A_322 : i32
      %mul3A_324 = arith.constant 80 : i32
      %mul3A_325 = arith.muli %add3A_321, %mul3A_324 : i32
      %add3A_326 = arith.addi %mul3A_323, %mul3A_325 : i32
      %dma_start3A_327 = arith.constant 0 : i32
      %dma_start3A_328 = arith.constant 0 : i32
      %dma_start3A_329 = tpu.memref_slice %arg8[%dma_start3A_327, %dma_start3A_328] : memref<3x80xi32, #tpu.memory_space<vmem>> -> memref<1x80xi32, #tpu.memory_space<vmem>>
      %dma_start3A_330 = tpu.memref_squeeze %dma_start3A_329 : memref<1x80xi32, #tpu.memory_space<vmem>> -> memref<80xi32, #tpu.memory_space<vmem>>
      %dma_start3A_331 = tpu.memref_slice %arg4[%add3A_326] : memref<320000xi32, #tpu.memory_space<hbm>> -> memref<80xi32, #tpu.memory_space<hbm>>
      %dma_start3A_332 = arith.constant 0 : i32
      %dma_start3A_333 = tpu.memref_slice %arg8[%dma_start3A_327, %dma_start3A_332] : memref<3x80xi32, #tpu.memory_space<vmem>> -> memref<1x80xi32, #tpu.memory_space<vmem>>
      %dma_start3A_334 = tpu.memref_squeeze %dma_start3A_333 : memref<1x80xi32, #tpu.memory_space<vmem>> -> memref<80xi32, #tpu.memory_space<vmem>>
      %dma_start3A_335 = tpu.memref_slice %arg4[%add3A_326] : memref<320000xi32, #tpu.memory_space<hbm>> -> memref<80xi32, #tpu.memory_space<hbm>>
      tpu.enqueue_dma source(%dma_start3A_335 : memref<80xi32, #tpu.memory_space<hbm>>) target(%dma_start3A_334 : memref<80xi32, #tpu.memory_space<vmem>>) target_semaphore(%arg16 : memref<!tpu.dma_semaphore, #tpu.memory_space<semaphore_mem>>)
      %dma_start3A_336 = arith.constant 0 : i32
      %dma_start3A_337 = arith.constant 0 : i32
      %dma_start3A_338 = arith.constant 0 : i32
      %dma_start3A_339 = tpu.memref_slice %arg9[%dma_start3A_336, %dma_start3A_337, %dma_start3A_338] : memref<3x80x128xf32, #tpu.memory_space<vmem>> -> memref<1x80x128xf32, #tpu.memory_space<vmem>>
      %dma_start3A_340 = tpu.memref_squeeze %dma_start3A_339 : memref<1x80x128xf32, #tpu.memory_space<vmem>> -> memref<80x128xf32, #tpu.memory_space<vmem>>
      %dma_start3A_341 = arith.constant 0 : i32
      %dma_start3A_342 = tpu.memref_slice %arg7[%add3A_321, %dma_start3A_341] : memref<125x80xi32, #tpu.memory_space<vmem>> -> memref<1x80xi32, #tpu.memory_space<vmem>>
      %dma_start3A_343 = tpu.memref_squeeze %dma_start3A_342 : memref<1x80xi32, #tpu.memory_space<vmem>> -> memref<80xi32, #tpu.memory_space<vmem>>
      %dma_start3A_344 = arith.constant 0 : i32
      %dma_start3A_345 = arith.constant 0 : i32
      %dma_start3A_346 = tpu.memref_slice %arg2[%dma_start3A_344, %dma_start3A_345] : memref<10240x128xf32, #tpu.memory_space<hbm>> -> memref<10240x128xf32, #tpu.memory_space<hbm>>
      tpu.enqueue_indirect_dma source(%dma_start3A_346 : memref<10240x128xf32, #tpu.memory_space<hbm>>) target(%dma_start3A_340 : memref<80x128xf32, #tpu.memory_space<vmem>>) offsets(%dma_start3A_343 : memref<80xi32, #tpu.memory_space<vmem>>) semaphore(%arg10 : memref<!tpu.dma_semaphore, #tpu.memory_space<semaphore_mem>>)
      %mul3A_347 = arith.constant 3 : i32
      %mul3A_348 = arith.muli %scan3A_201, %mul3A_347 : i32
      %add3A_349 = arith.constant 2 : i32
      %add3A_350 = arith.addi %mul3A_348, %add3A_349 : i32
      %dma_wait3A_351 = arith.constant 2 : i32
      %dma_wait3A_352 = arith.constant 0 : i32
      %dma_wait3A_353 = arith.constant 0 : i32
      %dma_wait3A_354 = tpu.memref_slice %arg9[%dma_wait3A_351, %dma_wait3A_352, %dma_wait3A_353] : memref<3x80x128xf32, #tpu.memory_space<vmem>> -> memref<1x80x128xf32, #tpu.memory_space<vmem>>
      %dma_wait3A_355 = tpu.memref_squeeze %dma_wait3A_354 : memref<1x80x128xf32, #tpu.memory_space<vmem>> -> memref<80x128xf32, #tpu.memory_space<vmem>>
      %dma_wait3A_356 = arith.constant 0 : i32
      %dma_wait3A_357 = tpu.memref_slice %arg7[%add3A_350, %dma_wait3A_356] : memref<125x80xi32, #tpu.memory_space<vmem>> -> memref<1x80xi32, #tpu.memory_space<vmem>>
      %dma_wait3A_358 = tpu.memref_squeeze %dma_wait3A_357 : memref<1x80xi32, #tpu.memory_space<vmem>> -> memref<80xi32, #tpu.memory_space<vmem>>
      %dma_wait3A_359 = arith.constant 0 : i32
      %dma_wait3A_360 = arith.constant 0 : i32
      %dma_wait3A_361 = tpu.memref_slice %arg2[%dma_wait3A_359, %dma_wait3A_360] : memref<10240x128xf32, #tpu.memory_space<hbm>> -> memref<10240x128xf32, #tpu.memory_space<hbm>>
      tpu.wait_indirect_dma semaphore(%arg12 : memref<!tpu.dma_semaphore, #tpu.memory_space<semaphore_mem>>) src(%dma_wait3A_361 : memref<10240x128xf32, #tpu.memory_space<hbm>>) dst(%dma_wait3A_355 : memref<80x128xf32, #tpu.memory_space<vmem>>)
      %mul3A_362 = arith.constant 10000 : i32
      %mul3A_363 = arith.muli %add3A, %mul3A_362 : i32
      %mul3A_364 = arith.constant 80 : i32
      %mul3A_365 = arith.muli %add3A_350, %mul3A_364 : i32
      %add3A_366 = arith.addi %mul3A_363, %mul3A_365 : i32
      %dma_wait3A_367 = arith.constant 2 : i32
      %dma_wait3A_368 = arith.constant 0 : i32
      %dma_wait3A_369 = tpu.memref_slice %arg8[%dma_wait3A_367, %dma_wait3A_368] : memref<3x80xi32, #tpu.memory_space<vmem>> -> memref<1x80xi32, #tpu.memory_space<vmem>>
      %dma_wait3A_370 = tpu.memref_squeeze %dma_wait3A_369 : memref<1x80xi32, #tpu.memory_space<vmem>> -> memref<80xi32, #tpu.memory_space<vmem>>
      %dma_wait3A_371 = tpu.memref_slice %arg4[%add3A_366] : memref<320000xi32, #tpu.memory_space<hbm>> -> memref<80xi32, #tpu.memory_space<hbm>>
      %dma_wait3A_372 = arith.constant 0 : i32
      %dma_wait3A_373 = tpu.memref_slice %arg8[%dma_wait3A_367, %dma_wait3A_372] : memref<3x80xi32, #tpu.memory_space<vmem>> -> memref<1x80xi32, #tpu.memory_space<vmem>>
      %dma_wait3A_374 = tpu.memref_squeeze %dma_wait3A_373 : memref<1x80xi32, #tpu.memory_space<vmem>> -> memref<80xi32, #tpu.memory_space<vmem>>
      %dma_wait3A_375 = tpu.memref_slice %arg4[%add3A_366] : memref<320000xi32, #tpu.memory_space<hbm>> -> memref<80xi32, #tpu.memory_space<hbm>>
      tpu.wait_dma2 semaphore(%arg18 : memref<!tpu.dma_semaphore, #tpu.memory_space<semaphore_mem>>) src(%dma_wait3A_375 : memref<80xi32, #tpu.memory_space<hbm>>) dst(%dma_wait3A_374 : memref<80xi32, #tpu.memory_space<vmem>>)
      %dma_start3A_376 = arith.constant 2 : i32
      %dma_start3A_377 = arith.constant 2 : i32
      %dma_start3A_378 = arith.constant 0 : i32
      %dma_start3A_379 = arith.constant 0 : i32
      %dma_start3A_380 = tpu.memref_slice %arg9[%dma_start3A_376, %dma_start3A_378, %dma_start3A_379] : memref<3x80x128xf32, #tpu.memory_space<vmem>> -> memref<1x80x128xf32, #tpu.memory_space<vmem>>
      %dma_start3A_381 = tpu.memref_squeeze %dma_start3A_380 : memref<1x80x128xf32, #tpu.memory_space<vmem>> -> memref<80x128xf32, #tpu.memory_space<vmem>>
      %dma_start3A_382 = arith.constant 0 : i32
      %dma_start3A_383 = tpu.memref_slice %arg8[%dma_start3A_377, %dma_start3A_382] : memref<3x80xi32, #tpu.memory_space<vmem>> -> memref<1x80xi32, #tpu.memory_space<vmem>>
      %dma_start3A_384 = tpu.memref_squeeze %dma_start3A_383 : memref<1x80xi32, #tpu.memory_space<vmem>> -> memref<80xi32, #tpu.memory_space<vmem>>
      %dma_start3A_385 = arith.constant 0 : i32
      %dma_start3A_386 = arith.constant 0 : i32
      %dma_start3A_387 = tpu.memref_slice %arg19[%dma_start3A_385, %dma_start3A_386] : memref<10240x128xf32, #tpu.memory_space<vmem_shared>> -> memref<10240x128xf32, #tpu.memory_space<vmem_shared>>
      tpu.enqueue_indirect_dma source(%dma_start3A_381 : memref<80x128xf32, #tpu.memory_space<vmem>>) target(%dma_start3A_387 : memref<10240x128xf32, #tpu.memory_space<vmem_shared>>) offsets(%dma_start3A_384 : memref<80xi32, #tpu.memory_space<vmem>>) semaphore(%arg15 : memref<!tpu.dma_semaphore, #tpu.memory_space<semaphore_mem>>) {add = true}
      %ge3A_388 = arith.constant 1 : i32
      %ge3A_389 = arith.cmpi sge, %add3A_350, %ge3A_388 : i32
      %convert_element_type3A_390 = arith.extui %ge3A_389 : i1 to i32
      %cond3A_391 = arith.constant 0 : i32
      %cond3A_392 = arith.cmpi ne, %convert_element_type3A_390, %cond3A_391 : i32
      scf.if %cond3A_392 {
        %dma_wait3A_420 = arith.constant 1 : i32
        %dma_wait3A_421 = arith.constant 1 : i32
        %dma_wait3A_422 = arith.constant 0 : i32
        %dma_wait3A_423 = arith.constant 0 : i32
        %dma_wait3A_424 = tpu.memref_slice %arg9[%dma_wait3A_420, %dma_wait3A_422, %dma_wait3A_423] : memref<3x80x128xf32, #tpu.memory_space<vmem>> -> memref<1x80x128xf32, #tpu.memory_space<vmem>>
        %dma_wait3A_425 = tpu.memref_squeeze %dma_wait3A_424 : memref<1x80x128xf32, #tpu.memory_space<vmem>> -> memref<80x128xf32, #tpu.memory_space<vmem>>
        %dma_wait3A_426 = arith.constant 0 : i32
        %dma_wait3A_427 = tpu.memref_slice %arg8[%dma_wait3A_421, %dma_wait3A_426] : memref<3x80xi32, #tpu.memory_space<vmem>> -> memref<1x80xi32, #tpu.memory_space<vmem>>
        %dma_wait3A_428 = tpu.memref_squeeze %dma_wait3A_427 : memref<1x80xi32, #tpu.memory_space<vmem>> -> memref<80xi32, #tpu.memory_space<vmem>>
        %dma_wait3A_429 = arith.constant 0 : i32
        %dma_wait3A_430 = arith.constant 0 : i32
        %dma_wait3A_431 = tpu.memref_slice %arg19[%dma_wait3A_429, %dma_wait3A_430] : memref<10240x128xf32, #tpu.memory_space<vmem_shared>> -> memref<10240x128xf32, #tpu.memory_space<vmem_shared>>
        tpu.wait_indirect_dma semaphore(%arg14 : memref<!tpu.dma_semaphore, #tpu.memory_space<semaphore_mem>>) src(%dma_wait3A_425 : memref<80x128xf32, #tpu.memory_space<vmem>>) dst(%dma_wait3A_431 : memref<10240x128xf32, #tpu.memory_space<vmem_shared>>)
      } else {
      }
      %add3A_393 = arith.constant 2 : i32
      %add3A_394 = arith.addi %add3A_350, %add3A_393 : i32
      %mul3A_395 = arith.constant 10000 : i32
      %mul3A_396 = arith.muli %add3A, %mul3A_395 : i32
      %mul3A_397 = arith.constant 80 : i32
      %mul3A_398 = arith.muli %add3A_394, %mul3A_397 : i32
      %add3A_399 = arith.addi %mul3A_396, %mul3A_398 : i32
      %dma_start3A_400 = arith.constant 1 : i32
      %dma_start3A_401 = arith.constant 0 : i32
      %dma_start3A_402 = tpu.memref_slice %arg8[%dma_start3A_400, %dma_start3A_401] : memref<3x80xi32, #tpu.memory_space<vmem>> -> memref<1x80xi32, #tpu.memory_space<vmem>>
      %dma_start3A_403 = tpu.memref_squeeze %dma_start3A_402 : memref<1x80xi32, #tpu.memory_space<vmem>> -> memref<80xi32, #tpu.memory_space<vmem>>
      %dma_start3A_404 = tpu.memref_slice %arg4[%add3A_399] : memref<320000xi32, #tpu.memory_space<hbm>> -> memref<80xi32, #tpu.memory_space<hbm>>
      %dma_start3A_405 = arith.constant 0 : i32
      %dma_start3A_406 = tpu.memref_slice %arg8[%dma_start3A_400, %dma_start3A_405] : memref<3x80xi32, #tpu.memory_space<vmem>> -> memref<1x80xi32, #tpu.memory_space<vmem>>
      %dma_start3A_407 = tpu.memref_squeeze %dma_start3A_406 : memref<1x80xi32, #tpu.memory_space<vmem>> -> memref<80xi32, #tpu.memory_space<vmem>>
      %dma_start3A_408 = tpu.memref_slice %arg4[%add3A_399] : memref<320000xi32, #tpu.memory_space<hbm>> -> memref<80xi32, #tpu.memory_space<hbm>>
      tpu.enqueue_dma source(%dma_start3A_408 : memref<80xi32, #tpu.memory_space<hbm>>) target(%dma_start3A_407 : memref<80xi32, #tpu.memory_space<vmem>>) target_semaphore(%arg17 : memref<!tpu.dma_semaphore, #tpu.memory_space<semaphore_mem>>)
      %dma_start3A_409 = arith.constant 1 : i32
      %dma_start3A_410 = arith.constant 0 : i32
      %dma_start3A_411 = arith.constant 0 : i32
      %dma_start3A_412 = tpu.memref_slice %arg9[%dma_start3A_409, %dma_start3A_410, %dma_start3A_411] : memref<3x80x128xf32, #tpu.memory_space<vmem>> -> memref<1x80x128xf32, #tpu.memory_space<vmem>>
      %dma_start3A_413 = tpu.memref_squeeze %dma_start3A_412 : memref<1x80x128xf32, #tpu.memory_space<vmem>> -> memref<80x128xf32, #tpu.memory_space<vmem>>
      %dma_start3A_414 = arith.constant 0 : i32
      %dma_start3A_415 = tpu.memref_slice %arg7[%add3A_394, %dma_start3A_414] : memref<125x80xi32, #tpu.memory_space<vmem>> -> memref<1x80xi32, #tpu.memory_space<vmem>>
      %dma_start3A_416 = tpu.memref_squeeze %dma_start3A_415 : memref<1x80xi32, #tpu.memory_space<vmem>> -> memref<80xi32, #tpu.memory_space<vmem>>
      %dma_start3A_417 = arith.constant 0 : i32
      %dma_start3A_418 = arith.constant 0 : i32
      %dma_start3A_419 = tpu.memref_slice %arg2[%dma_start3A_417, %dma_start3A_418] : memref<10240x128xf32, #tpu.memory_space<hbm>> -> memref<10240x128xf32, #tpu.memory_space<hbm>>
      tpu.enqueue_indirect_dma source(%dma_start3A_419 : memref<10240x128xf32, #tpu.memory_space<hbm>>) target(%dma_start3A_413 : memref<80x128xf32, #tpu.memory_space<vmem>>) offsets(%dma_start3A_416 : memref<80xi32, #tpu.memory_space<vmem>>) semaphore(%arg11 : memref<!tpu.dma_semaphore, #tpu.memory_space<semaphore_mem>>)
    }
    %scan3A_85 = arith.constant 41 : i32
    %dma_wait3A_86 = arith.constant 123 : i32
    %dma_wait3A_87 = arith.constant 0 : i32
    %dma_wait3A_88 = arith.constant 0 : i32
    %dma_wait3A_89 = arith.constant 0 : i32
    %dma_wait3A_90 = tpu.memref_slice %arg9[%dma_wait3A_87, %dma_wait3A_88, %dma_wait3A_89] : memref<3x80x128xf32, #tpu.memory_space<vmem>> -> memref<1x80x128xf32, #tpu.memory_space<vmem>>
    %dma_wait3A_91 = tpu.memref_squeeze %dma_wait3A_90 : memref<1x80x128xf32, #tpu.memory_space<vmem>> -> memref<80x128xf32, #tpu.memory_space<vmem>>
    %dma_wait3A_92 = arith.constant 0 : i32
    %dma_wait3A_93 = tpu.memref_slice %arg7[%dma_wait3A_86, %dma_wait3A_92] : memref<125x80xi32, #tpu.memory_space<vmem>> -> memref<1x80xi32, #tpu.memory_space<vmem>>
    %dma_wait3A_94 = tpu.memref_squeeze %dma_wait3A_93 : memref<1x80xi32, #tpu.memory_space<vmem>> -> memref<80xi32, #tpu.memory_space<vmem>>
    %dma_wait3A_95 = arith.constant 0 : i32
    %dma_wait3A_96 = arith.constant 0 : i32
    %dma_wait3A_97 = tpu.memref_slice %arg2[%dma_wait3A_95, %dma_wait3A_96] : memref<10240x128xf32, #tpu.memory_space<hbm>> -> memref<10240x128xf32, #tpu.memory_space<hbm>>
    tpu.wait_indirect_dma semaphore(%arg10 : memref<!tpu.dma_semaphore, #tpu.memory_space<semaphore_mem>>) src(%dma_wait3A_97 : memref<10240x128xf32, #tpu.memory_space<hbm>>) dst(%dma_wait3A_91 : memref<80x128xf32, #tpu.memory_space<vmem>>)
    %mul3A_98 = arith.constant 10000 : i32
    %mul3A_99 = arith.muli %add3A, %mul3A_98 : i32
    %add3A_100 = arith.constant 9840 : i32
    %add3A_101 = arith.addi %mul3A_99, %add3A_100 : i32
    %dma_wait3A_102 = arith.constant 0 : i32
    %dma_wait3A_103 = arith.constant 0 : i32
    %dma_wait3A_104 = tpu.memref_slice %arg8[%dma_wait3A_102, %dma_wait3A_103] : memref<3x80xi32, #tpu.memory_space<vmem>> -> memref<1x80xi32, #tpu.memory_space<vmem>>
    %dma_wait3A_105 = tpu.memref_squeeze %dma_wait3A_104 : memref<1x80xi32, #tpu.memory_space<vmem>> -> memref<80xi32, #tpu.memory_space<vmem>>
    %dma_wait3A_106 = tpu.memref_slice %arg4[%add3A_101] : memref<320000xi32, #tpu.memory_space<hbm>> -> memref<80xi32, #tpu.memory_space<hbm>>
    %dma_wait3A_107 = arith.constant 0 : i32
    %dma_wait3A_108 = tpu.memref_slice %arg8[%dma_wait3A_102, %dma_wait3A_107] : memref<3x80xi32, #tpu.memory_space<vmem>> -> memref<1x80xi32, #tpu.memory_space<vmem>>
    %dma_wait3A_109 = tpu.memref_squeeze %dma_wait3A_108 : memref<1x80xi32, #tpu.memory_space<vmem>> -> memref<80xi32, #tpu.memory_space<vmem>>
    %dma_wait3A_110 = tpu.memref_slice %arg4[%add3A_101] : memref<320000xi32, #tpu.memory_space<hbm>> -> memref<80xi32, #tpu.memory_space<hbm>>
    tpu.wait_dma2 semaphore(%arg16 : memref<!tpu.dma_semaphore, #tpu.memory_space<semaphore_mem>>) src(%dma_wait3A_110 : memref<80xi32, #tpu.memory_space<hbm>>) dst(%dma_wait3A_109 : memref<80xi32, #tpu.memory_space<vmem>>)
    %dma_start3A_111 = arith.constant 0 : i32
    %dma_start3A_112 = arith.constant 0 : i32
    %dma_start3A_113 = arith.constant 0 : i32
    %dma_start3A_114 = arith.constant 0 : i32
    %dma_start3A_115 = tpu.memref_slice %arg9[%dma_start3A_111, %dma_start3A_113, %dma_start3A_114] : memref<3x80x128xf32, #tpu.memory_space<vmem>> -> memref<1x80x128xf32, #tpu.memory_space<vmem>>
    %dma_start3A_116 = tpu.memref_squeeze %dma_start3A_115 : memref<1x80x128xf32, #tpu.memory_space<vmem>> -> memref<80x128xf32, #tpu.memory_space<vmem>>
    %dma_start3A_117 = arith.constant 0 : i32
    %dma_start3A_118 = tpu.memref_slice %arg8[%dma_start3A_112, %dma_start3A_117] : memref<3x80xi32, #tpu.memory_space<vmem>> -> memref<1x80xi32, #tpu.memory_space<vmem>>
    %dma_start3A_119 = tpu.memref_squeeze %dma_start3A_118 : memref<1x80xi32, #tpu.memory_space<vmem>> -> memref<80xi32, #tpu.memory_space<vmem>>
    %dma_start3A_120 = arith.constant 0 : i32
    %dma_start3A_121 = arith.constant 0 : i32
    %dma_start3A_122 = tpu.memref_slice %arg19[%dma_start3A_120, %dma_start3A_121] : memref<10240x128xf32, #tpu.memory_space<vmem_shared>> -> memref<10240x128xf32, #tpu.memory_space<vmem_shared>>
    tpu.enqueue_indirect_dma source(%dma_start3A_116 : memref<80x128xf32, #tpu.memory_space<vmem>>) target(%dma_start3A_122 : memref<10240x128xf32, #tpu.memory_space<vmem_shared>>) offsets(%dma_start3A_119 : memref<80xi32, #tpu.memory_space<vmem>>) semaphore(%arg13 : memref<!tpu.dma_semaphore, #tpu.memory_space<semaphore_mem>>) {add = true}
    %dma_wait3A_123 = arith.constant 2 : i32
    %dma_wait3A_124 = arith.constant 2 : i32
    %dma_wait3A_125 = arith.constant 0 : i32
    %dma_wait3A_126 = arith.constant 0 : i32
    %dma_wait3A_127 = tpu.memref_slice %arg9[%dma_wait3A_123, %dma_wait3A_125, %dma_wait3A_126] : memref<3x80x128xf32, #tpu.memory_space<vmem>> -> memref<1x80x128xf32, #tpu.memory_space<vmem>>
    %dma_wait3A_128 = tpu.memref_squeeze %dma_wait3A_127 : memref<1x80x128xf32, #tpu.memory_space<vmem>> -> memref<80x128xf32, #tpu.memory_space<vmem>>
    %dma_wait3A_129 = arith.constant 0 : i32
    %dma_wait3A_130 = tpu.memref_slice %arg8[%dma_wait3A_124, %dma_wait3A_129] : memref<3x80xi32, #tpu.memory_space<vmem>> -> memref<1x80xi32, #tpu.memory_space<vmem>>
    %dma_wait3A_131 = tpu.memref_squeeze %dma_wait3A_130 : memref<1x80xi32, #tpu.memory_space<vmem>> -> memref<80xi32, #tpu.memory_space<vmem>>
    %dma_wait3A_132 = arith.constant 0 : i32
    %dma_wait3A_133 = arith.constant 0 : i32
    %dma_wait3A_134 = tpu.memref_slice %arg19[%dma_wait3A_132, %dma_wait3A_133] : memref<10240x128xf32, #tpu.memory_space<vmem_shared>> -> memref<10240x128xf32, #tpu.memory_space<vmem_shared>>
    tpu.wait_indirect_dma semaphore(%arg15 : memref<!tpu.dma_semaphore, #tpu.memory_space<semaphore_mem>>) src(%dma_wait3A_128 : memref<80x128xf32, #tpu.memory_space<vmem>>) dst(%dma_wait3A_134 : memref<10240x128xf32, #tpu.memory_space<vmem_shared>>)
    %dma_wait3A_135 = arith.constant 124 : i32
    %dma_wait3A_136 = arith.constant 1 : i32
    %dma_wait3A_137 = arith.constant 0 : i32
    %dma_wait3A_138 = arith.constant 0 : i32
    %dma_wait3A_139 = tpu.memref_slice %arg9[%dma_wait3A_136, %dma_wait3A_137, %dma_wait3A_138] : memref<3x80x128xf32, #tpu.memory_space<vmem>> -> memref<1x80x128xf32, #tpu.memory_space<vmem>>
    %dma_wait3A_140 = tpu.memref_squeeze %dma_wait3A_139 : memref<1x80x128xf32, #tpu.memory_space<vmem>> -> memref<80x128xf32, #tpu.memory_space<vmem>>
    %dma_wait3A_141 = arith.constant 0 : i32
    %dma_wait3A_142 = tpu.memref_slice %arg7[%dma_wait3A_135, %dma_wait3A_141] : memref<125x80xi32, #tpu.memory_space<vmem>> -> memref<1x80xi32, #tpu.memory_space<vmem>>
    %dma_wait3A_143 = tpu.memref_squeeze %dma_wait3A_142 : memref<1x80xi32, #tpu.memory_space<vmem>> -> memref<80xi32, #tpu.memory_space<vmem>>
    %dma_wait3A_144 = arith.constant 0 : i32
    %dma_wait3A_145 = arith.constant 0 : i32
    %dma_wait3A_146 = tpu.memref_slice %arg2[%dma_wait3A_144, %dma_wait3A_145] : memref<10240x128xf32, #tpu.memory_space<hbm>> -> memref<10240x128xf32, #tpu.memory_space<hbm>>
    tpu.wait_indirect_dma semaphore(%arg11 : memref<!tpu.dma_semaphore, #tpu.memory_space<semaphore_mem>>) src(%dma_wait3A_146 : memref<10240x128xf32, #tpu.memory_space<hbm>>) dst(%dma_wait3A_140 : memref<80x128xf32, #tpu.memory_space<vmem>>)
    %mul3A_147 = arith.constant 10000 : i32
    %mul3A_148 = arith.muli %add3A, %mul3A_147 : i32
    %add3A_149 = arith.constant 9920 : i32
    %add3A_150 = arith.addi %mul3A_148, %add3A_149 : i32
    %dma_wait3A_151 = arith.constant 1 : i32
    %dma_wait3A_152 = arith.constant 0 : i32
    %dma_wait3A_153 = tpu.memref_slice %arg8[%dma_wait3A_151, %dma_wait3A_152] : memref<3x80xi32, #tpu.memory_space<vmem>> -> memref<1x80xi32, #tpu.memory_space<vmem>>
    %dma_wait3A_154 = tpu.memref_squeeze %dma_wait3A_153 : memref<1x80xi32, #tpu.memory_space<vmem>> -> memref<80xi32, #tpu.memory_space<vmem>>
    %dma_wait3A_155 = tpu.memref_slice %arg4[%add3A_150] : memref<320000xi32, #tpu.memory_space<hbm>> -> memref<80xi32, #tpu.memory_space<hbm>>
    %dma_wait3A_156 = arith.constant 0 : i32
    %dma_wait3A_157 = tpu.memref_slice %arg8[%dma_wait3A_151, %dma_wait3A_156] : memref<3x80xi32, #tpu.memory_space<vmem>> -> memref<1x80xi32, #tpu.memory_space<vmem>>
    %dma_wait3A_158 = tpu.memref_squeeze %dma_wait3A_157 : memref<1x80xi32, #tpu.memory_space<vmem>> -> memref<80xi32, #tpu.memory_space<vmem>>
    %dma_wait3A_159 = tpu.memref_slice %arg4[%add3A_150] : memref<320000xi32, #tpu.memory_space<hbm>> -> memref<80xi32, #tpu.memory_space<hbm>>
    tpu.wait_dma2 semaphore(%arg17 : memref<!tpu.dma_semaphore, #tpu.memory_space<semaphore_mem>>) src(%dma_wait3A_159 : memref<80xi32, #tpu.memory_space<hbm>>) dst(%dma_wait3A_158 : memref<80xi32, #tpu.memory_space<vmem>>)
    %dma_start3A_160 = arith.constant 1 : i32
    %dma_start3A_161 = arith.constant 1 : i32
    %dma_start3A_162 = arith.constant 0 : i32
    %dma_start3A_163 = arith.constant 0 : i32
    %dma_start3A_164 = tpu.memref_slice %arg9[%dma_start3A_160, %dma_start3A_162, %dma_start3A_163] : memref<3x80x128xf32, #tpu.memory_space<vmem>> -> memref<1x80x128xf32, #tpu.memory_space<vmem>>
    %dma_start3A_165 = tpu.memref_squeeze %dma_start3A_164 : memref<1x80x128xf32, #tpu.memory_space<vmem>> -> memref<80x128xf32, #tpu.memory_space<vmem>>
    %dma_start3A_166 = arith.constant 0 : i32
    %dma_start3A_167 = tpu.memref_slice %arg8[%dma_start3A_161, %dma_start3A_166] : memref<3x80xi32, #tpu.memory_space<vmem>> -> memref<1x80xi32, #tpu.memory_space<vmem>>
    %dma_start3A_168 = tpu.memref_squeeze %dma_start3A_167 : memref<1x80xi32, #tpu.memory_space<vmem>> -> memref<80xi32, #tpu.memory_space<vmem>>
    %dma_start3A_169 = arith.constant 0 : i32
    %dma_start3A_170 = arith.constant 0 : i32
    %dma_start3A_171 = tpu.memref_slice %arg19[%dma_start3A_169, %dma_start3A_170] : memref<10240x128xf32, #tpu.memory_space<vmem_shared>> -> memref<10240x128xf32, #tpu.memory_space<vmem_shared>>
    tpu.enqueue_indirect_dma source(%dma_start3A_165 : memref<80x128xf32, #tpu.memory_space<vmem>>) target(%dma_start3A_171 : memref<10240x128xf32, #tpu.memory_space<vmem_shared>>) offsets(%dma_start3A_168 : memref<80xi32, #tpu.memory_space<vmem>>) semaphore(%arg14 : memref<!tpu.dma_semaphore, #tpu.memory_space<semaphore_mem>>) {add = true}
    %dma_wait3A_172 = arith.constant 0 : i32
    %dma_wait3A_173 = arith.constant 0 : i32
    %dma_wait3A_174 = arith.constant 0 : i32
    %dma_wait3A_175 = arith.constant 0 : i32
    %dma_wait3A_176 = tpu.memref_slice %arg9[%dma_wait3A_172, %dma_wait3A_174, %dma_wait3A_175] : memref<3x80x128xf32, #tpu.memory_space<vmem>> -> memref<1x80x128xf32, #tpu.memory_space<vmem>>
    %dma_wait3A_177 = tpu.memref_squeeze %dma_wait3A_176 : memref<1x80x128xf32, #tpu.memory_space<vmem>> -> memref<80x128xf32, #tpu.memory_space<vmem>>
    %dma_wait3A_178 = arith.constant 0 : i32
    %dma_wait3A_179 = tpu.memref_slice %arg8[%dma_wait3A_173, %dma_wait3A_178] : memref<3x80xi32, #tpu.memory_space<vmem>> -> memref<1x80xi32, #tpu.memory_space<vmem>>
    %dma_wait3A_180 = tpu.memref_squeeze %dma_wait3A_179 : memref<1x80xi32, #tpu.memory_space<vmem>> -> memref<80xi32, #tpu.memory_space<vmem>>
    %dma_wait3A_181 = arith.constant 0 : i32
    %dma_wait3A_182 = arith.constant 0 : i32
    %dma_wait3A_183 = tpu.memref_slice %arg19[%dma_wait3A_181, %dma_wait3A_182] : memref<10240x128xf32, #tpu.memory_space<vmem_shared>> -> memref<10240x128xf32, #tpu.memory_space<vmem_shared>>
    tpu.wait_indirect_dma semaphore(%arg13 : memref<!tpu.dma_semaphore, #tpu.memory_space<semaphore_mem>>) src(%dma_wait3A_177 : memref<80x128xf32, #tpu.memory_space<vmem>>) dst(%dma_wait3A_183 : memref<10240x128xf32, #tpu.memory_space<vmem_shared>>)
    %dma_wait3A_184 = arith.constant 1 : i32
    %dma_wait3A_185 = arith.constant 1 : i32
    %dma_wait3A_186 = arith.constant 0 : i32
    %dma_wait3A_187 = arith.constant 0 : i32
    %dma_wait3A_188 = tpu.memref_slice %arg9[%dma_wait3A_184, %dma_wait3A_186, %dma_wait3A_187] : memref<3x80x128xf32, #tpu.memory_space<vmem>> -> memref<1x80x128xf32, #tpu.memory_space<vmem>>
    %dma_wait3A_189 = tpu.memref_squeeze %dma_wait3A_188 : memref<1x80x128xf32, #tpu.memory_space<vmem>> -> memref<80x128xf32, #tpu.memory_space<vmem>>
    %dma_wait3A_190 = arith.constant 0 : i32
    %dma_wait3A_191 = tpu.memref_slice %arg8[%dma_wait3A_185, %dma_wait3A_190] : memref<3x80xi32, #tpu.memory_space<vmem>> -> memref<1x80xi32, #tpu.memory_space<vmem>>
    %dma_wait3A_192 = tpu.memref_squeeze %dma_wait3A_191 : memref<1x80xi32, #tpu.memory_space<vmem>> -> memref<80xi32, #tpu.memory_space<vmem>>
    %dma_wait3A_193 = arith.constant 0 : i32
    %dma_wait3A_194 = arith.constant 0 : i32
    %dma_wait3A_195 = tpu.memref_slice %arg19[%dma_wait3A_193, %dma_wait3A_194] : memref<10240x128xf32, #tpu.memory_space<vmem_shared>> -> memref<10240x128xf32, #tpu.memory_space<vmem_shared>>
    tpu.wait_indirect_dma semaphore(%arg14 : memref<!tpu.dma_semaphore, #tpu.memory_space<semaphore_mem>>) src(%dma_wait3A_189 : memref<80x128xf32, #tpu.memory_space<vmem>>) dst(%dma_wait3A_195 : memref<10240x128xf32, #tpu.memory_space<vmem_shared>>)
    %barrier3A_196 = arith.constant 0 : index
    tpu.barrier barrier_id(%barrier3A_196)
    %mul3A_197 = arith.constant 640 : i32
    %mul3A_198 = arith.muli %arg1, %mul3A_197 : i32
    %mul3A_199 = arith.constant 640 : i32
    %mul3A_200 = arith.muli %arg1, %mul3A_199 : i32
    "tpu.region"() ({
      %run_scoped3A = tpu.sem_alloc : memref<!tpu.dma_semaphore, #tpu.memory_space<semaphore_mem>>
      %dma_start3A_201 = arith.constant 0 : i32
      %dma_start3A_202 = tpu.memref_slice %arg6[%arg0, %mul3A_200, %dma_start3A_201] : memref<2x10240x128xf32, #tpu.memory_space<hbm>> -> memref<1x640x128xf32, #tpu.memory_space<hbm>>
      %dma_start3A_203 = tpu.memref_squeeze %dma_start3A_202 : memref<1x640x128xf32, #tpu.memory_space<hbm>> -> memref<640x128xf32, #tpu.memory_space<hbm>>
      %dma_start3A_204 = arith.constant 0 : i32
      %dma_start3A_205 = tpu.memref_slice %arg19[%mul3A_198, %dma_start3A_204] : memref<10240x128xf32, #tpu.memory_space<vmem_shared>> -> memref<640x128xf32, #tpu.memory_space<vmem_shared>>
      tpu.enqueue_dma source(%dma_start3A_205 : memref<640x128xf32, #tpu.memory_space<vmem_shared>>) target(%dma_start3A_203 : memref<640x128xf32, #tpu.memory_space<hbm>>) target_semaphore(%run_scoped3A : memref<!tpu.dma_semaphore, #tpu.memory_space<semaphore_mem>>)
      %dma_wait3A_206 = arith.constant 0 : i32
      %dma_wait3A_207 = tpu.memref_slice %arg6[%arg0, %mul3A_200, %dma_wait3A_206] : memref<2x10240x128xf32, #tpu.memory_space<hbm>> -> memref<1x640x128xf32, #tpu.memory_space<hbm>>
      %dma_wait3A_208 = tpu.memref_squeeze %dma_wait3A_207 : memref<1x640x128xf32, #tpu.memory_space<hbm>> -> memref<640x128xf32, #tpu.memory_space<hbm>>
      %dma_wait3A_209 = arith.constant 0 : i32
      %dma_wait3A_210 = tpu.memref_slice %arg19[%mul3A_198, %dma_wait3A_209] : memref<10240x128xf32, #tpu.memory_space<vmem_shared>> -> memref<640x128xf32, #tpu.memory_space<vmem_shared>>
      tpu.wait_dma2 semaphore(%run_scoped3A : memref<!tpu.dma_semaphore, #tpu.memory_space<semaphore_mem>>) src(%dma_wait3A_210 : memref<640x128xf32, #tpu.memory_space<vmem_shared>>) dst(%dma_wait3A_208 : memref<640x128xf32, #tpu.memory_space<hbm>>)
      tpu.yield
    }) : () -> ()
    return
  }
}

#map = affine_map<(d0, d1) -> (0, 0)>
#map1 = affine_map<(d0, d1) -> (0, 0, 0, 0)>
#map2 = affine_map<(d0, d1) -> (0)>
#map3 = affine_map<(d0, d1) -> (0, 0, 0)>
module attributes {stable_mosaic.version = 14 : i64} {
  func.func @_spmm_sc(%arg0: i32, %arg1: i32, %arg2: memref<10240x128xf32, #tpu.memory_space<hbm>>, %arg3: memref<2x32x125x80xi32, #tpu.memory_space<hbm>>, %arg4: memref<320000xi32, #tpu.memory_space<hbm>>, %arg5: memref<640x128xf32, #tpu.memory_space<hbm>>, %arg6: memref<2x10240x128xf32, #tpu.memory_space<hbm>>, %arg7: memref<125x80xi32, #tpu.memory_space<vmem>>, %arg8: memref<3x80xi32, #tpu.memory_space<vmem>>, %arg9: memref<3x80x128xf32, #tpu.memory_space<vmem>>, %arg10: memref<!tpu.dma_semaphore, #tpu.memory_space<semaphore_mem>>, %arg11: memref<!tpu.dma_semaphore, #tpu.memory_space<semaphore_mem>>, %arg12: memref<!tpu.dma_semaphore, #tpu.memory_space<semaphore_mem>>, %arg13: memref<!tpu.dma_semaphore, #tpu.memory_space<semaphore_mem>>, %arg14: memref<!tpu.dma_semaphore, #tpu.memory_space<semaphore_mem>>, %arg15: memref<!tpu.dma_semaphore, #tpu.memory_space<semaphore_mem>>, %arg16: memref<!tpu.dma_semaphore, #tpu.memory_space<semaphore_mem>>, %arg17: memref<!tpu.dma_semaphore, #tpu.memory_space<semaphore_mem>>, %arg18: memref<!tpu.dma_semaphore, #tpu.memory_space<semaphore_mem>>, %arg19: memref<10240x128xf32, #tpu.memory_space<vmem_shared>>) attributes {dimension_semantics = [#tpu.dimension_semantics<core_parallel>, #tpu.dimension_semantics<subcore_parallel>], iteration_bounds = array<i64: 2, 16>, scalar_prefetch = 0 : i64, scratch_operands = 13 : i64, tpu.core_type = #tpu.core_type<sc_vector_subcore>, window_params = [{transform_indices = #map}, {transform_indices = #map1}, {transform_indices = #map2}, {transform_indices = #map}, {transform_indices = #map3}]} {
    %mul3A = arith.constant 2 : i32
    %mul3A_0 = arith.muli %arg1, %mul3A : i32
    %add3A = arith.addi %mul3A_0, %arg0 : i32
    %dma_start3A = arith.constant 0 : i32
    %dma_start3A_1 = arith.constant 0 : i32
    %dma_start3A_2 = arith.constant 0 : i32
    %dma_start3A_3 = tpu.memref_slice %arg3[%dma_start3A, %add3A, %dma_start3A_1, %dma_start3A_2] : memref<2x32x125x80xi32, #tpu.memory_space<hbm>> -> memref<1x1x125x80xi32, #tpu.memory_space<hbm>>
    %dma_start3A_4 = tpu.memref_squeeze %dma_start3A_3 : memref<1x1x125x80xi32, #tpu.memory_space<hbm>> -> memref<125x80xi32, #tpu.memory_space<hbm>>
    %dma_start3A_5 = arith.constant 0 : i32
    %dma_start3A_6 = arith.constant 0 : i32
    %dma_start3A_7 = tpu.memref_slice %arg3[%dma_start3A, %add3A, %dma_start3A_5, %dma_start3A_6] : memref<2x32x125x80xi32, #tpu.memory_space<hbm>> -> memref<1x1x125x80xi32, #tpu.memory_space<hbm>>
    %dma_start3A_8 = tpu.memref_squeeze %dma_start3A_7 : memref<1x1x125x80xi32, #tpu.memory_space<hbm>> -> memref<125x80xi32, #tpu.memory_space<hbm>>
    tpu.enqueue_dma source(%dma_start3A_8 : memref<125x80xi32, #tpu.memory_space<hbm>>) target(%arg7 : memref<125x80xi32, #tpu.memory_space<vmem>>) target_semaphore(%arg10 : memref<!tpu.dma_semaphore, #tpu.memory_space<semaphore_mem>>)
    %mul3A_9 = arith.constant 640 : i32
    %mul3A_10 = arith.muli %arg1, %mul3A_9 : i32
    %mul3A_11 = arith.constant 640 : i32
    %mul3A_12 = arith.muli %arg1, %mul3A_11 : i32
    %eq3A = arith.constant 0 : i32
    %eq3A_13 = arith.cmpi eq, %arg0, %eq3A : i32
    %convert_element_type3A = arith.extui %eq3A_13 : i1 to i32
    %cond3A = arith.constant 0 : i32
    %cond3A_14 = arith.cmpi ne, %convert_element_type3A, %cond3A : i32
    scf.if %cond3A_14 {
      %dma_start3A_201 = arith.constant 0 : i32
      %dma_start3A_202 = tpu.memref_slice %arg19[%mul3A_12, %dma_start3A_201] : memref<10240x128xf32, #tpu.memory_space<vmem_shared>> -> memref<640x128xf32, #tpu.memory_space<vmem_shared>>
      %dma_start3A_203 = arith.constant 0 : i32
      %dma_start3A_204 = tpu.memref_slice %arg2[%mul3A_10, %dma_start3A_203] : memref<10240x128xf32, #tpu.memory_space<hbm>> -> memref<640x128xf32, #tpu.memory_space<hbm>>
      tpu.enqueue_dma source(%dma_start3A_204 : memref<640x128xf32, #tpu.memory_space<hbm>>) target(%dma_start3A_202 : memref<640x128xf32, #tpu.memory_space<vmem_shared>>) target_semaphore(%arg13 : memref<!tpu.dma_semaphore, #tpu.memory_space<semaphore_mem>>)
    } else {
    }
    %ne3A = arith.constant 0 : i32
    %ne3A_15 = arith.cmpi ne, %arg0, %ne3A : i32
    %convert_element_type3A_16 = arith.extui %ne3A_15 : i1 to i32
    %cond3A_17 = arith.constant 0 : i32
    %cond3A_18 = arith.cmpi ne, %convert_element_type3A_16, %cond3A_17 : i32
    scf.if %cond3A_18 {
      %dma_start3A_201 = arith.constant 0 : i32
      %dma_start3A_202 = tpu.memref_slice %arg19[%mul3A_12, %dma_start3A_201] : memref<10240x128xf32, #tpu.memory_space<vmem_shared>> -> memref<640x128xf32, #tpu.memory_space<vmem_shared>>
      %dma_start3A_203 = arith.constant 0 : i32
      %dma_start3A_204 = arith.constant 0 : i32
      %dma_start3A_205 = tpu.memref_slice %arg5[%dma_start3A_203, %dma_start3A_204] : memref<640x128xf32, #tpu.memory_space<hbm>> -> memref<640x128xf32, #tpu.memory_space<hbm>>
      tpu.enqueue_dma source(%dma_start3A_205 : memref<640x128xf32, #tpu.memory_space<hbm>>) target(%dma_start3A_202 : memref<640x128xf32, #tpu.memory_space<vmem_shared>>) target_semaphore(%arg13 : memref<!tpu.dma_semaphore, #tpu.memory_space<semaphore_mem>>)
    } else {
    }
    %dma_wait3A = arith.constant 0 : i32
    %dma_wait3A_19 = arith.constant 0 : i32
    %dma_wait3A_20 = arith.constant 0 : i32
    %dma_wait3A_21 = tpu.memref_slice %arg3[%dma_wait3A, %add3A, %dma_wait3A_19, %dma_wait3A_20] : memref<2x32x125x80xi32, #tpu.memory_space<hbm>> -> memref<1x1x125x80xi32, #tpu.memory_space<hbm>>
    %dma_wait3A_22 = tpu.memref_squeeze %dma_wait3A_21 : memref<1x1x125x80xi32, #tpu.memory_space<hbm>> -> memref<125x80xi32, #tpu.memory_space<hbm>>
    %dma_wait3A_23 = arith.constant 0 : i32
    %dma_wait3A_24 = arith.constant 0 : i32
    %dma_wait3A_25 = tpu.memref_slice %arg3[%dma_wait3A, %add3A, %dma_wait3A_23, %dma_wait3A_24] : memref<2x32x125x80xi32, #tpu.memory_space<hbm>> -> memref<1x1x125x80xi32, #tpu.memory_space<hbm>>
    %dma_wait3A_26 = tpu.memref_squeeze %dma_wait3A_25 : memref<1x1x125x80xi32, #tpu.memory_space<hbm>> -> memref<125x80xi32, #tpu.memory_space<hbm>>
    tpu.wait_dma2 semaphore(%arg10 : memref<!tpu.dma_semaphore, #tpu.memory_space<semaphore_mem>>) src(%dma_wait3A_26 : memref<125x80xi32, #tpu.memory_space<hbm>>) dst(%arg7 : memref<125x80xi32, #tpu.memory_space<vmem>>)
    %dma_wait3A_27 = arith.constant 0 : i32
    %dma_wait3A_28 = tpu.memref_slice %arg19[%mul3A_12, %dma_wait3A_27] : memref<10240x128xf32, #tpu.memory_space<vmem_shared>> -> memref<640x128xf32, #tpu.memory_space<vmem_shared>>
    %dma_wait3A_29 = arith.constant 0 : i32
    %dma_wait3A_30 = tpu.memref_slice %arg2[%mul3A_10, %dma_wait3A_29] : memref<10240x128xf32, #tpu.memory_space<hbm>> -> memref<640x128xf32, #tpu.memory_space<hbm>>
    tpu.wait_dma2 semaphore(%arg13 : memref<!tpu.dma_semaphore, #tpu.memory_space<semaphore_mem>>) src(%dma_wait3A_30 : memref<640x128xf32, #tpu.memory_space<hbm>>) dst(%dma_wait3A_28 : memref<640x128xf32, #tpu.memory_space<vmem_shared>>)
    %barrier3A = arith.constant 0 : index
    tpu.barrier barrier_id(%barrier3A)
    %mul3A_31 = arith.constant 10000 : i32
    %mul3A_32 = arith.muli %add3A, %mul3A_31 : i32
    %add3A_33 = arith.constant 0 : i32
    %add3A_34 = arith.addi %mul3A_32, %add3A_33 : i32
    %dma_start3A_35 = arith.constant 0 : i32
    %dma_start3A_36 = arith.constant 0 : i32
    %dma_start3A_37 = tpu.memref_slice %arg8[%dma_start3A_35, %dma_start3A_36] : memref<3x80xi32, #tpu.memory_space<vmem>> -> memref<1x80xi32, #tpu.memory_space<vmem>>
    %dma_start3A_38 = tpu.memref_squeeze %dma_start3A_37 : memref<1x80xi32, #tpu.memory_space<vmem>> -> memref<80xi32, #tpu.memory_space<vmem>>
    %dma_start3A_39 = tpu.memref_slice %arg4[%add3A_34] : memref<320000xi32, #tpu.memory_space<hbm>> -> memref<80xi32, #tpu.memory_space<hbm>>
    %dma_start3A_40 = arith.constant 0 : i32
    %dma_start3A_41 = tpu.memref_slice %arg8[%dma_start3A_35, %dma_start3A_40] : memref<3x80xi32, #tpu.memory_space<vmem>> -> memref<1x80xi32, #tpu.memory_space<vmem>>
    %dma_start3A_42 = tpu.memref_squeeze %dma_start3A_41 : memref<1x80xi32, #tpu.memory_space<vmem>> -> memref<80xi32, #tpu.memory_space<vmem>>
    %dma_start3A_43 = tpu.memref_slice %arg4[%add3A_34] : memref<320000xi32, #tpu.memory_space<hbm>> -> memref<80xi32, #tpu.memory_space<hbm>>
    tpu.enqueue_dma source(%dma_start3A_43 : memref<80xi32, #tpu.memory_space<hbm>>) target(%dma_start3A_42 : memref<80xi32, #tpu.memory_space<vmem>>) target_semaphore(%arg16 : memref<!tpu.dma_semaphore, #tpu.memory_space<semaphore_mem>>)
    %dma_start3A_44 = arith.constant 0 : i32
    %dma_start3A_45 = arith.constant 0 : i32
    %dma_start3A_46 = arith.constant 0 : i32
    %dma_start3A_47 = arith.constant 0 : i32
    %dma_start3A_48 = tpu.memref_slice %arg9[%dma_start3A_45, %dma_start3A_46, %dma_start3A_47] : memref<3x80x128xf32, #tpu.memory_space<vmem>> -> memref<1x80x128xf32, #tpu.memory_space<vmem>>
    %dma_start3A_49 = tpu.memref_squeeze %dma_start3A_48 : memref<1x80x128xf32, #tpu.memory_space<vmem>> -> memref<80x128xf32, #tpu.memory_space<vmem>>
    %dma_start3A_50 = arith.constant 0 : i32
    %dma_start3A_51 = tpu.memref_slice %arg7[%dma_start3A_44, %dma_start3A_50] : memref<125x80xi32, #tpu.memory_space<vmem>> -> memref<1x80xi32, #tpu.memory_space<vmem>>
    %dma_start3A_52 = tpu.memref_squeeze %dma_start3A_51 : memref<1x80xi32, #tpu.memory_space<vmem>> -> memref<80xi32, #tpu.memory_space<vmem>>
    %dma_start3A_53 = arith.constant 0 : i32
    %dma_start3A_54 = arith.constant 0 : i32
    %dma_start3A_55 = tpu.memref_slice %arg2[%dma_start3A_53, %dma_start3A_54] : memref<10240x128xf32, #tpu.memory_space<hbm>> -> memref<10240x128xf32, #tpu.memory_space<hbm>>
    tpu.enqueue_indirect_dma source(%dma_start3A_55 : memref<10240x128xf32, #tpu.memory_space<hbm>>) target(%dma_start3A_49 : memref<80x128xf32, #tpu.memory_space<vmem>>) offsets(%dma_start3A_52 : memref<80xi32, #tpu.memory_space<vmem>>) semaphore(%arg10 : memref<!tpu.dma_semaphore, #tpu.memory_space<semaphore_mem>>)
    %mul3A_56 = arith.constant 10000 : i32
    %mul3A_57 = arith.muli %add3A, %mul3A_56 : i32
    %add3A_58 = arith.constant 80 : i32
    %add3A_59 = arith.addi %mul3A_57, %add3A_58 : i32
    %dma_start3A_60 = arith.constant 1 : i32
    %dma_start3A_61 = arith.constant 0 : i32
    %dma_start3A_62 = tpu.memref_slice %arg8[%dma_start3A_60, %dma_start3A_61] : memref<3x80xi32, #tpu.memory_space<vmem>> -> memref<1x80xi32, #tpu.memory_space<vmem>>
    %dma_start3A_63 = tpu.memref_squeeze %dma_start3A_62 : memref<1x80xi32, #tpu.memory_space<vmem>> -> memref<80xi32, #tpu.memory_space<vmem>>
    %dma_start3A_64 = tpu.memref_slice %arg4[%add3A_59] : memref<320000xi32, #tpu.memory_space<hbm>> -> memref<80xi32, #tpu.memory_space<hbm>>
    %dma_start3A_65 = arith.constant 0 : i32
    %dma_start3A_66 = tpu.memref_slice %arg8[%dma_start3A_60, %dma_start3A_65] : memref<3x80xi32, #tpu.memory_space<vmem>> -> memref<1x80xi32, #tpu.memory_space<vmem>>
    %dma_start3A_67 = tpu.memref_squeeze %dma_start3A_66 : memref<1x80xi32, #tpu.memory_space<vmem>> -> memref<80xi32, #tpu.memory_space<vmem>>
    %dma_start3A_68 = tpu.memref_slice %arg4[%add3A_59] : memref<320000xi32, #tpu.memory_space<hbm>> -> memref<80xi32, #tpu.memory_space<hbm>>
    tpu.enqueue_dma source(%dma_start3A_68 : memref<80xi32, #tpu.memory_space<hbm>>) target(%dma_start3A_67 : memref<80xi32, #tpu.memory_space<vmem>>) target_semaphore(%arg17 : memref<!tpu.dma_semaphore, #tpu.memory_space<semaphore_mem>>)
    %dma_start3A_69 = arith.constant 1 : i32
    %dma_start3A_70 = arith.constant 1 : i32
    %dma_start3A_71 = arith.constant 0 : i32
    %dma_start3A_72 = arith.constant 0 : i32
    %dma_start3A_73 = tpu.memref_slice %arg9[%dma_start3A_70, %dma_start3A_71, %dma_start3A_72] : memref<3x80x128xf32, #tpu.memory_space<vmem>> -> memref<1x80x128xf32, #tpu.memory_space<vmem>>
    %dma_start3A_74 = tpu.memref_squeeze %dma_start3A_73 : memref<1x80x128xf32, #tpu.memory_space<vmem>> -> memref<80x128xf32, #tpu.memory_space<vmem>>
    %dma_start3A_75 = arith.constant 0 : i32
    %dma_start3A_76 = tpu.memref_slice %arg7[%dma_start3A_69, %dma_start3A_75] : memref<125x80xi32, #tpu.memory_space<vmem>> -> memref<1x80xi32, #tpu.memory_space<vmem>>
    %dma_start3A_77 = tpu.memref_squeeze %dma_start3A_76 : memref<1x80xi32, #tpu.memory_space<vmem>> -> memref<80xi32, #tpu.memory_space<vmem>>
    %dma_start3A_78 = arith.constant 0 : i32
    %dma_start3A_79 = arith.constant 0 : i32
    %dma_start3A_80 = tpu.memref_slice %arg2[%dma_start3A_78, %dma_start3A_79] : memref<10240x128xf32, #tpu.memory_space<hbm>> -> memref<10240x128xf32, #tpu.memory_space<hbm>>
    tpu.enqueue_indirect_dma source(%dma_start3A_80 : memref<10240x128xf32, #tpu.memory_space<hbm>>) target(%dma_start3A_74 : memref<80x128xf32, #tpu.memory_space<vmem>>) offsets(%dma_start3A_77 : memref<80xi32, #tpu.memory_space<vmem>>) semaphore(%arg11 : memref<!tpu.dma_semaphore, #tpu.memory_space<semaphore_mem>>)
    %scan3A = arith.constant 0 : i32
    %scan3A_81 = arith.constant 0 : i32
    %scan3A_82 = arith.constant 41 : i32
    %scan3A_83 = arith.addi %scan3A_81, %scan3A_82 : i32
    %scan3A_84 = arith.constant 1 : i32
    scf.for %scan3A_201 = %scan3A_81 to %scan3A_83 step %scan3A_84  : i32 {
      %mul3A_202 = arith.constant 3 : i32
      %mul3A_203 = arith.muli %scan3A_201, %mul3A_202 : i32
      %add3A_204 = arith.constant 0 : i32
      %add3A_205 = arith.addi %mul3A_203, %add3A_204 : i32
      %dma_wait3A_206 = arith.constant 0 : i32
      %dma_wait3A_207 = arith.constant 0 : i32
      %dma_wait3A_208 = arith.constant 0 : i32
      %dma_wait3A_209 = tpu.memref_slice %arg9[%dma_wait3A_206, %dma_wait3A_207, %dma_wait3A_208] : memref<3x80x128xf32, #tpu.memory_space<vmem>> -> memref<1x80x128xf32, #tpu.memory_space<vmem>>
      %dma_wait3A_210 = tpu.memref_squeeze %dma_wait3A_209 : memref<1x80x128xf32, #tpu.memory_space<vmem>> -> memref<80x128xf32, #tpu.memory_space<vmem>>
      %dma_wait3A_211 = arith.constant 0 : i32
      %dma_wait3A_212 = tpu.memref_slice %arg7[%add3A_205, %dma_wait3A_211] : memref<125x80xi32, #tpu.memory_space<vmem>> -> memref<1x80xi32, #tpu.memory_space<vmem>>
      %dma_wait3A_213 = tpu.memref_squeeze %dma_wait3A_212 : memref<1x80xi32, #tpu.memory_space<vmem>> -> memref<80xi32, #tpu.memory_space<vmem>>
      %dma_wait3A_214 = arith.constant 0 : i32
      %dma_wait3A_215 = arith.constant 0 : i32
      %dma_wait3A_216 = tpu.memref_slice %arg2[%dma_wait3A_214, %dma_wait3A_215] : memref<10240x128xf32, #tpu.memory_space<hbm>> -> memref<10240x128xf32, #tpu.memory_space<hbm>>
      tpu.wait_indirect_dma semaphore(%arg10 : memref<!tpu.dma_semaphore, #tpu.memory_space<semaphore_mem>>) src(%dma_wait3A_216 : memref<10240x128xf32, #tpu.memory_space<hbm>>) dst(%dma_wait3A_210 : memref<80x128xf32, #tpu.memory_space<vmem>>)
      %mul3A_217 = arith.constant 10000 : i32
      %mul3A_218 = arith.muli %add3A, %mul3A_217 : i32
      %mul3A_219 = arith.constant 80 : i32
      %mul3A_220 = arith.muli %add3A_205, %mul3A_219 : i32
      %add3A_221 = arith.addi %mul3A_218, %mul3A_220 : i32
      %dma_wait3A_222 = arith.constant 0 : i32
      %dma_wait3A_223 = arith.constant 0 : i32
      %dma_wait3A_224 = tpu.memref_slice %arg8[%dma_wait3A_222, %dma_wait3A_223] : memref<3x80xi32, #tpu.memory_space<vmem>> -> memref<1x80xi32, #tpu.memory_space<vmem>>
      %dma_wait3A_225 = tpu.memref_squeeze %dma_wait3A_224 : memref<1x80xi32, #tpu.memory_space<vmem>> -> memref<80xi32, #tpu.memory_space<vmem>>
      %dma_wait3A_226 = tpu.memref_slice %arg4[%add3A_221] : memref<320000xi32, #tpu.memory_space<hbm>> -> memref<80xi32, #tpu.memory_space<hbm>>
      %dma_wait3A_227 = arith.constant 0 : i32
      %dma_wait3A_228 = tpu.memref_slice %arg8[%dma_wait3A_222, %dma_wait3A_227] : memref<3x80xi32, #tpu.memory_space<vmem>> -> memref<1x80xi32, #tpu.memory_space<vmem>>
      %dma_wait3A_229 = tpu.memref_squeeze %dma_wait3A_228 : memref<1x80xi32, #tpu.memory_space<vmem>> -> memref<80xi32, #tpu.memory_space<vmem>>
      %dma_wait3A_230 = tpu.memref_slice %arg4[%add3A_221] : memref<320000xi32, #tpu.memory_space<hbm>> -> memref<80xi32, #tpu.memory_space<hbm>>
      tpu.wait_dma2 semaphore(%arg16 : memref<!tpu.dma_semaphore, #tpu.memory_space<semaphore_mem>>) src(%dma_wait3A_230 : memref<80xi32, #tpu.memory_space<hbm>>) dst(%dma_wait3A_229 : memref<80xi32, #tpu.memory_space<vmem>>)
      %dma_start3A_231 = arith.constant 0 : i32
      %dma_start3A_232 = arith.constant 0 : i32
      %dma_start3A_233 = arith.constant 0 : i32
      %dma_start3A_234 = arith.constant 0 : i32
      %dma_start3A_235 = tpu.memref_slice %arg9[%dma_start3A_231, %dma_start3A_233, %dma_start3A_234] : memref<3x80x128xf32, #tpu.memory_space<vmem>> -> memref<1x80x128xf32, #tpu.memory_space<vmem>>
      %dma_start3A_236 = tpu.memref_squeeze %dma_start3A_235 : memref<1x80x128xf32, #tpu.memory_space<vmem>> -> memref<80x128xf32, #tpu.memory_space<vmem>>
      %dma_start3A_237 = arith.constant 0 : i32
      %dma_start3A_238 = tpu.memref_slice %arg8[%dma_start3A_232, %dma_start3A_237] : memref<3x80xi32, #tpu.memory_space<vmem>> -> memref<1x80xi32, #tpu.memory_space<vmem>>
      %dma_start3A_239 = tpu.memref_squeeze %dma_start3A_238 : memref<1x80xi32, #tpu.memory_space<vmem>> -> memref<80xi32, #tpu.memory_space<vmem>>
      %dma_start3A_240 = arith.constant 0 : i32
      %dma_start3A_241 = arith.constant 0 : i32
      %dma_start3A_242 = tpu.memref_slice %arg19[%dma_start3A_240, %dma_start3A_241] : memref<10240x128xf32, #tpu.memory_space<vmem_shared>> -> memref<10240x128xf32, #tpu.memory_space<vmem_shared>>
      tpu.enqueue_indirect_dma source(%dma_start3A_236 : memref<80x128xf32, #tpu.memory_space<vmem>>) target(%dma_start3A_242 : memref<10240x128xf32, #tpu.memory_space<vmem_shared>>) offsets(%dma_start3A_239 : memref<80xi32, #tpu.memory_space<vmem>>) semaphore(%arg13 : memref<!tpu.dma_semaphore, #tpu.memory_space<semaphore_mem>>) {add = true}
      %ge3A = arith.constant 1 : i32
      %ge3A_243 = arith.cmpi sge, %add3A_205, %ge3A : i32
      %convert_element_type3A_244 = arith.extui %ge3A_243 : i1 to i32
      %cond3A_245 = arith.constant 0 : i32
      %cond3A_246 = arith.cmpi ne, %convert_element_type3A_244, %cond3A_245 : i32
      scf.if %cond3A_246 {
        %dma_wait3A_420 = arith.constant 2 : i32
        %dma_wait3A_421 = arith.constant 2 : i32
        %dma_wait3A_422 = arith.constant 0 : i32
        %dma_wait3A_423 = arith.constant 0 : i32
        %dma_wait3A_424 = tpu.memref_slice %arg9[%dma_wait3A_420, %dma_wait3A_422, %dma_wait3A_423] : memref<3x80x128xf32, #tpu.memory_space<vmem>> -> memref<1x80x128xf32, #tpu.memory_space<vmem>>
        %dma_wait3A_425 = tpu.memref_squeeze %dma_wait3A_424 : memref<1x80x128xf32, #tpu.memory_space<vmem>> -> memref<80x128xf32, #tpu.memory_space<vmem>>
        %dma_wait3A_426 = arith.constant 0 : i32
        %dma_wait3A_427 = tpu.memref_slice %arg8[%dma_wait3A_421, %dma_wait3A_426] : memref<3x80xi32, #tpu.memory_space<vmem>> -> memref<1x80xi32, #tpu.memory_space<vmem>>
        %dma_wait3A_428 = tpu.memref_squeeze %dma_wait3A_427 : memref<1x80xi32, #tpu.memory_space<vmem>> -> memref<80xi32, #tpu.memory_space<vmem>>
        %dma_wait3A_429 = arith.constant 0 : i32
        %dma_wait3A_430 = arith.constant 0 : i32
        %dma_wait3A_431 = tpu.memref_slice %arg19[%dma_wait3A_429, %dma_wait3A_430] : memref<10240x128xf32, #tpu.memory_space<vmem_shared>> -> memref<10240x128xf32, #tpu.memory_space<vmem_shared>>
        tpu.wait_indirect_dma semaphore(%arg15 : memref<!tpu.dma_semaphore, #tpu.memory_space<semaphore_mem>>) src(%dma_wait3A_425 : memref<80x128xf32, #tpu.memory_space<vmem>>) dst(%dma_wait3A_431 : memref<10240x128xf32, #tpu.memory_space<vmem_shared>>)
      } else {
      }
      %add3A_247 = arith.constant 2 : i32
      %add3A_248 = arith.addi %add3A_205, %add3A_247 : i32
      %mul3A_249 = arith.constant 10000 : i32
      %mul3A_250 = arith.muli %add3A, %mul3A_249 : i32
      %mul3A_251 = arith.constant 80 : i32
      %mul3A_252 = arith.muli %add3A_248, %mul3A_251 : i32
      %add3A_253 = arith.addi %mul3A_250, %mul3A_252 : i32
      %dma_start3A_254 = arith.constant 2 : i32
      %dma_start3A_255 = arith.constant 0 : i32
      %dma_start3A_256 = tpu.memref_slice %arg8[%dma_start3A_254, %dma_start3A_255] : memref<3x80xi32, #tpu.memory_space<vmem>> -> memref<1x80xi32, #tpu.memory_space<vmem>>
      %dma_start3A_257 = tpu.memref_squeeze %dma_start3A_256 : memref<1x80xi32, #tpu.memory_space<vmem>> -> memref<80xi32, #tpu.memory_space<vmem>>
      %dma_start3A_258 = tpu.memref_slice %arg4[%add3A_253] : memref<320000xi32, #tpu.memory_space<hbm>> -> memref<80xi32, #tpu.memory_space<hbm>>
      %dma_start3A_259 = arith.constant 0 : i32
      %dma_start3A_260 = tpu.memref_slice %arg8[%dma_start3A_254, %dma_start3A_259] : memref<3x80xi32, #tpu.memory_space<vmem>> -> memref<1x80xi32, #tpu.memory_space<vmem>>
      %dma_start3A_261 = tpu.memref_squeeze %dma_start3A_260 : memref<1x80xi32, #tpu.memory_space<vmem>> -> memref<80xi32, #tpu.memory_space<vmem>>
      %dma_start3A_262 = tpu.memref_slice %arg4[%add3A_253] : memref<320000xi32, #tpu.memory_space<hbm>> -> memref<80xi32, #tpu.memory_space<hbm>>
      tpu.enqueue_dma source(%dma_start3A_262 : memref<80xi32, #tpu.memory_space<hbm>>) target(%dma_start3A_261 : memref<80xi32, #tpu.memory_space<vmem>>) target_semaphore(%arg18 : memref<!tpu.dma_semaphore, #tpu.memory_space<semaphore_mem>>)
      %dma_start3A_263 = arith.constant 2 : i32
      %dma_start3A_264 = arith.constant 0 : i32
      %dma_start3A_265 = arith.constant 0 : i32
      %dma_start3A_266 = tpu.memref_slice %arg9[%dma_start3A_263, %dma_start3A_264, %dma_start3A_265] : memref<3x80x128xf32, #tpu.memory_space<vmem>> -> memref<1x80x128xf32, #tpu.memory_space<vmem>>
      %dma_start3A_267 = tpu.memref_squeeze %dma_start3A_266 : memref<1x80x128xf32, #tpu.memory_space<vmem>> -> memref<80x128xf32, #tpu.memory_space<vmem>>
      %dma_start3A_268 = arith.constant 0 : i32
      %dma_start3A_269 = tpu.memref_slice %arg7[%add3A_248, %dma_start3A_268] : memref<125x80xi32, #tpu.memory_space<vmem>> -> memref<1x80xi32, #tpu.memory_space<vmem>>
      %dma_start3A_270 = tpu.memref_squeeze %dma_start3A_269 : memref<1x80xi32, #tpu.memory_space<vmem>> -> memref<80xi32, #tpu.memory_space<vmem>>
      %dma_start3A_271 = arith.constant 0 : i32
      %dma_start3A_272 = arith.constant 0 : i32
      %dma_start3A_273 = tpu.memref_slice %arg2[%dma_start3A_271, %dma_start3A_272] : memref<10240x128xf32, #tpu.memory_space<hbm>> -> memref<10240x128xf32, #tpu.memory_space<hbm>>
      tpu.enqueue_indirect_dma source(%dma_start3A_273 : memref<10240x128xf32, #tpu.memory_space<hbm>>) target(%dma_start3A_267 : memref<80x128xf32, #tpu.memory_space<vmem>>) offsets(%dma_start3A_270 : memref<80xi32, #tpu.memory_space<vmem>>) semaphore(%arg12 : memref<!tpu.dma_semaphore, #tpu.memory_space<semaphore_mem>>)
      %mul3A_274 = arith.constant 3 : i32
      %mul3A_275 = arith.muli %scan3A_201, %mul3A_274 : i32
      %add3A_276 = arith.constant 1 : i32
      %add3A_277 = arith.addi %mul3A_275, %add3A_276 : i32
      %dma_wait3A_278 = arith.constant 1 : i32
      %dma_wait3A_279 = arith.constant 0 : i32
      %dma_wait3A_280 = arith.constant 0 : i32
      %dma_wait3A_281 = tpu.memref_slice %arg9[%dma_wait3A_278, %dma_wait3A_279, %dma_wait3A_280] : memref<3x80x128xf32, #tpu.memory_space<vmem>> -> memref<1x80x128xf32, #tpu.memory_space<vmem>>
      %dma_wait3A_282 = tpu.memref_squeeze %dma_wait3A_281 : memref<1x80x128xf32, #tpu.memory_space<vmem>> -> memref<80x128xf32, #tpu.memory_space<vmem>>
      %dma_wait3A_283 = arith.constant 0 : i32
      %dma_wait3A_284 = tpu.memref_slice %arg7[%add3A_277, %dma_wait3A_283] : memref<125x80xi32, #tpu.memory_space<vmem>> -> memref<1x80xi32, #tpu.memory_space<vmem>>
      %dma_wait3A_285 = tpu.memref_squeeze %dma_wait3A_284 : memref<1x80xi32, #tpu.memory_space<vmem>> -> memref<80xi32, #tpu.memory_space<vmem>>
      %dma_wait3A_286 = arith.constant 0 : i32
      %dma_wait3A_287 = arith.constant 0 : i32
      %dma_wait3A_288 = tpu.memref_slice %arg2[%dma_wait3A_286, %dma_wait3A_287] : memref<10240x128xf32, #tpu.memory_space<hbm>> -> memref<10240x128xf32, #tpu.memory_space<hbm>>
      tpu.wait_indirect_dma semaphore(%arg11 : memref<!tpu.dma_semaphore, #tpu.memory_space<semaphore_mem>>) src(%dma_wait3A_288 : memref<10240x128xf32, #tpu.memory_space<hbm>>) dst(%dma_wait3A_282 : memref<80x128xf32, #tpu.memory_space<vmem>>)
      %mul3A_289 = arith.constant 10000 : i32
      %mul3A_290 = arith.muli %add3A, %mul3A_289 : i32
      %mul3A_291 = arith.constant 80 : i32
      %mul3A_292 = arith.muli %add3A_277, %mul3A_291 : i32
      %add3A_293 = arith.addi %mul3A_290, %mul3A_292 : i32
      %dma_wait3A_294 = arith.constant 1 : i32
      %dma_wait3A_295 = arith.constant 0 : i32
      %dma_wait3A_296 = tpu.memref_slice %arg8[%dma_wait3A_294, %dma_wait3A_295] : memref<3x80xi32, #tpu.memory_space<vmem>> -> memref<1x80xi32, #tpu.memory_space<vmem>>
      %dma_wait3A_297 = tpu.memref_squeeze %dma_wait3A_296 : memref<1x80xi32, #tpu.memory_space<vmem>> -> memref<80xi32, #tpu.memory_space<vmem>>
      %dma_wait3A_298 = tpu.memref_slice %arg4[%add3A_293] : memref<320000xi32, #tpu.memory_space<hbm>> -> memref<80xi32, #tpu.memory_space<hbm>>
      %dma_wait3A_299 = arith.constant 0 : i32
      %dma_wait3A_300 = tpu.memref_slice %arg8[%dma_wait3A_294, %dma_wait3A_299] : memref<3x80xi32, #tpu.memory_space<vmem>> -> memref<1x80xi32, #tpu.memory_space<vmem>>
      %dma_wait3A_301 = tpu.memref_squeeze %dma_wait3A_300 : memref<1x80xi32, #tpu.memory_space<vmem>> -> memref<80xi32, #tpu.memory_space<vmem>>
      %dma_wait3A_302 = tpu.memref_slice %arg4[%add3A_293] : memref<320000xi32, #tpu.memory_space<hbm>> -> memref<80xi32, #tpu.memory_space<hbm>>
      tpu.wait_dma2 semaphore(%arg17 : memref<!tpu.dma_semaphore, #tpu.memory_space<semaphore_mem>>) src(%dma_wait3A_302 : memref<80xi32, #tpu.memory_space<hbm>>) dst(%dma_wait3A_301 : memref<80xi32, #tpu.memory_space<vmem>>)
      %dma_start3A_303 = arith.constant 1 : i32
      %dma_start3A_304 = arith.constant 1 : i32
      %dma_start3A_305 = arith.constant 0 : i32
      %dma_start3A_306 = arith.constant 0 : i32
      %dma_start3A_307 = tpu.memref_slice %arg9[%dma_start3A_303, %dma_start3A_305, %dma_start3A_306] : memref<3x80x128xf32, #tpu.memory_space<vmem>> -> memref<1x80x128xf32, #tpu.memory_space<vmem>>
      %dma_start3A_308 = tpu.memref_squeeze %dma_start3A_307 : memref<1x80x128xf32, #tpu.memory_space<vmem>> -> memref<80x128xf32, #tpu.memory_space<vmem>>
      %dma_start3A_309 = arith.constant 0 : i32
      %dma_start3A_310 = tpu.memref_slice %arg8[%dma_start3A_304, %dma_start3A_309] : memref<3x80xi32, #tpu.memory_space<vmem>> -> memref<1x80xi32, #tpu.memory_space<vmem>>
      %dma_start3A_311 = tpu.memref_squeeze %dma_start3A_310 : memref<1x80xi32, #tpu.memory_space<vmem>> -> memref<80xi32, #tpu.memory_space<vmem>>
      %dma_start3A_312 = arith.constant 0 : i32
      %dma_start3A_313 = arith.constant 0 : i32
      %dma_start3A_314 = tpu.memref_slice %arg19[%dma_start3A_312, %dma_start3A_313] : memref<10240x128xf32, #tpu.memory_space<vmem_shared>> -> memref<10240x128xf32, #tpu.memory_space<vmem_shared>>
      tpu.enqueue_indirect_dma source(%dma_start3A_308 : memref<80x128xf32, #tpu.memory_space<vmem>>) target(%dma_start3A_314 : memref<10240x128xf32, #tpu.memory_space<vmem_shared>>) offsets(%dma_start3A_311 : memref<80xi32, #tpu.memory_space<vmem>>) semaphore(%arg14 : memref<!tpu.dma_semaphore, #tpu.memory_space<semaphore_mem>>) {add = true}
      %ge3A_315 = arith.constant 1 : i32
      %ge3A_316 = arith.cmpi sge, %add3A_277, %ge3A_315 : i32
      %convert_element_type3A_317 = arith.extui %ge3A_316 : i1 to i32
      %cond3A_318 = arith.constant 0 : i32
      %cond3A_319 = arith.cmpi ne, %convert_element_type3A_317, %cond3A_318 : i32
      scf.if %cond3A_319 {
        %dma_wait3A_420 = arith.constant 0 : i32
        %dma_wait3A_421 = arith.constant 0 : i32
        %dma_wait3A_422 = arith.constant 0 : i32
        %dma_wait3A_423 = arith.constant 0 : i32
        %dma_wait3A_424 = tpu.memref_slice %arg9[%dma_wait3A_420, %dma_wait3A_422, %dma_wait3A_423] : memref<3x80x128xf32, #tpu.memory_space<vmem>> -> memref<1x80x128xf32, #tpu.memory_space<vmem>>
        %dma_wait3A_425 = tpu.memref_squeeze %dma_wait3A_424 : memref<1x80x128xf32, #tpu.memory_space<vmem>> -> memref<80x128xf32, #tpu.memory_space<vmem>>
        %dma_wait3A_426 = arith.constant 0 : i32
        %dma_wait3A_427 = tpu.memref_slice %arg8[%dma_wait3A_421, %dma_wait3A_426] : memref<3x80xi32, #tpu.memory_space<vmem>> -> memref<1x80xi32, #tpu.memory_space<vmem>>
        %dma_wait3A_428 = tpu.memref_squeeze %dma_wait3A_427 : memref<1x80xi32, #tpu.memory_space<vmem>> -> memref<80xi32, #tpu.memory_space<vmem>>
        %dma_wait3A_429 = arith.constant 0 : i32
        %dma_wait3A_430 = arith.constant 0 : i32
        %dma_wait3A_431 = tpu.memref_slice %arg19[%dma_wait3A_429, %dma_wait3A_430] : memref<10240x128xf32, #tpu.memory_space<vmem_shared>> -> memref<10240x128xf32, #tpu.memory_space<vmem_shared>>
        tpu.wait_indirect_dma semaphore(%arg13 : memref<!tpu.dma_semaphore, #tpu.memory_space<semaphore_mem>>) src(%dma_wait3A_425 : memref<80x128xf32, #tpu.memory_space<vmem>>) dst(%dma_wait3A_431 : memref<10240x128xf32, #tpu.memory_space<vmem_shared>>)
      } else {
      }
      %add3A_320 = arith.constant 2 : i32
      %add3A_321 = arith.addi %add3A_277, %add3A_320 : i32
      %mul3A_322 = arith.constant 10000 : i32
      %mul3A_323 = arith.muli %add3A, %mul3A_322 : i32
      %mul3A_324 = arith.constant 80 : i32
      %mul3A_325 = arith.muli %add3A_321, %mul3A_324 : i32
      %add3A_326 = arith.addi %mul3A_323, %mul3A_325 : i32
      %dma_start3A_327 = arith.constant 0 : i32
      %dma_start3A_328 = arith.constant 0 : i32
      %dma_start3A_329 = tpu.memref_slice %arg8[%dma_start3A_327, %dma_start3A_328] : memref<3x80xi32, #tpu.memory_space<vmem>> -> memref<1x80xi32, #tpu.memory_space<vmem>>
      %dma_start3A_330 = tpu.memref_squeeze %dma_start3A_329 : memref<1x80xi32, #tpu.memory_space<vmem>> -> memref<80xi32, #tpu.memory_space<vmem>>
      %dma_start3A_331 = tpu.memref_slice %arg4[%add3A_326] : memref<320000xi32, #tpu.memory_space<hbm>> -> memref<80xi32, #tpu.memory_space<hbm>>
      %dma_start3A_332 = arith.constant 0 : i32
      %dma_start3A_333 = tpu.memref_slice %arg8[%dma_start3A_327, %dma_start3A_332] : memref<3x80xi32, #tpu.memory_space<vmem>> -> memref<1x80xi32, #tpu.memory_space<vmem>>
      %dma_start3A_334 = tpu.memref_squeeze %dma_start3A_333 : memref<1x80xi32, #tpu.memory_space<vmem>> -> memref<80xi32, #tpu.memory_space<vmem>>
      %dma_start3A_335 = tpu.memref_slice %arg4[%add3A_326] : memref<320000xi32, #tpu.memory_space<hbm>> -> memref<80xi32, #tpu.memory_space<hbm>>
      tpu.enqueue_dma source(%dma_start3A_335 : memref<80xi32, #tpu.memory_space<hbm>>) target(%dma_start3A_334 : memref<80xi32, #tpu.memory_space<vmem>>) target_semaphore(%arg16 : memref<!tpu.dma_semaphore, #tpu.memory_space<semaphore_mem>>)
      %dma_start3A_336 = arith.constant 0 : i32
      %dma_start3A_337 = arith.constant 0 : i32
      %dma_start3A_338 = arith.constant 0 : i32
      %dma_start3A_339 = tpu.memref_slice %arg9[%dma_start3A_336, %dma_start3A_337, %dma_start3A_338] : memref<3x80x128xf32, #tpu.memory_space<vmem>> -> memref<1x80x128xf32, #tpu.memory_space<vmem>>
      %dma_start3A_340 = tpu.memref_squeeze %dma_start3A_339 : memref<1x80x128xf32, #tpu.memory_space<vmem>> -> memref<80x128xf32, #tpu.memory_space<vmem>>
      %dma_start3A_341 = arith.constant 0 : i32
      %dma_start3A_342 = tpu.memref_slice %arg7[%add3A_321, %dma_start3A_341] : memref<125x80xi32, #tpu.memory_space<vmem>> -> memref<1x80xi32, #tpu.memory_space<vmem>>
      %dma_start3A_343 = tpu.memref_squeeze %dma_start3A_342 : memref<1x80xi32, #tpu.memory_space<vmem>> -> memref<80xi32, #tpu.memory_space<vmem>>
      %dma_start3A_344 = arith.constant 0 : i32
      %dma_start3A_345 = arith.constant 0 : i32
      %dma_start3A_346 = tpu.memref_slice %arg2[%dma_start3A_344, %dma_start3A_345] : memref<10240x128xf32, #tpu.memory_space<hbm>> -> memref<10240x128xf32, #tpu.memory_space<hbm>>
      tpu.enqueue_indirect_dma source(%dma_start3A_346 : memref<10240x128xf32, #tpu.memory_space<hbm>>) target(%dma_start3A_340 : memref<80x128xf32, #tpu.memory_space<vmem>>) offsets(%dma_start3A_343 : memref<80xi32, #tpu.memory_space<vmem>>) semaphore(%arg10 : memref<!tpu.dma_semaphore, #tpu.memory_space<semaphore_mem>>)
      %mul3A_347 = arith.constant 3 : i32
      %mul3A_348 = arith.muli %scan3A_201, %mul3A_347 : i32
      %add3A_349 = arith.constant 2 : i32
      %add3A_350 = arith.addi %mul3A_348, %add3A_349 : i32
      %dma_wait3A_351 = arith.constant 2 : i32
      %dma_wait3A_352 = arith.constant 0 : i32
      %dma_wait3A_353 = arith.constant 0 : i32
      %dma_wait3A_354 = tpu.memref_slice %arg9[%dma_wait3A_351, %dma_wait3A_352, %dma_wait3A_353] : memref<3x80x128xf32, #tpu.memory_space<vmem>> -> memref<1x80x128xf32, #tpu.memory_space<vmem>>
      %dma_wait3A_355 = tpu.memref_squeeze %dma_wait3A_354 : memref<1x80x128xf32, #tpu.memory_space<vmem>> -> memref<80x128xf32, #tpu.memory_space<vmem>>
      %dma_wait3A_356 = arith.constant 0 : i32
      %dma_wait3A_357 = tpu.memref_slice %arg7[%add3A_350, %dma_wait3A_356] : memref<125x80xi32, #tpu.memory_space<vmem>> -> memref<1x80xi32, #tpu.memory_space<vmem>>
      %dma_wait3A_358 = tpu.memref_squeeze %dma_wait3A_357 : memref<1x80xi32, #tpu.memory_space<vmem>> -> memref<80xi32, #tpu.memory_space<vmem>>
      %dma_wait3A_359 = arith.constant 0 : i32
      %dma_wait3A_360 = arith.constant 0 : i32
      %dma_wait3A_361 = tpu.memref_slice %arg2[%dma_wait3A_359, %dma_wait3A_360] : memref<10240x128xf32, #tpu.memory_space<hbm>> -> memref<10240x128xf32, #tpu.memory_space<hbm>>
      tpu.wait_indirect_dma semaphore(%arg12 : memref<!tpu.dma_semaphore, #tpu.memory_space<semaphore_mem>>) src(%dma_wait3A_361 : memref<10240x128xf32, #tpu.memory_space<hbm>>) dst(%dma_wait3A_355 : memref<80x128xf32, #tpu.memory_space<vmem>>)
      %mul3A_362 = arith.constant 10000 : i32
      %mul3A_363 = arith.muli %add3A, %mul3A_362 : i32
      %mul3A_364 = arith.constant 80 : i32
      %mul3A_365 = arith.muli %add3A_350, %mul3A_364 : i32
      %add3A_366 = arith.addi %mul3A_363, %mul3A_365 : i32
      %dma_wait3A_367 = arith.constant 2 : i32
      %dma_wait3A_368 = arith.constant 0 : i32
      %dma_wait3A_369 = tpu.memref_slice %arg8[%dma_wait3A_367, %dma_wait3A_368] : memref<3x80xi32, #tpu.memory_space<vmem>> -> memref<1x80xi32, #tpu.memory_space<vmem>>
      %dma_wait3A_370 = tpu.memref_squeeze %dma_wait3A_369 : memref<1x80xi32, #tpu.memory_space<vmem>> -> memref<80xi32, #tpu.memory_space<vmem>>
      %dma_wait3A_371 = tpu.memref_slice %arg4[%add3A_366] : memref<320000xi32, #tpu.memory_space<hbm>> -> memref<80xi32, #tpu.memory_space<hbm>>
      %dma_wait3A_372 = arith.constant 0 : i32
      %dma_wait3A_373 = tpu.memref_slice %arg8[%dma_wait3A_367, %dma_wait3A_372] : memref<3x80xi32, #tpu.memory_space<vmem>> -> memref<1x80xi32, #tpu.memory_space<vmem>>
      %dma_wait3A_374 = tpu.memref_squeeze %dma_wait3A_373 : memref<1x80xi32, #tpu.memory_space<vmem>> -> memref<80xi32, #tpu.memory_space<vmem>>
      %dma_wait3A_375 = tpu.memref_slice %arg4[%add3A_366] : memref<320000xi32, #tpu.memory_space<hbm>> -> memref<80xi32, #tpu.memory_space<hbm>>
      tpu.wait_dma2 semaphore(%arg18 : memref<!tpu.dma_semaphore, #tpu.memory_space<semaphore_mem>>) src(%dma_wait3A_375 : memref<80xi32, #tpu.memory_space<hbm>>) dst(%dma_wait3A_374 : memref<80xi32, #tpu.memory_space<vmem>>)
      %dma_start3A_376 = arith.constant 2 : i32
      %dma_start3A_377 = arith.constant 2 : i32
      %dma_start3A_378 = arith.constant 0 : i32
      %dma_start3A_379 = arith.constant 0 : i32
      %dma_start3A_380 = tpu.memref_slice %arg9[%dma_start3A_376, %dma_start3A_378, %dma_start3A_379] : memref<3x80x128xf32, #tpu.memory_space<vmem>> -> memref<1x80x128xf32, #tpu.memory_space<vmem>>
      %dma_start3A_381 = tpu.memref_squeeze %dma_start3A_380 : memref<1x80x128xf32, #tpu.memory_space<vmem>> -> memref<80x128xf32, #tpu.memory_space<vmem>>
      %dma_start3A_382 = arith.constant 0 : i32
      %dma_start3A_383 = tpu.memref_slice %arg8[%dma_start3A_377, %dma_start3A_382] : memref<3x80xi32, #tpu.memory_space<vmem>> -> memref<1x80xi32, #tpu.memory_space<vmem>>
      %dma_start3A_384 = tpu.memref_squeeze %dma_start3A_383 : memref<1x80xi32, #tpu.memory_space<vmem>> -> memref<80xi32, #tpu.memory_space<vmem>>
      %dma_start3A_385 = arith.constant 0 : i32
      %dma_start3A_386 = arith.constant 0 : i32
      %dma_start3A_387 = tpu.memref_slice %arg19[%dma_start3A_385, %dma_start3A_386] : memref<10240x128xf32, #tpu.memory_space<vmem_shared>> -> memref<10240x128xf32, #tpu.memory_space<vmem_shared>>
      tpu.enqueue_indirect_dma source(%dma_start3A_381 : memref<80x128xf32, #tpu.memory_space<vmem>>) target(%dma_start3A_387 : memref<10240x128xf32, #tpu.memory_space<vmem_shared>>) offsets(%dma_start3A_384 : memref<80xi32, #tpu.memory_space<vmem>>) semaphore(%arg15 : memref<!tpu.dma_semaphore, #tpu.memory_space<semaphore_mem>>) {add = true}
      %ge3A_388 = arith.constant 1 : i32
      %ge3A_389 = arith.cmpi sge, %add3A_350, %ge3A_388 : i32
      %convert_element_type3A_390 = arith.extui %ge3A_389 : i1 to i32
      %cond3A_391 = arith.constant 0 : i32
      %cond3A_392 = arith.cmpi ne, %convert_element_type3A_390, %cond3A_391 : i32
      scf.if %cond3A_392 {
        %dma_wait3A_420 = arith.constant 1 : i32
        %dma_wait3A_421 = arith.constant 1 : i32
        %dma_wait3A_422 = arith.constant 0 : i32
        %dma_wait3A_423 = arith.constant 0 : i32
        %dma_wait3A_424 = tpu.memref_slice %arg9[%dma_wait3A_420, %dma_wait3A_422, %dma_wait3A_423] : memref<3x80x128xf32, #tpu.memory_space<vmem>> -> memref<1x80x128xf32, #tpu.memory_space<vmem>>
        %dma_wait3A_425 = tpu.memref_squeeze %dma_wait3A_424 : memref<1x80x128xf32, #tpu.memory_space<vmem>> -> memref<80x128xf32, #tpu.memory_space<vmem>>
        %dma_wait3A_426 = arith.constant 0 : i32
        %dma_wait3A_427 = tpu.memref_slice %arg8[%dma_wait3A_421, %dma_wait3A_426] : memref<3x80xi32, #tpu.memory_space<vmem>> -> memref<1x80xi32, #tpu.memory_space<vmem>>
        %dma_wait3A_428 = tpu.memref_squeeze %dma_wait3A_427 : memref<1x80xi32, #tpu.memory_space<vmem>> -> memref<80xi32, #tpu.memory_space<vmem>>
        %dma_wait3A_429 = arith.constant 0 : i32
        %dma_wait3A_430 = arith.constant 0 : i32
        %dma_wait3A_431 = tpu.memref_slice %arg19[%dma_wait3A_429, %dma_wait3A_430] : memref<10240x128xf32, #tpu.memory_space<vmem_shared>> -> memref<10240x128xf32, #tpu.memory_space<vmem_shared>>
        tpu.wait_indirect_dma semaphore(%arg14 : memref<!tpu.dma_semaphore, #tpu.memory_space<semaphore_mem>>) src(%dma_wait3A_425 : memref<80x128xf32, #tpu.memory_space<vmem>>) dst(%dma_wait3A_431 : memref<10240x128xf32, #tpu.memory_space<vmem_shared>>)
      } else {
      }
      %add3A_393 = arith.constant 2 : i32
      %add3A_394 = arith.addi %add3A_350, %add3A_393 : i32
      %mul3A_395 = arith.constant 10000 : i32
      %mul3A_396 = arith.muli %add3A, %mul3A_395 : i32
      %mul3A_397 = arith.constant 80 : i32
      %mul3A_398 = arith.muli %add3A_394, %mul3A_397 : i32
      %add3A_399 = arith.addi %mul3A_396, %mul3A_398 : i32
      %dma_start3A_400 = arith.constant 1 : i32
      %dma_start3A_401 = arith.constant 0 : i32
      %dma_start3A_402 = tpu.memref_slice %arg8[%dma_start3A_400, %dma_start3A_401] : memref<3x80xi32, #tpu.memory_space<vmem>> -> memref<1x80xi32, #tpu.memory_space<vmem>>
      %dma_start3A_403 = tpu.memref_squeeze %dma_start3A_402 : memref<1x80xi32, #tpu.memory_space<vmem>> -> memref<80xi32, #tpu.memory_space<vmem>>
      %dma_start3A_404 = tpu.memref_slice %arg4[%add3A_399] : memref<320000xi32, #tpu.memory_space<hbm>> -> memref<80xi32, #tpu.memory_space<hbm>>
      %dma_start3A_405 = arith.constant 0 : i32
      %dma_start3A_406 = tpu.memref_slice %arg8[%dma_start3A_400, %dma_start3A_405] : memref<3x80xi32, #tpu.memory_space<vmem>> -> memref<1x80xi32, #tpu.memory_space<vmem>>
      %dma_start3A_407 = tpu.memref_squeeze %dma_start3A_406 : memref<1x80xi32, #tpu.memory_space<vmem>> -> memref<80xi32, #tpu.memory_space<vmem>>
      %dma_start3A_408 = tpu.memref_slice %arg4[%add3A_399] : memref<320000xi32, #tpu.memory_space<hbm>> -> memref<80xi32, #tpu.memory_space<hbm>>
      tpu.enqueue_dma source(%dma_start3A_408 : memref<80xi32, #tpu.memory_space<hbm>>) target(%dma_start3A_407 : memref<80xi32, #tpu.memory_space<vmem>>) target_semaphore(%arg17 : memref<!tpu.dma_semaphore, #tpu.memory_space<semaphore_mem>>)
      %dma_start3A_409 = arith.constant 1 : i32
      %dma_start3A_410 = arith.constant 0 : i32
      %dma_start3A_411 = arith.constant 0 : i32
      %dma_start3A_412 = tpu.memref_slice %arg9[%dma_start3A_409, %dma_start3A_410, %dma_start3A_411] : memref<3x80x128xf32, #tpu.memory_space<vmem>> -> memref<1x80x128xf32, #tpu.memory_space<vmem>>
      %dma_start3A_413 = tpu.memref_squeeze %dma_start3A_412 : memref<1x80x128xf32, #tpu.memory_space<vmem>> -> memref<80x128xf32, #tpu.memory_space<vmem>>
      %dma_start3A_414 = arith.constant 0 : i32
      %dma_start3A_415 = tpu.memref_slice %arg7[%add3A_394, %dma_start3A_414] : memref<125x80xi32, #tpu.memory_space<vmem>> -> memref<1x80xi32, #tpu.memory_space<vmem>>
      %dma_start3A_416 = tpu.memref_squeeze %dma_start3A_415 : memref<1x80xi32, #tpu.memory_space<vmem>> -> memref<80xi32, #tpu.memory_space<vmem>>
      %dma_start3A_417 = arith.constant 0 : i32
      %dma_start3A_418 = arith.constant 0 : i32
      %dma_start3A_419 = tpu.memref_slice %arg2[%dma_start3A_417, %dma_start3A_418] : memref<10240x128xf32, #tpu.memory_space<hbm>> -> memref<10240x128xf32, #tpu.memory_space<hbm>>
      tpu.enqueue_indirect_dma source(%dma_start3A_419 : memref<10240x128xf32, #tpu.memory_space<hbm>>) target(%dma_start3A_413 : memref<80x128xf32, #tpu.memory_space<vmem>>) offsets(%dma_start3A_416 : memref<80xi32, #tpu.memory_space<vmem>>) semaphore(%arg11 : memref<!tpu.dma_semaphore, #tpu.memory_space<semaphore_mem>>)
    }
    %scan3A_85 = arith.constant 41 : i32
    %dma_wait3A_86 = arith.constant 123 : i32
    %dma_wait3A_87 = arith.constant 0 : i32
    %dma_wait3A_88 = arith.constant 0 : i32
    %dma_wait3A_89 = arith.constant 0 : i32
    %dma_wait3A_90 = tpu.memref_slice %arg9[%dma_wait3A_87, %dma_wait3A_88, %dma_wait3A_89] : memref<3x80x128xf32, #tpu.memory_space<vmem>> -> memref<1x80x128xf32, #tpu.memory_space<vmem>>
    %dma_wait3A_91 = tpu.memref_squeeze %dma_wait3A_90 : memref<1x80x128xf32, #tpu.memory_space<vmem>> -> memref<80x128xf32, #tpu.memory_space<vmem>>
    %dma_wait3A_92 = arith.constant 0 : i32
    %dma_wait3A_93 = tpu.memref_slice %arg7[%dma_wait3A_86, %dma_wait3A_92] : memref<125x80xi32, #tpu.memory_space<vmem>> -> memref<1x80xi32, #tpu.memory_space<vmem>>
    %dma_wait3A_94 = tpu.memref_squeeze %dma_wait3A_93 : memref<1x80xi32, #tpu.memory_space<vmem>> -> memref<80xi32, #tpu.memory_space<vmem>>
    %dma_wait3A_95 = arith.constant 0 : i32
    %dma_wait3A_96 = arith.constant 0 : i32
    %dma_wait3A_97 = tpu.memref_slice %arg2[%dma_wait3A_95, %dma_wait3A_96] : memref<10240x128xf32, #tpu.memory_space<hbm>> -> memref<10240x128xf32, #tpu.memory_space<hbm>>
    tpu.wait_indirect_dma semaphore(%arg10 : memref<!tpu.dma_semaphore, #tpu.memory_space<semaphore_mem>>) src(%dma_wait3A_97 : memref<10240x128xf32, #tpu.memory_space<hbm>>) dst(%dma_wait3A_91 : memref<80x128xf32, #tpu.memory_space<vmem>>)
    %mul3A_98 = arith.constant 10000 : i32
    %mul3A_99 = arith.muli %add3A, %mul3A_98 : i32
    %add3A_100 = arith.constant 9840 : i32
    %add3A_101 = arith.addi %mul3A_99, %add3A_100 : i32
    %dma_wait3A_102 = arith.constant 0 : i32
    %dma_wait3A_103 = arith.constant 0 : i32
    %dma_wait3A_104 = tpu.memref_slice %arg8[%dma_wait3A_102, %dma_wait3A_103] : memref<3x80xi32, #tpu.memory_space<vmem>> -> memref<1x80xi32, #tpu.memory_space<vmem>>
    %dma_wait3A_105 = tpu.memref_squeeze %dma_wait3A_104 : memref<1x80xi32, #tpu.memory_space<vmem>> -> memref<80xi32, #tpu.memory_space<vmem>>
    %dma_wait3A_106 = tpu.memref_slice %arg4[%add3A_101] : memref<320000xi32, #tpu.memory_space<hbm>> -> memref<80xi32, #tpu.memory_space<hbm>>
    %dma_wait3A_107 = arith.constant 0 : i32
    %dma_wait3A_108 = tpu.memref_slice %arg8[%dma_wait3A_102, %dma_wait3A_107] : memref<3x80xi32, #tpu.memory_space<vmem>> -> memref<1x80xi32, #tpu.memory_space<vmem>>
    %dma_wait3A_109 = tpu.memref_squeeze %dma_wait3A_108 : memref<1x80xi32, #tpu.memory_space<vmem>> -> memref<80xi32, #tpu.memory_space<vmem>>
    %dma_wait3A_110 = tpu.memref_slice %arg4[%add3A_101] : memref<320000xi32, #tpu.memory_space<hbm>> -> memref<80xi32, #tpu.memory_space<hbm>>
    tpu.wait_dma2 semaphore(%arg16 : memref<!tpu.dma_semaphore, #tpu.memory_space<semaphore_mem>>) src(%dma_wait3A_110 : memref<80xi32, #tpu.memory_space<hbm>>) dst(%dma_wait3A_109 : memref<80xi32, #tpu.memory_space<vmem>>)
    %dma_start3A_111 = arith.constant 0 : i32
    %dma_start3A_112 = arith.constant 0 : i32
    %dma_start3A_113 = arith.constant 0 : i32
    %dma_start3A_114 = arith.constant 0 : i32
    %dma_start3A_115 = tpu.memref_slice %arg9[%dma_start3A_111, %dma_start3A_113, %dma_start3A_114] : memref<3x80x128xf32, #tpu.memory_space<vmem>> -> memref<1x80x128xf32, #tpu.memory_space<vmem>>
    %dma_start3A_116 = tpu.memref_squeeze %dma_start3A_115 : memref<1x80x128xf32, #tpu.memory_space<vmem>> -> memref<80x128xf32, #tpu.memory_space<vmem>>
    %dma_start3A_117 = arith.constant 0 : i32
    %dma_start3A_118 = tpu.memref_slice %arg8[%dma_start3A_112, %dma_start3A_117] : memref<3x80xi32, #tpu.memory_space<vmem>> -> memref<1x80xi32, #tpu.memory_space<vmem>>
    %dma_start3A_119 = tpu.memref_squeeze %dma_start3A_118 : memref<1x80xi32, #tpu.memory_space<vmem>> -> memref<80xi32, #tpu.memory_space<vmem>>
    %dma_start3A_120 = arith.constant 0 : i32
    %dma_start3A_121 = arith.constant 0 : i32
    %dma_start3A_122 = tpu.memref_slice %arg19[%dma_start3A_120, %dma_start3A_121] : memref<10240x128xf32, #tpu.memory_space<vmem_shared>> -> memref<10240x128xf32, #tpu.memory_space<vmem_shared>>
    tpu.enqueue_indirect_dma source(%dma_start3A_116 : memref<80x128xf32, #tpu.memory_space<vmem>>) target(%dma_start3A_122 : memref<10240x128xf32, #tpu.memory_space<vmem_shared>>) offsets(%dma_start3A_119 : memref<80xi32, #tpu.memory_space<vmem>>) semaphore(%arg13 : memref<!tpu.dma_semaphore, #tpu.memory_space<semaphore_mem>>) {add = true}
    %dma_wait3A_123 = arith.constant 2 : i32
    %dma_wait3A_124 = arith.constant 2 : i32
    %dma_wait3A_125 = arith.constant 0 : i32
    %dma_wait3A_126 = arith.constant 0 : i32
    %dma_wait3A_127 = tpu.memref_slice %arg9[%dma_wait3A_123, %dma_wait3A_125, %dma_wait3A_126] : memref<3x80x128xf32, #tpu.memory_space<vmem>> -> memref<1x80x128xf32, #tpu.memory_space<vmem>>
    %dma_wait3A_128 = tpu.memref_squeeze %dma_wait3A_127 : memref<1x80x128xf32, #tpu.memory_space<vmem>> -> memref<80x128xf32, #tpu.memory_space<vmem>>
    %dma_wait3A_129 = arith.constant 0 : i32
    %dma_wait3A_130 = tpu.memref_slice %arg8[%dma_wait3A_124, %dma_wait3A_129] : memref<3x80xi32, #tpu.memory_space<vmem>> -> memref<1x80xi32, #tpu.memory_space<vmem>>
    %dma_wait3A_131 = tpu.memref_squeeze %dma_wait3A_130 : memref<1x80xi32, #tpu.memory_space<vmem>> -> memref<80xi32, #tpu.memory_space<vmem>>
    %dma_wait3A_132 = arith.constant 0 : i32
    %dma_wait3A_133 = arith.constant 0 : i32
    %dma_wait3A_134 = tpu.memref_slice %arg19[%dma_wait3A_132, %dma_wait3A_133] : memref<10240x128xf32, #tpu.memory_space<vmem_shared>> -> memref<10240x128xf32, #tpu.memory_space<vmem_shared>>
    tpu.wait_indirect_dma semaphore(%arg15 : memref<!tpu.dma_semaphore, #tpu.memory_space<semaphore_mem>>) src(%dma_wait3A_128 : memref<80x128xf32, #tpu.memory_space<vmem>>) dst(%dma_wait3A_134 : memref<10240x128xf32, #tpu.memory_space<vmem_shared>>)
    %dma_wait3A_135 = arith.constant 124 : i32
    %dma_wait3A_136 = arith.constant 1 : i32
    %dma_wait3A_137 = arith.constant 0 : i32
    %dma_wait3A_138 = arith.constant 0 : i32
    %dma_wait3A_139 = tpu.memref_slice %arg9[%dma_wait3A_136, %dma_wait3A_137, %dma_wait3A_138] : memref<3x80x128xf32, #tpu.memory_space<vmem>> -> memref<1x80x128xf32, #tpu.memory_space<vmem>>
    %dma_wait3A_140 = tpu.memref_squeeze %dma_wait3A_139 : memref<1x80x128xf32, #tpu.memory_space<vmem>> -> memref<80x128xf32, #tpu.memory_space<vmem>>
    %dma_wait3A_141 = arith.constant 0 : i32
    %dma_wait3A_142 = tpu.memref_slice %arg7[%dma_wait3A_135, %dma_wait3A_141] : memref<125x80xi32, #tpu.memory_space<vmem>> -> memref<1x80xi32, #tpu.memory_space<vmem>>
    %dma_wait3A_143 = tpu.memref_squeeze %dma_wait3A_142 : memref<1x80xi32, #tpu.memory_space<vmem>> -> memref<80xi32, #tpu.memory_space<vmem>>
    %dma_wait3A_144 = arith.constant 0 : i32
    %dma_wait3A_145 = arith.constant 0 : i32
    %dma_wait3A_146 = tpu.memref_slice %arg2[%dma_wait3A_144, %dma_wait3A_145] : memref<10240x128xf32, #tpu.memory_space<hbm>> -> memref<10240x128xf32, #tpu.memory_space<hbm>>
    tpu.wait_indirect_dma semaphore(%arg11 : memref<!tpu.dma_semaphore, #tpu.memory_space<semaphore_mem>>) src(%dma_wait3A_146 : memref<10240x128xf32, #tpu.memory_space<hbm>>) dst(%dma_wait3A_140 : memref<80x128xf32, #tpu.memory_space<vmem>>)
    %mul3A_147 = arith.constant 10000 : i32
    %mul3A_148 = arith.muli %add3A, %mul3A_147 : i32
    %add3A_149 = arith.constant 9920 : i32
    %add3A_150 = arith.addi %mul3A_148, %add3A_149 : i32
    %dma_wait3A_151 = arith.constant 1 : i32
    %dma_wait3A_152 = arith.constant 0 : i32
    %dma_wait3A_153 = tpu.memref_slice %arg8[%dma_wait3A_151, %dma_wait3A_152] : memref<3x80xi32, #tpu.memory_space<vmem>> -> memref<1x80xi32, #tpu.memory_space<vmem>>
    %dma_wait3A_154 = tpu.memref_squeeze %dma_wait3A_153 : memref<1x80xi32, #tpu.memory_space<vmem>> -> memref<80xi32, #tpu.memory_space<vmem>>
    %dma_wait3A_155 = tpu.memref_slice %arg4[%add3A_150] : memref<320000xi32, #tpu.memory_space<hbm>> -> memref<80xi32, #tpu.memory_space<hbm>>
    %dma_wait3A_156 = arith.constant 0 : i32
    %dma_wait3A_157 = tpu.memref_slice %arg8[%dma_wait3A_151, %dma_wait3A_156] : memref<3x80xi32, #tpu.memory_space<vmem>> -> memref<1x80xi32, #tpu.memory_space<vmem>>
    %dma_wait3A_158 = tpu.memref_squeeze %dma_wait3A_157 : memref<1x80xi32, #tpu.memory_space<vmem>> -> memref<80xi32, #tpu.memory_space<vmem>>
    %dma_wait3A_159 = tpu.memref_slice %arg4[%add3A_150] : memref<320000xi32, #tpu.memory_space<hbm>> -> memref<80xi32, #tpu.memory_space<hbm>>
    tpu.wait_dma2 semaphore(%arg17 : memref<!tpu.dma_semaphore, #tpu.memory_space<semaphore_mem>>) src(%dma_wait3A_159 : memref<80xi32, #tpu.memory_space<hbm>>) dst(%dma_wait3A_158 : memref<80xi32, #tpu.memory_space<vmem>>)
    %dma_start3A_160 = arith.constant 1 : i32
    %dma_start3A_161 = arith.constant 1 : i32
    %dma_start3A_162 = arith.constant 0 : i32
    %dma_start3A_163 = arith.constant 0 : i32
    %dma_start3A_164 = tpu.memref_slice %arg9[%dma_start3A_160, %dma_start3A_162, %dma_start3A_163] : memref<3x80x128xf32, #tpu.memory_space<vmem>> -> memref<1x80x128xf32, #tpu.memory_space<vmem>>
    %dma_start3A_165 = tpu.memref_squeeze %dma_start3A_164 : memref<1x80x128xf32, #tpu.memory_space<vmem>> -> memref<80x128xf32, #tpu.memory_space<vmem>>
    %dma_start3A_166 = arith.constant 0 : i32
    %dma_start3A_167 = tpu.memref_slice %arg8[%dma_start3A_161, %dma_start3A_166] : memref<3x80xi32, #tpu.memory_space<vmem>> -> memref<1x80xi32, #tpu.memory_space<vmem>>
    %dma_start3A_168 = tpu.memref_squeeze %dma_start3A_167 : memref<1x80xi32, #tpu.memory_space<vmem>> -> memref<80xi32, #tpu.memory_space<vmem>>
    %dma_start3A_169 = arith.constant 0 : i32
    %dma_start3A_170 = arith.constant 0 : i32
    %dma_start3A_171 = tpu.memref_slice %arg19[%dma_start3A_169, %dma_start3A_170] : memref<10240x128xf32, #tpu.memory_space<vmem_shared>> -> memref<10240x128xf32, #tpu.memory_space<vmem_shared>>
    tpu.enqueue_indirect_dma source(%dma_start3A_165 : memref<80x128xf32, #tpu.memory_space<vmem>>) target(%dma_start3A_171 : memref<10240x128xf32, #tpu.memory_space<vmem_shared>>) offsets(%dma_start3A_168 : memref<80xi32, #tpu.memory_space<vmem>>) semaphore(%arg14 : memref<!tpu.dma_semaphore, #tpu.memory_space<semaphore_mem>>) {add = true}
    %dma_wait3A_172 = arith.constant 0 : i32
    %dma_wait3A_173 = arith.constant 0 : i32
    %dma_wait3A_174 = arith.constant 0 : i32
    %dma_wait3A_175 = arith.constant 0 : i32
    %dma_wait3A_176 = tpu.memref_slice %arg9[%dma_wait3A_172, %dma_wait3A_174, %dma_wait3A_175] : memref<3x80x128xf32, #tpu.memory_space<vmem>> -> memref<1x80x128xf32, #tpu.memory_space<vmem>>
    %dma_wait3A_177 = tpu.memref_squeeze %dma_wait3A_176 : memref<1x80x128xf32, #tpu.memory_space<vmem>> -> memref<80x128xf32, #tpu.memory_space<vmem>>
    %dma_wait3A_178 = arith.constant 0 : i32
    %dma_wait3A_179 = tpu.memref_slice %arg8[%dma_wait3A_173, %dma_wait3A_178] : memref<3x80xi32, #tpu.memory_space<vmem>> -> memref<1x80xi32, #tpu.memory_space<vmem>>
    %dma_wait3A_180 = tpu.memref_squeeze %dma_wait3A_179 : memref<1x80xi32, #tpu.memory_space<vmem>> -> memref<80xi32, #tpu.memory_space<vmem>>
    %dma_wait3A_181 = arith.constant 0 : i32
    %dma_wait3A_182 = arith.constant 0 : i32
    %dma_wait3A_183 = tpu.memref_slice %arg19[%dma_wait3A_181, %dma_wait3A_182] : memref<10240x128xf32, #tpu.memory_space<vmem_shared>> -> memref<10240x128xf32, #tpu.memory_space<vmem_shared>>
    tpu.wait_indirect_dma semaphore(%arg13 : memref<!tpu.dma_semaphore, #tpu.memory_space<semaphore_mem>>) src(%dma_wait3A_177 : memref<80x128xf32, #tpu.memory_space<vmem>>) dst(%dma_wait3A_183 : memref<10240x128xf32, #tpu.memory_space<vmem_shared>>)
    %dma_wait3A_184 = arith.constant 1 : i32
    %dma_wait3A_185 = arith.constant 1 : i32
    %dma_wait3A_186 = arith.constant 0 : i32
    %dma_wait3A_187 = arith.constant 0 : i32
    %dma_wait3A_188 = tpu.memref_slice %arg9[%dma_wait3A_184, %dma_wait3A_186, %dma_wait3A_187] : memref<3x80x128xf32, #tpu.memory_space<vmem>> -> memref<1x80x128xf32, #tpu.memory_space<vmem>>
    %dma_wait3A_189 = tpu.memref_squeeze %dma_wait3A_188 : memref<1x80x128xf32, #tpu.memory_space<vmem>> -> memref<80x128xf32, #tpu.memory_space<vmem>>
    %dma_wait3A_190 = arith.constant 0 : i32
    %dma_wait3A_191 = tpu.memref_slice %arg8[%dma_wait3A_185, %dma_wait3A_190] : memref<3x80xi32, #tpu.memory_space<vmem>> -> memref<1x80xi32, #tpu.memory_space<vmem>>
    %dma_wait3A_192 = tpu.memref_squeeze %dma_wait3A_191 : memref<1x80xi32, #tpu.memory_space<vmem>> -> memref<80xi32, #tpu.memory_space<vmem>>
    %dma_wait3A_193 = arith.constant 0 : i32
    %dma_wait3A_194 = arith.constant 0 : i32
    %dma_wait3A_195 = tpu.memref_slice %arg19[%dma_wait3A_193, %dma_wait3A_194] : memref<10240x128xf32, #tpu.memory_space<vmem_shared>> -> memref<10240x128xf32, #tpu.memory_space<vmem_shared>>
    tpu.wait_indirect_dma semaphore(%arg14 : memref<!tpu.dma_semaphore, #tpu.memory_space<semaphore_mem>>) src(%dma_wait3A_189 : memref<80x128xf32, #tpu.memory_space<vmem>>) dst(%dma_wait3A_195 : memref<10240x128xf32, #tpu.memory_space<vmem_shared>>)
    %barrier3A_196 = arith.constant 0 : index
    tpu.barrier barrier_id(%barrier3A_196)
    %mul3A_197 = arith.constant 640 : i32
    %mul3A_198 = arith.muli %arg1, %mul3A_197 : i32
    %mul3A_199 = arith.constant 640 : i32
    %mul3A_200 = arith.muli %arg1, %mul3A_199 : i32
    "tpu.region"() ({
      %run_scoped3A = tpu.sem_alloc : memref<!tpu.dma_semaphore, #tpu.memory_space<semaphore_mem>>
      %dma_start3A_201 = arith.constant 0 : i32
      %dma_start3A_202 = tpu.memref_slice %arg6[%arg0, %mul3A_200, %dma_start3A_201] : memref<2x10240x128xf32, #tpu.memory_space<hbm>> -> memref<1x640x128xf32, #tpu.memory_space<hbm>>
      %dma_start3A_203 = tpu.memref_squeeze %dma_start3A_202 : memref<1x640x128xf32, #tpu.memory_space<hbm>> -> memref<640x128xf32, #tpu.memory_space<hbm>>
      %dma_start3A_204 = arith.constant 0 : i32
      %dma_start3A_205 = tpu.memref_slice %arg19[%mul3A_198, %dma_start3A_204] : memref<10240x128xf32, #tpu.memory_space<vmem_shared>> -> memref<640x128xf32, #tpu.memory_space<vmem_shared>>
      tpu.enqueue_dma source(%dma_start3A_205 : memref<640x128xf32, #tpu.memory_space<vmem_shared>>) target(%dma_start3A_203 : memref<640x128xf32, #tpu.memory_space<hbm>>) target_semaphore(%run_scoped3A : memref<!tpu.dma_semaphore, #tpu.memory_space<semaphore_mem>>)
      %dma_wait3A_206 = arith.constant 0 : i32
      %dma_wait3A_207 = tpu.memref_slice %arg6[%arg0, %mul3A_200, %dma_wait3A_206] : memref<2x10240x128xf32, #tpu.memory_space<hbm>> -> memref<1x640x128xf32, #tpu.memory_space<hbm>>
      %dma_wait3A_208 = tpu.memref_squeeze %dma_wait3A_207 : memref<1x640x128xf32, #tpu.memory_space<hbm>> -> memref<640x128xf32, #tpu.memory_space<hbm>>
      %dma_wait3A_209 = arith.constant 0 : i32
      %dma_wait3A_210 = tpu.memref_slice %arg19[%mul3A_198, %dma_wait3A_209] : memref<10240x128xf32, #tpu.memory_space<vmem_shared>> -> memref<640x128xf32, #tpu.memory_space<vmem_shared>>
      tpu.wait_dma2 semaphore(%run_scoped3A : memref<!tpu.dma_semaphore, #tpu.memory_space<semaphore_mem>>) src(%dma_wait3A_210 : memref<640x128xf32, #tpu.memory_space<vmem_shared>>) dst(%dma_wait3A_208 : memref<640x128xf32, #tpu.memory_space<hbm>>)
      tpu.yield
    }) : () -> ()
    return
  }
}

module attributes {stable_mosaic.version = 14 : i64} {
  func.func @_a_body(%arg0: i32, %arg1: memref<2x5120x1xf32, #tpu.memory_space<vmem>>, %arg2: memref<5120x128xf32, #tpu.memory_space<vmem>>, %arg3: memref<128x128xf32, #tpu.memory_space<vmem>>, %arg4: memref<5120x128xf32, #tpu.memory_space<vmem>>, %arg5: memref<5120x1xf32, #tpu.memory_space<vmem>>) attributes {dimension_semantics = [#tpu.dimension_semantics<arbitrary>], iteration_bounds = array<i64: 2>, scalar_prefetch = 0 : i64, scratch_operands = 0 : i64, tpu.core_type = #tpu.core_type<tc>, window_params = [{transform_indices = @transform_0, window_bounds = array<i64: 2, 5120, 1>}, {transform_indices = @transform_1, window_bounds = array<i64: 5120, 128>}, {pipeline_mode = #tpu.pipeline_mode<synchronous>, transform_indices = @transform_2, window_bounds = array<i64: 128, 128>}, {transform_indices = @transform_3, window_bounds = array<i64: 5120, 128>}, {transform_indices = @transform_4, window_bounds = array<i64: 5120, 1>}]} {
    %get3A = arith.constant 0 : index
    %get3A_0 = arith.constant 0 : index
    %get3A_1 = arith.constant 0 : index
    %get3A_2 = vector.load %arg1[%get3A, %get3A_0, %get3A_1] : memref<2x5120x1xf32, #tpu.memory_space<vmem>>, vector<1x5120x1xf32>
    %get3A_3 = vector.shape_cast %get3A_2 : vector<1x5120x1xf32> to vector<5120x1xf32>
    %add3A = arith.constant 1.000000e+00 : f32
    %add3A_4 = vector.broadcast %add3A : f32 to vector<5120x1xf32>
    %add3A_5 = arith.addf %add3A_4, %get3A_3 : vector<5120x1xf32>
    %get3A_6 = arith.constant 1 : index
    %get3A_7 = arith.constant 0 : index
    %get3A_8 = arith.constant 0 : index
    %get3A_9 = vector.load %arg1[%get3A_6, %get3A_7, %get3A_8] : memref<2x5120x1xf32, #tpu.memory_space<vmem>>, vector<1x5120x1xf32>
    %get3A_10 = vector.shape_cast %get3A_9 : vector<1x5120x1xf32> to vector<5120x1xf32>
    %add3A_11 = arith.addf %add3A_5, %get3A_10 : vector<5120x1xf32>
    %rsqrt3A = math.rsqrt %add3A_11 : vector<5120x1xf32>
    %swap3A = arith.constant 0 : index
    %swap3A_12 = arith.constant 0 : index
    %swap3A_13 = vector.load %arg5[%swap3A, %swap3A_12] : memref<5120x1xf32, #tpu.memory_space<vmem>>, vector<5120x1xf32>
    tpu.vector_store %arg5[%swap3A, %swap3A_12], %rsqrt3A {strides = array<i32>} : memref<5120x1xf32, #tpu.memory_space<vmem>>, vector<5120x1xf32>,
    %get3A_14 = arith.constant 0 : index
    %get3A_15 = arith.constant 0 : index
    %get3A_16 = vector.load %arg2[%get3A_14, %get3A_15] : memref<5120x128xf32, #tpu.memory_space<vmem>>, vector<5120x128xf32>
    %get3A_17 = arith.constant 0 : index
    %get3A_18 = arith.constant 0 : index
    %get3A_19 = vector.load %arg3[%get3A_17, %get3A_18] : memref<128x128xf32, #tpu.memory_space<vmem>>, vector<128x128xf32>
    %dot_general3A = arith.constant dense<0.000000e+00> : vector<5120x128xf32>
    %dot_general3A_20 = tpu.matmul %get3A_16, %get3A_19, %dot_general3A {dimension_numbers = #tpu.dot_dimension_numbers<[1], [0], [0], [1], [0, 0, 1, 1], [], []>, transpose_lhs_hint = false} : vector<5120x128xf32>, vector<128x128xf32>, vector<5120x128xf32> -> vector<5120x128xf32>
    %mul3A = vector.broadcast %rsqrt3A : vector<5120x1xf32> to vector<5120x128xf32>
    %mul3A_21 = arith.mulf %dot_general3A_20, %mul3A : vector<5120x128xf32>
    %swap3A_22 = arith.constant 0 : index
    %swap3A_23 = arith.constant 0 : index
    %swap3A_24 = vector.load %arg4[%swap3A_22, %swap3A_23] : memref<5120x128xf32, #tpu.memory_space<vmem>>, vector<5120x128xf32>
    tpu.vector_store %arg4[%swap3A_22, %swap3A_23], %mul3A_21 {strides = array<i32>} : memref<5120x128xf32, #tpu.memory_space<vmem>>, vector<5120x128xf32>,
    return
  }
  func.func @transform_0(%arg0: i32) -> (i32, i32, i32) {
    %c0_i32 = arith.constant 0 : i32
    %c0_i32_0 = arith.constant 0 : i32
    %c0_i32_1 = arith.constant 0 : i32
    return %c0_i32, %arg0, %c0_i32_0 : i32, i32, i32
  }
  func.func @transform_1(%arg0: i32) -> (i32, i32) {
    %c0_i32 = arith.constant 0 : i32
    %c0_i32_0 = arith.constant 0 : i32
    return %arg0, %c0_i32 : i32, i32
  }
  func.func @transform_2(%arg0: i32) -> (i32, i32) {
    %c0_i32 = arith.constant 0 : i32
    %c0_i32_0 = arith.constant 0 : i32
    %c0_i32_1 = arith.constant 0 : i32
    return %c0_i32, %c0_i32_0 : i32, i32
  }
  func.func @transform_3(%arg0: i32) -> (i32, i32) {
    %c0_i32 = arith.constant 0 : i32
    %c0_i32_0 = arith.constant 0 : i32
    return %arg0, %c0_i32 : i32, i32
  }
  func.func @transform_4(%arg0: i32) -> (i32, i32) {
    %c0_i32 = arith.constant 0 : i32
    %c0_i32_0 = arith.constant 0 : i32
    return %arg0, %c0_i32 : i32, i32
  }
}

module attributes {stable_mosaic.version = 14 : i64} {
  func.func @_b_body(%arg0: i32, %arg1: memref<2x5120x128xf32, #tpu.memory_space<vmem>>, %arg2: memref<5120x1xf32, #tpu.memory_space<vmem>>, %arg3: memref<1x128xf32, #tpu.memory_space<vmem>>, %arg4: memref<1x128xf32, #tpu.memory_space<vmem>>, %arg5: memref<1x128xf32, #tpu.memory_space<vmem>>, %arg6: memref<128x128xf32, #tpu.memory_space<vmem>>, %arg7: memref<5120x128xf32, #tpu.memory_space<vmem>>) attributes {dimension_semantics = [#tpu.dimension_semantics<arbitrary>], iteration_bounds = array<i64: 2>, scalar_prefetch = 0 : i64, scratch_operands = 0 : i64, tpu.core_type = #tpu.core_type<tc>, window_params = [{transform_indices = @transform_0, window_bounds = array<i64: 2, 5120, 128>}, {transform_indices = @transform_1, window_bounds = array<i64: 5120, 1>}, {pipeline_mode = #tpu.pipeline_mode<synchronous>, transform_indices = @transform_2, window_bounds = array<i64: 1, 128>}, {pipeline_mode = #tpu.pipeline_mode<synchronous>, transform_indices = @transform_3, window_bounds = array<i64: 1, 128>}, {pipeline_mode = #tpu.pipeline_mode<synchronous>, transform_indices = @transform_4, window_bounds = array<i64: 1, 128>}, {pipeline_mode = #tpu.pipeline_mode<synchronous>, transform_indices = @transform_5, window_bounds = array<i64: 128, 128>}, {transform_indices = @transform_6, window_bounds = array<i64: 5120, 128>}]} {
    %get3A = arith.constant 0 : index
    %get3A_0 = arith.constant 0 : index
    %get3A_1 = vector.load %arg2[%get3A, %get3A_0] : memref<5120x1xf32, #tpu.memory_space<vmem>>, vector<5120x1xf32>
    %get3A_2 = arith.constant 0 : index
    %get3A_3 = arith.constant 0 : index
    %get3A_4 = arith.constant 0 : index
    %get3A_5 = vector.load %arg1[%get3A_2, %get3A_3, %get3A_4] : memref<2x5120x128xf32, #tpu.memory_space<vmem>>, vector<1x5120x128xf32>
    %get3A_6 = vector.shape_cast %get3A_5 : vector<1x5120x128xf32> to vector<5120x128xf32>
    %get3A_7 = arith.constant 1 : index
    %get3A_8 = arith.constant 0 : index
    %get3A_9 = arith.constant 0 : index
    %get3A_10 = vector.load %arg1[%get3A_7, %get3A_8, %get3A_9] : memref<2x5120x128xf32, #tpu.memory_space<vmem>>, vector<1x5120x128xf32>
    %get3A_11 = vector.shape_cast %get3A_10 : vector<1x5120x128xf32> to vector<5120x128xf32>
    %add3A = arith.addf %get3A_6, %get3A_11 : vector<5120x128xf32>
    %mul3A = vector.broadcast %get3A_1 : vector<5120x1xf32> to vector<5120x128xf32>
    %mul3A_12 = arith.mulf %add3A, %mul3A : vector<5120x128xf32>
    %get3A_13 = arith.constant 0 : index
    %get3A_14 = arith.constant 0 : index
    %get3A_15 = vector.load %arg3[%get3A_13, %get3A_14] : memref<1x128xf32, #tpu.memory_space<vmem>>, vector<1x128xf32>
    %add3A_16 = vector.broadcast %get3A_15 : vector<1x128xf32> to vector<5120x128xf32>
    %add3A_17 = arith.addf %mul3A_12, %add3A_16 : vector<5120x128xf32>
    %get3A_18 = arith.constant 0 : index
    %get3A_19 = arith.constant 0 : index
    %get3A_20 = vector.load %arg4[%get3A_18, %get3A_19] : memref<1x128xf32, #tpu.memory_space<vmem>>, vector<1x128xf32>
    %mul3A_21 = arith.constant 0.999994993 : f32
    %mul3A_22 = vector.broadcast %mul3A_21 : f32 to vector<1x128xf32>
    %mul3A_23 = arith.mulf %get3A_20, %mul3A_22 : vector<1x128xf32>
    %mul3A_24 = vector.broadcast %mul3A_23 : vector<1x128xf32> to vector<5120x128xf32>
    %mul3A_25 = arith.mulf %add3A_17, %mul3A_24 : vector<5120x128xf32>
    %get3A_26 = arith.constant 0 : index
    %get3A_27 = arith.constant 0 : index
    %get3A_28 = vector.load %arg5[%get3A_26, %get3A_27] : memref<1x128xf32, #tpu.memory_space<vmem>>, vector<1x128xf32>
    %add3A_29 = vector.broadcast %get3A_28 : vector<1x128xf32> to vector<5120x128xf32>
    %add3A_30 = arith.addf %mul3A_25, %add3A_29 : vector<5120x128xf32>
    %max3A = arith.constant 0.000000e+00 : f32
    %max3A_31 = vector.broadcast %max3A : f32 to vector<5120x128xf32>
    %max3A_32 = arith.maximumf %add3A_30, %max3A_31 : vector<5120x128xf32>
    %get3A_33 = arith.constant 0 : index
    %get3A_34 = arith.constant 0 : index
    %get3A_35 = vector.load %arg6[%get3A_33, %get3A_34] : memref<128x128xf32, #tpu.memory_space<vmem>>, vector<128x128xf32>
    %dot_general3A = arith.constant dense<0.000000e+00> : vector<5120x128xf32>
    %dot_general3A_36 = tpu.matmul %max3A_32, %get3A_35, %dot_general3A {dimension_numbers = #tpu.dot_dimension_numbers<[1], [0], [0], [1], [0, 0, 1, 1], [], []>, transpose_lhs_hint = false} : vector<5120x128xf32>, vector<128x128xf32>, vector<5120x128xf32> -> vector<5120x128xf32>
    %mul3A_37 = vector.broadcast %get3A_1 : vector<5120x1xf32> to vector<5120x128xf32>
    %mul3A_38 = arith.mulf %dot_general3A_36, %mul3A_37 : vector<5120x128xf32>
    %swap3A = arith.constant 0 : index
    %swap3A_39 = arith.constant 0 : index
    %swap3A_40 = vector.load %arg7[%swap3A, %swap3A_39] : memref<5120x128xf32, #tpu.memory_space<vmem>>, vector<5120x128xf32>
    tpu.vector_store %arg7[%swap3A, %swap3A_39], %mul3A_38 {strides = array<i32>} : memref<5120x128xf32, #tpu.memory_space<vmem>>, vector<5120x128xf32>,
    return
  }
  func.func @transform_0(%arg0: i32) -> (i32, i32, i32) {
    %c0_i32 = arith.constant 0 : i32
    %c0_i32_0 = arith.constant 0 : i32
    %c0_i32_1 = arith.constant 0 : i32
    return %c0_i32, %arg0, %c0_i32_0 : i32, i32, i32
  }
  func.func @transform_1(%arg0: i32) -> (i32, i32) {
    %c0_i32 = arith.constant 0 : i32
    %c0_i32_0 = arith.constant 0 : i32
    return %arg0, %c0_i32 : i32, i32
  }
  func.func @transform_2(%arg0: i32) -> (i32, i32) {
    %c0_i32 = arith.constant 0 : i32
    %c0_i32_0 = arith.constant 0 : i32
    %c0_i32_1 = arith.constant 0 : i32
    return %c0_i32, %c0_i32_0 : i32, i32
  }
  func.func @transform_3(%arg0: i32) -> (i32, i32) {
    %c0_i32 = arith.constant 0 : i32
    %c0_i32_0 = arith.constant 0 : i32
    %c0_i32_1 = arith.constant 0 : i32
    return %c0_i32, %c0_i32_0 : i32, i32
  }
  func.func @transform_4(%arg0: i32) -> (i32, i32) {
    %c0_i32 = arith.constant 0 : i32
    %c0_i32_0 = arith.constant 0 : i32
    %c0_i32_1 = arith.constant 0 : i32
    return %c0_i32, %c0_i32_0 : i32, i32
  }
  func.func @transform_5(%arg0: i32) -> (i32, i32) {
    %c0_i32 = arith.constant 0 : i32
    %c0_i32_0 = arith.constant 0 : i32
    %c0_i32_1 = arith.constant 0 : i32
    return %c0_i32, %c0_i32_0 : i32, i32
  }
  func.func @transform_6(%arg0: i32) -> (i32, i32) {
    %c0_i32 = arith.constant 0 : i32
    %c0_i32_0 = arith.constant 0 : i32
    return %arg0, %c0_i32 : i32, i32
  }
}

module attributes {stable_mosaic.version = 14 : i64} {
  func.func @_c_body(%arg0: i32, %arg1: memref<2x5120x128xf32, #tpu.memory_space<vmem>>, %arg2: memref<5120x1xf32, #tpu.memory_space<vmem>>, %arg3: memref<1x128xf32, #tpu.memory_space<vmem>>, %arg4: memref<5120x128xf32, #tpu.memory_space<vmem>>) attributes {dimension_semantics = [#tpu.dimension_semantics<arbitrary>], iteration_bounds = array<i64: 2>, scalar_prefetch = 0 : i64, scratch_operands = 0 : i64, tpu.core_type = #tpu.core_type<tc>, window_params = [{transform_indices = @transform_0, window_bounds = array<i64: 2, 5120, 128>}, {transform_indices = @transform_1, window_bounds = array<i64: 5120, 1>}, {pipeline_mode = #tpu.pipeline_mode<synchronous>, transform_indices = @transform_2, window_bounds = array<i64: 1, 128>}, {transform_indices = @transform_3, window_bounds = array<i64: 5120, 128>}]} {
    %get3A = arith.constant 0 : index
    %get3A_0 = arith.constant 0 : index
    %get3A_1 = arith.constant 0 : index
    %get3A_2 = vector.load %arg1[%get3A, %get3A_0, %get3A_1] : memref<2x5120x128xf32, #tpu.memory_space<vmem>>, vector<1x5120x128xf32>
    %get3A_3 = vector.shape_cast %get3A_2 : vector<1x5120x128xf32> to vector<5120x128xf32>
    %get3A_4 = arith.constant 1 : index
    %get3A_5 = arith.constant 0 : index
    %get3A_6 = arith.constant 0 : index
    %get3A_7 = vector.load %arg1[%get3A_4, %get3A_5, %get3A_6] : memref<2x5120x128xf32, #tpu.memory_space<vmem>>, vector<1x5120x128xf32>
    %get3A_8 = vector.shape_cast %get3A_7 : vector<1x5120x128xf32> to vector<5120x128xf32>
    %add3A = arith.addf %get3A_3, %get3A_8 : vector<5120x128xf32>
    %get3A_9 = arith.constant 0 : index
    %get3A_10 = arith.constant 0 : index
    %get3A_11 = vector.load %arg2[%get3A_9, %get3A_10] : memref<5120x1xf32, #tpu.memory_space<vmem>>, vector<5120x1xf32>
    %mul3A = vector.broadcast %get3A_11 : vector<5120x1xf32> to vector<5120x128xf32>
    %mul3A_12 = arith.mulf %add3A, %mul3A : vector<5120x128xf32>
    %get3A_13 = arith.constant 0 : index
    %get3A_14 = arith.constant 0 : index
    %get3A_15 = vector.load %arg3[%get3A_13, %get3A_14] : memref<1x128xf32, #tpu.memory_space<vmem>>, vector<1x128xf32>
    %add3A_16 = vector.broadcast %get3A_15 : vector<1x128xf32> to vector<5120x128xf32>
    %add3A_17 = arith.addf %mul3A_12, %add3A_16 : vector<5120x128xf32>
    %reduce_max3A = arith.constant dense<0xFF800000> : vector<5120xf32>
    %reduce_max3A_18 = vector.multi_reduction <maximumf>, %add3A_17, %reduce_max3A [1] : vector<5120x128xf32> to vector<5120xf32>
    %broadcast_in_dim3A = vector.shape_cast %reduce_max3A_18 : vector<5120xf32> to vector<5120x1xf32>
    %sub3A = vector.broadcast %broadcast_in_dim3A : vector<5120x1xf32> to vector<5120x128xf32>
    %sub3A_19 = arith.subf %add3A_17, %sub3A : vector<5120x128xf32>
    %exp3A = math.exp %sub3A_19 : vector<5120x128xf32>
    %reduce_sum3A = arith.constant dense<0.000000e+00> : vector<5120xf32>
    %reduce_sum3A_20 = vector.multi_reduction <add>, %exp3A, %reduce_sum3A [1] : vector<5120x128xf32> to vector<5120xf32>
    %broadcast_in_dim3A_21 = vector.shape_cast %reduce_sum3A_20 : vector<5120xf32> to vector<5120x1xf32>
    %log3A = math.log %broadcast_in_dim3A_21 : vector<5120x1xf32>
    %add3A_22 = arith.addf %log3A, %broadcast_in_dim3A : vector<5120x1xf32>
    %sub3A_23 = vector.broadcast %add3A_22 : vector<5120x1xf32> to vector<5120x128xf32>
    %sub3A_24 = arith.subf %add3A_17, %sub3A_23 : vector<5120x128xf32>
    %swap3A = arith.constant 0 : index
    %swap3A_25 = arith.constant 0 : index
    %swap3A_26 = vector.load %arg4[%swap3A, %swap3A_25] : memref<5120x128xf32, #tpu.memory_space<vmem>>, vector<5120x128xf32>
    tpu.vector_store %arg4[%swap3A, %swap3A_25], %sub3A_24 {strides = array<i32>} : memref<5120x128xf32, #tpu.memory_space<vmem>>, vector<5120x128xf32>,
    return
  }
  func.func @transform_0(%arg0: i32) -> (i32, i32, i32) {
    %c0_i32 = arith.constant 0 : i32
    %c0_i32_0 = arith.constant 0 : i32
    %c0_i32_1 = arith.constant 0 : i32
    return %c0_i32, %arg0, %c0_i32_0 : i32, i32, i32
  }
  func.func @transform_1(%arg0: i32) -> (i32, i32) {
    %c0_i32 = arith.constant 0 : i32
    %c0_i32_0 = arith.constant 0 : i32
    return %arg0, %c0_i32 : i32, i32
  }
  func.func @transform_2(%arg0: i32) -> (i32, i32) {
    %c0_i32 = arith.constant 0 : i32
    %c0_i32_0 = arith.constant 0 : i32
    %c0_i32_1 = arith.constant 0 : i32
    return %c0_i32, %c0_i32_0 : i32, i32
  }
  func.func @transform_3(%arg0: i32) -> (i32, i32) {
    %c0_i32 = arith.constant 0 : i32
    %c0_i32_0 = arith.constant 0 : i32
    return %arg0, %c0_i32 : i32, i32
  }
}

</mosaic_0001>

<sc_bundles>
// kernel: kernel.10.cloned.1.call-start
scs
__scs_entry_jumppad:
0x0: {  	(pc) =	sbr.rel $0x88, $3  }
0x1: {  	(tag) =	ssettag $0x0;
	lr =	simm.s32 $0x1  }
0x2: {  	[smem:$0x3F95] =	sst lr;
	_ =	strace $0xD0000000  }
0x3: {  	_ = 	snop  }
0x4: {  	_ = 	snop  }
0x5: {  	_ = 	snop  }
0x6: {  	_ = 	snop  }
0x7: {  	_ = 	snop  }
__scs_overlays_trampoline_lowered:
0x8: {  	[smem:$0x3FA4] =	sst s0  }
0x9: {  	[smem:$0x3FA5] =	sst s1  }
0xa: {  	[smem:$0x3FA6] =	sst s2  }
0xb: {  	[smem:$0x3FA7] =	sst s3  }
0xc: {  	[smem:$0x3FA8] =	sst s4  }
0xd: {  	[smem:$0x3FA9] =	sst s5  }
0xe: {  	[smem:$0x3FAA] =	sst s6  }
0xf: {  	[smem:$0x3FAB] =	sst s7  }
0x10: {  	[smem:$0x3FAC] =	sst s8  }
0x11: {  	[smem:$0x3FAD] =	sst s9;
	s0 =	simm.s32 @!p0 $0x0  }
0x12: {  	s1 =	sld [smem:$0x3F93];
	s0 =	simm.s32 @p0 $0x1  }
0x13: {  	[smem:$0x3FAE] =	sst s0;
	s0 =	simm.s32 @!p1 $0x0  }
0x14: {  	s2 =	sld [smem:$0x3F92];
	s0 =	simm.s32 @p1 $0x1  }
0x15: {  	[smem:$0x3FAF] =	sst s0;
	s0 =	simm.s32 @!p2 $0x0  }
0x16: {  	s3 =	sld [smem:$0x3FDB];
	s0 =	simm.s32 @p2 $0x1  }
0x17: {  	s4 =	simm.s32 $0x1BF5;
	[smem:$0x3FB1] =	sst s0  }
0x18: {  	s0 =	sld [smem:$0x3F94];
	_ =	swait.ge [sflag:s4], $0x0  }
0x19: {  	s7 =	sld [smem:$0x3F95]  }
0x1a: {  	s8 =	sadd.s32 $0xFFFFE003, lr  }
0x1b: {  	s9 =	sadd.s32 $0xFFFFFEF7, lr;
	s5 =	simm.s32 $0xFFFFFFFF;
	p2 =	slt.u32 s8, $0xFFFFF086  }
0x1c: {  	p1 =	slt.u32 s9, $0xF7A;
	s5 =	simm.s32 @!p2 $0x0  }
0x1d: {  	s5 =	simm.s32 @p1 $0x1;
	p0 =	seq.s32 s7, s2  }
0x1e: {  	s7 =	smul.u32 @!p0 $0xF7A, s2;
	p2 =	seq.s32 @!p0 s5, $0x0  }
0x1f: {  	s9 =	smul.u32 $0xF7A, s1;
	s8 =	simm.s32 @!p0 $0x1BF5;
	p2 =	por !p2, p0  }
0x20: {  	[sflag:s8] =	ssyncset.s32 @!p0 $0xFFFFF086;
	s6 =	sadd.s32 @!p0 s3, s7;
	s7 =	simm.s32 @!p0 $0x108  }
0x21: {  	s3 =	sadd.s32 s3, s9;
	s6 =	sadd.s32 @!p0 $0x88, s6;
	s7 =	simm.s32 @p2 $0x1082  }
0x22: {  	[simem:s7], [sflag:s8] =	dma.local @!p0 [hbm:s6], $0xF7A  }
0x23: {  	s9 =	sor.u32 $0xD0000000, s2;
	s6 =	simm.s32 $0x108;
	_ =	swait.ge @!p0 [sflag:s8], $0x0  }
0x24: {  	s3 =	sadd.s32 $0x88, s3;
	s6 =	simm.s32 @!p1 $0x1082;
	[sflag:s4] =	ssyncset.s32 $0xFFFFF086  }
0x25: {  	[simem:s6], [sflag:s4] =	dma.local [hbm:s3], $0xF7A  }
0x26: {  	[smem:$0x3F95] =	sst s1;
	(tag) =	ssettag s2;
	_ =	strace s9  }
0x27: {  	s1 =	sld [smem:$0x3FA5]  }
0x28: {  	s2 =	sld [smem:$0x3FA6]  }
0x29: {  	s4 =	sld [smem:$0x3FA8]  }
0x2a: {  	p0 =	seq.s32 s5, $0x0;
	s5 =	sld [smem:$0x3FA9]  }
0x2b: {  	s6 =	sld [smem:$0x3FAA]  }
0x2c: {  	s7 =	sld [smem:$0x3FAB]  }
0x2d: {  	s3 =	simm.s32 $0x108;
	s8 =	sld [smem:$0x3FAC]  }
0x2e: {  	s3 =	simm.s32 @!p0 $0x1082;
	s9 =	sld [smem:$0x3FAD]  }
0x2f: {  	lr =	sadd.s32 s0, s3;
	s0 =	sld [smem:$0x3FA4]  }
0x30: {  	s3 =	sld [smem:$0x3FA7]  }
0x31: {  	[smem:$0x3FB0] =	sst s10  }
0x32: {  	s10 =	sld [smem:$0x3FAE];
	_ =	sdelay $0x3  }
0x33: {  	p0 =	seq.s32 s10, $0x1;
	s10 =	sld [smem:$0x3FB0];
	_ =	sdelay $0x3  }
0x34: {  	[smem:$0x3FB0] =	sst s10  }
0x35: {  	s10 =	sld [smem:$0x3FAF];
	_ =	sdelay $0x3  }
0x36: {  	p1 =	seq.s32 s10, $0x1;
	s10 =	sld [smem:$0x3FB0];
	_ =	sdelay $0x3  }
0x37: {  	[smem:$0x3FB0] =	sst s10  }
0x38: {  	s10 =	sld [smem:$0x3FB1]  }
0x39: {  	_ = 	snop;
	(pc) =	sbr.ind lr, $3  }
0x3a: {  	_ = 	snop  }
0x3b: {  	_ = 	snop  }
0x3c: {  	p2 =	seq.s32 s10, $0x1;
	s10 =	sld [smem:$0x3FB0]  }
0x3d: {  	_ =	shalt  }
0x3e: {  	_ =	shalt  }
0x3f: {  	_ =	shalt  }
0x40: {  	_ =	shalt  }
0x41: {  	_ =	shalt  }
0x42: {  	_ =	shalt  }
0x43: {  	_ =	shalt  }
0x44: {  	_ =	shalt  }
0x45: {  	_ =	shalt  }
0x46: {  	_ =	shalt  }
0x47: {  	_ =	shalt  }
0x48: {  	_ =	shalt  }
0x49: {  	_ =	shalt  }
0x4a: {  	_ =	shalt  }
0x4b: {  	_ =	shalt  }
0x4c: {  	_ =	shalt  }
0x4d: {  	_ =	shalt  }
0x4e: {  	_ =	shalt  }
0x4f: {  	_ =	shalt  }
0x50: {  	_ =	shalt  }
0x51: {  	_ =	shalt  }
0x52: {  	_ =	shalt  }
0x53: {  	_ =	shalt  }
0x54: {  	_ =	shalt  }
0x55: {  	_ =	shalt  }
0x56: {  	_ =	shalt  }
0x57: {  	_ =	shalt  }
0x58: {  	_ =	shalt  }
0x59: {  	_ =	shalt  }
0x5a: {  	_ =	shalt  }
0x5b: {  	_ =	shalt  }
0x5c: {  	_ =	shalt  }
0x5d: {  	_ =	shalt  }
0x5e: {  	_ =	shalt  }
0x5f: {  	_ =	shalt  }
0x60: {  	_ =	shalt  }
0x61: {  	_ =	shalt  }
0x62: {  	_ =	shalt  }
0x63: {  	_ =	shalt  }
0x64: {  	_ =	shalt  }
0x65: {  	_ =	shalt  }
0x66: {  	_ =	shalt  }
0x67: {  	_ =	shalt  }
0x68: {  	_ =	shalt  }
0x69: {  	_ =	shalt  }
0x6a: {  	_ =	shalt  }
0x6b: {  	_ =	shalt  }
0x6c: {  	_ =	shalt  }
0x6d: {  	_ =	shalt  }
0x6e: {  	_ =	shalt  }
0x6f: {  	_ =	shalt  }
0x70: {  	_ =	shalt  }
0x71: {  	_ =	shalt  }
0x72: {  	_ =	shalt  }
0x73: {  	_ =	shalt  }
0x74: {  	_ =	shalt  }
0x75: {  	_ =	shalt  }
0x76: {  	_ =	shalt  }
0x77: {  	_ =	shalt  }
0x78: {  	_ =	shalt  }
0x79: {  	_ =	shalt  }
0x7a: {  	_ =	shalt  }
0x7b: {  	_ =	shalt  }
0x7c: {  	_ =	shalt  }
0x7d: {  	_ =	shalt  }
0x7e: {  	_ =	shalt  }
0x7f: {  	_ =	shalt  }
0x80: {  	_ =	shalt  }
0x81: {  	_ =	shalt  }
0x82: {  	_ =	shalt  }
0x83: {  	_ =	shalt  }
0x84: {  	_ =	shalt  }
0x85: {  	_ =	shalt  }
0x86: {  	_ =	shalt  }
0x87: {  	_ =	shalt  }
.Lfunc_end0:
.L_simem_size_0:
called_computation_lowered:
.L_overlay_start_0:
0x88: {  	s2 =	sld [smem:$0x3FD9]  }
0x89: {  	s3 =	sld [smem:$0x3FFE];
	_ =	sdelay $0x1  }
0x8a: {  	s1 =	srdreg.scid  }
0x8b: {  	s0 =	sand.u32 $0x1, s1  }
0x8c: {  	s17 =	sshll.u32 s0, $0xA;
	s2 =	sadd.s32 s3, s2  }
0x8d: {  	s2 =	sadd.s32 s2, s17  }
0x8e: {  	[smem:$0x3FBC] =	sst s2  }
0x8f: {  	_ = 	snop  }
0x90: {  	s2 =	sld [smem:$0x3FD0];
	(tm) =	ssettm $0x1  }
0x91: {  	s18 =	sld [smem:$0x3FFB];
	_ =	sdelay $0x3  }
0x92: {  	_ =	strace s18  }
0x93: {  	s3 =	sld [smem:$0x3FFC];
	_ =	sdelay $0x3  }
0x94: {  	_ =	strace s3  }
0x95: {  	s3 =	sld [smem:$0x3FFD];
	_ =	sdelay $0x3  }
0x96: {  	_ =	strace s3  }
0x97: {  	_ =	strace $0x8FFFFFFF  }
0x98: {  	s19 =	sld [smem:$0x3FDB];
	_ =	sdelay $0x1  }
0x99: {  	s4 =	simm.s32 $_scs_section_size  }
0x9a: {  	s5 =	simm.s32 $_size__tile_overlayer_lowered;
	s6 =	simm.s32 $_tile_overlayer_lowered  }
0x9b: {  	s22 =	simm.s32 $0x1BFF;
	s21 =	sshll.u32 s6, $0x1;
	s3 =	sadd.s32 s4, s19  }
0x9c: {  	s7 =	simm.s32 $0x0;
	s20 =	sshll.u32 s5, $0x1;
	s5 =	sadd.s32 s21, s3  }
0x9d: {  	[timem:s7], [sflag:s22] =	dma.local [hbm:s5], s20  }
0x9e: {  	_ =	swait.ge [sflag:s22], s20  }
0x9f: {  	s4 =	ssub.s32 $0x0, s20;
	[sflag:s22] =	ssyncset.done $0x0  }
0xa0: {  	[sflag:s22] =	ssyncadd.s32 s4;
	_ =	sdelay $0x1  }
0xa1: {  	s23 =	simm.s32 $0x1B8B  }
0xa2: {  	_ =	swait.ge [sflag:s23], $0x1  }
0xa3: {  	[sflag:s23] =	ssyncset.done $0x0  }
0xa4: {  	s25 =	simm.s32 $0x1B8E;
	s24 =	sld [smem:$0x3FFE];
	[sflag:s23] =	ssyncadd.s32 $0xFFFFFFFF  }
0xa5: {  	s26 =	simm.s32 $execute0_lowered;
	[smem:$0x3FD2] =	sst s25  }
0xa6: {  	s5 =	sshll.u32 s26, $0x1;
	_ =	strace $0x80000046;
	[dreg:$0x1] =	wrdreg $0xFFFFFFFF  }
0xa7: {  	s28 =	simm.s32 $_size_execute0_lowered;
	s3 =	sadd.s32 s3, s5;
	[dreg:$0x0] =	wrdreg $0x0  }
0xa8: {  	s5 =	sshll.u32 s28, $0x1;
	[dreg:$0x2] =	wrdreg s3  }
0xa9: {  	[dreg:$0x3] =	wrdreg s5  }
0xaa: {  	[dreg:$0x4] =	wrdreg $0xC0  }
0xab: {  	_ =	task [dreg:s7], $0x5FFFF  }
0xac: {  	[dreg:$0x1] =	wrdreg $0xFFFFFFFF  }
0xad: {  	[dreg:$0x0] =	wrdreg $0x60  }
0xae: {  	[dreg:$0x2] =	wrdreg s2  }
0xaf: {  	[dreg:$0x3] =	wrdreg s24  }
0xb0: {  	[dreg:$0x4] =	wrdreg $0x40800  }
0xb1: {  	[dreg:$0x5] =	wrdreg $0x9  }
0xb2: {  	_ =	task.clear_ibuf [dreg:s7], $0x6FFFF;
	_ =	strace $0x90000046  }
0xb3: {  	s29 =	simm.s32 $0x9;
	_ =	strace $0x80000048  }
0xb4: {  	_ =	swait.ge [sflag:s29], $0x1  }
0xb5: {  	[sflag:s29] =	ssyncadd.s32 $0xFFFFFFFF  }
0xb6: {  	_ =	strace $0x90000048  }
0xb7: {  	_ =	sfence  }
0xb8: {  	s30 =	sld [smem:$0x0];
	_ =	sdelay $0x2  }
0xb9: {  	s31 =	sshll.u32 s1, $0xD;
	s1 =	sshrl.u32 s1, $0x2  }
0xba: {  	s3 =	sand.u32 $0x4000, s31;
	s1 =	sadd.s32 s1, s30  }
0xbb: {  	s0 =	sor.u32 s3, s0;
	s1 =	sshll.u32 s1, $0x11  }
0xbc: {  	s0 =	sor.u32 s1, s0  }
0xbd: {  	s0 =	sadd.s32 $0x8F2B, s0  }
0xbe: {  	[sflag:s0] =	ssyncadd.remote.s32 $0x1  }
0xbf: {  	_ =	sfence.sel $0xFFFF  }
0xc0: {  	[dreg:$0x0] =	wrdreg $0xFFFFFFFF;
	(pc) =	sbr.abs _section_cstart, $3  }
0xc1: {  	[dreg:$0x1] =	wrdreg $0xFFFFFFFF  }
0xc2: {  	_ =	task.clear_ibuf [dreg:s7], $0x2FFFF;
	_ =	strace $0x9FFFFFFF  }
0xc3: {  	(tm) =	ssettm $0x7FFFFFFF  }
tec
execute0_lowered:
.L_overlay_start_1:
0x0: {  	(tag) =	ssettag $0x1  }
0x1: {  	s5 =	rddreg [dreg:$0x0];
	s1 =	srdreg.scid  }
0x2: {  	s0 =	stileid.u32;
	s6 =	rddreg [dreg:$0x1]  }
0x3: {  	s2 =	rddreg [dreg:$0x2];
	s3 =	simm.s32 $0x0;
	s12 =	simm.s32 $0x50  }
0x4: {  	s13 =	simm.s32 $0x4000;
	s14 =	simm.s32 $0x2;
	s15 =	simm.s32 $0x20  }
0x5: {  	s16 =	simm.s32 $0x10;
	s7 =	sand.u32 $0x1, s1;
	s1 =	rddreg [dreg:$0x3]  }
0x6: {  	s17 =	simm.s32 $0x0;
	s4 =	smul.u32 $0x500, s0;
	[smem:$0x7FF] =	sst s3  }
0x7: {  	s9 =	smul.u32 $0xA00, s0;
	s11 =	sshll.u32 s0, $0xC;
	s31 =	sshll.u32 s0, $0x6  }
0x8: {  	s8 =	sshll.u32 s7, $0x7;
	_ =	strace $0x80000047;
	s29 =	ssub.s32 $0x2, s7  }
0x9: {  	s7 =	sshll.u32 s7, $0xB;
	s4 =	sor.u32 s8, s4;
	s10 =	sshrl.u32 s29, $0x1  }
0xa: {  	s5 =	sadd.s32 s7, s5;
	s30 =	sshrl.u32 s9, $0x2;
	s8 =	sshrl.u32 s4, $0x3  }
0xb: {  	s4 =	sadd.s32 $0x3800, s6;
	s10 =	ssub.s32 s29, s10;
	s5 =	sadd.s32 s11, s5  }
0xc: {  	s9 =	sadd.s32 s30, s2;
	s11 =	simm.s32 $0x1;
	s8 =	sadd.s32 s8, s6  }
0xd: {  	s5 =	sadd.s32 $0x10000, s5;
	s6 =	sor.u32 $0x1C03, s31;
	s9 =	sshrl.u32 s9, $0x3  }
0xe: {  	v0 =	vimm.f32 $1.000000000e+00;
	s7 =	sadd.s32 $0x3A00, s8;
	s8 =	smax.u32 s10, $0x1;
	s10 =	simm.s32 $0x3  }
.LBB2_1:
0xf: {  	[tilespmem:s3], [sflag:$0x1] =	stream.linear.gather [hbm4b:s5+s3], $0x3E80, $0x38;
	[tilespmem:$0x4300] =	vst v63  }
0x10: {  	[tilespmem:$0x4000] =	vst v0  }
0x11: {  	[tilespmem:$0x4010] =	vst v0  }
0x12: {  	[tilespmem:$0x4020] =	vst v0  }
0x13: {  	[tilespmem:$0x4030] =	vst v0  }
0x14: {  	[tilespmem:$0x4040] =	vst v0  }
0x15: {  	[spmem:s9], [sflag:s6] =	dma.local [hbm:s4], $0x50  }
0x16: {  	_ =	swait.ge [sflag:s10], $0x50  }
0x17: {  	[sflag:s10] =	ssyncset.done $0x0  }
0x18: {  	[sflag:s10] =	ssyncadd.s32 $0xFFFFFFB0  }
0x19: {  	_ =	swait.ge [sflag:s11], $0x3E80  }
0x1a: {  	[sflag:s11] =	ssyncset.done $0x0  }
0x1b: {  	[sflag:s11] =	ssyncadd.s32 $0xFFFFC180  }
0x1c: {  	s18 =	simm.s32 $0x0;
	[bflag:$0x0] =	sbarrier.arrive $0xFFFF  }
0x1d: {  	[spmem:s2] =	stream.indirect.scatter.add.f32 [tilespmem:s13], [sflag:$0x2], $0x1, s18, s12, $0xb8;
	[tilespmem:$0x4300] =	vst v63  }
0x1e: {  	s28 =	simm.s32 $0x80  }
0x1f: {  	[spmem:s2] =	stream.indirect.scatter.add.f32 [tilespmem:s13], [sflag:$0x2], $0x1, s28, s12, $0xb8;
	[tilespmem:$0x4300] =	vst v63  }
0x20: {  	s29 =	simm.s32 $0x100  }
0x21: {  	[spmem:s2] =	stream.indirect.scatter.add.f32 [tilespmem:s13], [sflag:$0x2], $0x1, s29, s12, $0xb8;
	[tilespmem:$0x4300] =	vst v63  }
0x22: {  	s30 =	simm.s32 $0x180  }
0x23: {  	[spmem:s2] =	stream.indirect.scatter.add.f32 [tilespmem:s13], [sflag:$0x2], $0x1, s30, s12, $0xb8;
	[tilespmem:$0x4300] =	vst v63  }
0x24: {  	s31 =	simm.s32 $0x200  }
0x25: {  	[spmem:s2] =	stream.indirect.scatter.add.f32 [tilespmem:s13], [sflag:$0x2], $0x1, s31, s12, $0xb8;
	[tilespmem:$0x4300] =	vst v63  }
0x26: {  	_ =	swait.ge [sflag:s14], $0x50  }
0x27: {  	[sflag:s14] =	ssyncset.done $0x0  }
0x28: {  	[sflag:s14] =	ssyncadd.s32 $0xFFFFFFB0  }
0x29: {  	_ =	swait.ge [sflag:s14], $0x50  }
0x2a: {  	[sflag:s14] =	ssyncset.done $0x0  }
0x2b: {  	[sflag:s14] =	ssyncadd.s32 $0xFFFFFFB0  }
0x2c: {  	_ =	swait.ge [sflag:s14], $0x50  }
0x2d: {  	[sflag:s14] =	ssyncset.done $0x0  }
0x2e: {  	[sflag:s14] =	ssyncadd.s32 $0xFFFFFFB0  }
0x2f: {  	_ =	swait.ge [sflag:s14], $0x50  }
0x30: {  	[sflag:s14] =	ssyncset.done $0x0  }
0x31: {  	[sflag:s14] =	ssyncadd.s32 $0xFFFFFFB0  }
0x32: {  	_ =	swait.ge [sflag:s14], $0x50  }
0x33: {  	s19 =	simm.s32 $0x1400;
	s18 =	simm.s32 $0xA00;
	[sflag:s14] =	ssyncset.done $0x0  }
.LBB2_2:
0x34: {  	s20 =	sshra.s32 s18, $0x2  }
0x35: {  	[sflag:s14] =	ssyncadd.s32 $0xFFFFFFB0;
	s18 =	smov.u32 s19;
	s21 =	sadd.s32 $0xA00, s19  }
0x36: {  	[spmem:s2] =	stream.indirect.scatter.add.f32 [tilespmem:s13], [sflag:$0x2], $0x1, s20, s12, $0xb8;
	[tilespmem:$0x4300] =	vst v63  }
0x37: {  	p0 =	sne.s32 s19, $0xF000;
	s19 =	sadd.s32 $0x80, s20  }
0x38: {  	[spmem:s2] =	stream.indirect.scatter.add.f32 [tilespmem:s13], [sflag:$0x2], $0x1, s19, s12, $0xb8;
	[tilespmem:$0x4300] =	vst v63  }
0x39: {  	s19 =	sadd.s32 $0x100, s20  }
0x3a: {  	[spmem:s2] =	stream.indirect.scatter.add.f32 [tilespmem:s13], [sflag:$0x2], $0x1, s19, s12, $0xb8;
	[tilespmem:$0x4300] =	vst v63  }
0x3b: {  	s19 =	sadd.s32 $0x180, s20  }
0x3c: {  	[spmem:s2] =	stream.indirect.scatter.add.f32 [tilespmem:s13], [sflag:$0x2], $0x1, s19, s12, $0xb8;
	[tilespmem:$0x4300] =	vst v63  }
0x3d: {  	s19 =	sadd.s32 $0x200, s20  }
0x3e: {  	[spmem:s2] =	stream.indirect.scatter.add.f32 [tilespmem:s13], [sflag:$0x2], $0x1, s19, s12, $0xb8;
	[tilespmem:$0x4300] =	vst v63  }
0x3f: {  	_ =	swait.ge [sflag:s14], $0x50  }
0x40: {  	[sflag:s14] =	ssyncset.done $0x0  }
0x41: {  	[sflag:s14] =	ssyncadd.s32 $0xFFFFFFB0  }
0x42: {  	_ =	swait.ge [sflag:s14], $0x50  }
0x43: {  	[sflag:s14] =	ssyncset.done $0x0  }
0x44: {  	[sflag:s14] =	ssyncadd.s32 $0xFFFFFFB0  }
0x45: {  	_ =	swait.ge [sflag:s14], $0x50  }
0x46: {  	[sflag:s14] =	ssyncset.done $0x0  }
0x47: {  	[sflag:s14] =	ssyncadd.s32 $0xFFFFFFB0  }
.Ltmp0:
0x48: {  	_ =	swait.ge [sflag:s14], $0x50;
	(pc) =	sbr.rel @p0 .LBB2_2-.Ltmp0, $4  }
0x49: {  	[sflag:s14] =	ssyncset.done $0x0  }
0x4a: {  	[sflag:s14] =	ssyncadd.s32 $0xFFFFFFB0  }
0x4b: {  	_ =	swait.ge [sflag:s14], $0x50  }
0x4c: {  	s19 =	smov.u32 s21;
	[sflag:s14] =	ssyncset.done $0x0  }
0x4d: {  	s18 =	sshra.s32 s18, $0x2;
	[sflag:s14] =	ssyncadd.s32 $0xFFFFFFB0  }
0x4e: {  	[spmem:s2] =	stream.indirect.scatter.add.f32 [tilespmem:s13], [sflag:$0x2], $0x1, s18, s12, $0xb8;
	[tilespmem:$0x4300] =	vst v63  }
0x4f: {  	s19 =	sadd.s32 $0x80, s18  }
0x50: {  	[spmem:s2] =	stream.indirect.scatter.add.f32 [tilespmem:s13], [sflag:$0x2], $0x1, s19, s12, $0xb8;
	[tilespmem:$0x4300] =	vst v63  }
0x51: {  	s30 =	sadd.s32 $0x100, s18  }
0x52: {  	[spmem:s2] =	stream.indirect.scatter.add.f32 [tilespmem:s13], [sflag:$0x2], $0x1, s30, s12, $0xb8;
	[tilespmem:$0x4300] =	vst v63  }
0x53: {  	s31 =	sadd.s32 $0x180, s18  }
0x54: {  	[spmem:s2] =	stream.indirect.scatter.add.f32 [tilespmem:s13], [sflag:$0x2], $0x1, s31, s12, $0xb8;
	[tilespmem:$0x4300] =	vst v63  }
0x55: {  	s18 =	sadd.s32 $0x200, s18  }
0x56: {  	[spmem:s2] =	stream.indirect.scatter.add.f32 [tilespmem:s13], [sflag:$0x2], $0x1, s18, s12, $0xb8;
	[tilespmem:$0x4300] =	vst v63  }
0x57: {  	_ =	swait.ge [sflag:s14], $0x50  }
0x58: {  	[sflag:s14] =	ssyncset.done $0x0  }
0x59: {  	[sflag:s14] =	ssyncadd.s32 $0xFFFFFFB0  }
0x5a: {  	_ =	swait.ge [sflag:s14], $0x50  }
0x5b: {  	[sflag:s14] =	ssyncset.done $0x0  }
0x5c: {  	[sflag:s14] =	ssyncadd.s32 $0xFFFFFFB0  }
0x5d: {  	_ =	swait.ge [sflag:s14], $0x50  }
0x5e: {  	[sflag:s14] =	ssyncset.done $0x0  }
0x5f: {  	[sflag:s14] =	ssyncadd.s32 $0xFFFFFFB0  }
0x60: {  	_ =	swait.ge [sflag:s14], $0x50  }
0x61: {  	[sflag:s14] =	ssyncset.done $0x0  }
0x62: {  	[sflag:s14] =	ssyncadd.s32 $0xFFFFFFB0  }
0x63: {  	_ =	swait.ge [sflag:s14], $0x50  }
0x64: {  	s17 =	sadd.s32 $0x1, s17;
	[sflag:s14] =	ssyncset.done $0x0  }
0x65: {  	p0 =	sne.s32 s17, s8;
	[sflag:s14] =	ssyncadd.s32 $0xFFFFFFB0  }
.Ltmp1:
0x66: {  	[bflag:$0x0] =	sbarrier.arrive $0xFFFF;
	(pc) =	sbr.rel @p0 .LBB2_1-.Ltmp1, $4  }
0x67: {  	[hbm:s7@s15], [sflag:s6] =	dma.strided [spmem:s9@s16], $0x50, s11, $0x10   }
0x68: {  	_ =	swait.ge [sflag:s10], $0x50  }
0x69: {  	[sflag:s10] =	ssyncset.done $0x0  }
0x6a: {  	[sflag:s10] =	ssyncadd.s32 $0xFFFFFFB0  }
0x6b: {  	_ =	sfence.sel $0x180000  }
0x6c: {  	[bflag:$0x0] =	sbarrier.arrive $0xFFFF  }
0x6d: {  	p0 =	sne.s32 s0, $0x0;
	_ =	strace $0x90000047  }
0x6e: {  	s0 =	sadd.s32 @!p0 $0x100000, s1;
	[bflag:$0x2] =	sbarrier.arrive $0xFFFF  }
0x6f: {  	[sflag:s0] =	ssyncadd.tile.s32 @!p0 $0x1;
	_ =	shalt  }
.Lfunc_end2:
_tile_overlayer_lowered:
.L_overlay_start_2:
0x70: {  	(tag) =	ssettag $0x2  }
0x71: {  	s0 =	rddreg [dreg:$0x0];
	s2 =	stileid.u32  }
0x72: {  	s1 =	rddreg [dreg:$0x1];
	p0 =	sne.s32 s2, $0x0  }
0x73: {  	s3 =	rddreg [dreg:$0x2];
	[bflag:$0x3] =	sbarrier.arrive $0xFFFF;
	s2 =	simm.s32 @!p0 $0x1C03  }
0x74: {  	[timem:s3], [sflag:s2] =	dma.local @!p0 [hbm:s0], s1  }
0x75: {  	s0 =	simm.s32 @!p0 $0x3  }
0x76: {  	_ =	swait.ge @!p0 [sflag:s0], s1  }
0x77: {  	s1 =	ssub.s32 @!p0 $0x0, s1;
	[sflag:s0] =	ssyncset.done @!p0 $0x0  }
0x78: {  	[sflag:s0] =	ssyncadd.s32 @!p0 s1  }
0x79: {  	[bflag:$0x3] =	sbarrier.arrive $0xFFFF  }
0x7a: {  	_ =	shalt  }

// kernel: kernel.13.cloned.1.call-start
scs
__scs_entry_jumppad:
0x0: {  	(pc) =	sbr.rel $0x88, $3  }
0x1: {  	(tag) =	ssettag $0x0;
	lr =	simm.s32 $0x1  }
0x2: {  	[smem:$0x3F95] =	sst lr;
	_ =	strace $0xD0000000  }
0x3: {  	_ = 	snop  }
0x4: {  	_ = 	snop  }
0x5: {  	_ = 	snop  }
0x6: {  	_ = 	snop  }
0x7: {  	_ = 	snop  }
__scs_overlays_trampoline_lowered:
0x8: {  	[smem:$0x3FA4] =	sst s0  }
0x9: {  	[smem:$0x3FA5] =	sst s1  }
0xa: {  	[smem:$0x3FA6] =	sst s2  }
0xb: {  	[smem:$0x3FA7] =	sst s3  }
0xc: {  	[smem:$0x3FA8] =	sst s4  }
0xd: {  	[smem:$0x3FA9] =	sst s5  }
0xe: {  	[smem:$0x3FAA] =	sst s6  }
0xf: {  	[smem:$0x3FAB] =	sst s7  }
0x10: {  	[smem:$0x3FAC] =	sst s8  }
0x11: {  	[smem:$0x3FAD] =	sst s9;
	s0 =	simm.s32 @!p0 $0x0  }
0x12: {  	s1 =	sld [smem:$0x3F93];
	s0 =	simm.s32 @p0 $0x1  }
0x13: {  	[smem:$0x3FAE] =	sst s0;
	s0 =	simm.s32 @!p1 $0x0  }
0x14: {  	s2 =	sld [smem:$0x3F92];
	s0 =	simm.s32 @p1 $0x1  }
0x15: {  	[smem:$0x3FAF] =	sst s0;
	s0 =	simm.s32 @!p2 $0x0  }
0x16: {  	s3 =	sld [smem:$0x3FDB];
	s0 =	simm.s32 @p2 $0x1  }
0x17: {  	s4 =	simm.s32 $0x1BF5;
	[smem:$0x3FB1] =	sst s0  }
0x18: {  	s0 =	sld [smem:$0x3F94];
	_ =	swait.ge [sflag:s4], $0x0  }
0x19: {  	s7 =	sld [smem:$0x3F95]  }
0x1a: {  	s8 =	sadd.s32 $0xFFFFE003, lr  }
0x1b: {  	s9 =	sadd.s32 $0xFFFFFEF7, lr;
	s5 =	simm.s32 $0xFFFFFFFF;
	p2 =	slt.u32 s8, $0xFFFFF086  }
0x1c: {  	p1 =	slt.u32 s9, $0xF7A;
	s5 =	simm.s32 @!p2 $0x0  }
0x1d: {  	s5 =	simm.s32 @p1 $0x1;
	p0 =	seq.s32 s7, s2  }
0x1e: {  	s7 =	smul.u32 @!p0 $0xF7A, s2;
	p2 =	seq.s32 @!p0 s5, $0x0  }
0x1f: {  	s9 =	smul.u32 $0xF7A, s1;
	s8 =	simm.s32 @!p0 $0x1BF5;
	p2 =	por !p2, p0  }
0x20: {  	[sflag:s8] =	ssyncset.s32 @!p0 $0xFFFFF086;
	s6 =	sadd.s32 @!p0 s3, s7;
	s7 =	simm.s32 @!p0 $0x108  }
0x21: {  	s3 =	sadd.s32 s3, s9;
	s6 =	sadd.s32 @!p0 $0x88, s6;
	s7 =	simm.s32 @p2 $0x1082  }
0x22: {  	[simem:s7], [sflag:s8] =	dma.local @!p0 [hbm:s6], $0xF7A  }
0x23: {  	s9 =	sor.u32 $0xD0000000, s2;
	s6 =	simm.s32 $0x108;
	_ =	swait.ge @!p0 [sflag:s8], $0x0  }
0x24: {  	s3 =	sadd.s32 $0x88, s3;
	s6 =	simm.s32 @!p1 $0x1082;
	[sflag:s4] =	ssyncset.s32 $0xFFFFF086  }
0x25: {  	[simem:s6], [sflag:s4] =	dma.local [hbm:s3], $0xF7A  }
0x26: {  	[smem:$0x3F95] =	sst s1;
	(tag) =	ssettag s2;
	_ =	strace s9  }
0x27: {  	s1 =	sld [smem:$0x3FA5]  }
0x28: {  	s2 =	sld [smem:$0x3FA6]  }
0x29: {  	s4 =	sld [smem:$0x3FA8]  }
0x2a: {  	p0 =	seq.s32 s5, $0x0;
	s5 =	sld [smem:$0x3FA9]  }
0x2b: {  	s6 =	sld [smem:$0x3FAA]  }
0x2c: {  	s7 =	sld [smem:$0x3FAB]  }
0x2d: {  	s3 =	simm.s32 $0x108;
	s8 =	sld [smem:$0x3FAC]  }
0x2e: {  	s3 =	simm.s32 @!p0 $0x1082;
	s9 =	sld [smem:$0x3FAD]  }
0x2f: {  	lr =	sadd.s32 s0, s3;
	s0 =	sld [smem:$0x3FA4]  }
0x30: {  	s3 =	sld [smem:$0x3FA7]  }
0x31: {  	[smem:$0x3FB0] =	sst s10  }
0x32: {  	s10 =	sld [smem:$0x3FAE];
	_ =	sdelay $0x3  }
0x33: {  	p0 =	seq.s32 s10, $0x1;
	s10 =	sld [smem:$0x3FB0];
	_ =	sdelay $0x3  }
0x34: {  	[smem:$0x3FB0] =	sst s10  }
0x35: {  	s10 =	sld [smem:$0x3FAF];
	_ =	sdelay $0x3  }
0x36: {  	p1 =	seq.s32 s10, $0x1;
	s10 =	sld [smem:$0x3FB0];
	_ =	sdelay $0x3  }
0x37: {  	[smem:$0x3FB0] =	sst s10  }
0x38: {  	s10 =	sld [smem:$0x3FB1]  }
0x39: {  	_ = 	snop;
	(pc) =	sbr.ind lr, $3  }
0x3a: {  	_ = 	snop  }
0x3b: {  	_ = 	snop  }
0x3c: {  	p2 =	seq.s32 s10, $0x1;
	s10 =	sld [smem:$0x3FB0]  }
0x3d: {  	_ =	shalt  }
0x3e: {  	_ =	shalt  }
0x3f: {  	_ =	shalt  }
0x40: {  	_ =	shalt  }
0x41: {  	_ =	shalt  }
0x42: {  	_ =	shalt  }
0x43: {  	_ =	shalt  }
0x44: {  	_ =	shalt  }
0x45: {  	_ =	shalt  }
0x46: {  	_ =	shalt  }
0x47: {  	_ =	shalt  }
0x48: {  	_ =	shalt  }
0x49: {  	_ =	shalt  }
0x4a: {  	_ =	shalt  }
0x4b: {  	_ =	shalt  }
0x4c: {  	_ =	shalt  }
0x4d: {  	_ =	shalt  }
0x4e: {  	_ =	shalt  }
0x4f: {  	_ =	shalt  }
0x50: {  	_ =	shalt  }
0x51: {  	_ =	shalt  }
0x52: {  	_ =	shalt  }
0x53: {  	_ =	shalt  }
0x54: {  	_ =	shalt  }
0x55: {  	_ =	shalt  }
0x56: {  	_ =	shalt  }
0x57: {  	_ =	shalt  }
0x58: {  	_ =	shalt  }
0x59: {  	_ =	shalt  }
0x5a: {  	_ =	shalt  }
0x5b: {  	_ =	shalt  }
0x5c: {  	_ =	shalt  }
0x5d: {  	_ =	shalt  }
0x5e: {  	_ =	shalt  }
0x5f: {  	_ =	shalt  }
0x60: {  	_ =	shalt  }
0x61: {  	_ =	shalt  }
0x62: {  	_ =	shalt  }
0x63: {  	_ =	shalt  }
0x64: {  	_ =	shalt  }
0x65: {  	_ =	shalt  }
0x66: {  	_ =	shalt  }
0x67: {  	_ =	shalt  }
0x68: {  	_ =	shalt  }
0x69: {  	_ =	shalt  }
0x6a: {  	_ =	shalt  }
0x6b: {  	_ =	shalt  }
0x6c: {  	_ =	shalt  }
0x6d: {  	_ =	shalt  }
0x6e: {  	_ =	shalt  }
0x6f: {  	_ =	shalt  }
0x70: {  	_ =	shalt  }
0x71: {  	_ =	shalt  }
0x72: {  	_ =	shalt  }
0x73: {  	_ =	shalt  }
0x74: {  	_ =	shalt  }
0x75: {  	_ =	shalt  }
0x76: {  	_ =	shalt  }
0x77: {  	_ =	shalt  }
0x78: {  	_ =	shalt  }
0x79: {  	_ =	shalt  }
0x7a: {  	_ =	shalt  }
0x7b: {  	_ =	shalt  }
0x7c: {  	_ =	shalt  }
0x7d: {  	_ =	shalt  }
0x7e: {  	_ =	shalt  }
0x7f: {  	_ =	shalt  }
0x80: {  	_ =	shalt  }
0x81: {  	_ =	shalt  }
0x82: {  	_ =	shalt  }
0x83: {  	_ =	shalt  }
0x84: {  	_ =	shalt  }
0x85: {  	_ =	shalt  }
0x86: {  	_ =	shalt  }
0x87: {  	_ =	shalt  }
.Lfunc_end0:
.L_simem_size_0:
called_computation.1_lowered:
.L_overlay_start_0:
0x88: {  	s2 =	sld [smem:$0x3FD9]  }
0x89: {  	s3 =	sld [smem:$0x3FFE];
	_ =	sdelay $0x1  }
0x8a: {  	s1 =	srdreg.scid  }
0x8b: {  	s0 =	sand.u32 $0x1, s1  }
0x8c: {  	s17 =	sshll.u32 s0, $0xA;
	s2 =	sadd.s32 s3, s2  }
0x8d: {  	s2 =	sadd.s32 s2, s17  }
0x8e: {  	[smem:$0x3FBC] =	sst s2  }
0x8f: {  	_ = 	snop  }
0x90: {  	s2 =	sld [smem:$0x3FD0];
	(tm) =	ssettm $0x1  }
0x91: {  	s18 =	sld [smem:$0x3FFB];
	_ =	sdelay $0x3  }
0x92: {  	_ =	strace s18  }
0x93: {  	s3 =	sld [smem:$0x3FFC];
	_ =	sdelay $0x3  }
0x94: {  	_ =	strace s3  }
0x95: {  	s3 =	sld [smem:$0x3FFD];
	_ =	sdelay $0x3  }
0x96: {  	_ =	strace s3  }
0x97: {  	_ =	strace $0x8FFFFFFF  }
0x98: {  	s19 =	sld [smem:$0x3FDB];
	_ =	sdelay $0x1  }
0x99: {  	s4 =	simm.s32 $_scs_section_size  }
0x9a: {  	s5 =	simm.s32 $_size__tile_overlayer_lowered;
	s6 =	simm.s32 $_tile_overlayer_lowered  }
0x9b: {  	s22 =	simm.s32 $0x1BFF;
	s21 =	sshll.u32 s6, $0x1;
	s3 =	sadd.s32 s4, s19  }
0x9c: {  	s7 =	simm.s32 $0x0;
	s20 =	sshll.u32 s5, $0x1;
	s5 =	sadd.s32 s21, s3  }
0x9d: {  	[timem:s7], [sflag:s22] =	dma.local [hbm:s5], s20  }
0x9e: {  	_ =	swait.ge [sflag:s22], s20  }
0x9f: {  	s4 =	ssub.s32 $0x0, s20;
	[sflag:s22] =	ssyncset.done $0x0  }
0xa0: {  	[sflag:s22] =	ssyncadd.s32 s4;
	_ =	sdelay $0x1  }
0xa1: {  	s23 =	simm.s32 $0x1B8B  }
0xa2: {  	_ =	swait.ge [sflag:s23], $0x1  }
0xa3: {  	[sflag:s23] =	ssyncset.done $0x0  }
0xa4: {  	s25 =	simm.s32 $0x1B8E;
	s24 =	sld [smem:$0x3FFE];
	[sflag:s23] =	ssyncadd.s32 $0xFFFFFFFF  }
0xa5: {  	s26 =	simm.s32 $execute0_lowered;
	[smem:$0x3FD2] =	sst s25  }
0xa6: {  	s5 =	sshll.u32 s26, $0x1;
	_ =	strace $0x80000049;
	[dreg:$0x1] =	wrdreg $0xFFFFFFFF  }
0xa7: {  	s28 =	simm.s32 $_size_execute0_lowered;
	s3 =	sadd.s32 s3, s5;
	[dreg:$0x0] =	wrdreg $0x0  }
0xa8: {  	s5 =	sshll.u32 s28, $0x1;
	[dreg:$0x2] =	wrdreg s3  }
0xa9: {  	[dreg:$0x3] =	wrdreg s5  }
0xaa: {  	[dreg:$0x4] =	wrdreg $0xC0  }
0xab: {  	_ =	task [dreg:s7], $0x5FFFF  }
0xac: {  	[dreg:$0x1] =	wrdreg $0xFFFFFFFF  }
0xad: {  	[dreg:$0x0] =	wrdreg $0x60  }
0xae: {  	[dreg:$0x2] =	wrdreg s24  }
0xaf: {  	[dreg:$0x3] =	wrdreg s2  }
0xb0: {  	[dreg:$0x4] =	wrdreg $0xBA000  }
0xb1: {  	[dreg:$0x5] =	wrdreg $0x9  }
0xb2: {  	_ =	task.clear_ibuf [dreg:s7], $0x6FFFF;
	_ =	strace $0x90000049  }
0xb3: {  	s29 =	simm.s32 $0x9;
	_ =	strace $0x8000004B  }
0xb4: {  	_ =	swait.ge [sflag:s29], $0x1  }
0xb5: {  	[sflag:s29] =	ssyncadd.s32 $0xFFFFFFFF  }
0xb6: {  	_ =	strace $0x9000004B  }
0xb7: {  	_ =	sfence  }
0xb8: {  	s30 =	sld [smem:$0x0];
	_ =	sdelay $0x2  }
0xb9: {  	s31 =	sshll.u32 s1, $0xD;
	s1 =	sshrl.u32 s1, $0x2  }
0xba: {  	s3 =	sand.u32 $0x4000, s31;
	s1 =	sadd.s32 s1, s30  }
0xbb: {  	s0 =	sor.u32 s3, s0;
	s1 =	sshll.u32 s1, $0x11  }
0xbc: {  	s0 =	sor.u32 s1, s0  }
0xbd: {  	s0 =	sadd.s32 $0x8F2B, s0  }
0xbe: {  	[sflag:s0] =	ssyncadd.remote.s32 $0x1  }
0xbf: {  	_ =	sfence.sel $0xFFFF  }
0xc0: {  	[dreg:$0x0] =	wrdreg $0xFFFFFFFF;
	(pc) =	sbr.abs _section_cstart, $3  }
0xc1: {  	[dreg:$0x1] =	wrdreg $0xFFFFFFFF  }
0xc2: {  	_ =	task.clear_ibuf [dreg:s7], $0x2FFFF;
	_ =	strace $0x9FFFFFFF  }
0xc3: {  	(tm) =	ssettm $0x7FFFFFFF  }
tec
execute0_lowered:
.L_overlay_start_1:
0x0: {  	(tag) =	ssettag $0x1  }
0x1: {  	s0 =	rddreg [dreg:$0x0]  }
0x2: {  	s2 =	rddreg [dreg:$0x1]  }
0x3: {  	s1 =	rddreg [dreg:$0x2]  }
0x4: {  	s3 =	srdreg.scid;
	s13 =	stileid.u32;
	s28 =	simm.s32 $0x6A00  }
0x5: {  	s29 =	simm.s32 $0x7;
	s30 =	simm.s32 $0x4100;
	s7 =	smul.u32 $0x14000, s13  }
0x6: {  	s31 =	simm.s32 $0x3;
	s5 =	sand.u32 $0x1, s3;
	s11 =	smul.u32 $0x50000, s13  }
0x7: {  	s3 =	simm.s32 $0x0;
	s4 =	sadd.s32 $0xE200, s0;
	s26 =	smul.u32 $0x2800, s13  }
0x8: {  	s8 =	sadd.s32 $0x4400, s0;
	s9 =	sshll.u32 s13, $0x1;
	s14 =	smul.u32 $0x4E20, s13  }
0x9: {  	s6 =	smul.u32 $0x140000, s5;
	[smem:$0x7FF] =	sst s3;
	s10 =	ssub.s32 $0x2, s5  }
0xa: {  	s9 =	sor.u32 s5, s9;
	s16 =	smul.u32 $0x2710, s5;
	p0 =	sne.s32 s5, $0x0  }
0xb: {  	s5 =	simm.s32 $0x9;
	_ =	strace $0x8000004A;
	s24 =	sshrl.u32 s10, $0x1  }
0xc: {  	s12 =	smul.u32 $0x2710, s9;
	s25 =	sshll.u32 s9, $0xB;
	s11 =	sshrl.u32 s11, $0x2  }
0xd: {  	s17 =	sadd.s32 s4, s26;
	s26 =	sshll.u32 s13, $0x6;
	s9 =	simm.s32 $0x6  }
0xe: {  	s6 =	sadd.s32 s7, s6;
	s7 =	sadd.s32 $0x36200, s0;
	s10 =	ssub.s32 s10, s24  }
0xf: {  	s2 =	sadd.s32 s2, s25;
	s11 =	sadd.s32 s11, s1;
	[dreg:$0xd] =	wrdreg s26  }
0x10: {  	s20 =	sadd.s32 s16, s14;
	s6 =	sshrl.u32 s6, $0x3;
	[dreg:$0x4] =	wrdreg s2  }
0x11: {  	s12 =	sshrl.u32 s12, $0x3;
	s19 =	smax.u32 s10, $0x1;
	s23 =	sadd.s32 $0x230, s20  }
0x12: {  	s24 =	sadd.s32 $0x1E0, s20;
	s17 =	smov.u32 @p0 s7;
	s10 =	simm.s32 $0xA  }
0x13: {  	s0 =	sadd.s32 s6, s0;
	s15 =	sadd.s32 s8, s12;
	[dreg:$0x9] =	wrdreg s19  }
0x14: {  	s2 =	sshrl.u32 s23, $0x3;
	s25 =	sshrl.u32 s24, $0x3;
	[dreg:$0x6] =	wrdreg s17  }
0x15: {  	s19 =	sshrl.u32 s11, $0x3;
	s23 =	simm.s32 $0x50;
	s24 =	simm.s32 $0x4200  }
0x16: {  	s11 =	simm.s32 $0x0;
	s18 =	sadd.s32 $0xA, s15;
	[dreg:$0x5] =	wrdreg s15  }
0x17: {  	s0 =	sadd.s32 $0x38A00, s0;
	s21 =	sadd.s32 $0x14, s15;
	[dreg:$0x7] =	wrdreg s18  }
0x18: {  	s22 =	sadd.s32 $0x1E, s15;
	s6 =	sadd.s32 $0x28, s15;
	[dreg:$0x8] =	wrdreg s0  }
0x19: {  	s14 =	sadd.s32 s2, s8;
	s15 =	sadd.s32 s25, s8;
	[dreg:$0xa] =	wrdreg s21  }
0x1a: {  	s25 =	simm.s32 $0x4080;
	s2 =	simm.s32 $0x2;
	[dreg:$0xb] =	wrdreg s22  }
0x1b: {  	[dreg:$0xc] =	wrdreg s6;
	s0 =	sadd.s32 $0x190, s20;
	s20 =	simm.s32 $0x1  }
0x1c: {  	s21 =	simm.s32 $0x4;
	s22 =	simm.s32 $0x4000;
	s0 =	sshrl.u32 s0, $0x3  }
0x1d: {  	s16 =	sadd.s32 s0, s8;
	s0 =	sor.u32 $0x1C04, s26;
	s26 =	simm.s32 $0x8  }
0x1e: {  	s8 =	simm.s32 $0x5;
	[dreg:$0xe] =	wrdreg s0;
	s0 =	simm.s32 $0x9200  }
.LBB2_1:
0x1f: {  	s6 =	rddreg [dreg:$0x4]  }
0x20: {  	s17 =	rddreg [dreg:$0x6]  }
0x21: {  	s7 =	rddreg [dreg:$0xe]  }
0x22: {  	[tilespmem:s3], [sflag:$0x1] =	stream.linear.gather [hbm4b:s6+s3], $0x3E80, $0x38;
	[tilespmem:$0x1FA00] =	vst v63  }
0x23: {  	[spmem:s19], [sflag:s7] =	dma.local [hbm:s17], $0x2800  }
0x24: {  	_ =	swait.ge [sflag:s20], $0x3E80  }
0x25: {  	[sflag:s20] =	ssyncset.done $0x0  }
0x26: {  	[sflag:s20] =	ssyncadd.s32 $0xFFFFC180  }
0x27: {  	_ =	swait.ge [sflag:s21], $0x2800  }
0x28: {  	[sflag:s21] =	ssyncset.done $0x0  }
0x29: {  	[sflag:s21] =	ssyncadd.s32 $0xFFFFD800  }
0x2a: {  	[bflag:$0x0] =	sbarrier.arrive $0xFFFF  }
0x2b: {  	s18 =	rddreg [dreg:$0x5]  }
0x2c: {  	[tilespmem:s22], [sflag:$0x7] =	stream.linear.gather [hbm4b:s18+s3], $0x50, $0x38;
	[tilespmem:$0x1FA00] =	vst v63  }
0x2d: {  	_ = 	snop  }
0x2e: {  	[tilespmem:s24], [sflag:$0x1] =	stream.indirect.gather [hbm4b:s4+s23], $0x80, s3, s23, $0xb8;
	[tilespmem:$0x1FA00] =	vst v63  }
0x2f: {  	s7 =	rddreg [dreg:$0x7]  }
0x30: {  	[tilespmem:s25], [sflag:$0x8] =	stream.linear.gather [hbm4b:s7+s3], $0x50, $0x38;
	[tilespmem:$0x1FA00] =	vst v63  }
0x31: {  	s12 =	simm.s32 $0x80  }
0x32: {  	[tilespmem:s28], [sflag:$0x2] =	stream.indirect.gather [hbm4b:s4+s23], $0x80, s12, s23, $0xb8;
	[tilespmem:$0x1FA00] =	vst v63  }
0x33: {  	_ =	swait.ge [sflag:s20], $0x2800  }
0x34: {  	[sflag:s20] =	ssyncset.done $0x0  }
0x35: {  	[sflag:s20] =	ssyncadd.s32 $0xFFFFD800  }
0x36: {  	_ =	swait.ge [sflag:s29], $0x50  }
0x37: {  	[sflag:s29] =	ssyncset.done $0x0  }
0x38: {  	[sflag:s29] =	ssyncadd.s32 $0xFFFFFFB0  }
0x39: {  	[spmem:s1] =	stream.indirect.scatter.add.f32 [tilespmem:s24], [sflag:$0x4], $0x80, s22, s23, $0xb8;
	[tilespmem:$0x1FA00] =	vst v63  }
0x3a: {  	s13 =	rddreg [dreg:$0xa]  }
0x3b: {  	[tilespmem:s30], [sflag:$0x9] =	stream.linear.gather [hbm4b:s13+s3], $0x50, $0x38;
	[tilespmem:$0x1FA00] =	vst v63  }
0x3c: {  	s17 =	simm.s32 $0x100  }
0x3d: {  	[tilespmem:s0], [sflag:$0x3] =	stream.indirect.gather [hbm4b:s4+s23], $0x80, s17, s23, $0xb8;
	[tilespmem:$0x1FA00] =	vst v63  }
0x3e: {  	_ =	swait.ge [sflag:s2], $0x2800  }
0x3f: {  	[sflag:s2] =	ssyncset.done $0x0  }
0x40: {  	[sflag:s2] =	ssyncadd.s32 $0xFFFFD800  }
0x41: {  	_ =	swait.ge [sflag:s26], $0x50  }
0x42: {  	[sflag:s26] =	ssyncset.done $0x0  }
0x43: {  	[sflag:s26] =	ssyncadd.s32 $0xFFFFFFB0  }
0x44: {  	[spmem:s1] =	stream.indirect.scatter.add.f32 [tilespmem:s28], [sflag:$0x5], $0x80, s25, s23, $0xb8;
	[tilespmem:$0x1FA00] =	vst v63  }
0x45: {  	_ =	swait.ge [sflag:s21], $0x2800  }
0x46: {  	[sflag:s21] =	ssyncset.done $0x0  }
0x47: {  	s18 =	rddreg [dreg:$0xb];
	[sflag:s21] =	ssyncadd.s32 $0xFFFFD800  }
0x48: {  	[tilespmem:s22], [sflag:$0x7] =	stream.linear.gather [hbm4b:s18+s3], $0x50, $0x38;
	[tilespmem:$0x1FA00] =	vst v63  }
0x49: {  	s7 =	simm.s32 $0x180  }
0x4a: {  	[tilespmem:s24], [sflag:$0x1] =	stream.indirect.gather [hbm4b:s4+s23], $0x80, s7, s23, $0xb8;
	[tilespmem:$0x1FA00] =	vst v63  }
0x4b: {  	_ =	swait.ge [sflag:s31], $0x2800  }
0x4c: {  	[sflag:s31] =	ssyncset.done $0x0  }
0x4d: {  	[sflag:s31] =	ssyncadd.s32 $0xFFFFD800  }
0x4e: {  	_ =	swait.ge [sflag:s5], $0x50  }
0x4f: {  	[sflag:s5] =	ssyncset.done $0x0  }
0x50: {  	[sflag:s5] =	ssyncadd.s32 $0xFFFFFFB0  }
0x51: {  	[spmem:s1] =	stream.indirect.scatter.add.f32 [tilespmem:s0], [sflag:$0x6], $0x80, s30, s23, $0xb8;
	[tilespmem:$0x1FA00] =	vst v63  }
0x52: {  	_ =	swait.ge [sflag:s8], $0x2800  }
0x53: {  	[sflag:s8] =	ssyncset.done $0x0  }
0x54: {  	s12 =	rddreg [dreg:$0xc];
	[sflag:s8] =	ssyncadd.s32 $0xFFFFD800  }
0x55: {  	[tilespmem:s25], [sflag:$0x8] =	stream.linear.gather [hbm4b:s12+s3], $0x50, $0x38;
	[tilespmem:$0x1FA00] =	vst v63  }
0x56: {  	s13 =	simm.s32 $0x200  }
0x57: {  	[tilespmem:s28], [sflag:$0x2] =	stream.indirect.gather [hbm4b:s4+s23], $0x80, s13, s23, $0xb8;
	[tilespmem:$0x1FA00] =	vst v63  }
0x58: {  	_ =	swait.ge [sflag:s20], $0x2800  }
0x59: {  	[sflag:s20] =	ssyncset.done $0x0  }
0x5a: {  	[sflag:s20] =	ssyncadd.s32 $0xFFFFD800  }
0x5b: {  	_ =	swait.ge [sflag:s29], $0x50  }
0x5c: {  	[sflag:s29] =	ssyncset.done $0x0  }
0x5d: {  	[sflag:s29] =	ssyncadd.s32 $0xFFFFFFB0  }
0x5e: {  	[spmem:s1] =	stream.indirect.scatter.add.f32 [tilespmem:s24], [sflag:$0x4], $0x80, s22, s23, $0xb8;
	[tilespmem:$0x1FA00] =	vst v63  }
0x5f: {  	_ =	swait.ge [sflag:s9], $0x2800  }
0x60: {  	[sflag:s9] =	ssyncset.done $0x0  }
0x61: {  	[sflag:s9] =	ssyncadd.s32 $0xFFFFD800  }
0x62: {  	[tilespmem:s30], [sflag:$0x9] =	stream.linear.gather [hbm4b:s16+s3], $0x50, $0x38;
	[tilespmem:$0x1FA00] =	vst v63  }
0x63: {  	s17 =	simm.s32 $0x280  }
0x64: {  	[tilespmem:s0], [sflag:$0x3] =	stream.indirect.gather [hbm4b:s4+s23], $0x80, s17, s23, $0xb8;
	[tilespmem:$0x1FA00] =	vst v63  }
0x65: {  	_ =	swait.ge [sflag:s2], $0x2800  }
0x66: {  	[sflag:s2] =	ssyncset.done $0x0  }
0x67: {  	[sflag:s2] =	ssyncadd.s32 $0xFFFFD800  }
0x68: {  	_ =	swait.ge [sflag:s26], $0x50  }
0x69: {  	[sflag:s26] =	ssyncset.done $0x0  }
0x6a: {  	[sflag:s26] =	ssyncadd.s32 $0xFFFFFFB0  }
0x6b: {  	[spmem:s1] =	stream.indirect.scatter.add.f32 [tilespmem:s28], [sflag:$0x5], $0x80, s25, s23, $0xb8;
	[tilespmem:$0x1FA00] =	vst v63  }
0x6c: {  	_ =	swait.ge [sflag:s21], $0x2800  }
0x6d: {  	[sflag:s21] =	ssyncset.done $0x0  }
0x6e: {  	[sflag:s21] =	ssyncadd.s32 $0xFFFFD800  }
0x6f: {  	[tilespmem:s22], [sflag:$0x7] =	stream.linear.gather [hbm4b:s15+s3], $0x50, $0x38;
	[tilespmem:$0x1FA00] =	vst v63  }
0x70: {  	s18 =	simm.s32 $0x300  }
0x71: {  	[tilespmem:s24], [sflag:$0x1] =	stream.indirect.gather [hbm4b:s4+s23], $0x80, s18, s23, $0xb8;
	[tilespmem:$0x1FA00] =	vst v63  }
0x72: {  	_ =	swait.ge [sflag:s31], $0x2800  }
0x73: {  	[sflag:s31] =	ssyncset.done $0x0  }
0x74: {  	[sflag:s31] =	ssyncadd.s32 $0xFFFFD800  }
0x75: {  	_ =	swait.ge [sflag:s5], $0x50  }
0x76: {  	[sflag:s5] =	ssyncset.done $0x0  }
0x77: {  	[sflag:s5] =	ssyncadd.s32 $0xFFFFFFB0  }
0x78: {  	[spmem:s1] =	stream.indirect.scatter.add.f32 [tilespmem:s0], [sflag:$0x6], $0x80, s30, s23, $0xb8;
	[tilespmem:$0x1FA00] =	vst v63  }
0x79: {  	s7 =	sadd.s32 $0x1E, s14;
	_ =	swait.ge [sflag:s8], $0x2800  }
0x7a: {  	s12 =	simm.s32 $0x600;
	s13 =	sadd.s32 $0x1E, s16;
	[sflag:s8] =	ssyncset.done $0x0  }
0x7b: {  	s17 =	simm.s32 $0x380;
	s18 =	sadd.s32 $0x1E, s15;
	[sflag:s8] =	ssyncadd.s32 $0xFFFFD800  }
0x7c: {  	[tilespmem:s25], [sflag:$0x8] =	stream.linear.gather [hbm4b:s14+s3], $0x50, $0x38;
	[tilespmem:$0x1FA00] =	vst v63  }
.LBB2_2:
0x7d: {  	[tilespmem:s28], [sflag:$0x2] =	stream.indirect.gather [hbm4b:s4+s23], $0x80, s17, s23, $0xb8;
	[tilespmem:$0x1FA00] =	vst v63  }
0x7e: {  	s17 =	smov.u32 s12  }
0x7f: {  	p0 =	sne.s32 s12, $0xEA00;
	s12 =	sadd.s32 $0x600, s12;
	_ =	swait.ge [sflag:s20], $0x2800  }
0x80: {  	[sflag:s20] =	ssyncset.done $0x0  }
0x81: {  	[sflag:s20] =	ssyncadd.s32 $0xFFFFD800  }
0x82: {  	_ =	swait.ge [sflag:s29], $0x50  }
0x83: {  	[sflag:s29] =	ssyncset.done $0x0  }
0x84: {  	[sflag:s29] =	ssyncadd.s32 $0xFFFFFFB0  }
0x85: {  	[spmem:s1] =	stream.indirect.scatter.add.f32 [tilespmem:s24], [sflag:$0x4], $0x80, s22, s23, $0xb8;
	[tilespmem:$0x1FA00] =	vst v63  }
0x86: {  	_ =	swait.ge [sflag:s9], $0x2800  }
0x87: {  	[sflag:s9] =	ssyncset.done $0x0  }
0x88: {  	s17 =	sshra.s32 s17, $0x2;
	[sflag:s9] =	ssyncadd.s32 $0xFFFFD800  }
0x89: {  	[tilespmem:s30], [sflag:$0x9] =	stream.linear.gather [hbm4b:s13+s3], $0x50, $0x38;
	[tilespmem:$0x1FA00] =	vst v63  }
0x8a: {  	s6 =	sadd.s32 $0x280, s17  }
0x8b: {  	[tilespmem:s0], [sflag:$0x3] =	stream.indirect.gather [hbm4b:s4+s23], $0x80, s6, s23, $0xb8;
	[tilespmem:$0x1FA00] =	vst v63  }
0x8c: {  	_ =	swait.ge [sflag:s2], $0x2800  }
0x8d: {  	[sflag:s2] =	ssyncset.done $0x0  }
0x8e: {  	[sflag:s2] =	ssyncadd.s32 $0xFFFFD800  }
0x8f: {  	_ =	swait.ge [sflag:s26], $0x50  }
0x90: {  	[sflag:s26] =	ssyncset.done $0x0  }
0x91: {  	[sflag:s26] =	ssyncadd.s32 $0xFFFFFFB0  }
0x92: {  	[spmem:s1] =	stream.indirect.scatter.add.f32 [tilespmem:s28], [sflag:$0x5], $0x80, s25, s23, $0xb8;
	[tilespmem:$0x1FA00] =	vst v63  }
0x93: {  	_ =	swait.ge [sflag:s21], $0x2800  }
0x94: {  	[sflag:s21] =	ssyncset.done $0x0  }
0x95: {  	[sflag:s21] =	ssyncadd.s32 $0xFFFFD800  }
0x96: {  	[tilespmem:s22], [sflag:$0x7] =	stream.linear.gather [hbm4b:s18+s3], $0x50, $0x38;
	[tilespmem:$0x1FA00] =	vst v63  }
0x97: {  	s6 =	sadd.s32 $0x300, s17  }
0x98: {  	[tilespmem:s24], [sflag:$0x1] =	stream.indirect.gather [hbm4b:s4+s23], $0x80, s6, s23, $0xb8;
	[tilespmem:$0x1FA00] =	vst v63  }
0x99: {  	_ =	swait.ge [sflag:s31], $0x2800  }
0x9a: {  	[sflag:s31] =	ssyncset.done $0x0  }
0x9b: {  	[sflag:s31] =	ssyncadd.s32 $0xFFFFD800  }
0x9c: {  	_ =	swait.ge [sflag:s5], $0x50  }
0x9d: {  	[sflag:s5] =	ssyncset.done $0x0  }
0x9e: {  	[sflag:s5] =	ssyncadd.s32 $0xFFFFFFB0  }
0x9f: {  	[spmem:s1] =	stream.indirect.scatter.add.f32 [tilespmem:s0], [sflag:$0x6], $0x80, s30, s23, $0xb8;
	[tilespmem:$0x1FA00] =	vst v63  }
.Ltmp0:
0xa0: {  	_ =	swait.ge [sflag:s8], $0x2800;
	(pc) =	sbr.rel @p0 .LBB2_2-.Ltmp0, $4  }
0xa1: {  	[sflag:s8] =	ssyncset.done $0x0  }
0xa2: {  	s13 =	sadd.s32 $0x1E, s13;
	[sflag:s8] =	ssyncadd.s32 $0xFFFFD800  }
0xa3: {  	[tilespmem:s25], [sflag:$0x8] =	stream.linear.gather [hbm4b:s7+s3], $0x50, $0x38;
	[tilespmem:$0x1FA00] =	vst v63  }
0xa4: {  	s17 =	sadd.s32 $0x380, s17;
	s18 =	sadd.s32 $0x1E, s18;
	s7 =	sadd.s32 $0x1E, s7  }
0xa5: {  	[tilespmem:s28], [sflag:$0x2] =	stream.indirect.gather [hbm4b:s4+s23], $0x80, s17, s23, $0xb8;
	[tilespmem:$0x1FA00] =	vst v63  }
0xa6: {  	_ =	swait.ge [sflag:s20], $0x2800  }
0xa7: {  	[sflag:s20] =	ssyncset.done $0x0  }
0xa8: {  	[sflag:s20] =	ssyncadd.s32 $0xFFFFD800  }
0xa9: {  	_ =	swait.ge [sflag:s29], $0x50  }
0xaa: {  	[sflag:s29] =	ssyncset.done $0x0  }
0xab: {  	[sflag:s29] =	ssyncadd.s32 $0xFFFFFFB0  }
0xac: {  	[spmem:s1] =	stream.indirect.scatter.add.f32 [tilespmem:s24], [sflag:$0x4], $0x80, s22, s23, $0xb8;
	[tilespmem:$0x1FA00] =	vst v63  }
0xad: {  	_ =	swait.ge [sflag:s9], $0x2800  }
0xae: {  	[sflag:s9] =	ssyncset.done $0x0  }
0xaf: {  	[sflag:s9] =	ssyncadd.s32 $0xFFFFD800  }
0xb0: {  	_ =	swait.ge [sflag:s2], $0x2800  }
0xb1: {  	[sflag:s2] =	ssyncset.done $0x0  }
0xb2: {  	[sflag:s2] =	ssyncadd.s32 $0xFFFFD800  }
0xb3: {  	_ =	swait.ge [sflag:s26], $0x50  }
0xb4: {  	[sflag:s26] =	ssyncset.done $0x0  }
0xb5: {  	[sflag:s26] =	ssyncadd.s32 $0xFFFFFFB0  }
0xb6: {  	[spmem:s1] =	stream.indirect.scatter.add.f32 [tilespmem:s28], [sflag:$0x5], $0x80, s25, s23, $0xb8;
	[tilespmem:$0x1FA00] =	vst v63  }
0xb7: {  	_ =	swait.ge [sflag:s21], $0x2800  }
0xb8: {  	[sflag:s21] =	ssyncset.done $0x0  }
0xb9: {  	[sflag:s21] =	ssyncadd.s32 $0xFFFFD800  }
0xba: {  	_ =	swait.ge [sflag:s8], $0x2800  }
0xbb: {  	[sflag:s8] =	ssyncset.done $0x0  }
0xbc: {  	[sflag:s8] =	ssyncadd.s32 $0xFFFFD800  }
0xbd: {  	[bflag:$0x0] =	sbarrier.arrive $0xFFFF  }
0xbe: {  	s6 =	rddreg [dreg:$0xd]  }
0xbf: {  	s7 =	rddreg [dreg:$0x8];
	s6 =	sor.u32 $0x1C0A, s6  }
0xc0: {  	[hbm:s7], [sflag:s6] =	dma.local [spmem:s19], $0x2800  }
0xc1: {  	_ =	swait.ge [sflag:s10], $0x2800  }
0xc2: {  	s11 =	sadd.s32 $0x1, s11;
	s18 =	rddreg [dreg:$0x9]  }
0xc3: {  	p0 =	sne.s32 s11, s18  }
.Ltmp1:
0xc4: {  	_ = 	snop;
	(pc) =	sbr.rel @p0 .LBB2_1-.Ltmp1, $3  }
0xc5: {  	_ =	sdelay $0x1  }
0xc6: {  	[sflag:s10] =	ssyncset.done $0x0  }
0xc7: {  	[sflag:s10] =	ssyncadd.s32 $0xFFFFD800  }
0xc8: {  	_ =	sfence.sel $0x180000  }
0xc9: {  	[bflag:$0x0] =	sbarrier.arrive $0xFFFF  }
0xca: {  	_ =	strace $0x9000004A  }
0xcb: {  	s0 =	stileid.u32;
	[bflag:$0x2] =	sbarrier.arrive $0xFFFF  }
0xcc: {  	p0 =	sne.s32 s0, $0x0;
	s0 =	rddreg [dreg:$0x3]  }
0xcd: {  	s0 =	sadd.s32 @!p0 $0x100000, s0  }
0xce: {  	[sflag:s0] =	ssyncadd.tile.s32 @!p0 $0x1;
	_ =	shalt  }
.Lfunc_end2:
_tile_overlayer_lowered:
.L_overlay_start_2:
0xcf: {  	(tag) =	ssettag $0x2  }
0xd0: {  	s0 =	rddreg [dreg:$0x0];
	s2 =	stileid.u32  }
0xd1: {  	s1 =	rddreg [dreg:$0x1];
	p0 =	sne.s32 s2, $0x0  }
0xd2: {  	s3 =	rddreg [dreg:$0x2];
	[bflag:$0x3] =	sbarrier.arrive $0xFFFF;
	s2 =	simm.s32 @!p0 $0x1C0A  }
0xd3: {  	[timem:s3], [sflag:s2] =	dma.local @!p0 [hbm:s0], s1  }
0xd4: {  	s0 =	simm.s32 @!p0 $0xA  }
0xd5: {  	_ =	swait.ge @!p0 [sflag:s0], s1  }
0xd6: {  	s1 =	ssub.s32 @!p0 $0x0, s1;
	[sflag:s0] =	ssyncset.done @!p0 $0x0  }
0xd7: {  	[sflag:s0] =	ssyncadd.s32 @!p0 s1  }
0xd8: {  	[bflag:$0x3] =	sbarrier.arrive $0xFFFF  }
0xd9: {  	_ =	shalt  }

// kernel: kernel.16.cloned.1.call-start
scs
__scs_entry_jumppad:
0x0: {  	(pc) =	sbr.rel $0x88, $3  }
0x1: {  	(tag) =	ssettag $0x0;
	lr =	simm.s32 $0x1  }
0x2: {  	[smem:$0x3F95] =	sst lr;
	_ =	strace $0xD0000000  }
0x3: {  	_ = 	snop  }
0x4: {  	_ = 	snop  }
0x5: {  	_ = 	snop  }
0x6: {  	_ = 	snop  }
0x7: {  	_ = 	snop  }
__scs_overlays_trampoline_lowered:
0x8: {  	[smem:$0x3FA4] =	sst s0  }
0x9: {  	[smem:$0x3FA5] =	sst s1  }
0xa: {  	[smem:$0x3FA6] =	sst s2  }
0xb: {  	[smem:$0x3FA7] =	sst s3  }
0xc: {  	[smem:$0x3FA8] =	sst s4  }
0xd: {  	[smem:$0x3FA9] =	sst s5  }
0xe: {  	[smem:$0x3FAA] =	sst s6  }
0xf: {  	[smem:$0x3FAB] =	sst s7  }
0x10: {  	[smem:$0x3FAC] =	sst s8  }
0x11: {  	[smem:$0x3FAD] =	sst s9;
	s0 =	simm.s32 @!p0 $0x0  }
0x12: {  	s1 =	sld [smem:$0x3F93];
	s0 =	simm.s32 @p0 $0x1  }
0x13: {  	[smem:$0x3FAE] =	sst s0;
	s0 =	simm.s32 @!p1 $0x0  }
0x14: {  	s2 =	sld [smem:$0x3F92];
	s0 =	simm.s32 @p1 $0x1  }
0x15: {  	[smem:$0x3FAF] =	sst s0;
	s0 =	simm.s32 @!p2 $0x0  }
0x16: {  	s3 =	sld [smem:$0x3FDB];
	s0 =	simm.s32 @p2 $0x1  }
0x17: {  	s4 =	simm.s32 $0x1BF5;
	[smem:$0x3FB1] =	sst s0  }
0x18: {  	s0 =	sld [smem:$0x3F94];
	_ =	swait.ge [sflag:s4], $0x0  }
0x19: {  	s7 =	sld [smem:$0x3F95]  }
0x1a: {  	s8 =	sadd.s32 $0xFFFFE003, lr  }
0x1b: {  	s9 =	sadd.s32 $0xFFFFFEF7, lr;
	s5 =	simm.s32 $0xFFFFFFFF;
	p2 =	slt.u32 s8, $0xFFFFF086  }
0x1c: {  	p1 =	slt.u32 s9, $0xF7A;
	s5 =	simm.s32 @!p2 $0x0  }
0x1d: {  	s5 =	simm.s32 @p1 $0x1;
	p0 =	seq.s32 s7, s2  }
0x1e: {  	s7 =	smul.u32 @!p0 $0xF7A, s2;
	p2 =	seq.s32 @!p0 s5, $0x0  }
0x1f: {  	s9 =	smul.u32 $0xF7A, s1;
	s8 =	simm.s32 @!p0 $0x1BF5;
	p2 =	por !p2, p0  }
0x20: {  	[sflag:s8] =	ssyncset.s32 @!p0 $0xFFFFF086;
	s6 =	sadd.s32 @!p0 s3, s7;
	s7 =	simm.s32 @!p0 $0x108  }
0x21: {  	s3 =	sadd.s32 s3, s9;
	s6 =	sadd.s32 @!p0 $0x88, s6;
	s7 =	simm.s32 @p2 $0x1082  }
0x22: {  	[simem:s7], [sflag:s8] =	dma.local @!p0 [hbm:s6], $0xF7A  }
0x23: {  	s9 =	sor.u32 $0xD0000000, s2;
	s6 =	simm.s32 $0x108;
	_ =	swait.ge @!p0 [sflag:s8], $0x0  }
0x24: {  	s3 =	sadd.s32 $0x88, s3;
	s6 =	simm.s32 @!p1 $0x1082;
	[sflag:s4] =	ssyncset.s32 $0xFFFFF086  }
0x25: {  	[simem:s6], [sflag:s4] =	dma.local [hbm:s3], $0xF7A  }
0x26: {  	[smem:$0x3F95] =	sst s1;
	(tag) =	ssettag s2;
	_ =	strace s9  }
0x27: {  	s1 =	sld [smem:$0x3FA5]  }
0x28: {  	s2 =	sld [smem:$0x3FA6]  }
0x29: {  	s4 =	sld [smem:$0x3FA8]  }
0x2a: {  	p0 =	seq.s32 s5, $0x0;
	s5 =	sld [smem:$0x3FA9]  }
0x2b: {  	s6 =	sld [smem:$0x3FAA]  }
0x2c: {  	s7 =	sld [smem:$0x3FAB]  }
0x2d: {  	s3 =	simm.s32 $0x108;
	s8 =	sld [smem:$0x3FAC]  }
0x2e: {  	s3 =	simm.s32 @!p0 $0x1082;
	s9 =	sld [smem:$0x3FAD]  }
0x2f: {  	lr =	sadd.s32 s0, s3;
	s0 =	sld [smem:$0x3FA4]  }
0x30: {  	s3 =	sld [smem:$0x3FA7]  }
0x31: {  	[smem:$0x3FB0] =	sst s10  }
0x32: {  	s10 =	sld [smem:$0x3FAE];
	_ =	sdelay $0x3  }
0x33: {  	p0 =	seq.s32 s10, $0x1;
	s10 =	sld [smem:$0x3FB0];
	_ =	sdelay $0x3  }
0x34: {  	[smem:$0x3FB0] =	sst s10  }
0x35: {  	s10 =	sld [smem:$0x3FAF];
	_ =	sdelay $0x3  }
0x36: {  	p1 =	seq.s32 s10, $0x1;
	s10 =	sld [smem:$0x3FB0];
	_ =	sdelay $0x3  }
0x37: {  	[smem:$0x3FB0] =	sst s10  }
0x38: {  	s10 =	sld [smem:$0x3FB1]  }
0x39: {  	_ = 	snop;
	(pc) =	sbr.ind lr, $3  }
0x3a: {  	_ = 	snop  }
0x3b: {  	_ = 	snop  }
0x3c: {  	p2 =	seq.s32 s10, $0x1;
	s10 =	sld [smem:$0x3FB0]  }
0x3d: {  	_ =	shalt  }
0x3e: {  	_ =	shalt  }
0x3f: {  	_ =	shalt  }
0x40: {  	_ =	shalt  }
0x41: {  	_ =	shalt  }
0x42: {  	_ =	shalt  }
0x43: {  	_ =	shalt  }
0x44: {  	_ =	shalt  }
0x45: {  	_ =	shalt  }
0x46: {  	_ =	shalt  }
0x47: {  	_ =	shalt  }
0x48: {  	_ =	shalt  }
0x49: {  	_ =	shalt  }
0x4a: {  	_ =	shalt  }
0x4b: {  	_ =	shalt  }
0x4c: {  	_ =	shalt  }
0x4d: {  	_ =	shalt  }
0x4e: {  	_ =	shalt  }
0x4f: {  	_ =	shalt  }
0x50: {  	_ =	shalt  }
0x51: {  	_ =	shalt  }
0x52: {  	_ =	shalt  }
0x53: {  	_ =	shalt  }
0x54: {  	_ =	shalt  }
0x55: {  	_ =	shalt  }
0x56: {  	_ =	shalt  }
0x57: {  	_ =	shalt  }
0x58: {  	_ =	shalt  }
0x59: {  	_ =	shalt  }
0x5a: {  	_ =	shalt  }
0x5b: {  	_ =	shalt  }
0x5c: {  	_ =	shalt  }
0x5d: {  	_ =	shalt  }
0x5e: {  	_ =	shalt  }
0x5f: {  	_ =	shalt  }
0x60: {  	_ =	shalt  }
0x61: {  	_ =	shalt  }
0x62: {  	_ =	shalt  }
0x63: {  	_ =	shalt  }
0x64: {  	_ =	shalt  }
0x65: {  	_ =	shalt  }
0x66: {  	_ =	shalt  }
0x67: {  	_ =	shalt  }
0x68: {  	_ =	shalt  }
0x69: {  	_ =	shalt  }
0x6a: {  	_ =	shalt  }
0x6b: {  	_ =	shalt  }
0x6c: {  	_ =	shalt  }
0x6d: {  	_ =	shalt  }
0x6e: {  	_ =	shalt  }
0x6f: {  	_ =	shalt  }
0x70: {  	_ =	shalt  }
0x71: {  	_ =	shalt  }
0x72: {  	_ =	shalt  }
0x73: {  	_ =	shalt  }
0x74: {  	_ =	shalt  }
0x75: {  	_ =	shalt  }
0x76: {  	_ =	shalt  }
0x77: {  	_ =	shalt  }
0x78: {  	_ =	shalt  }
0x79: {  	_ =	shalt  }
0x7a: {  	_ =	shalt  }
0x7b: {  	_ =	shalt  }
0x7c: {  	_ =	shalt  }
0x7d: {  	_ =	shalt  }
0x7e: {  	_ =	shalt  }
0x7f: {  	_ =	shalt  }
0x80: {  	_ =	shalt  }
0x81: {  	_ =	shalt  }
0x82: {  	_ =	shalt  }
0x83: {  	_ =	shalt  }
0x84: {  	_ =	shalt  }
0x85: {  	_ =	shalt  }
0x86: {  	_ =	shalt  }
0x87: {  	_ =	shalt  }
.Lfunc_end0:
.L_simem_size_0:
called_computation.2_lowered:
.L_overlay_start_0:
0x88: {  	s2 =	sld [smem:$0x3FD9]  }
0x89: {  	s3 =	sld [smem:$0x3FFE];
	_ =	sdelay $0x1  }
0x8a: {  	s1 =	srdreg.scid  }
0x8b: {  	s0 =	sand.u32 $0x1, s1  }
0x8c: {  	s17 =	sshll.u32 s0, $0xA;
	s2 =	sadd.s32 s3, s2  }
0x8d: {  	s2 =	sadd.s32 s2, s17  }
0x8e: {  	[smem:$0x3FBC] =	sst s2  }
0x8f: {  	_ = 	snop  }
0x90: {  	s2 =	sld [smem:$0x3FD0];
	(tm) =	ssettm $0x1  }
0x91: {  	s18 =	sld [smem:$0x3FFB];
	_ =	sdelay $0x3  }
0x92: {  	_ =	strace s18  }
0x93: {  	s3 =	sld [smem:$0x3FFC];
	_ =	sdelay $0x3  }
0x94: {  	_ =	strace s3  }
0x95: {  	s3 =	sld [smem:$0x3FFD];
	_ =	sdelay $0x3  }
0x96: {  	_ =	strace s3  }
0x97: {  	_ =	strace $0x8FFFFFFF  }
0x98: {  	s19 =	sld [smem:$0x3FDB];
	_ =	sdelay $0x1  }
0x99: {  	s4 =	simm.s32 $_scs_section_size  }
0x9a: {  	s5 =	simm.s32 $_size__tile_overlayer_lowered;
	s6 =	simm.s32 $_tile_overlayer_lowered  }
0x9b: {  	s22 =	simm.s32 $0x1BFF;
	s21 =	sshll.u32 s6, $0x1;
	s3 =	sadd.s32 s4, s19  }
0x9c: {  	s7 =	simm.s32 $0x0;
	s20 =	sshll.u32 s5, $0x1;
	s5 =	sadd.s32 s21, s3  }
0x9d: {  	[timem:s7], [sflag:s22] =	dma.local [hbm:s5], s20  }
0x9e: {  	_ =	swait.ge [sflag:s22], s20  }
0x9f: {  	s4 =	ssub.s32 $0x0, s20;
	[sflag:s22] =	ssyncset.done $0x0  }
0xa0: {  	[sflag:s22] =	ssyncadd.s32 s4;
	_ =	sdelay $0x1  }
0xa1: {  	s23 =	simm.s32 $0x1B8B  }
0xa2: {  	_ =	swait.ge [sflag:s23], $0x1  }
0xa3: {  	[sflag:s23] =	ssyncset.done $0x0  }
0xa4: {  	s25 =	simm.s32 $0x1B8E;
	s24 =	sld [smem:$0x3FFE];
	[sflag:s23] =	ssyncadd.s32 $0xFFFFFFFF  }
0xa5: {  	s26 =	simm.s32 $execute0_lowered;
	[smem:$0x3FD2] =	sst s25  }
0xa6: {  	s5 =	sshll.u32 s26, $0x1;
	_ =	strace $0x8000004C;
	[dreg:$0x1] =	wrdreg $0xFFFFFFFF  }
0xa7: {  	s28 =	simm.s32 $_size_execute0_lowered;
	s3 =	sadd.s32 s3, s5;
	[dreg:$0x0] =	wrdreg $0x0  }
0xa8: {  	s5 =	sshll.u32 s28, $0x1;
	[dreg:$0x2] =	wrdreg s3  }
0xa9: {  	[dreg:$0x3] =	wrdreg s5  }
0xaa: {  	[dreg:$0x4] =	wrdreg $0xC0  }
0xab: {  	_ =	task [dreg:s7], $0x5FFFF  }
0xac: {  	[dreg:$0x1] =	wrdreg $0xFFFFFFFF  }
0xad: {  	[dreg:$0x0] =	wrdreg $0x60  }
0xae: {  	[dreg:$0x2] =	wrdreg s24  }
0xaf: {  	[dreg:$0x3] =	wrdreg s2  }
0xb0: {  	[dreg:$0x4] =	wrdreg $0xBA000  }
0xb1: {  	[dreg:$0x5] =	wrdreg $0x9  }
0xb2: {  	_ =	task.clear_ibuf [dreg:s7], $0x6FFFF;
	_ =	strace $0x9000004C  }
0xb3: {  	s29 =	simm.s32 $0x9;
	_ =	strace $0x8000004E  }
0xb4: {  	_ =	swait.ge [sflag:s29], $0x1  }
0xb5: {  	[sflag:s29] =	ssyncadd.s32 $0xFFFFFFFF  }
0xb6: {  	_ =	strace $0x9000004E  }
0xb7: {  	_ =	sfence  }
0xb8: {  	s30 =	sld [smem:$0x0];
	_ =	sdelay $0x2  }
0xb9: {  	s31 =	sshll.u32 s1, $0xD;
	s1 =	sshrl.u32 s1, $0x2  }
0xba: {  	s3 =	sand.u32 $0x4000, s31;
	s1 =	sadd.s32 s1, s30  }
0xbb: {  	s0 =	sor.u32 s3, s0;
	s1 =	sshll.u32 s1, $0x11  }
0xbc: {  	s0 =	sor.u32 s1, s0  }
0xbd: {  	s0 =	sadd.s32 $0x8F2B, s0  }
0xbe: {  	[sflag:s0] =	ssyncadd.remote.s32 $0x1  }
0xbf: {  	_ =	sfence.sel $0xFFFF  }
0xc0: {  	[dreg:$0x0] =	wrdreg $0xFFFFFFFF;
	(pc) =	sbr.abs _section_cstart, $3  }
0xc1: {  	[dreg:$0x1] =	wrdreg $0xFFFFFFFF  }
0xc2: {  	_ =	task.clear_ibuf [dreg:s7], $0x2FFFF;
	_ =	strace $0x9FFFFFFF  }
0xc3: {  	(tm) =	ssettm $0x7FFFFFFF  }
tec
execute0_lowered:
.L_overlay_start_1:
0x0: {  	(tag) =	ssettag $0x1  }
0x1: {  	s0 =	rddreg [dreg:$0x0]  }
0x2: {  	s2 =	rddreg [dreg:$0x1]  }
0x3: {  	s1 =	rddreg [dreg:$0x2]  }
0x4: {  	s3 =	srdreg.scid;
	s13 =	stileid.u32;
	s28 =	simm.s32 $0x6A00  }
0x5: {  	s29 =	simm.s32 $0x7;
	s30 =	simm.s32 $0x4100;
	s7 =	smul.u32 $0x14000, s13  }
0x6: {  	s31 =	simm.s32 $0x3;
	s5 =	sand.u32 $0x1, s3;
	s11 =	smul.u32 $0x50000, s13  }
0x7: {  	s3 =	simm.s32 $0x0;
	s4 =	sadd.s32 $0xE200, s0;
	s26 =	smul.u32 $0x2800, s13  }
0x8: {  	s8 =	sadd.s32 $0x4400, s0;
	s9 =	sshll.u32 s13, $0x1;
	s14 =	smul.u32 $0x4E20, s13  }
0x9: {  	s6 =	smul.u32 $0x140000, s5;
	[smem:$0x7FF] =	sst s3;
	s10 =	ssub.s32 $0x2, s5  }
0xa: {  	s9 =	sor.u32 s5, s9;
	s16 =	smul.u32 $0x2710, s5;
	p0 =	sne.s32 s5, $0x0  }
0xb: {  	s5 =	simm.s32 $0x9;
	_ =	strace $0x8000004D;
	s24 =	sshrl.u32 s10, $0x1  }
0xc: {  	s12 =	smul.u32 $0x2710, s9;
	s25 =	sshll.u32 s9, $0xB;
	s11 =	sshrl.u32 s11, $0x2  }
0xd: {  	s17 =	sadd.s32 s4, s26;
	s26 =	sshll.u32 s13, $0x6;
	s9 =	simm.s32 $0x6  }
0xe: {  	s6 =	sadd.s32 s7, s6;
	s7 =	sadd.s32 $0x36200, s0;
	s10 =	ssub.s32 s10, s24  }
0xf: {  	s2 =	sadd.s32 s2, s25;
	s11 =	sadd.s32 s11, s1;
	[dreg:$0xd] =	wrdreg s26  }
0x10: {  	s20 =	sadd.s32 s16, s14;
	s6 =	sshrl.u32 s6, $0x3;
	[dreg:$0x4] =	wrdreg s2  }
0x11: {  	s12 =	sshrl.u32 s12, $0x3;
	s19 =	smax.u32 s10, $0x1;
	s23 =	sadd.s32 $0x230, s20  }
0x12: {  	s24 =	sadd.s32 $0x1E0, s20;
	s17 =	smov.u32 @p0 s7;
	s10 =	simm.s32 $0xA  }
0x13: {  	s0 =	sadd.s32 s6, s0;
	s15 =	sadd.s32 s8, s12;
	[dreg:$0x9] =	wrdreg s19  }
0x14: {  	s2 =	sshrl.u32 s23, $0x3;
	s25 =	sshrl.u32 s24, $0x3;
	[dreg:$0x6] =	wrdreg s17  }
0x15: {  	s19 =	sshrl.u32 s11, $0x3;
	s23 =	simm.s32 $0x50;
	s24 =	simm.s32 $0x4200  }
0x16: {  	s11 =	simm.s32 $0x0;
	s18 =	sadd.s32 $0xA, s15;
	[dreg:$0x5] =	wrdreg s15  }
0x17: {  	s0 =	sadd.s32 $0x38A00, s0;
	s21 =	sadd.s32 $0x14, s15;
	[dreg:$0x7] =	wrdreg s18  }
0x18: {  	s22 =	sadd.s32 $0x1E, s15;
	s6 =	sadd.s32 $0x28, s15;
	[dreg:$0x8] =	wrdreg s0  }
0x19: {  	s14 =	sadd.s32 s2, s8;
	s15 =	sadd.s32 s25, s8;
	[dreg:$0xa] =	wrdreg s21  }
0x1a: {  	s25 =	simm.s32 $0x4080;
	s2 =	simm.s32 $0x2;
	[dreg:$0xb] =	wrdreg s22  }
0x1b: {  	[dreg:$0xc] =	wrdreg s6;
	s0 =	sadd.s32 $0x190, s20;
	s20 =	simm.s32 $0x1  }
0x1c: {  	s21 =	simm.s32 $0x4;
	s22 =	simm.s32 $0x4000;
	s0 =	sshrl.u32 s0, $0x3  }
0x1d: {  	s16 =	sadd.s32 s0, s8;
	s0 =	sor.u32 $0x1C04, s26;
	s26 =	simm.s32 $0x8  }
0x1e: {  	s8 =	simm.s32 $0x5;
	[dreg:$0xe] =	wrdreg s0;
	s0 =	simm.s32 $0x9200  }
.LBB2_1:
0x1f: {  	s6 =	rddreg [dreg:$0x4]  }
0x20: {  	s17 =	rddreg [dreg:$0x6]  }
0x21: {  	s7 =	rddreg [dreg:$0xe]  }
0x22: {  	[tilespmem:s3], [sflag:$0x1] =	stream.linear.gather [hbm4b:s6+s3], $0x3E80, $0x38;
	[tilespmem:$0x1FA00] =	vst v63  }
0x23: {  	[spmem:s19], [sflag:s7] =	dma.local [hbm:s17], $0x2800  }
0x24: {  	_ =	swait.ge [sflag:s20], $0x3E80  }
0x25: {  	[sflag:s20] =	ssyncset.done $0x0  }
0x26: {  	[sflag:s20] =	ssyncadd.s32 $0xFFFFC180  }
0x27: {  	_ =	swait.ge [sflag:s21], $0x2800  }
0x28: {  	[sflag:s21] =	ssyncset.done $0x0  }
0x29: {  	[sflag:s21] =	ssyncadd.s32 $0xFFFFD800  }
0x2a: {  	[bflag:$0x0] =	sbarrier.arrive $0xFFFF  }
0x2b: {  	s18 =	rddreg [dreg:$0x5]  }
0x2c: {  	[tilespmem:s22], [sflag:$0x7] =	stream.linear.gather [hbm4b:s18+s3], $0x50, $0x38;
	[tilespmem:$0x1FA00] =	vst v63  }
0x2d: {  	_ = 	snop  }
0x2e: {  	[tilespmem:s24], [sflag:$0x1] =	stream.indirect.gather [hbm4b:s4+s23], $0x80, s3, s23, $0xb8;
	[tilespmem:$0x1FA00] =	vst v63  }
0x2f: {  	s7 =	rddreg [dreg:$0x7]  }
0x30: {  	[tilespmem:s25], [sflag:$0x8] =	stream.linear.gather [hbm4b:s7+s3], $0x50, $0x38;
	[tilespmem:$0x1FA00] =	vst v63  }
0x31: {  	s12 =	simm.s32 $0x80  }
0x32: {  	[tilespmem:s28], [sflag:$0x2] =	stream.indirect.gather [hbm4b:s4+s23], $0x80, s12, s23, $0xb8;
	[tilespmem:$0x1FA00] =	vst v63  }
0x33: {  	_ =	swait.ge [sflag:s20], $0x2800  }
0x34: {  	[sflag:s20] =	ssyncset.done $0x0  }
0x35: {  	[sflag:s20] =	ssyncadd.s32 $0xFFFFD800  }
0x36: {  	_ =	swait.ge [sflag:s29], $0x50  }
0x37: {  	[sflag:s29] =	ssyncset.done $0x0  }
0x38: {  	[sflag:s29] =	ssyncadd.s32 $0xFFFFFFB0  }
0x39: {  	[spmem:s1] =	stream.indirect.scatter.add.f32 [tilespmem:s24], [sflag:$0x4], $0x80, s22, s23, $0xb8;
	[tilespmem:$0x1FA00] =	vst v63  }
0x3a: {  	s13 =	rddreg [dreg:$0xa]  }
0x3b: {  	[tilespmem:s30], [sflag:$0x9] =	stream.linear.gather [hbm4b:s13+s3], $0x50, $0x38;
	[tilespmem:$0x1FA00] =	vst v63  }
0x3c: {  	s17 =	simm.s32 $0x100  }
0x3d: {  	[tilespmem:s0], [sflag:$0x3] =	stream.indirect.gather [hbm4b:s4+s23], $0x80, s17, s23, $0xb8;
	[tilespmem:$0x1FA00] =	vst v63  }
0x3e: {  	_ =	swait.ge [sflag:s2], $0x2800  }
0x3f: {  	[sflag:s2] =	ssyncset.done $0x0  }
0x40: {  	[sflag:s2] =	ssyncadd.s32 $0xFFFFD800  }
0x41: {  	_ =	swait.ge [sflag:s26], $0x50  }
0x42: {  	[sflag:s26] =	ssyncset.done $0x0  }
0x43: {  	[sflag:s26] =	ssyncadd.s32 $0xFFFFFFB0  }
0x44: {  	[spmem:s1] =	stream.indirect.scatter.add.f32 [tilespmem:s28], [sflag:$0x5], $0x80, s25, s23, $0xb8;
	[tilespmem:$0x1FA00] =	vst v63  }
0x45: {  	_ =	swait.ge [sflag:s21], $0x2800  }
0x46: {  	[sflag:s21] =	ssyncset.done $0x0  }
0x47: {  	s18 =	rddreg [dreg:$0xb];
	[sflag:s21] =	ssyncadd.s32 $0xFFFFD800  }
0x48: {  	[tilespmem:s22], [sflag:$0x7] =	stream.linear.gather [hbm4b:s18+s3], $0x50, $0x38;
	[tilespmem:$0x1FA00] =	vst v63  }
0x49: {  	s7 =	simm.s32 $0x180  }
0x4a: {  	[tilespmem:s24], [sflag:$0x1] =	stream.indirect.gather [hbm4b:s4+s23], $0x80, s7, s23, $0xb8;
	[tilespmem:$0x1FA00] =	vst v63  }
0x4b: {  	_ =	swait.ge [sflag:s31], $0x2800  }
0x4c: {  	[sflag:s31] =	ssyncset.done $0x0  }
0x4d: {  	[sflag:s31] =	ssyncadd.s32 $0xFFFFD800  }
0x4e: {  	_ =	swait.ge [sflag:s5], $0x50  }
0x4f: {  	[sflag:s5] =	ssyncset.done $0x0  }
0x50: {  	[sflag:s5] =	ssyncadd.s32 $0xFFFFFFB0  }
0x51: {  	[spmem:s1] =	stream.indirect.scatter.add.f32 [tilespmem:s0], [sflag:$0x6], $0x80, s30, s23, $0xb8;
	[tilespmem:$0x1FA00] =	vst v63  }
0x52: {  	_ =	swait.ge [sflag:s8], $0x2800  }
0x53: {  	[sflag:s8] =	ssyncset.done $0x0  }
0x54: {  	s12 =	rddreg [dreg:$0xc];
	[sflag:s8] =	ssyncadd.s32 $0xFFFFD800  }
0x55: {  	[tilespmem:s25], [sflag:$0x8] =	stream.linear.gather [hbm4b:s12+s3], $0x50, $0x38;
	[tilespmem:$0x1FA00] =	vst v63  }
0x56: {  	s13 =	simm.s32 $0x200  }
0x57: {  	[tilespmem:s28], [sflag:$0x2] =	stream.indirect.gather [hbm4b:s4+s23], $0x80, s13, s23, $0xb8;
	[tilespmem:$0x1FA00] =	vst v63  }
0x58: {  	_ =	swait.ge [sflag:s20], $0x2800  }
0x59: {  	[sflag:s20] =	ssyncset.done $0x0  }
0x5a: {  	[sflag:s20] =	ssyncadd.s32 $0xFFFFD800  }
0x5b: {  	_ =	swait.ge [sflag:s29], $0x50  }
0x5c: {  	[sflag:s29] =	ssyncset.done $0x0  }
0x5d: {  	[sflag:s29] =	ssyncadd.s32 $0xFFFFFFB0  }
0x5e: {  	[spmem:s1] =	stream.indirect.scatter.add.f32 [tilespmem:s24], [sflag:$0x4], $0x80, s22, s23, $0xb8;
	[tilespmem:$0x1FA00] =	vst v63  }
0x5f: {  	_ =	swait.ge [sflag:s9], $0x2800  }
0x60: {  	[sflag:s9] =	ssyncset.done $0x0  }
0x61: {  	[sflag:s9] =	ssyncadd.s32 $0xFFFFD800  }
0x62: {  	[tilespmem:s30], [sflag:$0x9] =	stream.linear.gather [hbm4b:s16+s3], $0x50, $0x38;
	[tilespmem:$0x1FA00] =	vst v63  }
0x63: {  	s17 =	simm.s32 $0x280  }
0x64: {  	[tilespmem:s0], [sflag:$0x3] =	stream.indirect.gather [hbm4b:s4+s23], $0x80, s17, s23, $0xb8;
	[tilespmem:$0x1FA00] =	vst v63  }
0x65: {  	_ =	swait.ge [sflag:s2], $0x2800  }
0x66: {  	[sflag:s2] =	ssyncset.done $0x0  }
0x67: {  	[sflag:s2] =	ssyncadd.s32 $0xFFFFD800  }
0x68: {  	_ =	swait.ge [sflag:s26], $0x50  }
0x69: {  	[sflag:s26] =	ssyncset.done $0x0  }
0x6a: {  	[sflag:s26] =	ssyncadd.s32 $0xFFFFFFB0  }
0x6b: {  	[spmem:s1] =	stream.indirect.scatter.add.f32 [tilespmem:s28], [sflag:$0x5], $0x80, s25, s23, $0xb8;
	[tilespmem:$0x1FA00] =	vst v63  }
0x6c: {  	_ =	swait.ge [sflag:s21], $0x2800  }
0x6d: {  	[sflag:s21] =	ssyncset.done $0x0  }
0x6e: {  	[sflag:s21] =	ssyncadd.s32 $0xFFFFD800  }
0x6f: {  	[tilespmem:s22], [sflag:$0x7] =	stream.linear.gather [hbm4b:s15+s3], $0x50, $0x38;
	[tilespmem:$0x1FA00] =	vst v63  }
0x70: {  	s18 =	simm.s32 $0x300  }
0x71: {  	[tilespmem:s24], [sflag:$0x1] =	stream.indirect.gather [hbm4b:s4+s23], $0x80, s18, s23, $0xb8;
	[tilespmem:$0x1FA00] =	vst v63  }
0x72: {  	_ =	swait.ge [sflag:s31], $0x2800  }
0x73: {  	[sflag:s31] =	ssyncset.done $0x0  }
0x74: {  	[sflag:s31] =	ssyncadd.s32 $0xFFFFD800  }
0x75: {  	_ =	swait.ge [sflag:s5], $0x50  }
0x76: {  	[sflag:s5] =	ssyncset.done $0x0  }
0x77: {  	[sflag:s5] =	ssyncadd.s32 $0xFFFFFFB0  }
0x78: {  	[spmem:s1] =	stream.indirect.scatter.add.f32 [tilespmem:s0], [sflag:$0x6], $0x80, s30, s23, $0xb8;
	[tilespmem:$0x1FA00] =	vst v63  }
0x79: {  	s7 =	sadd.s32 $0x1E, s14;
	_ =	swait.ge [sflag:s8], $0x2800  }
0x7a: {  	s12 =	simm.s32 $0x600;
	s13 =	sadd.s32 $0x1E, s16;
	[sflag:s8] =	ssyncset.done $0x0  }
0x7b: {  	s17 =	simm.s32 $0x380;
	s18 =	sadd.s32 $0x1E, s15;
	[sflag:s8] =	ssyncadd.s32 $0xFFFFD800  }
0x7c: {  	[tilespmem:s25], [sflag:$0x8] =	stream.linear.gather [hbm4b:s14+s3], $0x50, $0x38;
	[tilespmem:$0x1FA00] =	vst v63  }
.LBB2_2:
0x7d: {  	[tilespmem:s28], [sflag:$0x2] =	stream.indirect.gather [hbm4b:s4+s23], $0x80, s17, s23, $0xb8;
	[tilespmem:$0x1FA00] =	vst v63  }
0x7e: {  	s17 =	smov.u32 s12  }
0x7f: {  	p0 =	sne.s32 s12, $0xEA00;
	s12 =	sadd.s32 $0x600, s12;
	_ =	swait.ge [sflag:s20], $0x2800  }
0x80: {  	[sflag:s20] =	ssyncset.done $0x0  }
0x81: {  	[sflag:s20] =	ssyncadd.s32 $0xFFFFD800  }
0x82: {  	_ =	swait.ge [sflag:s29], $0x50  }
0x83: {  	[sflag:s29] =	ssyncset.done $0x0  }
0x84: {  	[sflag:s29] =	ssyncadd.s32 $0xFFFFFFB0  }
0x85: {  	[spmem:s1] =	stream.indirect.scatter.add.f32 [tilespmem:s24], [sflag:$0x4], $0x80, s22, s23, $0xb8;
	[tilespmem:$0x1FA00] =	vst v63  }
0x86: {  	_ =	swait.ge [sflag:s9], $0x2800  }
0x87: {  	[sflag:s9] =	ssyncset.done $0x0  }
0x88: {  	s17 =	sshra.s32 s17, $0x2;
	[sflag:s9] =	ssyncadd.s32 $0xFFFFD800  }
0x89: {  	[tilespmem:s30], [sflag:$0x9] =	stream.linear.gather [hbm4b:s13+s3], $0x50, $0x38;
	[tilespmem:$0x1FA00] =	vst v63  }
0x8a: {  	s6 =	sadd.s32 $0x280, s17  }
0x8b: {  	[tilespmem:s0], [sflag:$0x3] =	stream.indirect.gather [hbm4b:s4+s23], $0x80, s6, s23, $0xb8;
	[tilespmem:$0x1FA00] =	vst v63  }
0x8c: {  	_ =	swait.ge [sflag:s2], $0x2800  }
0x8d: {  	[sflag:s2] =	ssyncset.done $0x0  }
0x8e: {  	[sflag:s2] =	ssyncadd.s32 $0xFFFFD800  }
0x8f: {  	_ =	swait.ge [sflag:s26], $0x50  }
0x90: {  	[sflag:s26] =	ssyncset.done $0x0  }
0x91: {  	[sflag:s26] =	ssyncadd.s32 $0xFFFFFFB0  }
0x92: {  	[spmem:s1] =	stream.indirect.scatter.add.f32 [tilespmem:s28], [sflag:$0x5], $0x80, s25, s23, $0xb8;
	[tilespmem:$0x1FA00] =	vst v63  }
0x93: {  	_ =	swait.ge [sflag:s21], $0x2800  }
0x94: {  	[sflag:s21] =	ssyncset.done $0x0  }
0x95: {  	[sflag:s21] =	ssyncadd.s32 $0xFFFFD800  }
0x96: {  	[tilespmem:s22], [sflag:$0x7] =	stream.linear.gather [hbm4b:s18+s3], $0x50, $0x38;
	[tilespmem:$0x1FA00] =	vst v63  }
0x97: {  	s6 =	sadd.s32 $0x300, s17  }
0x98: {  	[tilespmem:s24], [sflag:$0x1] =	stream.indirect.gather [hbm4b:s4+s23], $0x80, s6, s23, $0xb8;
	[tilespmem:$0x1FA00] =	vst v63  }
0x99: {  	_ =	swait.ge [sflag:s31], $0x2800  }
0x9a: {  	[sflag:s31] =	ssyncset.done $0x0  }
0x9b: {  	[sflag:s31] =	ssyncadd.s32 $0xFFFFD800  }
0x9c: {  	_ =	swait.ge [sflag:s5], $0x50  }
0x9d: {  	[sflag:s5] =	ssyncset.done $0x0  }
0x9e: {  	[sflag:s5] =	ssyncadd.s32 $0xFFFFFFB0  }
0x9f: {  	[spmem:s1] =	stream.indirect.scatter.add.f32 [tilespmem:s0], [sflag:$0x6], $0x80, s30, s23, $0xb8;
	[tilespmem:$0x1FA00] =	vst v63  }
.Ltmp0:
0xa0: {  	_ =	swait.ge [sflag:s8], $0x2800;
	(pc) =	sbr.rel @p0 .LBB2_2-.Ltmp0, $4  }
0xa1: {  	[sflag:s8] =	ssyncset.done $0x0  }
0xa2: {  	s13 =	sadd.s32 $0x1E, s13;
	[sflag:s8] =	ssyncadd.s32 $0xFFFFD800  }
0xa3: {  	[tilespmem:s25], [sflag:$0x8] =	stream.linear.gather [hbm4b:s7+s3], $0x50, $0x38;
	[tilespmem:$0x1FA00] =	vst v63  }
0xa4: {  	s17 =	sadd.s32 $0x380, s17;
	s18 =	sadd.s32 $0x1E, s18;
	s7 =	sadd.s32 $0x1E, s7  }
0xa5: {  	[tilespmem:s28], [sflag:$0x2] =	stream.indirect.gather [hbm4b:s4+s23], $0x80, s17, s23, $0xb8;
	[tilespmem:$0x1FA00] =	vst v63  }
0xa6: {  	_ =	swait.ge [sflag:s20], $0x2800  }
0xa7: {  	[sflag:s20] =	ssyncset.done $0x0  }
0xa8: {  	[sflag:s20] =	ssyncadd.s32 $0xFFFFD800  }
0xa9: {  	_ =	swait.ge [sflag:s29], $0x50  }
0xaa: {  	[sflag:s29] =	ssyncset.done $0x0  }
0xab: {  	[sflag:s29] =	ssyncadd.s32 $0xFFFFFFB0  }
0xac: {  	[spmem:s1] =	stream.indirect.scatter.add.f32 [tilespmem:s24], [sflag:$0x4], $0x80, s22, s23, $0xb8;
	[tilespmem:$0x1FA00] =	vst v63  }
0xad: {  	_ =	swait.ge [sflag:s9], $0x2800  }
0xae: {  	[sflag:s9] =	ssyncset.done $0x0  }
0xaf: {  	[sflag:s9] =	ssyncadd.s32 $0xFFFFD800  }
0xb0: {  	_ =	swait.ge [sflag:s2], $0x2800  }
0xb1: {  	[sflag:s2] =	ssyncset.done $0x0  }
0xb2: {  	[sflag:s2] =	ssyncadd.s32 $0xFFFFD800  }
0xb3: {  	_ =	swait.ge [sflag:s26], $0x50  }
0xb4: {  	[sflag:s26] =	ssyncset.done $0x0  }
0xb5: {  	[sflag:s26] =	ssyncadd.s32 $0xFFFFFFB0  }
0xb6: {  	[spmem:s1] =	stream.indirect.scatter.add.f32 [tilespmem:s28], [sflag:$0x5], $0x80, s25, s23, $0xb8;
	[tilespmem:$0x1FA00] =	vst v63  }
0xb7: {  	_ =	swait.ge [sflag:s21], $0x2800  }
0xb8: {  	[sflag:s21] =	ssyncset.done $0x0  }
0xb9: {  	[sflag:s21] =	ssyncadd.s32 $0xFFFFD800  }
0xba: {  	_ =	swait.ge [sflag:s8], $0x2800  }
0xbb: {  	[sflag:s8] =	ssyncset.done $0x0  }
0xbc: {  	[sflag:s8] =	ssyncadd.s32 $0xFFFFD800  }
0xbd: {  	[bflag:$0x0] =	sbarrier.arrive $0xFFFF  }
0xbe: {  	s6 =	rddreg [dreg:$0xd]  }
0xbf: {  	s7 =	rddreg [dreg:$0x8];
	s6 =	sor.u32 $0x1C0A, s6  }
0xc0: {  	[hbm:s7], [sflag:s6] =	dma.local [spmem:s19], $0x2800  }
0xc1: {  	_ =	swait.ge [sflag:s10], $0x2800  }
0xc2: {  	s11 =	sadd.s32 $0x1, s11;
	s18 =	rddreg [dreg:$0x9]  }
0xc3: {  	p0 =	sne.s32 s11, s18  }
.Ltmp1:
0xc4: {  	_ = 	snop;
	(pc) =	sbr.rel @p0 .LBB2_1-.Ltmp1, $3  }
0xc5: {  	_ =	sdelay $0x1  }
0xc6: {  	[sflag:s10] =	ssyncset.done $0x0  }
0xc7: {  	[sflag:s10] =	ssyncadd.s32 $0xFFFFD800  }
0xc8: {  	_ =	sfence.sel $0x180000  }
0xc9: {  	[bflag:$0x0] =	sbarrier.arrive $0xFFFF  }
0xca: {  	_ =	strace $0x9000004D  }
0xcb: {  	s0 =	stileid.u32;
	[bflag:$0x2] =	sbarrier.arrive $0xFFFF  }
0xcc: {  	p0 =	sne.s32 s0, $0x0;
	s0 =	rddreg [dreg:$0x3]  }
0xcd: {  	s0 =	sadd.s32 @!p0 $0x100000, s0  }
0xce: {  	[sflag:s0] =	ssyncadd.tile.s32 @!p0 $0x1;
	_ =	shalt  }
.Lfunc_end2:
_tile_overlayer_lowered:
.L_overlay_start_2:
0xcf: {  	(tag) =	ssettag $0x2  }
0xd0: {  	s0 =	rddreg [dreg:$0x0];
	s2 =	stileid.u32  }
0xd1: {  	s1 =	rddreg [dreg:$0x1];
	p0 =	sne.s32 s2, $0x0  }
0xd2: {  	s3 =	rddreg [dreg:$0x2];
	[bflag:$0x3] =	sbarrier.arrive $0xFFFF;
	s2 =	simm.s32 @!p0 $0x1C0A  }
0xd3: {  	[timem:s3], [sflag:s2] =	dma.local @!p0 [hbm:s0], s1  }
0xd4: {  	s0 =	simm.s32 @!p0 $0xA  }
0xd5: {  	_ =	swait.ge @!p0 [sflag:s0], s1  }
0xd6: {  	s1 =	ssub.s32 @!p0 $0x0, s1;
	[sflag:s0] =	ssyncset.done @!p0 $0x0  }
0xd7: {  	[sflag:s0] =	ssyncadd.s32 @!p0 s1  }
0xd8: {  	[bflag:$0x3] =	sbarrier.arrive $0xFFFF  }
0xd9: {  	_ =	shalt  }

// kernel: kernel.19.cloned.1.call-start
scs
__scs_entry_jumppad:
0x0: {  	(pc) =	sbr.rel $0x88, $3  }
0x1: {  	(tag) =	ssettag $0x0;
	lr =	simm.s32 $0x1  }
0x2: {  	[smem:$0x3F95] =	sst lr;
	_ =	strace $0xD0000000  }
0x3: {  	_ = 	snop  }
0x4: {  	_ = 	snop  }
0x5: {  	_ = 	snop  }
0x6: {  	_ = 	snop  }
0x7: {  	_ = 	snop  }
__scs_overlays_trampoline_lowered:
0x8: {  	[smem:$0x3FA4] =	sst s0  }
0x9: {  	[smem:$0x3FA5] =	sst s1  }
0xa: {  	[smem:$0x3FA6] =	sst s2  }
0xb: {  	[smem:$0x3FA7] =	sst s3  }
0xc: {  	[smem:$0x3FA8] =	sst s4  }
0xd: {  	[smem:$0x3FA9] =	sst s5  }
0xe: {  	[smem:$0x3FAA] =	sst s6  }
0xf: {  	[smem:$0x3FAB] =	sst s7  }
0x10: {  	[smem:$0x3FAC] =	sst s8  }
0x11: {  	[smem:$0x3FAD] =	sst s9;
	s0 =	simm.s32 @!p0 $0x0  }
0x12: {  	s1 =	sld [smem:$0x3F93];
	s0 =	simm.s32 @p0 $0x1  }
0x13: {  	[smem:$0x3FAE] =	sst s0;
	s0 =	simm.s32 @!p1 $0x0  }
0x14: {  	s2 =	sld [smem:$0x3F92];
	s0 =	simm.s32 @p1 $0x1  }
0x15: {  	[smem:$0x3FAF] =	sst s0;
	s0 =	simm.s32 @!p2 $0x0  }
0x16: {  	s3 =	sld [smem:$0x3FDB];
	s0 =	simm.s32 @p2 $0x1  }
0x17: {  	s4 =	simm.s32 $0x1BF5;
	[smem:$0x3FB1] =	sst s0  }
0x18: {  	s0 =	sld [smem:$0x3F94];
	_ =	swait.ge [sflag:s4], $0x0  }
0x19: {  	s7 =	sld [smem:$0x3F95]  }
0x1a: {  	s8 =	sadd.s32 $0xFFFFE003, lr  }
0x1b: {  	s9 =	sadd.s32 $0xFFFFFEF7, lr;
	s5 =	simm.s32 $0xFFFFFFFF;
	p2 =	slt.u32 s8, $0xFFFFF086  }
0x1c: {  	p1 =	slt.u32 s9, $0xF7A;
	s5 =	simm.s32 @!p2 $0x0  }
0x1d: {  	s5 =	simm.s32 @p1 $0x1;
	p0 =	seq.s32 s7, s2  }
0x1e: {  	s7 =	smul.u32 @!p0 $0xF7A, s2;
	p2 =	seq.s32 @!p0 s5, $0x0  }
0x1f: {  	s9 =	smul.u32 $0xF7A, s1;
	s8 =	simm.s32 @!p0 $0x1BF5;
	p2 =	por !p2, p0  }
0x20: {  	[sflag:s8] =	ssyncset.s32 @!p0 $0xFFFFF086;
	s6 =	sadd.s32 @!p0 s3, s7;
	s7 =	simm.s32 @!p0 $0x108  }
0x21: {  	s3 =	sadd.s32 s3, s9;
	s6 =	sadd.s32 @!p0 $0x88, s6;
	s7 =	simm.s32 @p2 $0x1082  }
0x22: {  	[simem:s7], [sflag:s8] =	dma.local @!p0 [hbm:s6], $0xF7A  }
0x23: {  	s9 =	sor.u32 $0xD0000000, s2;
	s6 =	simm.s32 $0x108;
	_ =	swait.ge @!p0 [sflag:s8], $0x0  }
0x24: {  	s3 =	sadd.s32 $0x88, s3;
	s6 =	simm.s32 @!p1 $0x1082;
	[sflag:s4] =	ssyncset.s32 $0xFFFFF086  }
0x25: {  	[simem:s6], [sflag:s4] =	dma.local [hbm:s3], $0xF7A  }
0x26: {  	[smem:$0x3F95] =	sst s1;
	(tag) =	ssettag s2;
	_ =	strace s9  }
0x27: {  	s1 =	sld [smem:$0x3FA5]  }
0x28: {  	s2 =	sld [smem:$0x3FA6]  }
0x29: {  	s4 =	sld [smem:$0x3FA8]  }
0x2a: {  	p0 =	seq.s32 s5, $0x0;
	s5 =	sld [smem:$0x3FA9]  }
0x2b: {  	s6 =	sld [smem:$0x3FAA]  }
0x2c: {  	s7 =	sld [smem:$0x3FAB]  }
0x2d: {  	s3 =	simm.s32 $0x108;
	s8 =	sld [smem:$0x3FAC]  }
0x2e: {  	s3 =	simm.s32 @!p0 $0x1082;
	s9 =	sld [smem:$0x3FAD]  }
0x2f: {  	lr =	sadd.s32 s0, s3;
	s0 =	sld [smem:$0x3FA4]  }
0x30: {  	s3 =	sld [smem:$0x3FA7]  }
0x31: {  	[smem:$0x3FB0] =	sst s10  }
0x32: {  	s10 =	sld [smem:$0x3FAE];
	_ =	sdelay $0x3  }
0x33: {  	p0 =	seq.s32 s10, $0x1;
	s10 =	sld [smem:$0x3FB0];
	_ =	sdelay $0x3  }
0x34: {  	[smem:$0x3FB0] =	sst s10  }
0x35: {  	s10 =	sld [smem:$0x3FAF];
	_ =	sdelay $0x3  }
0x36: {  	p1 =	seq.s32 s10, $0x1;
	s10 =	sld [smem:$0x3FB0];
	_ =	sdelay $0x3  }
0x37: {  	[smem:$0x3FB0] =	sst s10  }
0x38: {  	s10 =	sld [smem:$0x3FB1]  }
0x39: {  	_ = 	snop;
	(pc) =	sbr.ind lr, $3  }
0x3a: {  	_ = 	snop  }
0x3b: {  	_ = 	snop  }
0x3c: {  	p2 =	seq.s32 s10, $0x1;
	s10 =	sld [smem:$0x3FB0]  }
0x3d: {  	_ =	shalt  }
0x3e: {  	_ =	shalt  }
0x3f: {  	_ =	shalt  }
0x40: {  	_ =	shalt  }
0x41: {  	_ =	shalt  }
0x42: {  	_ =	shalt  }
0x43: {  	_ =	shalt  }
0x44: {  	_ =	shalt  }
0x45: {  	_ =	shalt  }
0x46: {  	_ =	shalt  }
0x47: {  	_ =	shalt  }
0x48: {  	_ =	shalt  }
0x49: {  	_ =	shalt  }
0x4a: {  	_ =	shalt  }
0x4b: {  	_ =	shalt  }
0x4c: {  	_ =	shalt  }
0x4d: {  	_ =	shalt  }
0x4e: {  	_ =	shalt  }
0x4f: {  	_ =	shalt  }
0x50: {  	_ =	shalt  }
0x51: {  	_ =	shalt  }
0x52: {  	_ =	shalt  }
0x53: {  	_ =	shalt  }
0x54: {  	_ =	shalt  }
0x55: {  	_ =	shalt  }
0x56: {  	_ =	shalt  }
0x57: {  	_ =	shalt  }
0x58: {  	_ =	shalt  }
0x59: {  	_ =	shalt  }
0x5a: {  	_ =	shalt  }
0x5b: {  	_ =	shalt  }
0x5c: {  	_ =	shalt  }
0x5d: {  	_ =	shalt  }
0x5e: {  	_ =	shalt  }
0x5f: {  	_ =	shalt  }
0x60: {  	_ =	shalt  }
0x61: {  	_ =	shalt  }
0x62: {  	_ =	shalt  }
0x63: {  	_ =	shalt  }
0x64: {  	_ =	shalt  }
0x65: {  	_ =	shalt  }
0x66: {  	_ =	shalt  }
0x67: {  	_ =	shalt  }
0x68: {  	_ =	shalt  }
0x69: {  	_ =	shalt  }
0x6a: {  	_ =	shalt  }
0x6b: {  	_ =	shalt  }
0x6c: {  	_ =	shalt  }
0x6d: {  	_ =	shalt  }
0x6e: {  	_ =	shalt  }
0x6f: {  	_ =	shalt  }
0x70: {  	_ =	shalt  }
0x71: {  	_ =	shalt  }
0x72: {  	_ =	shalt  }
0x73: {  	_ =	shalt  }
0x74: {  	_ =	shalt  }
0x75: {  	_ =	shalt  }
0x76: {  	_ =	shalt  }
0x77: {  	_ =	shalt  }
0x78: {  	_ =	shalt  }
0x79: {  	_ =	shalt  }
0x7a: {  	_ =	shalt  }
0x7b: {  	_ =	shalt  }
0x7c: {  	_ =	shalt  }
0x7d: {  	_ =	shalt  }
0x7e: {  	_ =	shalt  }
0x7f: {  	_ =	shalt  }
0x80: {  	_ =	shalt  }
0x81: {  	_ =	shalt  }
0x82: {  	_ =	shalt  }
0x83: {  	_ =	shalt  }
0x84: {  	_ =	shalt  }
0x85: {  	_ =	shalt  }
0x86: {  	_ =	shalt  }
0x87: {  	_ =	shalt  }
.Lfunc_end0:
.L_simem_size_0:
called_computation.3_lowered:
.L_overlay_start_0:
0x88: {  	s2 =	sld [smem:$0x3FD9]  }
0x89: {  	s3 =	sld [smem:$0x3FFE];
	_ =	sdelay $0x1  }
0x8a: {  	s1 =	srdreg.scid  }
0x8b: {  	s0 =	sand.u32 $0x1, s1  }
0x8c: {  	s17 =	sshll.u32 s0, $0xA;
	s2 =	sadd.s32 s3, s2  }
0x8d: {  	s2 =	sadd.s32 s2, s17  }
0x8e: {  	[smem:$0x3FBC] =	sst s2  }
0x8f: {  	_ = 	snop  }
0x90: {  	s2 =	sld [smem:$0x3FD0];
	(tm) =	ssettm $0x1  }
0x91: {  	s18 =	sld [smem:$0x3FFB];
	_ =	sdelay $0x3  }
0x92: {  	_ =	strace s18  }
0x93: {  	s3 =	sld [smem:$0x3FFC];
	_ =	sdelay $0x3  }
0x94: {  	_ =	strace s3  }
0x95: {  	s3 =	sld [smem:$0x3FFD];
	_ =	sdelay $0x3  }
0x96: {  	_ =	strace s3  }
0x97: {  	_ =	strace $0x8FFFFFFF  }
0x98: {  	s19 =	sld [smem:$0x3FDB];
	_ =	sdelay $0x1  }
0x99: {  	s4 =	simm.s32 $_scs_section_size  }
0x9a: {  	s5 =	simm.s32 $_size__tile_overlayer_lowered;
	s6 =	simm.s32 $_tile_overlayer_lowered  }
0x9b: {  	s22 =	simm.s32 $0x1BFF;
	s21 =	sshll.u32 s6, $0x1;
	s3 =	sadd.s32 s4, s19  }
0x9c: {  	s7 =	simm.s32 $0x0;
	s20 =	sshll.u32 s5, $0x1;
	s5 =	sadd.s32 s21, s3  }
0x9d: {  	[timem:s7], [sflag:s22] =	dma.local [hbm:s5], s20  }
0x9e: {  	_ =	swait.ge [sflag:s22], s20  }
0x9f: {  	s4 =	ssub.s32 $0x0, s20;
	[sflag:s22] =	ssyncset.done $0x0  }
0xa0: {  	[sflag:s22] =	ssyncadd.s32 s4;
	_ =	sdelay $0x1  }
0xa1: {  	s23 =	simm.s32 $0x1B8B  }
0xa2: {  	_ =	swait.ge [sflag:s23], $0x1  }
0xa3: {  	[sflag:s23] =	ssyncset.done $0x0  }
0xa4: {  	s25 =	simm.s32 $0x1B8E;
	s24 =	sld [smem:$0x3FFE];
	[sflag:s23] =	ssyncadd.s32 $0xFFFFFFFF  }
0xa5: {  	s26 =	simm.s32 $execute0_lowered;
	[smem:$0x3FD2] =	sst s25  }
0xa6: {  	s5 =	sshll.u32 s26, $0x1;
	_ =	strace $0x8000004F;
	[dreg:$0x1] =	wrdreg $0xFFFFFFFF  }
0xa7: {  	s28 =	simm.s32 $_size_execute0_lowered;
	s3 =	sadd.s32 s3, s5;
	[dreg:$0x0] =	wrdreg $0x0  }
0xa8: {  	s5 =	sshll.u32 s28, $0x1;
	[dreg:$0x2] =	wrdreg s3  }
0xa9: {  	[dreg:$0x3] =	wrdreg s5  }
0xaa: {  	[dreg:$0x4] =	wrdreg $0xC0  }
0xab: {  	_ =	task [dreg:s7], $0x5FFFF  }
0xac: {  	[dreg:$0x1] =	wrdreg $0xFFFFFFFF  }
0xad: {  	[dreg:$0x0] =	wrdreg $0x60  }
0xae: {  	[dreg:$0x2] =	wrdreg s24  }
0xaf: {  	[dreg:$0x3] =	wrdreg s2  }
0xb0: {  	[dreg:$0x4] =	wrdreg $0xBA000  }
0xb1: {  	[dreg:$0x5] =	wrdreg $0x9  }
0xb2: {  	_ =	task.clear_ibuf [dreg:s7], $0x6FFFF;
	_ =	strace $0x9000004F  }
0xb3: {  	s29 =	simm.s32 $0x9;
	_ =	strace $0x80000051  }
0xb4: {  	_ =	swait.ge [sflag:s29], $0x1  }
0xb5: {  	[sflag:s29] =	ssyncadd.s32 $0xFFFFFFFF  }
0xb6: {  	_ =	strace $0x90000051  }
0xb7: {  	_ =	sfence  }
0xb8: {  	s30 =	sld [smem:$0x0];
	_ =	sdelay $0x2  }
0xb9: {  	s31 =	sshll.u32 s1, $0xD;
	s1 =	sshrl.u32 s1, $0x2  }
0xba: {  	s3 =	sand.u32 $0x4000, s31;
	s1 =	sadd.s32 s1, s30  }
0xbb: {  	s0 =	sor.u32 s3, s0;
	s1 =	sshll.u32 s1, $0x11  }
0xbc: {  	s0 =	sor.u32 s1, s0  }
0xbd: {  	s0 =	sadd.s32 $0x8F2B, s0  }
0xbe: {  	[sflag:s0] =	ssyncadd.remote.s32 $0x1  }
0xbf: {  	_ =	sfence.sel $0xFFFF  }
0xc0: {  	[dreg:$0x0] =	wrdreg $0xFFFFFFFF;
	(pc) =	sbr.abs _section_cstart, $3  }
0xc1: {  	[dreg:$0x1] =	wrdreg $0xFFFFFFFF  }
0xc2: {  	_ =	task.clear_ibuf [dreg:s7], $0x2FFFF;
	_ =	strace $0x9FFFFFFF  }
0xc3: {  	(tm) =	ssettm $0x7FFFFFFF  }
tec
execute0_lowered:
.L_overlay_start_1:
0x0: {  	(tag) =	ssettag $0x1  }
0x1: {  	s0 =	rddreg [dreg:$0x0]  }
0x2: {  	s2 =	rddreg [dreg:$0x1]  }
0x3: {  	s1 =	rddreg [dreg:$0x2]  }
0x4: {  	s3 =	srdreg.scid;
	s13 =	stileid.u32;
	s28 =	simm.s32 $0x6A00  }
0x5: {  	s29 =	simm.s32 $0x7;
	s30 =	simm.s32 $0x4100;
	s7 =	smul.u32 $0x14000, s13  }
0x6: {  	s31 =	simm.s32 $0x3;
	s5 =	sand.u32 $0x1, s3;
	s11 =	smul.u32 $0x50000, s13  }
0x7: {  	s3 =	simm.s32 $0x0;
	s4 =	sadd.s32 $0xE200, s0;
	s26 =	smul.u32 $0x2800, s13  }
0x8: {  	s8 =	sadd.s32 $0x4400, s0;
	s9 =	sshll.u32 s13, $0x1;
	s14 =	smul.u32 $0x4E20, s13  }
0x9: {  	s6 =	smul.u32 $0x140000, s5;
	[smem:$0x7FF] =	sst s3;
	s10 =	ssub.s32 $0x2, s5  }
0xa: {  	s9 =	sor.u32 s5, s9;
	s16 =	smul.u32 $0x2710, s5;
	p0 =	sne.s32 s5, $0x0  }
0xb: {  	s5 =	simm.s32 $0x9;
	_ =	strace $0x80000050;
	s24 =	sshrl.u32 s10, $0x1  }
0xc: {  	s12 =	smul.u32 $0x2710, s9;
	s25 =	sshll.u32 s9, $0xB;
	s11 =	sshrl.u32 s11, $0x2  }
0xd: {  	s17 =	sadd.s32 s4, s26;
	s26 =	sshll.u32 s13, $0x6;
	s9 =	simm.s32 $0x6  }
0xe: {  	s6 =	sadd.s32 s7, s6;
	s7 =	sadd.s32 $0x36200, s0;
	s10 =	ssub.s32 s10, s24  }
0xf: {  	s2 =	sadd.s32 s2, s25;
	s11 =	sadd.s32 s11, s1;
	[dreg:$0xd] =	wrdreg s26  }
0x10: {  	s20 =	sadd.s32 s16, s14;
	s6 =	sshrl.u32 s6, $0x3;
	[dreg:$0x4] =	wrdreg s2  }
0x11: {  	s12 =	sshrl.u32 s12, $0x3;
	s19 =	smax.u32 s10, $0x1;
	s23 =	sadd.s32 $0x230, s20  }
0x12: {  	s24 =	sadd.s32 $0x1E0, s20;
	s17 =	smov.u32 @p0 s7;
	s10 =	simm.s32 $0xA  }
0x13: {  	s0 =	sadd.s32 s6, s0;
	s15 =	sadd.s32 s8, s12;
	[dreg:$0x9] =	wrdreg s19  }
0x14: {  	s2 =	sshrl.u32 s23, $0x3;
	s25 =	sshrl.u32 s24, $0x3;
	[dreg:$0x6] =	wrdreg s17  }
0x15: {  	s19 =	sshrl.u32 s11, $0x3;
	s23 =	simm.s32 $0x50;
	s24 =	simm.s32 $0x4200  }
0x16: {  	s11 =	simm.s32 $0x0;
	s18 =	sadd.s32 $0xA, s15;
	[dreg:$0x5] =	wrdreg s15  }
0x17: {  	s0 =	sadd.s32 $0x38A00, s0;
	s21 =	sadd.s32 $0x14, s15;
	[dreg:$0x7] =	wrdreg s18  }
0x18: {  	s22 =	sadd.s32 $0x1E, s15;
	s6 =	sadd.s32 $0x28, s15;
	[dreg:$0x8] =	wrdreg s0  }
0x19: {  	s14 =	sadd.s32 s2, s8;
	s15 =	sadd.s32 s25, s8;
	[dreg:$0xa] =	wrdreg s21  }
0x1a: {  	s25 =	simm.s32 $0x4080;
	s2 =	simm.s32 $0x2;
	[dreg:$0xb] =	wrdreg s22  }
0x1b: {  	[dreg:$0xc] =	wrdreg s6;
	s0 =	sadd.s32 $0x190, s20;
	s20 =	simm.s32 $0x1  }
0x1c: {  	s21 =	simm.s32 $0x4;
	s22 =	simm.s32 $0x4000;
	s0 =	sshrl.u32 s0, $0x3  }
0x1d: {  	s16 =	sadd.s32 s0, s8;
	s0 =	sor.u32 $0x1C04, s26;
	s26 =	simm.s32 $0x8  }
0x1e: {  	s8 =	simm.s32 $0x5;
	[dreg:$0xe] =	wrdreg s0;
	s0 =	simm.s32 $0x9200  }
.LBB2_1:
0x1f: {  	s6 =	rddreg [dreg:$0x4]  }
0x20: {  	s17 =	rddreg [dreg:$0x6]  }
0x21: {  	s7 =	rddreg [dreg:$0xe]  }
0x22: {  	[tilespmem:s3], [sflag:$0x1] =	stream.linear.gather [hbm4b:s6+s3], $0x3E80, $0x38;
	[tilespmem:$0x1FA00] =	vst v63  }
0x23: {  	[spmem:s19], [sflag:s7] =	dma.local [hbm:s17], $0x2800  }
0x24: {  	_ =	swait.ge [sflag:s20], $0x3E80  }
0x25: {  	[sflag:s20] =	ssyncset.done $0x0  }
0x26: {  	[sflag:s20] =	ssyncadd.s32 $0xFFFFC180  }
0x27: {  	_ =	swait.ge [sflag:s21], $0x2800  }
0x28: {  	[sflag:s21] =	ssyncset.done $0x0  }
0x29: {  	[sflag:s21] =	ssyncadd.s32 $0xFFFFD800  }
0x2a: {  	[bflag:$0x0] =	sbarrier.arrive $0xFFFF  }
0x2b: {  	s18 =	rddreg [dreg:$0x5]  }
0x2c: {  	[tilespmem:s22], [sflag:$0x7] =	stream.linear.gather [hbm4b:s18+s3], $0x50, $0x38;
	[tilespmem:$0x1FA00] =	vst v63  }
0x2d: {  	_ = 	snop  }
0x2e: {  	[tilespmem:s24], [sflag:$0x1] =	stream.indirect.gather [hbm4b:s4+s23], $0x80, s3, s23, $0xb8;
	[tilespmem:$0x1FA00] =	vst v63  }
0x2f: {  	s7 =	rddreg [dreg:$0x7]  }
0x30: {  	[tilespmem:s25], [sflag:$0x8] =	stream.linear.gather [hbm4b:s7+s3], $0x50, $0x38;
	[tilespmem:$0x1FA00] =	vst v63  }
0x31: {  	s12 =	simm.s32 $0x80  }
0x32: {  	[tilespmem:s28], [sflag:$0x2] =	stream.indirect.gather [hbm4b:s4+s23], $0x80, s12, s23, $0xb8;
	[tilespmem:$0x1FA00] =	vst v63  }
0x33: {  	_ =	swait.ge [sflag:s20], $0x2800  }
0x34: {  	[sflag:s20] =	ssyncset.done $0x0  }
0x35: {  	[sflag:s20] =	ssyncadd.s32 $0xFFFFD800  }
0x36: {  	_ =	swait.ge [sflag:s29], $0x50  }
0x37: {  	[sflag:s29] =	ssyncset.done $0x0  }
0x38: {  	[sflag:s29] =	ssyncadd.s32 $0xFFFFFFB0  }
0x39: {  	[spmem:s1] =	stream.indirect.scatter.add.f32 [tilespmem:s24], [sflag:$0x4], $0x80, s22, s23, $0xb8;
	[tilespmem:$0x1FA00] =	vst v63  }
0x3a: {  	s13 =	rddreg [dreg:$0xa]  }
0x3b: {  	[tilespmem:s30], [sflag:$0x9] =	stream.linear.gather [hbm4b:s13+s3], $0x50, $0x38;
	[tilespmem:$0x1FA00] =	vst v63  }
0x3c: {  	s17 =	simm.s32 $0x100  }
0x3d: {  	[tilespmem:s0], [sflag:$0x3] =	stream.indirect.gather [hbm4b:s4+s23], $0x80, s17, s23, $0xb8;
	[tilespmem:$0x1FA00] =	vst v63  }
0x3e: {  	_ =	swait.ge [sflag:s2], $0x2800  }
0x3f: {  	[sflag:s2] =	ssyncset.done $0x0  }
0x40: {  	[sflag:s2] =	ssyncadd.s32 $0xFFFFD800  }
0x41: {  	_ =	swait.ge [sflag:s26], $0x50  }
0x42: {  	[sflag:s26] =	ssyncset.done $0x0  }
0x43: {  	[sflag:s26] =	ssyncadd.s32 $0xFFFFFFB0  }
0x44: {  	[spmem:s1] =	stream.indirect.scatter.add.f32 [tilespmem:s28], [sflag:$0x5], $0x80, s25, s23, $0xb8;
	[tilespmem:$0x1FA00] =	vst v63  }
0x45: {  	_ =	swait.ge [sflag:s21], $0x2800  }
0x46: {  	[sflag:s21] =	ssyncset.done $0x0  }
0x47: {  	s18 =	rddreg [dreg:$0xb];
	[sflag:s21] =	ssyncadd.s32 $0xFFFFD800  }
0x48: {  	[tilespmem:s22], [sflag:$0x7] =	stream.linear.gather [hbm4b:s18+s3], $0x50, $0x38;
	[tilespmem:$0x1FA00] =	vst v63  }
0x49: {  	s7 =	simm.s32 $0x180  }
0x4a: {  	[tilespmem:s24], [sflag:$0x1] =	stream.indirect.gather [hbm4b:s4+s23], $0x80, s7, s23, $0xb8;
	[tilespmem:$0x1FA00] =	vst v63  }
0x4b: {  	_ =	swait.ge [sflag:s31], $0x2800  }
0x4c: {  	[sflag:s31] =	ssyncset.done $0x0  }
0x4d: {  	[sflag:s31] =	ssyncadd.s32 $0xFFFFD800  }
0x4e: {  	_ =	swait.ge [sflag:s5], $0x50  }
0x4f: {  	[sflag:s5] =	ssyncset.done $0x0  }
0x50: {  	[sflag:s5] =	ssyncadd.s32 $0xFFFFFFB0  }
0x51: {  	[spmem:s1] =	stream.indirect.scatter.add.f32 [tilespmem:s0], [sflag:$0x6], $0x80, s30, s23, $0xb8;
	[tilespmem:$0x1FA00] =	vst v63  }
0x52: {  	_ =	swait.ge [sflag:s8], $0x2800  }
0x53: {  	[sflag:s8] =	ssyncset.done $0x0  }
0x54: {  	s12 =	rddreg [dreg:$0xc];
	[sflag:s8] =	ssyncadd.s32 $0xFFFFD800  }
0x55: {  	[tilespmem:s25], [sflag:$0x8] =	stream.linear.gather [hbm4b:s12+s3], $0x50, $0x38;
	[tilespmem:$0x1FA00] =	vst v63  }
0x56: {  	s13 =	simm.s32 $0x200  }
0x57: {  	[tilespmem:s28], [sflag:$0x2] =	stream.indirect.gather [hbm4b:s4+s23], $0x80, s13, s23, $0xb8;
	[tilespmem:$0x1FA00] =	vst v63  }
0x58: {  	_ =	swait.ge [sflag:s20], $0x2800  }
0x59: {  	[sflag:s20] =	ssyncset.done $0x0  }
0x5a: {  	[sflag:s20] =	ssyncadd.s32 $0xFFFFD800  }
0x5b: {  	_ =	swait.ge [sflag:s29], $0x50  }
0x5c: {  	[sflag:s29] =	ssyncset.done $0x0  }
0x5d: {  	[sflag:s29] =	ssyncadd.s32 $0xFFFFFFB0  }
0x5e: {  	[spmem:s1] =	stream.indirect.scatter.add.f32 [tilespmem:s24], [sflag:$0x4], $0x80, s22, s23, $0xb8;
	[tilespmem:$0x1FA00] =	vst v63  }
0x5f: {  	_ =	swait.ge [sflag:s9], $0x2800  }
0x60: {  	[sflag:s9] =	ssyncset.done $0x0  }
0x61: {  	[sflag:s9] =	ssyncadd.s32 $0xFFFFD800  }
0x62: {  	[tilespmem:s30], [sflag:$0x9] =	stream.linear.gather [hbm4b:s16+s3], $0x50, $0x38;
	[tilespmem:$0x1FA00] =	vst v63  }
0x63: {  	s17 =	simm.s32 $0x280  }
0x64: {  	[tilespmem:s0], [sflag:$0x3] =	stream.indirect.gather [hbm4b:s4+s23], $0x80, s17, s23, $0xb8;
	[tilespmem:$0x1FA00] =	vst v63  }
0x65: {  	_ =	swait.ge [sflag:s2], $0x2800  }
0x66: {  	[sflag:s2] =	ssyncset.done $0x0  }
0x67: {  	[sflag:s2] =	ssyncadd.s32 $0xFFFFD800  }
0x68: {  	_ =	swait.ge [sflag:s26], $0x50  }
0x69: {  	[sflag:s26] =	ssyncset.done $0x0  }
0x6a: {  	[sflag:s26] =	ssyncadd.s32 $0xFFFFFFB0  }
0x6b: {  	[spmem:s1] =	stream.indirect.scatter.add.f32 [tilespmem:s28], [sflag:$0x5], $0x80, s25, s23, $0xb8;
	[tilespmem:$0x1FA00] =	vst v63  }
0x6c: {  	_ =	swait.ge [sflag:s21], $0x2800  }
0x6d: {  	[sflag:s21] =	ssyncset.done $0x0  }
0x6e: {  	[sflag:s21] =	ssyncadd.s32 $0xFFFFD800  }
0x6f: {  	[tilespmem:s22], [sflag:$0x7] =	stream.linear.gather [hbm4b:s15+s3], $0x50, $0x38;
	[tilespmem:$0x1FA00] =	vst v63  }
0x70: {  	s18 =	simm.s32 $0x300  }
0x71: {  	[tilespmem:s24], [sflag:$0x1] =	stream.indirect.gather [hbm4b:s4+s23], $0x80, s18, s23, $0xb8;
	[tilespmem:$0x1FA00] =	vst v63  }
0x72: {  	_ =	swait.ge [sflag:s31], $0x2800  }
0x73: {  	[sflag:s31] =	ssyncset.done $0x0  }
0x74: {  	[sflag:s31] =	ssyncadd.s32 $0xFFFFD800  }
0x75: {  	_ =	swait.ge [sflag:s5], $0x50  }
0x76: {  	[sflag:s5] =	ssyncset.done $0x0  }
0x77: {  	[sflag:s5] =	ssyncadd.s32 $0xFFFFFFB0  }
0x78: {  	[spmem:s1] =	stream.indirect.scatter.add.f32 [tilespmem:s0], [sflag:$0x6], $0x80, s30, s23, $0xb8;
	[tilespmem:$0x1FA00] =	vst v63  }
0x79: {  	s7 =	sadd.s32 $0x1E, s14;
	_ =	swait.ge [sflag:s8], $0x2800  }
0x7a: {  	s12 =	simm.s32 $0x600;
	s13 =	sadd.s32 $0x1E, s16;
	[sflag:s8] =	ssyncset.done $0x0  }
0x7b: {  	s17 =	simm.s32 $0x380;
	s18 =	sadd.s32 $0x1E, s15;
	[sflag:s8] =	ssyncadd.s32 $0xFFFFD800  }
0x7c: {  	[tilespmem:s25], [sflag:$0x8] =	stream.linear.gather [hbm4b:s14+s3], $0x50, $0x38;
	[tilespmem:$0x1FA00] =	vst v63  }
.LBB2_2:
0x7d: {  	[tilespmem:s28], [sflag:$0x2] =	stream.indirect.gather [hbm4b:s4+s23], $0x80, s17, s23, $0xb8;
	[tilespmem:$0x1FA00] =	vst v63  }
0x7e: {  	s17 =	smov.u32 s12  }
0x7f: {  	p0 =	sne.s32 s12, $0xEA00;
	s12 =	sadd.s32 $0x600, s12;
	_ =	swait.ge [sflag:s20], $0x2800  }
0x80: {  	[sflag:s20] =	ssyncset.done $0x0  }
0x81: {  	[sflag:s20] =	ssyncadd.s32 $0xFFFFD800  }
0x82: {  	_ =	swait.ge [sflag:s29], $0x50  }
0x83: {  	[sflag:s29] =	ssyncset.done $0x0  }
0x84: {  	[sflag:s29] =	ssyncadd.s32 $0xFFFFFFB0  }
0x85: {  	[spmem:s1] =	stream.indirect.scatter.add.f32 [tilespmem:s24], [sflag:$0x4], $0x80, s22, s23, $0xb8;
	[tilespmem:$0x1FA00] =	vst v63  }
0x86: {  	_ =	swait.ge [sflag:s9], $0x2800  }
0x87: {  	[sflag:s9] =	ssyncset.done $0x0  }
0x88: {  	s17 =	sshra.s32 s17, $0x2;
	[sflag:s9] =	ssyncadd.s32 $0xFFFFD800  }
0x89: {  	[tilespmem:s30], [sflag:$0x9] =	stream.linear.gather [hbm4b:s13+s3], $0x50, $0x38;
	[tilespmem:$0x1FA00] =	vst v63  }
0x8a: {  	s6 =	sadd.s32 $0x280, s17  }
0x8b: {  	[tilespmem:s0], [sflag:$0x3] =	stream.indirect.gather [hbm4b:s4+s23], $0x80, s6, s23, $0xb8;
	[tilespmem:$0x1FA00] =	vst v63  }
0x8c: {  	_ =	swait.ge [sflag:s2], $0x2800  }
0x8d: {  	[sflag:s2] =	ssyncset.done $0x0  }
0x8e: {  	[sflag:s2] =	ssyncadd.s32 $0xFFFFD800  }
0x8f: {  	_ =	swait.ge [sflag:s26], $0x50  }
0x90: {  	[sflag:s26] =	ssyncset.done $0x0  }
0x91: {  	[sflag:s26] =	ssyncadd.s32 $0xFFFFFFB0  }
0x92: {  	[spmem:s1] =	stream.indirect.scatter.add.f32 [tilespmem:s28], [sflag:$0x5], $0x80, s25, s23, $0xb8;
	[tilespmem:$0x1FA00] =	vst v63  }
0x93: {  	_ =	swait.ge [sflag:s21], $0x2800  }
0x94: {  	[sflag:s21] =	ssyncset.done $0x0  }
0x95: {  	[sflag:s21] =	ssyncadd.s32 $0xFFFFD800  }
0x96: {  	[tilespmem:s22], [sflag:$0x7] =	stream.linear.gather [hbm4b:s18+s3], $0x50, $0x38;
	[tilespmem:$0x1FA00] =	vst v63  }
0x97: {  	s6 =	sadd.s32 $0x300, s17  }
0x98: {  	[tilespmem:s24], [sflag:$0x1] =	stream.indirect.gather [hbm4b:s4+s23], $0x80, s6, s23, $0xb8;
	[tilespmem:$0x1FA00] =	vst v63  }
0x99: {  	_ =	swait.ge [sflag:s31], $0x2800  }
0x9a: {  	[sflag:s31] =	ssyncset.done $0x0  }
0x9b: {  	[sflag:s31] =	ssyncadd.s32 $0xFFFFD800  }
0x9c: {  	_ =	swait.ge [sflag:s5], $0x50  }
0x9d: {  	[sflag:s5] =	ssyncset.done $0x0  }
0x9e: {  	[sflag:s5] =	ssyncadd.s32 $0xFFFFFFB0  }
0x9f: {  	[spmem:s1] =	stream.indirect.scatter.add.f32 [tilespmem:s0], [sflag:$0x6], $0x80, s30, s23, $0xb8;
	[tilespmem:$0x1FA00] =	vst v63  }
.Ltmp0:
0xa0: {  	_ =	swait.ge [sflag:s8], $0x2800;
	(pc) =	sbr.rel @p0 .LBB2_2-.Ltmp0, $4  }
0xa1: {  	[sflag:s8] =	ssyncset.done $0x0  }
0xa2: {  	s13 =	sadd.s32 $0x1E, s13;
	[sflag:s8] =	ssyncadd.s32 $0xFFFFD800  }
0xa3: {  	[tilespmem:s25], [sflag:$0x8] =	stream.linear.gather [hbm4b:s7+s3], $0x50, $0x38;
	[tilespmem:$0x1FA00] =	vst v63  }
0xa4: {  	s17 =	sadd.s32 $0x380, s17;
	s18 =	sadd.s32 $0x1E, s18;
	s7 =	sadd.s32 $0x1E, s7  }
0xa5: {  	[tilespmem:s28], [sflag:$0x2] =	stream.indirect.gather [hbm4b:s4+s23], $0x80, s17, s23, $0xb8;
	[tilespmem:$0x1FA00] =	vst v63  }
0xa6: {  	_ =	swait.ge [sflag:s20], $0x2800  }
0xa7: {  	[sflag:s20] =	ssyncset.done $0x0  }
0xa8: {  	[sflag:s20] =	ssyncadd.s32 $0xFFFFD800  }
0xa9: {  	_ =	swait.ge [sflag:s29], $0x50  }
0xaa: {  	[sflag:s29] =	ssyncset.done $0x0  }
0xab: {  	[sflag:s29] =	ssyncadd.s32 $0xFFFFFFB0  }
0xac: {  	[spmem:s1] =	stream.indirect.scatter.add.f32 [tilespmem:s24], [sflag:$0x4], $0x80, s22, s23, $0xb8;
	[tilespmem:$0x1FA00] =	vst v63  }
0xad: {  	_ =	swait.ge [sflag:s9], $0x2800  }
0xae: {  	[sflag:s9] =	ssyncset.done $0x0  }
0xaf: {  	[sflag:s9] =	ssyncadd.s32 $0xFFFFD800  }
0xb0: {  	_ =	swait.ge [sflag:s2], $0x2800  }
0xb1: {  	[sflag:s2] =	ssyncset.done $0x0  }
0xb2: {  	[sflag:s2] =	ssyncadd.s32 $0xFFFFD800  }
0xb3: {  	_ =	swait.ge [sflag:s26], $0x50  }
0xb4: {  	[sflag:s26] =	ssyncset.done $0x0  }
0xb5: {  	[sflag:s26] =	ssyncadd.s32 $0xFFFFFFB0  }
0xb6: {  	[spmem:s1] =	stream.indirect.scatter.add.f32 [tilespmem:s28], [sflag:$0x5], $0x80, s25, s23, $0xb8;
	[tilespmem:$0x1FA00] =	vst v63  }
0xb7: {  	_ =	swait.ge [sflag:s21], $0x2800  }
0xb8: {  	[sflag:s21] =	ssyncset.done $0x0  }
0xb9: {  	[sflag:s21] =	ssyncadd.s32 $0xFFFFD800  }
0xba: {  	_ =	swait.ge [sflag:s8], $0x2800  }
0xbb: {  	[sflag:s8] =	ssyncset.done $0x0  }
0xbc: {  	[sflag:s8] =	ssyncadd.s32 $0xFFFFD800  }
0xbd: {  	[bflag:$0x0] =	sbarrier.arrive $0xFFFF  }
0xbe: {  	s6 =	rddreg [dreg:$0xd]  }
0xbf: {  	s7 =	rddreg [dreg:$0x8];
	s6 =	sor.u32 $0x1C0A, s6  }
0xc0: {  	[hbm:s7], [sflag:s6] =	dma.local [spmem:s19], $0x2800  }
0xc1: {  	_ =	swait.ge [sflag:s10], $0x2800  }
0xc2: {  	s11 =	sadd.s32 $0x1, s11;
	s18 =	rddreg [dreg:$0x9]  }
0xc3: {  	p0 =	sne.s32 s11, s18  }
.Ltmp1:
0xc4: {  	_ = 	snop;
	(pc) =	sbr.rel @p0 .LBB2_1-.Ltmp1, $3  }
0xc5: {  	_ =	sdelay $0x1  }
0xc6: {  	[sflag:s10] =	ssyncset.done $0x0  }
0xc7: {  	[sflag:s10] =	ssyncadd.s32 $0xFFFFD800  }
0xc8: {  	_ =	sfence.sel $0x180000  }
0xc9: {  	[bflag:$0x0] =	sbarrier.arrive $0xFFFF  }
0xca: {  	_ =	strace $0x90000050  }
0xcb: {  	s0 =	stileid.u32;
	[bflag:$0x2] =	sbarrier.arrive $0xFFFF  }
0xcc: {  	p0 =	sne.s32 s0, $0x0;
	s0 =	rddreg [dreg:$0x3]  }
0xcd: {  	s0 =	sadd.s32 @!p0 $0x100000, s0  }
0xce: {  	[sflag:s0] =	ssyncadd.tile.s32 @!p0 $0x1;
	_ =	shalt  }
.Lfunc_end2:
_tile_overlayer_lowered:
.L_overlay_start_2:
0xcf: {  	(tag) =	ssettag $0x2  }
0xd0: {  	s0 =	rddreg [dreg:$0x0];
	s2 =	stileid.u32  }
0xd1: {  	s1 =	rddreg [dreg:$0x1];
	p0 =	sne.s32 s2, $0x0  }
0xd2: {  	s3 =	rddreg [dreg:$0x2];
	[bflag:$0x3] =	sbarrier.arrive $0xFFFF;
	s2 =	simm.s32 @!p0 $0x1C0A  }
0xd3: {  	[timem:s3], [sflag:s2] =	dma.local @!p0 [hbm:s0], s1  }
0xd4: {  	s0 =	simm.s32 @!p0 $0xA  }
0xd5: {  	_ =	swait.ge @!p0 [sflag:s0], s1  }
0xd6: {  	s1 =	ssub.s32 @!p0 $0x0, s1;
	[sflag:s0] =	ssyncset.done @!p0 $0x0  }
0xd7: {  	[sflag:s0] =	ssyncadd.s32 @!p0 s1  }
0xd8: {  	[bflag:$0x3] =	sbarrier.arrive $0xFFFF  }
0xd9: {  	_ =	shalt  }

</sc_bundles>
